<compile_context>
chip_gen: v7x
topology: tpu7x:2x2x1
jax: 0.10.2.dev20260603
libtpu: 0.0.44.dev20260713+nightly
codegen_flags: <defaults>
</compile_context>

<pallas_src>
import functools

import jax
import jax.numpy as jnp
from jax import lax
from jax.experimental import pallas as pl
from jax.experimental.pallas import tpu as pltpu
from jax.experimental.pallas import tpu_sc as plsc

_N = 10000
_E = 320000
_D = 128
_G = 64
_L = 4

_BLK = 2000
_NBLK = _N // _BLK

_NC = 2
_NS = 16
_NW = _NC * _NS
_CH = 128
_CPW = 80
_HCH = _CPW // 2
_PAIRS = _HCH // 2
_EP = _NW * _CPW * _CH
_EROWS = _EP // _CH
_ACH = 80
_EPW = _E // _NW
_ANCH = _EPW // _ACH
_APAIRS = _ANCH // 2
_NP = _N + 8
_RW = 624
_ZCH = 128
_ZFULL = 4
_ZTAIL = _RW - _ZFULL * _ZCH
_XOFF = _NS * _RW
_XTAIL = _N - _XOFF




def _mlp_body(x_ref, sc_ref, sh_ref, w_ref, b_ref, y_ref, st_ref, *, affine,
              relu_in):
    a = x_ref[...]
    if affine:
        a = a * sc_ref[...] + sh_ref[...]
    if relu_in:
        a = jnp.maximum(a, 0.0)
    y = jnp.dot(a, w_ref[...], preferred_element_type=jnp.float32) + b_ref[...]
    y_ref[...] = y

    @pl.when(pl.program_id(0) == 0)
    def _():
        st_ref[...] = jnp.zeros_like(st_ref)

    st_ref[0:1, :] += jnp.sum(y, axis=0, keepdims=True)
    st_ref[1:2, :] += jnp.sum(y * y, axis=0, keepdims=True)


def _mlp_stage(x, scale, shift, w, b, *, affine, relu_in):
    body = functools.partial(_mlp_body, affine=affine, relu_in=relu_in)
    y, st = pl.pallas_call(
        body,
        grid=(_NBLK,),
        in_specs=[
            pl.BlockSpec((_BLK, _D), lambda i: (i, 0)),
            pl.BlockSpec((1, _D), lambda i: (0, 0)),
            pl.BlockSpec((1, _D), lambda i: (0, 0)),
            pl.BlockSpec((_D, _D), lambda i: (0, 0)),
            pl.BlockSpec((1, _D), lambda i: (0, 0)),
        ],
        out_specs=[
            pl.BlockSpec((_BLK, _D), lambda i: (i, 0)),
            pl.BlockSpec((2, _D), lambda i: (0, 0)),
        ],
        out_shape=[
            jax.ShapeDtypeStruct((_N, _D), jnp.float32),
            jax.ShapeDtypeStruct((2, _D), jnp.float32),
        ],
    )(x, scale, shift, w, b)
    return y, st


def _bn_coeffs(st, gamma, beta):
    m = st[0] / _N
    var = st[1] / _N - m * m
    scale = gamma * lax.rsqrt(var + 1e-5)
    shift = beta - m * scale
    return scale.reshape(1, _D), shift.reshape(1, _D)


def _dinv_body(p_ref, d_ref):
    deg = p_ref[0, :, 0] + p_ref[1, :, 0] + 1.0
    d_ref[...] = lax.rsqrt(jnp.maximum(deg, 1.0))[:, None]


def _dinv_stage(degp):
    return pl.pallas_call(
        _dinv_body,
        grid=(_NBLK,),
        in_specs=[pl.BlockSpec((2, _BLK, _D), lambda i: (0, i, 0))],
        out_specs=pl.BlockSpec((_BLK, 1), lambda i: (i, 0)),
        out_shape=jax.ShapeDtypeStruct((_N, 1), jnp.float32),
    )(degp)


def _convin_body(y_ref, sc_ref, sh_ref, w_ref, d_ref, h_ref, g_ref):
    h = y_ref[...] * sc_ref[...] + sh_ref[...]
    h_ref[...] = h
    g_ref[...] = jnp.dot(h, w_ref[...],
                         preferred_element_type=jnp.float32) * d_ref[...]


def _convin_stage(y, scale, shift, w, dinv):
    return pl.pallas_call(
        _convin_body,
        grid=(_NBLK,),
        in_specs=[
            pl.BlockSpec((_BLK, _D), lambda i: (i, 0)),
            pl.BlockSpec((1, _D), lambda i: (0, 0)),
            pl.BlockSpec((1, _D), lambda i: (0, 0)),
            pl.BlockSpec((_D, _D), lambda i: (0, 0)),
            pl.BlockSpec((_BLK, 1), lambda i: (i, 0)),
        ],
        out_specs=[
            pl.BlockSpec((_BLK, _D), lambda i: (i, 0)),
            pl.BlockSpec((_BLK, _D), lambda i: (i, 0)),
        ],
        out_shape=[
            jax.ShapeDtypeStruct((_N, _D), jnp.float32),
            jax.ShapeDtypeStruct((_N, _D), jnp.float32),
        ],
    )(y, scale, shift, w, dinv)


def _comb_body(g_ref, p_ref, h_ref, d_ref, b_ref, w_ref, hn_ref, gn_ref):
    agg = g_ref[...] + p_ref[0] + p_ref[1]
    out = d_ref[...] * agg + b_ref[...] + h_ref[...]
    hn = jnp.maximum(out, 0.0)
    hn_ref[...] = hn
    gn_ref[...] = jnp.dot(hn, w_ref[...],
                          preferred_element_type=jnp.float32) * d_ref[...]


def _comb_stage(g, p, h, dinv, b, w_next):
    return pl.pallas_call(
        _comb_body,
        grid=(_NBLK,),
        in_specs=[
            pl.BlockSpec((_BLK, _D), lambda i: (i, 0)),
            pl.BlockSpec((2, _BLK, _D), lambda i: (0, i, 0)),
            pl.BlockSpec((_BLK, _D), lambda i: (i, 0)),
            pl.BlockSpec((_BLK, 1), lambda i: (i, 0)),
            pl.BlockSpec((1, _D), lambda i: (0, 0)),
            pl.BlockSpec((_D, _D), lambda i: (0, 0)),
        ],
        out_specs=[
            pl.BlockSpec((_BLK, _D), lambda i: (i, 0)),
            pl.BlockSpec((_BLK, _D), lambda i: (i, 0)),
        ],
        out_shape=[
            jax.ShapeDtypeStruct((_N, _D), jnp.float32),
            jax.ShapeDtypeStruct((_N, _D), jnp.float32),
        ],
    )(g, p, h, dinv, b, w_next)


def _comblast_body(g_ref, p_ref, h_ref, d_ref, b_ref, w_ref, b2_ref, y_ref,
                   st_ref):
    agg = g_ref[...] + p_ref[0] + p_ref[1]
    out = d_ref[...] * agg + b_ref[...] + h_ref[...]
    y = jnp.dot(out, w_ref[...],
                preferred_element_type=jnp.float32) + b2_ref[...]
    y_ref[...] = y

    @pl.when(pl.program_id(0) == 0)
    def _():
        st_ref[...] = jnp.zeros_like(st_ref)

    st_ref[0:1, :] += jnp.sum(y, axis=0, keepdims=True)
    st_ref[1:2, :] += jnp.sum(y * y, axis=0, keepdims=True)


def _comblast_stage(g, p, h, dinv, b, w_next, b_next):
    return pl.pallas_call(
        _comblast_body,
        grid=(_NBLK,),
        in_specs=[
            pl.BlockSpec((_BLK, _D), lambda i: (i, 0)),
            pl.BlockSpec((2, _BLK, _D), lambda i: (0, i, 0)),
            pl.BlockSpec((_BLK, _D), lambda i: (i, 0)),
            pl.BlockSpec((_BLK, 1), lambda i: (i, 0)),
            pl.BlockSpec((1, _D), lambda i: (0, 0)),
            pl.BlockSpec((_D, _D), lambda i: (0, 0)),
            pl.BlockSpec((1, _D), lambda i: (0, 0)),
        ],
        out_specs=[
            pl.BlockSpec((_BLK, _D), lambda i: (i, 0)),
            pl.BlockSpec((2, _D), lambda i: (0, 0)),
        ],
        out_shape=[
            jax.ShapeDtypeStruct((_N, _D), jnp.float32),
            jax.ShapeDtypeStruct((2, _D), jnp.float32),
        ],
    )(g, p, h, dinv, b, w_next, b_next)


def _pool_body(y_ref, sc_ref, sh_ref, bt_ref, sums_ref, cnt_ref):
    h = y_ref[...] * sc_ref[...] + sh_ref[...]
    bt = bt_ref[...][:, 0]
    oh = (lax.broadcasted_iota(jnp.int32, (_G, _BLK), 0)
          == bt[None, :]).astype(jnp.float32)

    @pl.when(pl.program_id(0) == 0)
    def _():
        sums_ref[...] = jnp.zeros_like(sums_ref)
        cnt_ref[...] = jnp.zeros_like(cnt_ref)

    sums_ref[...] += jnp.dot(oh, h, preferred_element_type=jnp.float32)
    cnt_ref[...] += jnp.sum(oh, axis=1, keepdims=True)


def _pool_stage(y, scale, shift, batch2d):
    return pl.pallas_call(
        _pool_body,
        grid=(_NBLK,),
        in_specs=[
            pl.BlockSpec((_BLK, _D), lambda i: (i, 0)),
            pl.BlockSpec((1, _D), lambda i: (0, 0)),
            pl.BlockSpec((1, _D), lambda i: (0, 0)),
            pl.BlockSpec((_BLK, 1), lambda i: (i, 0)),
        ],
        out_specs=[
            pl.BlockSpec((_G, _D), lambda i: (0, 0)),
            pl.BlockSpec((_G, 1), lambda i: (0, 0)),
        ],
        out_shape=[
            jax.ShapeDtypeStruct((_G, _D), jnp.float32),
            jax.ShapeDtypeStruct((_G, 1), jnp.float32),
        ],
    )(y, scale, shift, batch2d)


def _final_body(s_ref, c_ref, w0_ref, b0_ref, w1_ref, b1_ref, w2_ref, b2_ref,
                o_ref):
    h = s_ref[...] / jnp.maximum(c_ref[...], 1.0)
    h = jnp.maximum(jnp.dot(h, w0_ref[...],
                            preferred_element_type=jnp.float32) + b0_ref[...],
                    0.0)
    h = jnp.maximum(jnp.dot(h, w1_ref[...],
                            preferred_element_type=jnp.float32) + b1_ref[...],
                    0.0)
    o_ref[...] = jnp.dot(h, w2_ref[...],
                         preferred_element_type=jnp.float32) + b2_ref[...]


def _final_stage(sums, cnt, w0, b0, w1, b1, w2, b2):
    return pl.pallas_call(
        _final_body,
        out_shape=jax.ShapeDtypeStruct((_G, 64), jnp.float32),
    )(sums, cnt, w0, b0, w1, b1, w2, b2)




def _sc_mesh():
    return plsc.VectorSubcoreMesh(core_axis_name="c", subcore_axis_name="s")


def _zero_rows(buf_v, acc_sh, sid, ch, nfull, tail):
    r0 = sid * _RW

    def zb(k, carry):
        off = pl.multiple_of(r0 + k * ch, 8)
        pltpu.sync_copy(buf_v, acc_sh.at[pl.ds(off, ch)])
        return carry

    lax.fori_loop(0, nfull, zb, 0)
    pltpu.sync_copy(buf_v.at[pl.ds(0, tail)],
                    acc_sh.at[pl.ds(pl.multiple_of(r0 + nfull * ch, 8),
                                    tail)])

    @pl.when(sid == _NS - 1)
    def _():
        pltpu.sync_copy(buf_v.at[pl.ds(0, _XTAIL)],
                        acc_sh.at[pl.ds(_XOFF, _XTAIL)])


def _write_rows(buf_v, acc_sh, out_hbm, cid, sid, ch, nfull, tail):
    r0 = sid * _RW
    o0 = cid * _N + r0

    def wb(k, carry):
        aoff = pl.multiple_of(r0 + k * ch, 8)
        ooff = pl.multiple_of(o0 + k * ch, 8)
        pltpu.sync_copy(acc_sh.at[pl.ds(aoff, ch)], buf_v)
        pltpu.sync_copy(buf_v, out_hbm.at[pl.ds(ooff, ch)])
        return carry

    lax.fori_loop(0, nfull, wb, 0)
    pltpu.sync_copy(acc_sh.at[pl.ds(pl.multiple_of(r0 + nfull * ch, 8),
                                    tail)],
                    buf_v.at[pl.ds(0, tail)])
    pltpu.sync_copy(buf_v.at[pl.ds(0, tail)],
                    out_hbm.at[pl.ds(pl.multiple_of(o0 + nfull * ch, 8),
                                     tail)])

    @pl.when(sid == _NS - 1)
    def _():
        pltpu.sync_copy(acc_sh.at[pl.ds(_XOFF, _XTAIL)],
                        buf_v.at[pl.ds(0, _XTAIL)])
        pltpu.sync_copy(buf_v.at[pl.ds(0, _XTAIL)],
                        out_hbm.at[pl.ds(pl.multiple_of(cid * _N + _XOFF, 8),
                                         _XTAIL)])


def _zero_acc(buf_v, acc_sh, sid):
    _zero_rows(buf_v, acc_sh, sid, _ZCH, _ZFULL, _ZTAIL)


def _write_acc(buf_v, acc_sh, out_hbm, cid, sid):
    _write_rows(buf_v, acc_sh, out_hbm, cid, sid, _ZCH, _ZFULL, _ZTAIL)


def _zero_acc2(buf_v, acc_sh, sid):
    _zero_rows(buf_v, acc_sh, sid, _ACH, 7, _RW - 7 * _ACH)


def _write_acc2(buf_v, acc_sh, out_hbm, cid, sid):
    _write_rows(buf_v, acc_sh, out_hbm, cid, sid, _ACH, 7, _RW - 7 * _ACH)


def _make_deg_kernel():
    mesh = _sc_mesh()

    @functools.partial(
        pl.kernel,
        out_type=jax.ShapeDtypeStruct((_NC * _N, _D), jnp.float32),
        mesh=mesh,
        scratch_types=[
            pltpu.VMEM((_HCH, _CH), jnp.int32),
            pltpu.VMEM((_CH, _D), jnp.float32),
            pltpu.VMEM((_ZCH, _D), jnp.float32),
            pltpu.VMEM_SHARED((_NP, _D), jnp.float32),
        ],
    )
    def deg_kernel(dst_hbm, ones_hbm, zeros_hbm, out_hbm, didx_v, ones_v,
                   buf_v, acc_sh):
        cid = lax.axis_index("c")
        sid = lax.axis_index("s")
        wr = pl.multiple_of((cid * _NS + sid) * _CPW, 8)
        pltpu.sync_copy(ones_hbm, ones_v)
        pltpu.sync_copy(zeros_hbm, buf_v)
        _zero_acc(buf_v, acc_sh, sid)
        plsc.subcore_barrier()

        for hb in range(2):
            pltpu.sync_copy(
                dst_hbm.at[pl.ds(pl.multiple_of(wr + hb * _HCH, 8), _HCH)],
                didx_v)

            def step(c, carry):
                pltpu.sync_copy(ones_v, acc_sh.at[didx_v.at[c]], add=True)
                return carry

            lax.fori_loop(0, _HCH, step, 0)
        plsc.subcore_barrier()
        _write_acc(buf_v, acc_sh, out_hbm, cid, sid)

    return deg_kernel


def _make_agg_kernel():
    mesh = _sc_mesh()

    @functools.partial(
        pl.kernel,
        out_type=jax.ShapeDtypeStruct((_NC * _N, _D), jnp.float32),
        mesh=mesh,
        scratch_types=[
            pltpu.VMEM((_ACH,), jnp.int32),
            pltpu.VMEM((_ACH,), jnp.int32),
            pltpu.VMEM((_ACH,), jnp.int32),
            pltpu.VMEM((_ACH, _D), jnp.float32),
            pltpu.VMEM((_ACH, _D), jnp.float32),
            pltpu.VMEM_SHARED((_NP, _D), jnp.float32),
            pltpu.SemaphoreType.DMA,
            pltpu.SemaphoreType.DMA,
        ],
    )
    def agg_kernel(g_hbm, src_hbm, dst_hbm, zeros_hbm, out_hbm, sidx0_v,
                   sidx1_v, didx_v, rows0_v, rows1_v, acc_sh, sem0, sem1):
        cid = lax.axis_index("c")
        sid = lax.axis_index("s")
        e0 = (cid * _NS + sid) * _EPW
        pltpu.sync_copy(zeros_hbm.at[pl.ds(0, _ACH)], rows0_v)
        _zero_acc2(rows0_v, acc_sh, sid)
        plsc.subcore_barrier()

        pltpu.sync_copy(src_hbm.at[pl.ds(pl.multiple_of(e0, 8), _ACH)],
                        sidx0_v)
        pltpu.async_copy(g_hbm.at[sidx0_v], rows0_v, sem0)

        def pair(k, carry):
            o1 = pl.multiple_of(e0 + (2 * k + 1) * _ACH, 8)
            pltpu.sync_copy(src_hbm.at[pl.ds(o1, _ACH)], sidx1_v)
            pltpu.make_async_copy(g_hbm.at[sidx0_v], rows0_v, sem0).wait()
            pltpu.async_copy(g_hbm.at[sidx1_v], rows1_v, sem1)
            o0 = pl.multiple_of(e0 + 2 * k * _ACH, 8)
            pltpu.sync_copy(dst_hbm.at[pl.ds(o0, _ACH)], didx_v)
            pltpu.sync_copy(rows0_v, acc_sh.at[didx_v], add=True)

            @pl.when(k < _APAIRS - 1)
            def _():
                o2 = pl.multiple_of(e0 + (2 * k + 2) * _ACH, 8)
                pltpu.sync_copy(src_hbm.at[pl.ds(o2, _ACH)], sidx0_v)

            pltpu.make_async_copy(g_hbm.at[sidx1_v], rows1_v, sem1).wait()

            @pl.when(k < _APAIRS - 1)
            def _():
                pltpu.async_copy(g_hbm.at[sidx0_v], rows0_v, sem0)

            pltpu.sync_copy(dst_hbm.at[pl.ds(o1, _ACH)], didx_v)
            pltpu.sync_copy(rows1_v, acc_sh.at[didx_v], add=True)
            return carry

        lax.fori_loop(0, _APAIRS, pair, 0)
        ot = pl.multiple_of(e0 + (_ANCH - 1) * _ACH, 8)
        pltpu.sync_copy(src_hbm.at[pl.ds(ot, _ACH)], sidx0_v)
        pltpu.async_copy(g_hbm.at[sidx0_v], rows0_v, sem0).wait()
        pltpu.sync_copy(dst_hbm.at[pl.ds(ot, _ACH)], didx_v)
        pltpu.sync_copy(rows0_v, acc_sh.at[didx_v], add=True)
        plsc.subcore_barrier()
        _write_acc2(rows0_v, acc_sh, out_hbm, cid, sid)

    return agg_kernel




def kernel(x, edge_index, batch, pre_W, pre_b, pre_gamma, pre_beta, conv_W,
           conv_b, post_W, post_b, post_gamma, post_beta, fin_W0, fin_b0,
           fin_W1, fin_b1, fin_W2, fin_b2):
    src = edge_index[0]
    dst = edge_index[1]
    dst2 = jnp.concatenate(
        [dst, jnp.full((_EP - _E,), _N, jnp.int32)]).reshape(_EROWS, _CH)
    batch2d = batch.reshape(_N, 1)
    ones128 = jnp.ones((_CH, _D), jnp.float32)
    zeros128 = jnp.zeros((_ZCH, _D), jnp.float32)

    deg_k = _make_deg_kernel()
    agg_k = _make_agg_kernel()

    degp = deg_k(dst2, ones128, zeros128).reshape(_NC, _N, _D)
    dinv = _dinv_stage(degp)

    y, st = _mlp_stage(x, pre_b[0:1], pre_b[0:1], pre_W[0],
                       pre_b[0].reshape(1, _D), affine=False, relu_in=False)
    sc0, sh0 = _bn_coeffs(st, pre_gamma[0], pre_beta[0])
    y, st = _mlp_stage(y, sc0, sh0, pre_W[1], pre_b[1].reshape(1, _D),
                       affine=True, relu_in=True)
    sc1, sh1 = _bn_coeffs(st, pre_gamma[1], pre_beta[1])
    y, st = _mlp_stage(y, sc1, sh1, pre_W[2], pre_b[2].reshape(1, _D),
                       affine=True, relu_in=True)
    sc2, sh2 = _bn_coeffs(st, pre_gamma[2], pre_beta[2])

    h, g = _convin_stage(y, sc2, sh2, conv_W[0], dinv)
    for i in range(_L - 1):
        p = agg_k(g, src, dst, zeros128).reshape(_NC, _N, _D)
        h, g = _comb_stage(g, p, h, dinv, conv_b[i].reshape(1, _D),
                           conv_W[i + 1])
    p = agg_k(g, src, dst, zeros128).reshape(_NC, _N, _D)
    y, st = _comblast_stage(g, p, h, dinv, conv_b[_L - 1].reshape(1, _D),
                            post_W[0], post_b[0].reshape(1, _D))

    sc0, sh0 = _bn_coeffs(st, post_gamma[0], post_beta[0])
    y, st = _mlp_stage(y, sc0, sh0, post_W[1], post_b[1].reshape(1, _D),
                       affine=True, relu_in=True)
    sc1, sh1 = _bn_coeffs(st, post_gamma[1], post_beta[1])
    y, st = _mlp_stage(y, sc1, sh1, post_W[2], post_b[2].reshape(1, _D),
                       affine=True, relu_in=True)
    sc2, sh2 = _bn_coeffs(st, post_gamma[2], post_beta[2])

    sums, cnt = _pool_stage(y, sc2, sh2, batch2d)
    return _final_stage(sums, cnt, fin_W0, fin_b0.reshape(1, _D), fin_W1,
                        fin_b1.reshape(1, _D), fin_W2, fin_b2.reshape(1, 64))

# --- scband reference (transcript-rebuilt; emitter-appended) ---
"""Pipeline reference for scband-baseline-gnn-25520695673361 (READ-ONLY COPY).

The authoritative reference and input builder live on the scoring server;
editing this copy changes nothing except your own understanding.
"""

import jax, jax.numpy as jnp
import numpy as np

N = 10000
E = 320000
D = 128
H = 128
OUT = 64
G = 64
L = 4


def _bn(h, g, b):
    m = h.mean(axis=0)
    v = h.var(axis=0)
    return (h - m) * jax.lax.rsqrt(v + 1e-5) * g + b


def _gcn(h, W, b, src, dst):
    hw = h @ W
    deg = jnp.zeros((N,), hw.dtype).at[dst].add(1.0)
    dinv = jax.lax.rsqrt(jnp.maximum(deg, 1.0))
    norm = dinv[src] * dinv[dst]
    msg = hw[src] * norm[:, None]
    out = jnp.zeros_like(hw).at[dst].add(msg)
    return out + b


def _forward(x, pre_W, pre_b, pre_gamma, pre_beta, conv_W, conv_b, post_W, post_b, post_gamma, post_beta, fin_W0, fin_b0, fin_W1, fin_b1, fin_W2, fin_b2, edge_index, batch):
    loop = jnp.arange(N, dtype=edge_index.dtype)
    src = jnp.concatenate([edge_index[0], loop])
    dst = jnp.concatenate([edge_index[1], loop])
    h = x
    for i in range(3):
        h = _bn(h @ pre_W[i] + pre_b[i], pre_gamma[i], pre_beta[i])
        if i != 2:
            h = jax.nn.relu(h)
    for i in range(L):
        h_old = h
        h = _gcn(h, conv_W[i], conv_b[i], src, dst)
        h = h + h_old
        if i != L - 1:
            h = jax.nn.relu(h)
    for i in range(3):
        h = _bn(h @ post_W[i] + post_b[i], post_gamma[i], post_beta[i])
        if i != 2:
            h = jax.nn.relu(h)
    sums = jax.ops.segment_sum(h, batch, num_segments=G)
    cnt = jax.ops.segment_sum(jnp.ones((N,), h.dtype), batch, num_segments=G)
    h = sums / jnp.maximum(cnt, 1.0)[:, None]
    h = jax.nn.relu(h @ fin_W0 + fin_b0)
    h = jax.nn.relu(h @ fin_W1 + fin_b1)
    h = h @ fin_W2 + fin_b2
    return h


def setup_inputs(seed: int = 0):
    key = jax.random.key(seed)
    ks = jax.random.split(key, 12)
    s = 1.0 / np.sqrt(H)
    inp = {}
    inp["x"] = jax.random.normal(ks[0], (N, D), jnp.float32)
    inp["edge_index"] = jax.random.randint(ks[1], (2, E), 0, N, dtype=jnp.int32)
    inp["batch"] = jnp.sort(jax.random.randint(ks[2], (N,), 0, G, dtype=jnp.int32))
    inp["pre_W"] = jax.random.normal(ks[3], (3, D, H), jnp.float32) * s
    inp["pre_b"] = jnp.zeros((3, H), jnp.float32)
    inp["pre_gamma"] = jnp.ones((3, H), jnp.float32)
    inp["pre_beta"] = jnp.zeros((3, H), jnp.float32)
    inp["conv_W"] = jax.random.normal(ks[4], (L, H, H), jnp.float32) * s
    inp["conv_b"] = jnp.zeros((L, H), jnp.float32)
    inp["post_W"] = jax.random.normal(ks[5], (3, H, H), jnp.float32) * s
    inp["post_b"] = jnp.zeros((3, H), jnp.float32)
    inp["post_gamma"] = jnp.ones((3, H), jnp.float32)
    inp["post_beta"] = jnp.zeros((3, H), jnp.float32)
    inp["fin_W0"] = jax.random.normal(ks[6], (H, H), jnp.float32) * s
    inp["fin_b0"] = jnp.zeros((H,), jnp.float32)
    inp["fin_W1"] = jax.random.normal(ks[7], (H, H), jnp.float32) * s
    inp["fin_b1"] = jnp.zeros((H,), jnp.float32)
    inp["fin_W2"] = jax.random.normal(ks[8], (H, OUT), jnp.float32) * s
    inp["fin_b2"] = jnp.zeros((OUT,), jnp.float32)
    return inp


def reference(x, edge_index, batch, pre_W, pre_b, pre_gamma, pre_beta, conv_W, conv_b, post_W, post_b, post_gamma, post_beta, fin_W0, fin_b0, fin_W1, fin_b1, fin_W2, fin_b2):
    return _forward(x, pre_W, pre_b, pre_gamma, pre_beta, conv_W, conv_b, post_W, post_b, post_gamma, post_beta, fin_W0, fin_b0, fin_W1, fin_b1, fin_W2, fin_b2, edge_index, batch)

if __name__ == "__main__":
    import jax
    _d = setup_inputs()
    print(jax.jit(kernel)(*tuple(_d.values())))

</pallas_src>

<mosaic_0001>
#map = affine_map<(d0, d1) -> (0, 0)>
module attributes {stable_mosaic.version = 14 : i64} {
  func.func @deg_kernel(%arg0: i32, %arg1: i32, %arg2: memref<2560x128xi32, #tpu.memory_space<hbm>>, %arg3: memref<128x128xf32, #tpu.memory_space<hbm>>, %arg4: memref<128x128xf32, #tpu.memory_space<hbm>>, %arg5: memref<20000x128xf32, #tpu.memory_space<hbm>>, %arg6: memref<40x128xi32, #tpu.memory_space<vmem>>, %arg7: memref<128x128xf32, #tpu.memory_space<vmem>>, %arg8: memref<128x128xf32, #tpu.memory_space<vmem>>, %arg9: memref<10008x128xf32, #tpu.memory_space<vmem_shared>>) attributes {dimension_semantics = [#tpu.dimension_semantics<core_parallel>, #tpu.dimension_semantics<subcore_parallel>], iteration_bounds = array<i64: 2, 16>, scalar_prefetch = 0 : i64, scratch_operands = 4 : i64, tpu.core_type = #tpu.core_type<sc_vector_subcore>, window_params = [{transform_indices = #map}, {transform_indices = #map}, {transform_indices = #map}, {transform_indices = #map}]} {
    %mul3A = arith.constant 16 : i32
    %mul3A_0 = arith.muli %arg0, %mul3A : i32
    %add3A = arith.addi %mul3A_0, %arg1 : i32
    %mul3A_1 = arith.constant 80 : i32
    %mul3A_2 = arith.muli %add3A, %mul3A_1 : i32
    %multiple_of3A = tpu.assume_multiple %mul3A_2, 8 : i32
    "tpu.region"() ({
      %run_scoped3A = tpu.sem_alloc : memref<!tpu.dma_semaphore, #tpu.memory_space<semaphore_mem>>
      tpu.enqueue_dma source(%arg3 : memref<128x128xf32, #tpu.memory_space<hbm>>) target(%arg7 : memref<128x128xf32, #tpu.memory_space<vmem>>) target_semaphore(%run_scoped3A : memref<!tpu.dma_semaphore, #tpu.memory_space<semaphore_mem>>)
      tpu.wait_dma2 semaphore(%run_scoped3A : memref<!tpu.dma_semaphore, #tpu.memory_space<semaphore_mem>>) src(%arg3 : memref<128x128xf32, #tpu.memory_space<hbm>>) dst(%arg7 : memref<128x128xf32, #tpu.memory_space<vmem>>)
      tpu.yield
    }) : () -> ()
    "tpu.region"() ({
      %run_scoped3A = tpu.sem_alloc : memref<!tpu.dma_semaphore, #tpu.memory_space<semaphore_mem>>
      tpu.enqueue_dma source(%arg4 : memref<128x128xf32, #tpu.memory_space<hbm>>) target(%arg8 : memref<128x128xf32, #tpu.memory_space<vmem>>) target_semaphore(%run_scoped3A : memref<!tpu.dma_semaphore, #tpu.memory_space<semaphore_mem>>)
      tpu.wait_dma2 semaphore(%run_scoped3A : memref<!tpu.dma_semaphore, #tpu.memory_space<semaphore_mem>>) src(%arg4 : memref<128x128xf32, #tpu.memory_space<hbm>>) dst(%arg8 : memref<128x128xf32, #tpu.memory_space<vmem>>)
      tpu.yield
    }) : () -> ()
    %mul3A_3 = arith.constant 624 : i32
    %mul3A_4 = arith.muli %arg1, %mul3A_3 : i32
    %scan3A = arith.constant 0 : i32
    %scan3A_5 = arith.constant 0 : i32
    %scan3A_6 = arith.constant 4 : i32
    %scan3A_7 = arith.addi %scan3A_5, %scan3A_6 : i32
    %scan3A_8 = arith.constant 1 : i32
    scf.for %scan3A_56 = %scan3A_5 to %scan3A_7 step %scan3A_8  : i32 {
      %mul3A_57 = arith.constant 128 : i32
      %mul3A_58 = arith.muli %scan3A_56, %mul3A_57 : i32
      %add3A_59 = arith.addi %mul3A_4, %mul3A_58 : i32
      %multiple_of3A_60 = tpu.assume_multiple %add3A_59, 8 : i32
      "tpu.region"() ({
        %run_scoped3A = tpu.sem_alloc : memref<!tpu.dma_semaphore, #tpu.memory_space<semaphore_mem>>
        %dma_start3A = arith.constant 0 : i32
        %dma_start3A_61 = tpu.memref_slice %arg9[%multiple_of3A_60, %dma_start3A] : memref<10008x128xf32, #tpu.memory_space<vmem_shared>> -> memref<128x128xf32, #tpu.memory_space<vmem_shared>>
        %dma_start3A_62 = arith.constant 0 : i32
        %dma_start3A_63 = tpu.memref_slice %arg9[%multiple_of3A_60, %dma_start3A_62] : memref<10008x128xf32, #tpu.memory_space<vmem_shared>> -> memref<128x128xf32, #tpu.memory_space<vmem_shared>>
        tpu.enqueue_dma source(%arg8 : memref<128x128xf32, #tpu.memory_space<vmem>>) target(%dma_start3A_63 : memref<128x128xf32, #tpu.memory_space<vmem_shared>>) target_semaphore(%run_scoped3A : memref<!tpu.dma_semaphore, #tpu.memory_space<semaphore_mem>>)
        %dma_wait3A = arith.constant 0 : i32
        %dma_wait3A_64 = tpu.memref_slice %arg9[%multiple_of3A_60, %dma_wait3A] : memref<10008x128xf32, #tpu.memory_space<vmem_shared>> -> memref<128x128xf32, #tpu.memory_space<vmem_shared>>
        %dma_wait3A_65 = arith.constant 0 : i32
        %dma_wait3A_66 = tpu.memref_slice %arg9[%multiple_of3A_60, %dma_wait3A_65] : memref<10008x128xf32, #tpu.memory_space<vmem_shared>> -> memref<128x128xf32, #tpu.memory_space<vmem_shared>>
        tpu.wait_dma2 semaphore(%run_scoped3A : memref<!tpu.dma_semaphore, #tpu.memory_space<semaphore_mem>>) src(%arg8 : memref<128x128xf32, #tpu.memory_space<vmem>>) dst(%dma_wait3A_66 : memref<128x128xf32, #tpu.memory_space<vmem_shared>>)
        tpu.yield
      }) : () -> ()
    }
    %scan3A_9 = arith.constant 4 : i32
    %add3A_10 = arith.constant 512 : i32
    %add3A_11 = arith.addi %mul3A_4, %add3A_10 : i32
    %multiple_of3A_12 = tpu.assume_multiple %add3A_11, 8 : i32
    "tpu.region"() ({
      %run_scoped3A = tpu.sem_alloc : memref<!tpu.dma_semaphore, #tpu.memory_space<semaphore_mem>>
      %dma_start3A = arith.constant 0 : i32
      %dma_start3A_56 = arith.constant 0 : i32
      %dma_start3A_57 = tpu.memref_slice %arg8[%dma_start3A, %dma_start3A_56] : memref<128x128xf32, #tpu.memory_space<vmem>> -> memref<112x128xf32, #tpu.memory_space<vmem>>
      %dma_start3A_58 = arith.constant 0 : i32
      %dma_start3A_59 = tpu.memref_slice %arg9[%multiple_of3A_12, %dma_start3A_58] : memref<10008x128xf32, #tpu.memory_space<vmem_shared>> -> memref<112x128xf32, #tpu.memory_space<vmem_shared>>
      %dma_start3A_60 = arith.constant 0 : i32
      %dma_start3A_61 = tpu.memref_slice %arg9[%multiple_of3A_12, %dma_start3A_60] : memref<10008x128xf32, #tpu.memory_space<vmem_shared>> -> memref<112x128xf32, #tpu.memory_space<vmem_shared>>
      %dma_start3A_62 = arith.constant 0 : i32
      %dma_start3A_63 = arith.constant 0 : i32
      %dma_start3A_64 = tpu.memref_slice %arg8[%dma_start3A_62, %dma_start3A_63] : memref<128x128xf32, #tpu.memory_space<vmem>> -> memref<112x128xf32, #tpu.memory_space<vmem>>
      tpu.enqueue_dma source(%dma_start3A_64 : memref<112x128xf32, #tpu.memory_space<vmem>>) target(%dma_start3A_61 : memref<112x128xf32, #tpu.memory_space<vmem_shared>>) target_semaphore(%run_scoped3A : memref<!tpu.dma_semaphore, #tpu.memory_space<semaphore_mem>>)
      %dma_wait3A = arith.constant 0 : i32
      %dma_wait3A_65 = arith.constant 0 : i32
      %dma_wait3A_66 = tpu.memref_slice %arg8[%dma_wait3A, %dma_wait3A_65] : memref<128x128xf32, #tpu.memory_space<vmem>> -> memref<112x128xf32, #tpu.memory_space<vmem>>
      %dma_wait3A_67 = arith.constant 0 : i32
      %dma_wait3A_68 = tpu.memref_slice %arg9[%multiple_of3A_12, %dma_wait3A_67] : memref<10008x128xf32, #tpu.memory_space<vmem_shared>> -> memref<112x128xf32, #tpu.memory_space<vmem_shared>>
      %dma_wait3A_69 = arith.constant 0 : i32
      %dma_wait3A_70 = tpu.memref_slice %arg9[%multiple_of3A_12, %dma_wait3A_69] : memref<10008x128xf32, #tpu.memory_space<vmem_shared>> -> memref<112x128xf32, #tpu.memory_space<vmem_shared>>
      %dma_wait3A_71 = arith.constant 0 : i32
      %dma_wait3A_72 = arith.constant 0 : i32
      %dma_wait3A_73 = tpu.memref_slice %arg8[%dma_wait3A_71, %dma_wait3A_72] : memref<128x128xf32, #tpu.memory_space<vmem>> -> memref<112x128xf32, #tpu.memory_space<vmem>>
      tpu.wait_dma2 semaphore(%run_scoped3A : memref<!tpu.dma_semaphore, #tpu.memory_space<semaphore_mem>>) src(%dma_wait3A_73 : memref<112x128xf32, #tpu.memory_space<vmem>>) dst(%dma_wait3A_70 : memref<112x128xf32, #tpu.memory_space<vmem_shared>>)
      tpu.yield
    }) : () -> ()
    %eq3A = arith.constant 15 : i32
    %eq3A_13 = arith.cmpi eq, %arg1, %eq3A : i32
    %convert_element_type3A = arith.extui %eq3A_13 : i1 to i32
    %cond3A = arith.constant 0 : i32
    %cond3A_14 = arith.cmpi ne, %convert_element_type3A, %cond3A : i32
    scf.if %cond3A_14 {
      "tpu.region"() ({
        %run_scoped3A = tpu.sem_alloc : memref<!tpu.dma_semaphore, #tpu.memory_space<semaphore_mem>>
        %dma_start3A = arith.constant 0 : i32
        %dma_start3A_56 = arith.constant 0 : i32
        %dma_start3A_57 = tpu.memref_slice %arg8[%dma_start3A, %dma_start3A_56] : memref<128x128xf32, #tpu.memory_space<vmem>> -> memref<16x128xf32, #tpu.memory_space<vmem>>
        %dma_start3A_58 = arith.constant 9984 : i32
        %dma_start3A_59 = arith.constant 0 : i32
        %dma_start3A_60 = tpu.memref_slice %arg9[%dma_start3A_58, %dma_start3A_59] : memref<10008x128xf32, #tpu.memory_space<vmem_shared>> -> memref<16x128xf32, #tpu.memory_space<vmem_shared>>
        %dma_start3A_61 = arith.constant 9984 : i32
        %dma_start3A_62 = arith.constant 0 : i32
        %dma_start3A_63 = tpu.memref_slice %arg9[%dma_start3A_61, %dma_start3A_62] : memref<10008x128xf32, #tpu.memory_space<vmem_shared>> -> memref<16x128xf32, #tpu.memory_space<vmem_shared>>
        %dma_start3A_64 = arith.constant 0 : i32
        %dma_start3A_65 = arith.constant 0 : i32
        %dma_start3A_66 = tpu.memref_slice %arg8[%dma_start3A_64, %dma_start3A_65] : memref<128x128xf32, #tpu.memory_space<vmem>> -> memref<16x128xf32, #tpu.memory_space<vmem>>
        tpu.enqueue_dma source(%dma_start3A_66 : memref<16x128xf32, #tpu.memory_space<vmem>>) target(%dma_start3A_63 : memref<16x128xf32, #tpu.memory_space<vmem_shared>>) target_semaphore(%run_scoped3A : memref<!tpu.dma_semaphore, #tpu.memory_space<semaphore_mem>>)
        %dma_wait3A = arith.constant 0 : i32
        %dma_wait3A_67 = arith.constant 0 : i32
        %dma_wait3A_68 = tpu.memref_slice %arg8[%dma_wait3A, %dma_wait3A_67] : memref<128x128xf32, #tpu.memory_space<vmem>> -> memref<16x128xf32, #tpu.memory_space<vmem>>
        %dma_wait3A_69 = arith.constant 9984 : i32
        %dma_wait3A_70 = arith.constant 0 : i32
        %dma_wait3A_71 = tpu.memref_slice %arg9[%dma_wait3A_69, %dma_wait3A_70] : memref<10008x128xf32, #tpu.memory_space<vmem_shared>> -> memref<16x128xf32, #tpu.memory_space<vmem_shared>>
        %dma_wait3A_72 = arith.constant 9984 : i32
        %dma_wait3A_73 = arith.constant 0 : i32
        %dma_wait3A_74 = tpu.memref_slice %arg9[%dma_wait3A_72, %dma_wait3A_73] : memref<10008x128xf32, #tpu.memory_space<vmem_shared>> -> memref<16x128xf32, #tpu.memory_space<vmem_shared>>
        %dma_wait3A_75 = arith.constant 0 : i32
        %dma_wait3A_76 = arith.constant 0 : i32
        %dma_wait3A_77 = tpu.memref_slice %arg8[%dma_wait3A_75, %dma_wait3A_76] : memref<128x128xf32, #tpu.memory_space<vmem>> -> memref<16x128xf32, #tpu.memory_space<vmem>>
        tpu.wait_dma2 semaphore(%run_scoped3A : memref<!tpu.dma_semaphore, #tpu.memory_space<semaphore_mem>>) src(%dma_wait3A_77 : memref<16x128xf32, #tpu.memory_space<vmem>>) dst(%dma_wait3A_74 : memref<16x128xf32, #tpu.memory_space<vmem_shared>>)
        tpu.yield
      }) : () -> ()
    } else {
    }
    %barrier3A = arith.constant 0 : index
    tpu.barrier barrier_id(%barrier3A)
    %add3A_15 = arith.constant 0 : i32
    %add3A_16 = arith.addi %multiple_of3A, %add3A_15 : i32
    %multiple_of3A_17 = tpu.assume_multiple %add3A_16, 8 : i32
    "tpu.region"() ({
      %run_scoped3A = tpu.sem_alloc : memref<!tpu.dma_semaphore, #tpu.memory_space<semaphore_mem>>
      %dma_start3A = arith.constant 0 : i32
      %dma_start3A_56 = tpu.memref_slice %arg2[%multiple_of3A_17, %dma_start3A] : memref<2560x128xi32, #tpu.memory_space<hbm>> -> memref<40x128xi32, #tpu.memory_space<hbm>>
      %dma_start3A_57 = arith.constant 0 : i32
      %dma_start3A_58 = tpu.memref_slice %arg2[%multiple_of3A_17, %dma_start3A_57] : memref<2560x128xi32, #tpu.memory_space<hbm>> -> memref<40x128xi32, #tpu.memory_space<hbm>>
      tpu.enqueue_dma source(%dma_start3A_58 : memref<40x128xi32, #tpu.memory_space<hbm>>) target(%arg6 : memref<40x128xi32, #tpu.memory_space<vmem>>) target_semaphore(%run_scoped3A : memref<!tpu.dma_semaphore, #tpu.memory_space<semaphore_mem>>)
      %dma_wait3A = arith.constant 0 : i32
      %dma_wait3A_59 = tpu.memref_slice %arg2[%multiple_of3A_17, %dma_wait3A] : memref<2560x128xi32, #tpu.memory_space<hbm>> -> memref<40x128xi32, #tpu.memory_space<hbm>>
      %dma_wait3A_60 = arith.constant 0 : i32
      %dma_wait3A_61 = tpu.memref_slice %arg2[%multiple_of3A_17, %dma_wait3A_60] : memref<2560x128xi32, #tpu.memory_space<hbm>> -> memref<40x128xi32, #tpu.memory_space<hbm>>
      tpu.wait_dma2 semaphore(%run_scoped3A : memref<!tpu.dma_semaphore, #tpu.memory_space<semaphore_mem>>) src(%dma_wait3A_61 : memref<40x128xi32, #tpu.memory_space<hbm>>) dst(%arg6 : memref<40x128xi32, #tpu.memory_space<vmem>>)
      tpu.yield
    }) : () -> ()
    %scan3A_18 = arith.constant 0 : i32
    %scan3A_19 = arith.constant 0 : i32
    %scan3A_20 = arith.constant 40 : i32
    %scan3A_21 = arith.addi %scan3A_19, %scan3A_20 : i32
    %scan3A_22 = arith.constant 1 : i32
    scf.for %scan3A_56 = %scan3A_19 to %scan3A_21 step %scan3A_22  : i32 {
      "tpu.region"() ({
        %run_scoped3A = tpu.sem_alloc : memref<!tpu.dma_semaphore, #tpu.memory_space<semaphore_mem>>
        %dma_start3A = arith.constant 0 : i32
        %dma_start3A_57 = tpu.memref_slice %arg6[%scan3A_56, %dma_start3A] : memref<40x128xi32, #tpu.memory_space<vmem>> -> memref<1x128xi32, #tpu.memory_space<vmem>>
        %dma_start3A_58 = tpu.memref_squeeze %dma_start3A_57 : memref<1x128xi32, #tpu.memory_space<vmem>> -> memref<128xi32, #tpu.memory_space<vmem>>
        %dma_start3A_59 = arith.constant 0 : i32
        %dma_start3A_60 = arith.constant 0 : i32
        %dma_start3A_61 = tpu.memref_slice %arg9[%dma_start3A_59, %dma_start3A_60] : memref<10008x128xf32, #tpu.memory_space<vmem_shared>> -> memref<10008x128xf32, #tpu.memory_space<vmem_shared>>
        tpu.enqueue_indirect_dma source(%arg7 : memref<128x128xf32, #tpu.memory_space<vmem>>) target(%dma_start3A_61 : memref<10008x128xf32, #tpu.memory_space<vmem_shared>>) offsets(%dma_start3A_58 : memref<128xi32, #tpu.memory_space<vmem>>) semaphore(%run_scoped3A : memref<!tpu.dma_semaphore, #tpu.memory_space<semaphore_mem>>) {add = true}
        %dma_wait3A = arith.constant 0 : i32
        %dma_wait3A_62 = tpu.memref_slice %arg6[%scan3A_56, %dma_wait3A] : memref<40x128xi32, #tpu.memory_space<vmem>> -> memref<1x128xi32, #tpu.memory_space<vmem>>
        %dma_wait3A_63 = tpu.memref_squeeze %dma_wait3A_62 : memref<1x128xi32, #tpu.memory_space<vmem>> -> memref<128xi32, #tpu.memory_space<vmem>>
        %dma_wait3A_64 = arith.constant 0 : i32
        %dma_wait3A_65 = arith.constant 0 : i32
        %dma_wait3A_66 = tpu.memref_slice %arg9[%dma_wait3A_64, %dma_wait3A_65] : memref<10008x128xf32, #tpu.memory_space<vmem_shared>> -> memref<10008x128xf32, #tpu.memory_space<vmem_shared>>
        tpu.wait_indirect_dma semaphore(%run_scoped3A : memref<!tpu.dma_semaphore, #tpu.memory_space<semaphore_mem>>) src(%arg7 : memref<128x128xf32, #tpu.memory_space<vmem>>) dst(%dma_wait3A_66 : memref<10008x128xf32, #tpu.memory_space<vmem_shared>>)
        tpu.yield
      }) : () -> ()
    }
    %scan3A_23 = arith.constant 40 : i32
    %add3A_24 = arith.constant 40 : i32
    %add3A_25 = arith.addi %multiple_of3A, %add3A_24 : i32
    %multiple_of3A_26 = tpu.assume_multiple %add3A_25, 8 : i32
    "tpu.region"() ({
      %run_scoped3A = tpu.sem_alloc : memref<!tpu.dma_semaphore, #tpu.memory_space<semaphore_mem>>
      %dma_start3A = arith.constant 0 : i32
      %dma_start3A_56 = tpu.memref_slice %arg2[%multiple_of3A_26, %dma_start3A] : memref<2560x128xi32, #tpu.memory_space<hbm>> -> memref<40x128xi32, #tpu.memory_space<hbm>>
      %dma_start3A_57 = arith.constant 0 : i32
      %dma_start3A_58 = tpu.memref_slice %arg2[%multiple_of3A_26, %dma_start3A_57] : memref<2560x128xi32, #tpu.memory_space<hbm>> -> memref<40x128xi32, #tpu.memory_space<hbm>>
      tpu.enqueue_dma source(%dma_start3A_58 : memref<40x128xi32, #tpu.memory_space<hbm>>) target(%arg6 : memref<40x128xi32, #tpu.memory_space<vmem>>) target_semaphore(%run_scoped3A : memref<!tpu.dma_semaphore, #tpu.memory_space<semaphore_mem>>)
      %dma_wait3A = arith.constant 0 : i32
      %dma_wait3A_59 = tpu.memref_slice %arg2[%multiple_of3A_26, %dma_wait3A] : memref<2560x128xi32, #tpu.memory_space<hbm>> -> memref<40x128xi32, #tpu.memory_space<hbm>>
      %dma_wait3A_60 = arith.constant 0 : i32
      %dma_wait3A_61 = tpu.memref_slice %arg2[%multiple_of3A_26, %dma_wait3A_60] : memref<2560x128xi32, #tpu.memory_space<hbm>> -> memref<40x128xi32, #tpu.memory_space<hbm>>
      tpu.wait_dma2 semaphore(%run_scoped3A : memref<!tpu.dma_semaphore, #tpu.memory_space<semaphore_mem>>) src(%dma_wait3A_61 : memref<40x128xi32, #tpu.memory_space<hbm>>) dst(%arg6 : memref<40x128xi32, #tpu.memory_space<vmem>>)
      tpu.yield
    }) : () -> ()
    %scan3A_27 = arith.constant 0 : i32
    %scan3A_28 = arith.constant 0 : i32
    %scan3A_29 = arith.constant 40 : i32
    %scan3A_30 = arith.addi %scan3A_28, %scan3A_29 : i32
    %scan3A_31 = arith.constant 1 : i32
    scf.for %scan3A_56 = %scan3A_28 to %scan3A_30 step %scan3A_31  : i32 {
      "tpu.region"() ({
        %run_scoped3A = tpu.sem_alloc : memref<!tpu.dma_semaphore, #tpu.memory_space<semaphore_mem>>
        %dma_start3A = arith.constant 0 : i32
        %dma_start3A_57 = tpu.memref_slice %arg6[%scan3A_56, %dma_start3A] : memref<40x128xi32, #tpu.memory_space<vmem>> -> memref<1x128xi32, #tpu.memory_space<vmem>>
        %dma_start3A_58 = tpu.memref_squeeze %dma_start3A_57 : memref<1x128xi32, #tpu.memory_space<vmem>> -> memref<128xi32, #tpu.memory_space<vmem>>
        %dma_start3A_59 = arith.constant 0 : i32
        %dma_start3A_60 = arith.constant 0 : i32
        %dma_start3A_61 = tpu.memref_slice %arg9[%dma_start3A_59, %dma_start3A_60] : memref<10008x128xf32, #tpu.memory_space<vmem_shared>> -> memref<10008x128xf32, #tpu.memory_space<vmem_shared>>
        tpu.enqueue_indirect_dma source(%arg7 : memref<128x128xf32, #tpu.memory_space<vmem>>) target(%dma_start3A_61 : memref<10008x128xf32, #tpu.memory_space<vmem_shared>>) offsets(%dma_start3A_58 : memref<128xi32, #tpu.memory_space<vmem>>) semaphore(%run_scoped3A : memref<!tpu.dma_semaphore, #tpu.memory_space<semaphore_mem>>) {add = true}
        %dma_wait3A = arith.constant 0 : i32
        %dma_wait3A_62 = tpu.memref_slice %arg6[%scan3A_56, %dma_wait3A] : memref<40x128xi32, #tpu.memory_space<vmem>> -> memref<1x128xi32, #tpu.memory_space<vmem>>
        %dma_wait3A_63 = tpu.memref_squeeze %dma_wait3A_62 : memref<1x128xi32, #tpu.memory_space<vmem>> -> memref<128xi32, #tpu.memory_space<vmem>>
        %dma_wait3A_64 = arith.constant 0 : i32
        %dma_wait3A_65 = arith.constant 0 : i32
        %dma_wait3A_66 = tpu.memref_slice %arg9[%dma_wait3A_64, %dma_wait3A_65] : memref<10008x128xf32, #tpu.memory_space<vmem_shared>> -> memref<10008x128xf32, #tpu.memory_space<vmem_shared>>
        tpu.wait_indirect_dma semaphore(%run_scoped3A : memref<!tpu.dma_semaphore, #tpu.memory_space<semaphore_mem>>) src(%arg7 : memref<128x128xf32, #tpu.memory_space<vmem>>) dst(%dma_wait3A_66 : memref<10008x128xf32, #tpu.memory_space<vmem_shared>>)
        tpu.yield
      }) : () -> ()
    }
    %scan3A_32 = arith.constant 40 : i32
    %barrier3A_33 = arith.constant 0 : index
    tpu.barrier barrier_id(%barrier3A_33)
    %mul3A_34 = arith.constant 624 : i32
    %mul3A_35 = arith.muli %arg1, %mul3A_34 : i32
    %mul3A_36 = arith.constant 10000 : i32
    %mul3A_37 = arith.muli %arg0, %mul3A_36 : i32
    %add3A_38 = arith.addi %mul3A_37, %mul3A_35 : i32
    %scan3A_39 = arith.constant 0 : i32
    %scan3A_40 = arith.constant 0 : i32
    %scan3A_41 = arith.constant 4 : i32
    %scan3A_42 = arith.addi %scan3A_40, %scan3A_41 : i32
    %scan3A_43 = arith.constant 1 : i32
    scf.for %scan3A_56 = %scan3A_40 to %scan3A_42 step %scan3A_43  : i32 {
      %mul3A_57 = arith.constant 128 : i32
      %mul3A_58 = arith.muli %scan3A_56, %mul3A_57 : i32
      %add3A_59 = arith.addi %mul3A_35, %mul3A_58 : i32
      %multiple_of3A_60 = tpu.assume_multiple %add3A_59, 8 : i32
      %mul3A_61 = arith.constant 128 : i32
      %mul3A_62 = arith.muli %scan3A_56, %mul3A_61 : i32
      %add3A_63 = arith.addi %add3A_38, %mul3A_62 : i32
      %multiple_of3A_64 = tpu.assume_multiple %add3A_63, 8 : i32
      "tpu.region"() ({
        %run_scoped3A = tpu.sem_alloc : memref<!tpu.dma_semaphore, #tpu.memory_space<semaphore_mem>>
        %dma_start3A = arith.constant 0 : i32
        %dma_start3A_65 = tpu.memref_slice %arg9[%multiple_of3A_60, %dma_start3A] : memref<10008x128xf32, #tpu.memory_space<vmem_shared>> -> memref<128x128xf32, #tpu.memory_space<vmem_shared>>
        %dma_start3A_66 = arith.constant 0 : i32
        %dma_start3A_67 = tpu.memref_slice %arg9[%multiple_of3A_60, %dma_start3A_66] : memref<10008x128xf32, #tpu.memory_space<vmem_shared>> -> memref<128x128xf32, #tpu.memory_space<vmem_shared>>
        tpu.enqueue_dma source(%dma_start3A_67 : memref<128x128xf32, #tpu.memory_space<vmem_shared>>) target(%arg8 : memref<128x128xf32, #tpu.memory_space<vmem>>) target_semaphore(%run_scoped3A : memref<!tpu.dma_semaphore, #tpu.memory_space<semaphore_mem>>)
        %dma_wait3A = arith.constant 0 : i32
        %dma_wait3A_68 = tpu.memref_slice %arg9[%multiple_of3A_60, %dma_wait3A] : memref<10008x128xf32, #tpu.memory_space<vmem_shared>> -> memref<128x128xf32, #tpu.memory_space<vmem_shared>>
        %dma_wait3A_69 = arith.constant 0 : i32
        %dma_wait3A_70 = tpu.memref_slice %arg9[%multiple_of3A_60, %dma_wait3A_69] : memref<10008x128xf32, #tpu.memory_space<vmem_shared>> -> memref<128x128xf32, #tpu.memory_space<vmem_shared>>
        tpu.wait_dma2 semaphore(%run_scoped3A : memref<!tpu.dma_semaphore, #tpu.memory_space<semaphore_mem>>) src(%dma_wait3A_70 : memref<128x128xf32, #tpu.memory_space<vmem_shared>>) dst(%arg8 : memref<128x128xf32, #tpu.memory_space<vmem>>)
        tpu.yield
      }) : () -> ()
      "tpu.region"() ({
        %run_scoped3A = tpu.sem_alloc : memref<!tpu.dma_semaphore, #tpu.memory_space<semaphore_mem>>
        %dma_start3A = arith.constant 0 : i32
        %dma_start3A_65 = tpu.memref_slice %arg5[%multiple_of3A_64, %dma_start3A] : memref<20000x128xf32, #tpu.memory_space<hbm>> -> memref<128x128xf32, #tpu.memory_space<hbm>>
        %dma_start3A_66 = arith.constant 0 : i32
        %dma_start3A_67 = tpu.memref_slice %arg5[%multiple_of3A_64, %dma_start3A_66] : memref<20000x128xf32, #tpu.memory_space<hbm>> -> memref<128x128xf32, #tpu.memory_space<hbm>>
        tpu.enqueue_dma source(%arg8 : memref<128x128xf32, #tpu.memory_space<vmem>>) target(%dma_start3A_67 : memref<128x128xf32, #tpu.memory_space<hbm>>) target_semaphore(%run_scoped3A : memref<!tpu.dma_semaphore, #tpu.memory_space<semaphore_mem>>)
        %dma_wait3A = arith.constant 0 : i32
        %dma_wait3A_68 = tpu.memref_slice %arg5[%multiple_of3A_64, %dma_wait3A] : memref<20000x128xf32, #tpu.memory_space<hbm>> -> memref<128x128xf32, #tpu.memory_space<hbm>>
        %dma_wait3A_69 = arith.constant 0 : i32
        %dma_wait3A_70 = tpu.memref_slice %arg5[%multiple_of3A_64, %dma_wait3A_69] : memref<20000x128xf32, #tpu.memory_space<hbm>> -> memref<128x128xf32, #tpu.memory_space<hbm>>
        tpu.wait_dma2 semaphore(%run_scoped3A : memref<!tpu.dma_semaphore, #tpu.memory_space<semaphore_mem>>) src(%arg8 : memref<128x128xf32, #tpu.memory_space<vmem>>) dst(%dma_wait3A_70 : memref<128x128xf32, #tpu.memory_space<hbm>>)
        tpu.yield
      }) : () -> ()
    }
    %scan3A_44 = arith.constant 4 : i32
    %add3A_45 = arith.constant 512 : i32
    %add3A_46 = arith.addi %mul3A_35, %add3A_45 : i32
    %multiple_of3A_47 = tpu.assume_multiple %add3A_46, 8 : i32
    "tpu.region"() ({
      %run_scoped3A = tpu.sem_alloc : memref<!tpu.dma_semaphore, #tpu.memory_space<semaphore_mem>>
      %dma_start3A = arith.constant 0 : i32
      %dma_start3A_56 = arith.constant 0 : i32
      %dma_start3A_57 = tpu.memref_slice %arg8[%dma_start3A, %dma_start3A_56] : memref<128x128xf32, #tpu.memory_space<vmem>> -> memref<112x128xf32, #tpu.memory_space<vmem>>
      %dma_start3A_58 = arith.constant 0 : i32
      %dma_start3A_59 = tpu.memref_slice %arg9[%multiple_of3A_47, %dma_start3A_58] : memref<10008x128xf32, #tpu.memory_space<vmem_shared>> -> memref<112x128xf32, #tpu.memory_space<vmem_shared>>
      %dma_start3A_60 = arith.constant 0 : i32
      %dma_start3A_61 = arith.constant 0 : i32
      %dma_start3A_62 = tpu.memref_slice %arg8[%dma_start3A_60, %dma_start3A_61] : memref<128x128xf32, #tpu.memory_space<vmem>> -> memref<112x128xf32, #tpu.memory_space<vmem>>
      %dma_start3A_63 = arith.constant 0 : i32
      %dma_start3A_64 = tpu.memref_slice %arg9[%multiple_of3A_47, %dma_start3A_63] : memref<10008x128xf32, #tpu.memory_space<vmem_shared>> -> memref<112x128xf32, #tpu.memory_space<vmem_shared>>
      tpu.enqueue_dma source(%dma_start3A_64 : memref<112x128xf32, #tpu.memory_space<vmem_shared>>) target(%dma_start3A_62 : memref<112x128xf32, #tpu.memory_space<vmem>>) target_semaphore(%run_scoped3A : memref<!tpu.dma_semaphore, #tpu.memory_space<semaphore_mem>>)
      %dma_wait3A = arith.constant 0 : i32
      %dma_wait3A_65 = arith.constant 0 : i32
      %dma_wait3A_66 = tpu.memref_slice %arg8[%dma_wait3A, %dma_wait3A_65] : memref<128x128xf32, #tpu.memory_space<vmem>> -> memref<112x128xf32, #tpu.memory_space<vmem>>
      %dma_wait3A_67 = arith.constant 0 : i32
      %dma_wait3A_68 = tpu.memref_slice %arg9[%multiple_of3A_47, %dma_wait3A_67] : memref<10008x128xf32, #tpu.memory_space<vmem_shared>> -> memref<112x128xf32, #tpu.memory_space<vmem_shared>>
      %dma_wait3A_69 = arith.constant 0 : i32
      %dma_wait3A_70 = arith.constant 0 : i32
      %dma_wait3A_71 = tpu.memref_slice %arg8[%dma_wait3A_69, %dma_wait3A_70] : memref<128x128xf32, #tpu.memory_space<vmem>> -> memref<112x128xf32, #tpu.memory_space<vmem>>
      %dma_wait3A_72 = arith.constant 0 : i32
      %dma_wait3A_73 = tpu.memref_slice %arg9[%multiple_of3A_47, %dma_wait3A_72] : memref<10008x128xf32, #tpu.memory_space<vmem_shared>> -> memref<112x128xf32, #tpu.memory_space<vmem_shared>>
      tpu.wait_dma2 semaphore(%run_scoped3A : memref<!tpu.dma_semaphore, #tpu.memory_space<semaphore_mem>>) src(%dma_wait3A_73 : memref<112x128xf32, #tpu.memory_space<vmem_shared>>) dst(%dma_wait3A_71 : memref<112x128xf32, #tpu.memory_space<vmem>>)
      tpu.yield
    }) : () -> ()
    %add3A_48 = arith.constant 512 : i32
    %add3A_49 = arith.addi %add3A_38, %add3A_48 : i32
    %multiple_of3A_50 = tpu.assume_multiple %add3A_49, 8 : i32
    "tpu.region"() ({
      %run_scoped3A = tpu.sem_alloc : memref<!tpu.dma_semaphore, #tpu.memory_space<semaphore_mem>>
      %dma_start3A = arith.constant 0 : i32
      %dma_start3A_56 = arith.constant 0 : i32
      %dma_start3A_57 = tpu.memref_slice %arg8[%dma_start3A, %dma_start3A_56] : memref<128x128xf32, #tpu.memory_space<vmem>> -> memref<112x128xf32, #tpu.memory_space<vmem>>
      %dma_start3A_58 = arith.constant 0 : i32
      %dma_start3A_59 = tpu.memref_slice %arg5[%multiple_of3A_50, %dma_start3A_58] : memref<20000x128xf32, #tpu.memory_space<hbm>> -> memref<112x128xf32, #tpu.memory_space<hbm>>
      %dma_start3A_60 = arith.constant 0 : i32
      %dma_start3A_61 = tpu.memref_slice %arg5[%multiple_of3A_50, %dma_start3A_60] : memref<20000x128xf32, #tpu.memory_space<hbm>> -> memref<112x128xf32, #tpu.memory_space<hbm>>
      %dma_start3A_62 = arith.constant 0 : i32
      %dma_start3A_63 = arith.constant 0 : i32
      %dma_start3A_64 = tpu.memref_slice %arg8[%dma_start3A_62, %dma_start3A_63] : memref<128x128xf32, #tpu.memory_space<vmem>> -> memref<112x128xf32, #tpu.memory_space<vmem>>
      tpu.enqueue_dma source(%dma_start3A_64 : memref<112x128xf32, #tpu.memory_space<vmem>>) target(%dma_start3A_61 : memref<112x128xf32, #tpu.memory_space<hbm>>) target_semaphore(%run_scoped3A : memref<!tpu.dma_semaphore, #tpu.memory_space<semaphore_mem>>)
      %dma_wait3A = arith.constant 0 : i32
      %dma_wait3A_65 = arith.constant 0 : i32
      %dma_wait3A_66 = tpu.memref_slice %arg8[%dma_wait3A, %dma_wait3A_65] : memref<128x128xf32, #tpu.memory_space<vmem>> -> memref<112x128xf32, #tpu.memory_space<vmem>>
      %dma_wait3A_67 = arith.constant 0 : i32
      %dma_wait3A_68 = tpu.memref_slice %arg5[%multiple_of3A_50, %dma_wait3A_67] : memref<20000x128xf32, #tpu.memory_space<hbm>> -> memref<112x128xf32, #tpu.memory_space<hbm>>
      %dma_wait3A_69 = arith.constant 0 : i32
      %dma_wait3A_70 = tpu.memref_slice %arg5[%multiple_of3A_50, %dma_wait3A_69] : memref<20000x128xf32, #tpu.memory_space<hbm>> -> memref<112x128xf32, #tpu.memory_space<hbm>>
      %dma_wait3A_71 = arith.constant 0 : i32
      %dma_wait3A_72 = arith.constant 0 : i32
      %dma_wait3A_73 = tpu.memref_slice %arg8[%dma_wait3A_71, %dma_wait3A_72] : memref<128x128xf32, #tpu.memory_space<vmem>> -> memref<112x128xf32, #tpu.memory_space<vmem>>
      tpu.wait_dma2 semaphore(%run_scoped3A : memref<!tpu.dma_semaphore, #tpu.memory_space<semaphore_mem>>) src(%dma_wait3A_73 : memref<112x128xf32, #tpu.memory_space<vmem>>) dst(%dma_wait3A_70 : memref<112x128xf32, #tpu.memory_space<hbm>>)
      tpu.yield
    }) : () -> ()
    %eq3A_51 = arith.constant 15 : i32
    %eq3A_52 = arith.cmpi eq, %arg1, %eq3A_51 : i32
    %convert_element_type3A_53 = arith.extui %eq3A_52 : i1 to i32
    %cond3A_54 = arith.constant 0 : i32
    %cond3A_55 = arith.cmpi ne, %convert_element_type3A_53, %cond3A_54 : i32
    scf.if %cond3A_55 {
      "tpu.region"() ({
        %run_scoped3A = tpu.sem_alloc : memref<!tpu.dma_semaphore, #tpu.memory_space<semaphore_mem>>
        %dma_start3A = arith.constant 0 : i32
        %dma_start3A_61 = arith.constant 0 : i32
        %dma_start3A_62 = tpu.memref_slice %arg8[%dma_start3A, %dma_start3A_61] : memref<128x128xf32, #tpu.memory_space<vmem>> -> memref<16x128xf32, #tpu.memory_space<vmem>>
        %dma_start3A_63 = arith.constant 9984 : i32
        %dma_start3A_64 = arith.constant 0 : i32
        %dma_start3A_65 = tpu.memref_slice %arg9[%dma_start3A_63, %dma_start3A_64] : memref<10008x128xf32, #tpu.memory_space<vmem_shared>> -> memref<16x128xf32, #tpu.memory_space<vmem_shared>>
        %dma_start3A_66 = arith.constant 0 : i32
        %dma_start3A_67 = arith.constant 0 : i32
        %dma_start3A_68 = tpu.memref_slice %arg8[%dma_start3A_66, %dma_start3A_67] : memref<128x128xf32, #tpu.memory_space<vmem>> -> memref<16x128xf32, #tpu.memory_space<vmem>>
        %dma_start3A_69 = arith.constant 9984 : i32
        %dma_start3A_70 = arith.constant 0 : i32
        %dma_start3A_71 = tpu.memref_slice %arg9[%dma_start3A_69, %dma_start3A_70] : memref<10008x128xf32, #tpu.memory_space<vmem_shared>> -> memref<16x128xf32, #tpu.memory_space<vmem_shared>>
        tpu.enqueue_dma source(%dma_start3A_71 : memref<16x128xf32, #tpu.memory_space<vmem_shared>>) target(%dma_start3A_68 : memref<16x128xf32, #tpu.memory_space<vmem>>) target_semaphore(%run_scoped3A : memref<!tpu.dma_semaphore, #tpu.memory_space<semaphore_mem>>)
        %dma_wait3A = arith.constant 0 : i32
        %dma_wait3A_72 = arith.constant 0 : i32
        %dma_wait3A_73 = tpu.memref_slice %arg8[%dma_wait3A, %dma_wait3A_72] : memref<128x128xf32, #tpu.memory_space<vmem>> -> memref<16x128xf32, #tpu.memory_space<vmem>>
        %dma_wait3A_74 = arith.constant 9984 : i32
        %dma_wait3A_75 = arith.constant 0 : i32
        %dma_wait3A_76 = tpu.memref_slice %arg9[%dma_wait3A_74, %dma_wait3A_75] : memref<10008x128xf32, #tpu.memory_space<vmem_shared>> -> memref<16x128xf32, #tpu.memory_space<vmem_shared>>
        %dma_wait3A_77 = arith.constant 0 : i32
        %dma_wait3A_78 = arith.constant 0 : i32
        %dma_wait3A_79 = tpu.memref_slice %arg8[%dma_wait3A_77, %dma_wait3A_78] : memref<128x128xf32, #tpu.memory_space<vmem>> -> memref<16x128xf32, #tpu.memory_space<vmem>>
        %dma_wait3A_80 = arith.constant 9984 : i32
        %dma_wait3A_81 = arith.constant 0 : i32
        %dma_wait3A_82 = tpu.memref_slice %arg9[%dma_wait3A_80, %dma_wait3A_81] : memref<10008x128xf32, #tpu.memory_space<vmem_shared>> -> memref<16x128xf32, #tpu.memory_space<vmem_shared>>
        tpu.wait_dma2 semaphore(%run_scoped3A : memref<!tpu.dma_semaphore, #tpu.memory_space<semaphore_mem>>) src(%dma_wait3A_82 : memref<16x128xf32, #tpu.memory_space<vmem_shared>>) dst(%dma_wait3A_79 : memref<16x128xf32, #tpu.memory_space<vmem>>)
        tpu.yield
      }) : () -> ()
      %mul3A_56 = arith.constant 10000 : i32
      %mul3A_57 = arith.muli %arg0, %mul3A_56 : i32
      %add3A_58 = arith.constant 9984 : i32
      %add3A_59 = arith.addi %mul3A_57, %add3A_58 : i32
      %multiple_of3A_60 = tpu.assume_multiple %add3A_59, 8 : i32
      "tpu.region"() ({
        %run_scoped3A = tpu.sem_alloc : memref<!tpu.dma_semaphore, #tpu.memory_space<semaphore_mem>>
        %dma_start3A = arith.constant 0 : i32
        %dma_start3A_61 = arith.constant 0 : i32
        %dma_start3A_62 = tpu.memref_slice %arg8[%dma_start3A, %dma_start3A_61] : memref<128x128xf32, #tpu.memory_space<vmem>> -> memref<16x128xf32, #tpu.memory_space<vmem>>
        %dma_start3A_63 = arith.constant 0 : i32
        %dma_start3A_64 = tpu.memref_slice %arg5[%multiple_of3A_60, %dma_start3A_63] : memref<20000x128xf32, #tpu.memory_space<hbm>> -> memref<16x128xf32, #tpu.memory_space<hbm>>
        %dma_start3A_65 = arith.constant 0 : i32
        %dma_start3A_66 = tpu.memref_slice %arg5[%multiple_of3A_60, %dma_start3A_65] : memref<20000x128xf32, #tpu.memory_space<hbm>> -> memref<16x128xf32, #tpu.memory_space<hbm>>
        %dma_start3A_67 = arith.constant 0 : i32
        %dma_start3A_68 = arith.constant 0 : i32
        %dma_start3A_69 = tpu.memref_slice %arg8[%dma_start3A_67, %dma_start3A_68] : memref<128x128xf32, #tpu.memory_space<vmem>> -> memref<16x128xf32, #tpu.memory_space<vmem>>
        tpu.enqueue_dma source(%dma_start3A_69 : memref<16x128xf32, #tpu.memory_space<vmem>>) target(%dma_start3A_66 : memref<16x128xf32, #tpu.memory_space<hbm>>) target_semaphore(%run_scoped3A : memref<!tpu.dma_semaphore, #tpu.memory_space<semaphore_mem>>)
        %dma_wait3A = arith.constant 0 : i32
        %dma_wait3A_70 = arith.constant 0 : i32
        %dma_wait3A_71 = tpu.memref_slice %arg8[%dma_wait3A, %dma_wait3A_70] : memref<128x128xf32, #tpu.memory_space<vmem>> -> memref<16x128xf32, #tpu.memory_space<vmem>>
        %dma_wait3A_72 = arith.constant 0 : i32
        %dma_wait3A_73 = tpu.memref_slice %arg5[%multiple_of3A_60, %dma_wait3A_72] : memref<20000x128xf32, #tpu.memory_space<hbm>> -> memref<16x128xf32, #tpu.memory_space<hbm>>
        %dma_wait3A_74 = arith.constant 0 : i32
        %dma_wait3A_75 = tpu.memref_slice %arg5[%multiple_of3A_60, %dma_wait3A_74] : memref<20000x128xf32, #tpu.memory_space<hbm>> -> memref<16x128xf32, #tpu.memory_space<hbm>>
        %dma_wait3A_76 = arith.constant 0 : i32
        %dma_wait3A_77 = arith.constant 0 : i32
        %dma_wait3A_78 = tpu.memref_slice %arg8[%dma_wait3A_76, %dma_wait3A_77] : memref<128x128xf32, #tpu.memory_space<vmem>> -> memref<16x128xf32, #tpu.memory_space<vmem>>
        tpu.wait_dma2 semaphore(%run_scoped3A : memref<!tpu.dma_semaphore, #tpu.memory_space<semaphore_mem>>) src(%dma_wait3A_78 : memref<16x128xf32, #tpu.memory_space<vmem>>) dst(%dma_wait3A_75 : memref<16x128xf32, #tpu.memory_space<hbm>>)
        tpu.yield
      }) : () -> ()
    } else {
    }
    return
  }
}

#map = affine_map<(d0, d1) -> (0, 0)>
#map1 = affine_map<(d0, d1) -> (0)>
module attributes {stable_mosaic.version = 14 : i64} {
  func.func @agg_kernel(%arg0: i32, %arg1: i32, %arg2: memref<10000x128xf32, #tpu.memory_space<hbm>>, %arg3: memref<320000xi32, #tpu.memory_space<hbm>>, %arg4: memref<320000xi32, #tpu.memory_space<hbm>>, %arg5: memref<128x128xf32, #tpu.memory_space<hbm>>, %arg6: memref<20000x128xf32, #tpu.memory_space<hbm>>, %arg7: memref<80xi32, #tpu.memory_space<vmem>>, %arg8: memref<80xi32, #tpu.memory_space<vmem>>, %arg9: memref<80xi32, #tpu.memory_space<vmem>>, %arg10: memref<80x128xf32, #tpu.memory_space<vmem>>, %arg11: memref<80x128xf32, #tpu.memory_space<vmem>>, %arg12: memref<10008x128xf32, #tpu.memory_space<vmem_shared>>, %arg13: memref<!tpu.dma_semaphore, #tpu.memory_space<semaphore_mem>>, %arg14: memref<!tpu.dma_semaphore, #tpu.memory_space<semaphore_mem>>) attributes {dimension_semantics = [#tpu.dimension_semantics<core_parallel>, #tpu.dimension_semantics<subcore_parallel>], iteration_bounds = array<i64: 2, 16>, scalar_prefetch = 0 : i64, scratch_operands = 8 : i64, tpu.core_type = #tpu.core_type<sc_vector_subcore>, window_params = [{transform_indices = #map}, {transform_indices = #map1}, {transform_indices = #map1}, {transform_indices = #map}, {transform_indices = #map}]} {
    %mul3A = arith.constant 16 : i32
    %mul3A_0 = arith.muli %arg0, %mul3A : i32
    %add3A = arith.addi %mul3A_0, %arg1 : i32
    %mul3A_1 = arith.constant 10000 : i32
    %mul3A_2 = arith.muli %add3A, %mul3A_1 : i32
    "tpu.region"() ({
      %run_scoped3A = tpu.sem_alloc : memref<!tpu.dma_semaphore, #tpu.memory_space<semaphore_mem>>
      %dma_start3A_54 = arith.constant 0 : i32
      %dma_start3A_55 = arith.constant 0 : i32
      %dma_start3A_56 = tpu.memref_slice %arg5[%dma_start3A_54, %dma_start3A_55] : memref<128x128xf32, #tpu.memory_space<hbm>> -> memref<80x128xf32, #tpu.memory_space<hbm>>
      %dma_start3A_57 = arith.constant 0 : i32
      %dma_start3A_58 = arith.constant 0 : i32
      %dma_start3A_59 = tpu.memref_slice %arg5[%dma_start3A_57, %dma_start3A_58] : memref<128x128xf32, #tpu.memory_space<hbm>> -> memref<80x128xf32, #tpu.memory_space<hbm>>
      tpu.enqueue_dma source(%dma_start3A_59 : memref<80x128xf32, #tpu.memory_space<hbm>>) target(%arg10 : memref<80x128xf32, #tpu.memory_space<vmem>>) target_semaphore(%run_scoped3A : memref<!tpu.dma_semaphore, #tpu.memory_space<semaphore_mem>>)
      %dma_wait3A_60 = arith.constant 0 : i32
      %dma_wait3A_61 = arith.constant 0 : i32
      %dma_wait3A_62 = tpu.memref_slice %arg5[%dma_wait3A_60, %dma_wait3A_61] : memref<128x128xf32, #tpu.memory_space<hbm>> -> memref<80x128xf32, #tpu.memory_space<hbm>>
      %dma_wait3A_63 = arith.constant 0 : i32
      %dma_wait3A_64 = arith.constant 0 : i32
      %dma_wait3A_65 = tpu.memref_slice %arg5[%dma_wait3A_63, %dma_wait3A_64] : memref<128x128xf32, #tpu.memory_space<hbm>> -> memref<80x128xf32, #tpu.memory_space<hbm>>
      tpu.wait_dma2 semaphore(%run_scoped3A : memref<!tpu.dma_semaphore, #tpu.memory_space<semaphore_mem>>) src(%dma_wait3A_65 : memref<80x128xf32, #tpu.memory_space<hbm>>) dst(%arg10 : memref<80x128xf32, #tpu.memory_space<vmem>>)
      tpu.yield
    }) : () -> ()
    %mul3A_3 = arith.constant 624 : i32
    %mul3A_4 = arith.muli %arg1, %mul3A_3 : i32
    %scan3A = arith.constant 0 : i32
    %scan3A_5 = arith.constant 0 : i32
    %scan3A_6 = arith.constant 7 : i32
    %scan3A_7 = arith.addi %scan3A_5, %scan3A_6 : i32
    %scan3A_8 = arith.constant 1 : i32
    scf.for %scan3A_54 = %scan3A_5 to %scan3A_7 step %scan3A_8  : i32 {
      %mul3A_55 = arith.constant 80 : i32
      %mul3A_56 = arith.muli %scan3A_54, %mul3A_55 : i32
      %add3A_57 = arith.addi %mul3A_4, %mul3A_56 : i32
      %multiple_of3A_58 = tpu.assume_multiple %add3A_57, 8 : i32
      "tpu.region"() ({
        %run_scoped3A = tpu.sem_alloc : memref<!tpu.dma_semaphore, #tpu.memory_space<semaphore_mem>>
        %dma_start3A_59 = arith.constant 0 : i32
        %dma_start3A_60 = tpu.memref_slice %arg12[%multiple_of3A_58, %dma_start3A_59] : memref<10008x128xf32, #tpu.memory_space<vmem_shared>> -> memref<80x128xf32, #tpu.memory_space<vmem_shared>>
        %dma_start3A_61 = arith.constant 0 : i32
        %dma_start3A_62 = tpu.memref_slice %arg12[%multiple_of3A_58, %dma_start3A_61] : memref<10008x128xf32, #tpu.memory_space<vmem_shared>> -> memref<80x128xf32, #tpu.memory_space<vmem_shared>>
        tpu.enqueue_dma source(%arg10 : memref<80x128xf32, #tpu.memory_space<vmem>>) target(%dma_start3A_62 : memref<80x128xf32, #tpu.memory_space<vmem_shared>>) target_semaphore(%run_scoped3A : memref<!tpu.dma_semaphore, #tpu.memory_space<semaphore_mem>>)
        %dma_wait3A_63 = arith.constant 0 : i32
        %dma_wait3A_64 = tpu.memref_slice %arg12[%multiple_of3A_58, %dma_wait3A_63] : memref<10008x128xf32, #tpu.memory_space<vmem_shared>> -> memref<80x128xf32, #tpu.memory_space<vmem_shared>>
        %dma_wait3A_65 = arith.constant 0 : i32
        %dma_wait3A_66 = tpu.memref_slice %arg12[%multiple_of3A_58, %dma_wait3A_65] : memref<10008x128xf32, #tpu.memory_space<vmem_shared>> -> memref<80x128xf32, #tpu.memory_space<vmem_shared>>
        tpu.wait_dma2 semaphore(%run_scoped3A : memref<!tpu.dma_semaphore, #tpu.memory_space<semaphore_mem>>) src(%arg10 : memref<80x128xf32, #tpu.memory_space<vmem>>) dst(%dma_wait3A_66 : memref<80x128xf32, #tpu.memory_space<vmem_shared>>)
        tpu.yield
      }) : () -> ()
    }
    %scan3A_9 = arith.constant 7 : i32
    %add3A_10 = arith.constant 560 : i32
    %add3A_11 = arith.addi %mul3A_4, %add3A_10 : i32
    %multiple_of3A = tpu.assume_multiple %add3A_11, 8 : i32
    "tpu.region"() ({
      %run_scoped3A = tpu.sem_alloc : memref<!tpu.dma_semaphore, #tpu.memory_space<semaphore_mem>>
      %dma_start3A_54 = arith.constant 0 : i32
      %dma_start3A_55 = arith.constant 0 : i32
      %dma_start3A_56 = tpu.memref_slice %arg10[%dma_start3A_54, %dma_start3A_55] : memref<80x128xf32, #tpu.memory_space<vmem>> -> memref<64x128xf32, #tpu.memory_space<vmem>>
      %dma_start3A_57 = arith.constant 0 : i32
      %dma_start3A_58 = tpu.memref_slice %arg12[%multiple_of3A, %dma_start3A_57] : memref<10008x128xf32, #tpu.memory_space<vmem_shared>> -> memref<64x128xf32, #tpu.memory_space<vmem_shared>>
      %dma_start3A_59 = arith.constant 0 : i32
      %dma_start3A_60 = tpu.memref_slice %arg12[%multiple_of3A, %dma_start3A_59] : memref<10008x128xf32, #tpu.memory_space<vmem_shared>> -> memref<64x128xf32, #tpu.memory_space<vmem_shared>>
      %dma_start3A_61 = arith.constant 0 : i32
      %dma_start3A_62 = arith.constant 0 : i32
      %dma_start3A_63 = tpu.memref_slice %arg10[%dma_start3A_61, %dma_start3A_62] : memref<80x128xf32, #tpu.memory_space<vmem>> -> memref<64x128xf32, #tpu.memory_space<vmem>>
      tpu.enqueue_dma source(%dma_start3A_63 : memref<64x128xf32, #tpu.memory_space<vmem>>) target(%dma_start3A_60 : memref<64x128xf32, #tpu.memory_space<vmem_shared>>) target_semaphore(%run_scoped3A : memref<!tpu.dma_semaphore, #tpu.memory_space<semaphore_mem>>)
      %dma_wait3A_64 = arith.constant 0 : i32
      %dma_wait3A_65 = arith.constant 0 : i32
      %dma_wait3A_66 = tpu.memref_slice %arg10[%dma_wait3A_64, %dma_wait3A_65] : memref<80x128xf32, #tpu.memory_space<vmem>> -> memref<64x128xf32, #tpu.memory_space<vmem>>
      %dma_wait3A_67 = arith.constant 0 : i32
      %dma_wait3A_68 = tpu.memref_slice %arg12[%multiple_of3A, %dma_wait3A_67] : memref<10008x128xf32, #tpu.memory_space<vmem_shared>> -> memref<64x128xf32, #tpu.memory_space<vmem_shared>>
      %dma_wait3A_69 = arith.constant 0 : i32
      %dma_wait3A_70 = tpu.memref_slice %arg12[%multiple_of3A, %dma_wait3A_69] : memref<10008x128xf32, #tpu.memory_space<vmem_shared>> -> memref<64x128xf32, #tpu.memory_space<vmem_shared>>
      %dma_wait3A_71 = arith.constant 0 : i32
      %dma_wait3A_72 = arith.constant 0 : i32
      %dma_wait3A_73 = tpu.memref_slice %arg10[%dma_wait3A_71, %dma_wait3A_72] : memref<80x128xf32, #tpu.memory_space<vmem>> -> memref<64x128xf32, #tpu.memory_space<vmem>>
      tpu.wait_dma2 semaphore(%run_scoped3A : memref<!tpu.dma_semaphore, #tpu.memory_space<semaphore_mem>>) src(%dma_wait3A_73 : memref<64x128xf32, #tpu.memory_space<vmem>>) dst(%dma_wait3A_70 : memref<64x128xf32, #tpu.memory_space<vmem_shared>>)
      tpu.yield
    }) : () -> ()
    %eq3A = arith.constant 15 : i32
    %eq3A_12 = arith.cmpi eq, %arg1, %eq3A : i32
    %convert_element_type3A = arith.extui %eq3A_12 : i1 to i32
    %cond3A = arith.constant 0 : i32
    %cond3A_13 = arith.cmpi ne, %convert_element_type3A, %cond3A : i32
    scf.if %cond3A_13 {
      "tpu.region"() ({
        %run_scoped3A = tpu.sem_alloc : memref<!tpu.dma_semaphore, #tpu.memory_space<semaphore_mem>>
        %dma_start3A_54 = arith.constant 0 : i32
        %dma_start3A_55 = arith.constant 0 : i32
        %dma_start3A_56 = tpu.memref_slice %arg10[%dma_start3A_54, %dma_start3A_55] : memref<80x128xf32, #tpu.memory_space<vmem>> -> memref<16x128xf32, #tpu.memory_space<vmem>>
        %dma_start3A_57 = arith.constant 9984 : i32
        %dma_start3A_58 = arith.constant 0 : i32
        %dma_start3A_59 = tpu.memref_slice %arg12[%dma_start3A_57, %dma_start3A_58] : memref<10008x128xf32, #tpu.memory_space<vmem_shared>> -> memref<16x128xf32, #tpu.memory_space<vmem_shared>>
        %dma_start3A_60 = arith.constant 9984 : i32
        %dma_start3A_61 = arith.constant 0 : i32
        %dma_start3A_62 = tpu.memref_slice %arg12[%dma_start3A_60, %dma_start3A_61] : memref<10008x128xf32, #tpu.memory_space<vmem_shared>> -> memref<16x128xf32, #tpu.memory_space<vmem_shared>>
        %dma_start3A_63 = arith.constant 0 : i32
        %dma_start3A_64 = arith.constant 0 : i32
        %dma_start3A_65 = tpu.memref_slice %arg10[%dma_start3A_63, %dma_start3A_64] : memref<80x128xf32, #tpu.memory_space<vmem>> -> memref<16x128xf32, #tpu.memory_space<vmem>>
        tpu.enqueue_dma source(%dma_start3A_65 : memref<16x128xf32, #tpu.memory_space<vmem>>) target(%dma_start3A_62 : memref<16x128xf32, #tpu.memory_space<vmem_shared>>) target_semaphore(%run_scoped3A : memref<!tpu.dma_semaphore, #tpu.memory_space<semaphore_mem>>)
        %dma_wait3A_66 = arith.constant 0 : i32
        %dma_wait3A_67 = arith.constant 0 : i32
        %dma_wait3A_68 = tpu.memref_slice %arg10[%dma_wait3A_66, %dma_wait3A_67] : memref<80x128xf32, #tpu.memory_space<vmem>> -> memref<16x128xf32, #tpu.memory_space<vmem>>
        %dma_wait3A_69 = arith.constant 9984 : i32
        %dma_wait3A_70 = arith.constant 0 : i32
        %dma_wait3A_71 = tpu.memref_slice %arg12[%dma_wait3A_69, %dma_wait3A_70] : memref<10008x128xf32, #tpu.memory_space<vmem_shared>> -> memref<16x128xf32, #tpu.memory_space<vmem_shared>>
        %dma_wait3A_72 = arith.constant 9984 : i32
        %dma_wait3A_73 = arith.constant 0 : i32
        %dma_wait3A_74 = tpu.memref_slice %arg12[%dma_wait3A_72, %dma_wait3A_73] : memref<10008x128xf32, #tpu.memory_space<vmem_shared>> -> memref<16x128xf32, #tpu.memory_space<vmem_shared>>
        %dma_wait3A_75 = arith.constant 0 : i32
        %dma_wait3A_76 = arith.constant 0 : i32
        %dma_wait3A_77 = tpu.memref_slice %arg10[%dma_wait3A_75, %dma_wait3A_76] : memref<80x128xf32, #tpu.memory_space<vmem>> -> memref<16x128xf32, #tpu.memory_space<vmem>>
        tpu.wait_dma2 semaphore(%run_scoped3A : memref<!tpu.dma_semaphore, #tpu.memory_space<semaphore_mem>>) src(%dma_wait3A_77 : memref<16x128xf32, #tpu.memory_space<vmem>>) dst(%dma_wait3A_74 : memref<16x128xf32, #tpu.memory_space<vmem_shared>>)
        tpu.yield
      }) : () -> ()
    } else {
    }
    %barrier3A = arith.constant 0 : index
    tpu.barrier barrier_id(%barrier3A)
    %multiple_of3A_14 = tpu.assume_multiple %mul3A_2, 8 : i32
    "tpu.region"() ({
      %run_scoped3A = tpu.sem_alloc : memref<!tpu.dma_semaphore, #tpu.memory_space<semaphore_mem>>
      %dma_start3A_54 = tpu.memref_slice %arg3[%multiple_of3A_14] : memref<320000xi32, #tpu.memory_space<hbm>> -> memref<80xi32, #tpu.memory_space<hbm>>
      %dma_start3A_55 = tpu.memref_slice %arg3[%multiple_of3A_14] : memref<320000xi32, #tpu.memory_space<hbm>> -> memref<80xi32, #tpu.memory_space<hbm>>
      tpu.enqueue_dma source(%dma_start3A_55 : memref<80xi32, #tpu.memory_space<hbm>>) target(%arg7 : memref<80xi32, #tpu.memory_space<vmem>>) target_semaphore(%run_scoped3A : memref<!tpu.dma_semaphore, #tpu.memory_space<semaphore_mem>>)
      %dma_wait3A_56 = tpu.memref_slice %arg3[%multiple_of3A_14] : memref<320000xi32, #tpu.memory_space<hbm>> -> memref<80xi32, #tpu.memory_space<hbm>>
      %dma_wait3A_57 = tpu.memref_slice %arg3[%multiple_of3A_14] : memref<320000xi32, #tpu.memory_space<hbm>> -> memref<80xi32, #tpu.memory_space<hbm>>
      tpu.wait_dma2 semaphore(%run_scoped3A : memref<!tpu.dma_semaphore, #tpu.memory_space<semaphore_mem>>) src(%dma_wait3A_57 : memref<80xi32, #tpu.memory_space<hbm>>) dst(%arg7 : memref<80xi32, #tpu.memory_space<vmem>>)
      tpu.yield
    }) : () -> ()
    %dma_start3A = arith.constant 0 : i32
    %dma_start3A_15 = arith.constant 0 : i32
    %dma_start3A_16 = tpu.memref_slice %arg2[%dma_start3A, %dma_start3A_15] : memref<10000x128xf32, #tpu.memory_space<hbm>> -> memref<10000x128xf32, #tpu.memory_space<hbm>>
    tpu.enqueue_indirect_dma source(%dma_start3A_16 : memref<10000x128xf32, #tpu.memory_space<hbm>>) target(%arg10 : memref<80x128xf32, #tpu.memory_space<vmem>>) offsets(%arg7 : memref<80xi32, #tpu.memory_space<vmem>>) semaphore(%arg13 : memref<!tpu.dma_semaphore, #tpu.memory_space<semaphore_mem>>)
    %scan3A_17 = arith.constant 0 : i32
    %scan3A_18 = arith.constant 0 : i32
    %scan3A_19 = arith.constant 62 : i32
    %scan3A_20 = arith.addi %scan3A_18, %scan3A_19 : i32
    %scan3A_21 = arith.constant 1 : i32
    scf.for %scan3A_54 = %scan3A_18 to %scan3A_20 step %scan3A_21  : i32 {
      %mul3A_55 = arith.constant 2 : i32
      %mul3A_56 = arith.muli %mul3A_55, %scan3A_54 : i32
      %add3A_57 = arith.constant 1 : i32
      %add3A_58 = arith.addi %mul3A_56, %add3A_57 : i32
      %mul3A_59 = arith.constant 80 : i32
      %mul3A_60 = arith.muli %add3A_58, %mul3A_59 : i32
      %add3A_61 = arith.addi %mul3A_2, %mul3A_60 : i32
      %multiple_of3A_62 = tpu.assume_multiple %add3A_61, 8 : i32
      "tpu.region"() ({
        %run_scoped3A = tpu.sem_alloc : memref<!tpu.dma_semaphore, #tpu.memory_space<semaphore_mem>>
        %dma_start3A_87 = tpu.memref_slice %arg3[%multiple_of3A_62] : memref<320000xi32, #tpu.memory_space<hbm>> -> memref<80xi32, #tpu.memory_space<hbm>>
        %dma_start3A_88 = tpu.memref_slice %arg3[%multiple_of3A_62] : memref<320000xi32, #tpu.memory_space<hbm>> -> memref<80xi32, #tpu.memory_space<hbm>>
        tpu.enqueue_dma source(%dma_start3A_88 : memref<80xi32, #tpu.memory_space<hbm>>) target(%arg8 : memref<80xi32, #tpu.memory_space<vmem>>) target_semaphore(%run_scoped3A : memref<!tpu.dma_semaphore, #tpu.memory_space<semaphore_mem>>)
        %dma_wait3A_89 = tpu.memref_slice %arg3[%multiple_of3A_62] : memref<320000xi32, #tpu.memory_space<hbm>> -> memref<80xi32, #tpu.memory_space<hbm>>
        %dma_wait3A_90 = tpu.memref_slice %arg3[%multiple_of3A_62] : memref<320000xi32, #tpu.memory_space<hbm>> -> memref<80xi32, #tpu.memory_space<hbm>>
        tpu.wait_dma2 semaphore(%run_scoped3A : memref<!tpu.dma_semaphore, #tpu.memory_space<semaphore_mem>>) src(%dma_wait3A_90 : memref<80xi32, #tpu.memory_space<hbm>>) dst(%arg8 : memref<80xi32, #tpu.memory_space<vmem>>)
        tpu.yield
      }) : () -> ()
      %dma_wait3A_63 = arith.constant 0 : i32
      %dma_wait3A_64 = arith.constant 0 : i32
      %dma_wait3A_65 = tpu.memref_slice %arg2[%dma_wait3A_63, %dma_wait3A_64] : memref<10000x128xf32, #tpu.memory_space<hbm>> -> memref<10000x128xf32, #tpu.memory_space<hbm>>
      tpu.wait_indirect_dma semaphore(%arg13 : memref<!tpu.dma_semaphore, #tpu.memory_space<semaphore_mem>>) src(%dma_wait3A_65 : memref<10000x128xf32, #tpu.memory_space<hbm>>) dst(%arg10 : memref<80x128xf32, #tpu.memory_space<vmem>>)
      %dma_start3A_66 = arith.constant 0 : i32
      %dma_start3A_67 = arith.constant 0 : i32
      %dma_start3A_68 = tpu.memref_slice %arg2[%dma_start3A_66, %dma_start3A_67] : memref<10000x128xf32, #tpu.memory_space<hbm>> -> memref<10000x128xf32, #tpu.memory_space<hbm>>
      tpu.enqueue_indirect_dma source(%dma_start3A_68 : memref<10000x128xf32, #tpu.memory_space<hbm>>) target(%arg11 : memref<80x128xf32, #tpu.memory_space<vmem>>) offsets(%arg8 : memref<80xi32, #tpu.memory_space<vmem>>) semaphore(%arg14 : memref<!tpu.dma_semaphore, #tpu.memory_space<semaphore_mem>>)
      %mul3A_69 = arith.constant 2 : i32
      %mul3A_70 = arith.muli %mul3A_69, %scan3A_54 : i32
      %mul3A_71 = arith.constant 80 : i32
      %mul3A_72 = arith.muli %mul3A_70, %mul3A_71 : i32
      %add3A_73 = arith.addi %mul3A_2, %mul3A_72 : i32
      %multiple_of3A_74 = tpu.assume_multiple %add3A_73, 8 : i32
      "tpu.region"() ({
        %run_scoped3A = tpu.sem_alloc : memref<!tpu.dma_semaphore, #tpu.memory_space<semaphore_mem>>
        %dma_start3A_87 = tpu.memref_slice %arg4[%multiple_of3A_74] : memref<320000xi32, #tpu.memory_space<hbm>> -> memref<80xi32, #tpu.memory_space<hbm>>
        %dma_start3A_88 = tpu.memref_slice %arg4[%multiple_of3A_74] : memref<320000xi32, #tpu.memory_space<hbm>> -> memref<80xi32, #tpu.memory_space<hbm>>
        tpu.enqueue_dma source(%dma_start3A_88 : memref<80xi32, #tpu.memory_space<hbm>>) target(%arg9 : memref<80xi32, #tpu.memory_space<vmem>>) target_semaphore(%run_scoped3A : memref<!tpu.dma_semaphore, #tpu.memory_space<semaphore_mem>>)
        %dma_wait3A_89 = tpu.memref_slice %arg4[%multiple_of3A_74] : memref<320000xi32, #tpu.memory_space<hbm>> -> memref<80xi32, #tpu.memory_space<hbm>>
        %dma_wait3A_90 = tpu.memref_slice %arg4[%multiple_of3A_74] : memref<320000xi32, #tpu.memory_space<hbm>> -> memref<80xi32, #tpu.memory_space<hbm>>
        tpu.wait_dma2 semaphore(%run_scoped3A : memref<!tpu.dma_semaphore, #tpu.memory_space<semaphore_mem>>) src(%dma_wait3A_90 : memref<80xi32, #tpu.memory_space<hbm>>) dst(%arg9 : memref<80xi32, #tpu.memory_space<vmem>>)
        tpu.yield
      }) : () -> ()
      "tpu.region"() ({
        %run_scoped3A = tpu.sem_alloc : memref<!tpu.dma_semaphore, #tpu.memory_space<semaphore_mem>>
        %dma_start3A_87 = arith.constant 0 : i32
        %dma_start3A_88 = arith.constant 0 : i32
        %dma_start3A_89 = tpu.memref_slice %arg12[%dma_start3A_87, %dma_start3A_88] : memref<10008x128xf32, #tpu.memory_space<vmem_shared>> -> memref<10008x128xf32, #tpu.memory_space<vmem_shared>>
        tpu.enqueue_indirect_dma source(%arg10 : memref<80x128xf32, #tpu.memory_space<vmem>>) target(%dma_start3A_89 : memref<10008x128xf32, #tpu.memory_space<vmem_shared>>) offsets(%arg9 : memref<80xi32, #tpu.memory_space<vmem>>) semaphore(%run_scoped3A : memref<!tpu.dma_semaphore, #tpu.memory_space<semaphore_mem>>) {add = true}
        %dma_wait3A_90 = arith.constant 0 : i32
        %dma_wait3A_91 = arith.constant 0 : i32
        %dma_wait3A_92 = tpu.memref_slice %arg12[%dma_wait3A_90, %dma_wait3A_91] : memref<10008x128xf32, #tpu.memory_space<vmem_shared>> -> memref<10008x128xf32, #tpu.memory_space<vmem_shared>>
        tpu.wait_indirect_dma semaphore(%run_scoped3A : memref<!tpu.dma_semaphore, #tpu.memory_space<semaphore_mem>>) src(%arg10 : memref<80x128xf32, #tpu.memory_space<vmem>>) dst(%dma_wait3A_92 : memref<10008x128xf32, #tpu.memory_space<vmem_shared>>)
        tpu.yield
      }) : () -> ()
      %lt3A = arith.constant 61 : i32
      %lt3A_75 = arith.cmpi slt, %scan3A_54, %lt3A : i32
      %convert_element_type3A_76 = arith.extui %lt3A_75 : i1 to i32
      %cond3A_77 = arith.constant 0 : i32
      %cond3A_78 = arith.cmpi ne, %convert_element_type3A_76, %cond3A_77 : i32
      scf.if %cond3A_78 {
        %mul3A_87 = arith.constant 2 : i32
        %mul3A_88 = arith.muli %mul3A_87, %scan3A_54 : i32
        %add3A_89 = arith.constant 2 : i32
        %add3A_90 = arith.addi %mul3A_88, %add3A_89 : i32
        %mul3A_91 = arith.constant 80 : i32
        %mul3A_92 = arith.muli %add3A_90, %mul3A_91 : i32
        %add3A_93 = arith.addi %mul3A_2, %mul3A_92 : i32
        %multiple_of3A_94 = tpu.assume_multiple %add3A_93, 8 : i32
        "tpu.region"() ({
          %run_scoped3A = tpu.sem_alloc : memref<!tpu.dma_semaphore, #tpu.memory_space<semaphore_mem>>
          %dma_start3A_95 = tpu.memref_slice %arg3[%multiple_of3A_94] : memref<320000xi32, #tpu.memory_space<hbm>> -> memref<80xi32, #tpu.memory_space<hbm>>
          %dma_start3A_96 = tpu.memref_slice %arg3[%multiple_of3A_94] : memref<320000xi32, #tpu.memory_space<hbm>> -> memref<80xi32, #tpu.memory_space<hbm>>
          tpu.enqueue_dma source(%dma_start3A_96 : memref<80xi32, #tpu.memory_space<hbm>>) target(%arg7 : memref<80xi32, #tpu.memory_space<vmem>>) target_semaphore(%run_scoped3A : memref<!tpu.dma_semaphore, #tpu.memory_space<semaphore_mem>>)
          %dma_wait3A_97 = tpu.memref_slice %arg3[%multiple_of3A_94] : memref<320000xi32, #tpu.memory_space<hbm>> -> memref<80xi32, #tpu.memory_space<hbm>>
          %dma_wait3A_98 = tpu.memref_slice %arg3[%multiple_of3A_94] : memref<320000xi32, #tpu.memory_space<hbm>> -> memref<80xi32, #tpu.memory_space<hbm>>
          tpu.wait_dma2 semaphore(%run_scoped3A : memref<!tpu.dma_semaphore, #tpu.memory_space<semaphore_mem>>) src(%dma_wait3A_98 : memref<80xi32, #tpu.memory_space<hbm>>) dst(%arg7 : memref<80xi32, #tpu.memory_space<vmem>>)
          tpu.yield
        }) : () -> ()
      } else {
      }
      %dma_wait3A_79 = arith.constant 0 : i32
      %dma_wait3A_80 = arith.constant 0 : i32
      %dma_wait3A_81 = tpu.memref_slice %arg2[%dma_wait3A_79, %dma_wait3A_80] : memref<10000x128xf32, #tpu.memory_space<hbm>> -> memref<10000x128xf32, #tpu.memory_space<hbm>>
      tpu.wait_indirect_dma semaphore(%arg14 : memref<!tpu.dma_semaphore, #tpu.memory_space<semaphore_mem>>) src(%dma_wait3A_81 : memref<10000x128xf32, #tpu.memory_space<hbm>>) dst(%arg11 : memref<80x128xf32, #tpu.memory_space<vmem>>)
      %lt3A_82 = arith.constant 61 : i32
      %lt3A_83 = arith.cmpi slt, %scan3A_54, %lt3A_82 : i32
      %convert_element_type3A_84 = arith.extui %lt3A_83 : i1 to i32
      %cond3A_85 = arith.constant 0 : i32
      %cond3A_86 = arith.cmpi ne, %convert_element_type3A_84, %cond3A_85 : i32
      scf.if %cond3A_86 {
        %dma_start3A_87 = arith.constant 0 : i32
        %dma_start3A_88 = arith.constant 0 : i32
        %dma_start3A_89 = tpu.memref_slice %arg2[%dma_start3A_87, %dma_start3A_88] : memref<10000x128xf32, #tpu.memory_space<hbm>> -> memref<10000x128xf32, #tpu.memory_space<hbm>>
        tpu.enqueue_indirect_dma source(%dma_start3A_89 : memref<10000x128xf32, #tpu.memory_space<hbm>>) target(%arg10 : memref<80x128xf32, #tpu.memory_space<vmem>>) offsets(%arg7 : memref<80xi32, #tpu.memory_space<vmem>>) semaphore(%arg13 : memref<!tpu.dma_semaphore, #tpu.memory_space<semaphore_mem>>)
      } else {
      }
      "tpu.region"() ({
        %run_scoped3A = tpu.sem_alloc : memref<!tpu.dma_semaphore, #tpu.memory_space<semaphore_mem>>
        %dma_start3A_87 = tpu.memref_slice %arg4[%multiple_of3A_62] : memref<320000xi32, #tpu.memory_space<hbm>> -> memref<80xi32, #tpu.memory_space<hbm>>
        %dma_start3A_88 = tpu.memref_slice %arg4[%multiple_of3A_62] : memref<320000xi32, #tpu.memory_space<hbm>> -> memref<80xi32, #tpu.memory_space<hbm>>
        tpu.enqueue_dma source(%dma_start3A_88 : memref<80xi32, #tpu.memory_space<hbm>>) target(%arg9 : memref<80xi32, #tpu.memory_space<vmem>>) target_semaphore(%run_scoped3A : memref<!tpu.dma_semaphore, #tpu.memory_space<semaphore_mem>>)
        %dma_wait3A_89 = tpu.memref_slice %arg4[%multiple_of3A_62] : memref<320000xi32, #tpu.memory_space<hbm>> -> memref<80xi32, #tpu.memory_space<hbm>>
        %dma_wait3A_90 = tpu.memref_slice %arg4[%multiple_of3A_62] : memref<320000xi32, #tpu.memory_space<hbm>> -> memref<80xi32, #tpu.memory_space<hbm>>
        tpu.wait_dma2 semaphore(%run_scoped3A : memref<!tpu.dma_semaphore, #tpu.memory_space<semaphore_mem>>) src(%dma_wait3A_90 : memref<80xi32, #tpu.memory_space<hbm>>) dst(%arg9 : memref<80xi32, #tpu.memory_space<vmem>>)
        tpu.yield
      }) : () -> ()
      "tpu.region"() ({
        %run_scoped3A = tpu.sem_alloc : memref<!tpu.dma_semaphore, #tpu.memory_space<semaphore_mem>>
        %dma_start3A_87 = arith.constant 0 : i32
        %dma_start3A_88 = arith.constant 0 : i32
        %dma_start3A_89 = tpu.memref_slice %arg12[%dma_start3A_87, %dma_start3A_88] : memref<10008x128xf32, #tpu.memory_space<vmem_shared>> -> memref<10008x128xf32, #tpu.memory_space<vmem_shared>>
        tpu.enqueue_indirect_dma source(%arg11 : memref<80x128xf32, #tpu.memory_space<vmem>>) target(%dma_start3A_89 : memref<10008x128xf32, #tpu.memory_space<vmem_shared>>) offsets(%arg9 : memref<80xi32, #tpu.memory_space<vmem>>) semaphore(%run_scoped3A : memref<!tpu.dma_semaphore, #tpu.memory_space<semaphore_mem>>) {add = true}
        %dma_wait3A_90 = arith.constant 0 : i32
        %dma_wait3A_91 = arith.constant 0 : i32
        %dma_wait3A_92 = tpu.memref_slice %arg12[%dma_wait3A_90, %dma_wait3A_91] : memref<10008x128xf32, #tpu.memory_space<vmem_shared>> -> memref<10008x128xf32, #tpu.memory_space<vmem_shared>>
        tpu.wait_indirect_dma semaphore(%run_scoped3A : memref<!tpu.dma_semaphore, #tpu.memory_space<semaphore_mem>>) src(%arg11 : memref<80x128xf32, #tpu.memory_space<vmem>>) dst(%dma_wait3A_92 : memref<10008x128xf32, #tpu.memory_space<vmem_shared>>)
        tpu.yield
      }) : () -> ()
    }
    %scan3A_22 = arith.constant 62 : i32
    %add3A_23 = arith.constant 9920 : i32
    %add3A_24 = arith.addi %mul3A_2, %add3A_23 : i32
    %multiple_of3A_25 = tpu.assume_multiple %add3A_24, 8 : i32
    "tpu.region"() ({
      %run_scoped3A = tpu.sem_alloc : memref<!tpu.dma_semaphore, #tpu.memory_space<semaphore_mem>>
      %dma_start3A_54 = tpu.memref_slice %arg3[%multiple_of3A_25] : memref<320000xi32, #tpu.memory_space<hbm>> -> memref<80xi32, #tpu.memory_space<hbm>>
      %dma_start3A_55 = tpu.memref_slice %arg3[%multiple_of3A_25] : memref<320000xi32, #tpu.memory_space<hbm>> -> memref<80xi32, #tpu.memory_space<hbm>>
      tpu.enqueue_dma source(%dma_start3A_55 : memref<80xi32, #tpu.memory_space<hbm>>) target(%arg7 : memref<80xi32, #tpu.memory_space<vmem>>) target_semaphore(%run_scoped3A : memref<!tpu.dma_semaphore, #tpu.memory_space<semaphore_mem>>)
      %dma_wait3A_56 = tpu.memref_slice %arg3[%multiple_of3A_25] : memref<320000xi32, #tpu.memory_space<hbm>> -> memref<80xi32, #tpu.memory_space<hbm>>
      %dma_wait3A_57 = tpu.memref_slice %arg3[%multiple_of3A_25] : memref<320000xi32, #tpu.memory_space<hbm>> -> memref<80xi32, #tpu.memory_space<hbm>>
      tpu.wait_dma2 semaphore(%run_scoped3A : memref<!tpu.dma_semaphore, #tpu.memory_space<semaphore_mem>>) src(%dma_wait3A_57 : memref<80xi32, #tpu.memory_space<hbm>>) dst(%arg7 : memref<80xi32, #tpu.memory_space<vmem>>)
      tpu.yield
    }) : () -> ()
    %dma_start3A_26 = arith.constant 0 : i32
    %dma_start3A_27 = arith.constant 0 : i32
    %dma_start3A_28 = tpu.memref_slice %arg2[%dma_start3A_26, %dma_start3A_27] : memref<10000x128xf32, #tpu.memory_space<hbm>> -> memref<10000x128xf32, #tpu.memory_space<hbm>>
    tpu.enqueue_indirect_dma source(%dma_start3A_28 : memref<10000x128xf32, #tpu.memory_space<hbm>>) target(%arg10 : memref<80x128xf32, #tpu.memory_space<vmem>>) offsets(%arg7 : memref<80xi32, #tpu.memory_space<vmem>>) semaphore(%arg13 : memref<!tpu.dma_semaphore, #tpu.memory_space<semaphore_mem>>)
    %dma_wait3A = arith.constant 0 : i32
    %dma_wait3A_29 = arith.constant 0 : i32
    %dma_wait3A_30 = tpu.memref_slice %arg2[%dma_wait3A, %dma_wait3A_29] : memref<10000x128xf32, #tpu.memory_space<hbm>> -> memref<10000x128xf32, #tpu.memory_space<hbm>>
    tpu.wait_indirect_dma semaphore(%arg13 : memref<!tpu.dma_semaphore, #tpu.memory_space<semaphore_mem>>) src(%dma_wait3A_30 : memref<10000x128xf32, #tpu.memory_space<hbm>>) dst(%arg10 : memref<80x128xf32, #tpu.memory_space<vmem>>)
    "tpu.region"() ({
      %run_scoped3A = tpu.sem_alloc : memref<!tpu.dma_semaphore, #tpu.memory_space<semaphore_mem>>
      %dma_start3A_54 = tpu.memref_slice %arg4[%multiple_of3A_25] : memref<320000xi32, #tpu.memory_space<hbm>> -> memref<80xi32, #tpu.memory_space<hbm>>
      %dma_start3A_55 = tpu.memref_slice %arg4[%multiple_of3A_25] : memref<320000xi32, #tpu.memory_space<hbm>> -> memref<80xi32, #tpu.memory_space<hbm>>
      tpu.enqueue_dma source(%dma_start3A_55 : memref<80xi32, #tpu.memory_space<hbm>>) target(%arg9 : memref<80xi32, #tpu.memory_space<vmem>>) target_semaphore(%run_scoped3A : memref<!tpu.dma_semaphore, #tpu.memory_space<semaphore_mem>>)
      %dma_wait3A_56 = tpu.memref_slice %arg4[%multiple_of3A_25] : memref<320000xi32, #tpu.memory_space<hbm>> -> memref<80xi32, #tpu.memory_space<hbm>>
      %dma_wait3A_57 = tpu.memref_slice %arg4[%multiple_of3A_25] : memref<320000xi32, #tpu.memory_space<hbm>> -> memref<80xi32, #tpu.memory_space<hbm>>
      tpu.wait_dma2 semaphore(%run_scoped3A : memref<!tpu.dma_semaphore, #tpu.memory_space<semaphore_mem>>) src(%dma_wait3A_57 : memref<80xi32, #tpu.memory_space<hbm>>) dst(%arg9 : memref<80xi32, #tpu.memory_space<vmem>>)
      tpu.yield
    }) : () -> ()
    "tpu.region"() ({
      %run_scoped3A = tpu.sem_alloc : memref<!tpu.dma_semaphore, #tpu.memory_space<semaphore_mem>>
      %dma_start3A_54 = arith.constant 0 : i32
      %dma_start3A_55 = arith.constant 0 : i32
      %dma_start3A_56 = tpu.memref_slice %arg12[%dma_start3A_54, %dma_start3A_55] : memref<10008x128xf32, #tpu.memory_space<vmem_shared>> -> memref<10008x128xf32, #tpu.memory_space<vmem_shared>>
      tpu.enqueue_indirect_dma source(%arg10 : memref<80x128xf32, #tpu.memory_space<vmem>>) target(%dma_start3A_56 : memref<10008x128xf32, #tpu.memory_space<vmem_shared>>) offsets(%arg9 : memref<80xi32, #tpu.memory_space<vmem>>) semaphore(%run_scoped3A : memref<!tpu.dma_semaphore, #tpu.memory_space<semaphore_mem>>) {add = true}
      %dma_wait3A_57 = arith.constant 0 : i32
      %dma_wait3A_58 = arith.constant 0 : i32
      %dma_wait3A_59 = tpu.memref_slice %arg12[%dma_wait3A_57, %dma_wait3A_58] : memref<10008x128xf32, #tpu.memory_space<vmem_shared>> -> memref<10008x128xf32, #tpu.memory_space<vmem_shared>>
      tpu.wait_indirect_dma semaphore(%run_scoped3A : memref<!tpu.dma_semaphore, #tpu.memory_space<semaphore_mem>>) src(%arg10 : memref<80x128xf32, #tpu.memory_space<vmem>>) dst(%dma_wait3A_59 : memref<10008x128xf32, #tpu.memory_space<vmem_shared>>)
      tpu.yield
    }) : () -> ()
    %barrier3A_31 = arith.constant 0 : index
    tpu.barrier barrier_id(%barrier3A_31)
    %mul3A_32 = arith.constant 624 : i32
    %mul3A_33 = arith.muli %arg1, %mul3A_32 : i32
    %mul3A_34 = arith.constant 10000 : i32
    %mul3A_35 = arith.muli %arg0, %mul3A_34 : i32
    %add3A_36 = arith.addi %mul3A_35, %mul3A_33 : i32
    %scan3A_37 = arith.constant 0 : i32
    %scan3A_38 = arith.constant 0 : i32
    %scan3A_39 = arith.constant 7 : i32
    %scan3A_40 = arith.addi %scan3A_38, %scan3A_39 : i32
    %scan3A_41 = arith.constant 1 : i32
    scf.for %scan3A_54 = %scan3A_38 to %scan3A_40 step %scan3A_41  : i32 {
      %mul3A_55 = arith.constant 80 : i32
      %mul3A_56 = arith.muli %scan3A_54, %mul3A_55 : i32
      %add3A_57 = arith.addi %mul3A_33, %mul3A_56 : i32
      %multiple_of3A_58 = tpu.assume_multiple %add3A_57, 8 : i32
      %mul3A_59 = arith.constant 80 : i32
      %mul3A_60 = arith.muli %scan3A_54, %mul3A_59 : i32
      %add3A_61 = arith.addi %add3A_36, %mul3A_60 : i32
      %multiple_of3A_62 = tpu.assume_multiple %add3A_61, 8 : i32
      "tpu.region"() ({
        %run_scoped3A = tpu.sem_alloc : memref<!tpu.dma_semaphore, #tpu.memory_space<semaphore_mem>>
        %dma_start3A_63 = arith.constant 0 : i32
        %dma_start3A_64 = tpu.memref_slice %arg12[%multiple_of3A_58, %dma_start3A_63] : memref<10008x128xf32, #tpu.memory_space<vmem_shared>> -> memref<80x128xf32, #tpu.memory_space<vmem_shared>>
        %dma_start3A_65 = arith.constant 0 : i32
        %dma_start3A_66 = tpu.memref_slice %arg12[%multiple_of3A_58, %dma_start3A_65] : memref<10008x128xf32, #tpu.memory_space<vmem_shared>> -> memref<80x128xf32, #tpu.memory_space<vmem_shared>>
        tpu.enqueue_dma source(%dma_start3A_66 : memref<80x128xf32, #tpu.memory_space<vmem_shared>>) target(%arg10 : memref<80x128xf32, #tpu.memory_space<vmem>>) target_semaphore(%run_scoped3A : memref<!tpu.dma_semaphore, #tpu.memory_space<semaphore_mem>>)
        %dma_wait3A_67 = arith.constant 0 : i32
        %dma_wait3A_68 = tpu.memref_slice %arg12[%multiple_of3A_58, %dma_wait3A_67] : memref<10008x128xf32, #tpu.memory_space<vmem_shared>> -> memref<80x128xf32, #tpu.memory_space<vmem_shared>>
        %dma_wait3A_69 = arith.constant 0 : i32
        %dma_wait3A_70 = tpu.memref_slice %arg12[%multiple_of3A_58, %dma_wait3A_69] : memref<10008x128xf32, #tpu.memory_space<vmem_shared>> -> memref<80x128xf32, #tpu.memory_space<vmem_shared>>
        tpu.wait_dma2 semaphore(%run_scoped3A : memref<!tpu.dma_semaphore, #tpu.memory_space<semaphore_mem>>) src(%dma_wait3A_70 : memref<80x128xf32, #tpu.memory_space<vmem_shared>>) dst(%arg10 : memref<80x128xf32, #tpu.memory_space<vmem>>)
        tpu.yield
      }) : () -> ()
      "tpu.region"() ({
        %run_scoped3A = tpu.sem_alloc : memref<!tpu.dma_semaphore, #tpu.memory_space<semaphore_mem>>
        %dma_start3A_63 = arith.constant 0 : i32
        %dma_start3A_64 = tpu.memref_slice %arg6[%multiple_of3A_62, %dma_start3A_63] : memref<20000x128xf32, #tpu.memory_space<hbm>> -> memref<80x128xf32, #tpu.memory_space<hbm>>
        %dma_start3A_65 = arith.constant 0 : i32
        %dma_start3A_66 = tpu.memref_slice %arg6[%multiple_of3A_62, %dma_start3A_65] : memref<20000x128xf32, #tpu.memory_space<hbm>> -> memref<80x128xf32, #tpu.memory_space<hbm>>
        tpu.enqueue_dma source(%arg10 : memref<80x128xf32, #tpu.memory_space<vmem>>) target(%dma_start3A_66 : memref<80x128xf32, #tpu.memory_space<hbm>>) target_semaphore(%run_scoped3A : memref<!tpu.dma_semaphore, #tpu.memory_space<semaphore_mem>>)
        %dma_wait3A_67 = arith.constant 0 : i32
        %dma_wait3A_68 = tpu.memref_slice %arg6[%multiple_of3A_62, %dma_wait3A_67] : memref<20000x128xf32, #tpu.memory_space<hbm>> -> memref<80x128xf32, #tpu.memory_space<hbm>>
        %dma_wait3A_69 = arith.constant 0 : i32
        %dma_wait3A_70 = tpu.memref_slice %arg6[%multiple_of3A_62, %dma_wait3A_69] : memref<20000x128xf32, #tpu.memory_space<hbm>> -> memref<80x128xf32, #tpu.memory_space<hbm>>
        tpu.wait_dma2 semaphore(%run_scoped3A : memref<!tpu.dma_semaphore, #tpu.memory_space<semaphore_mem>>) src(%arg10 : memref<80x128xf32, #tpu.memory_space<vmem>>) dst(%dma_wait3A_70 : memref<80x128xf32, #tpu.memory_space<hbm>>)
        tpu.yield
      }) : () -> ()
    }
    %scan3A_42 = arith.constant 7 : i32
    %add3A_43 = arith.constant 560 : i32
    %add3A_44 = arith.addi %mul3A_33, %add3A_43 : i32
    %multiple_of3A_45 = tpu.assume_multiple %add3A_44, 8 : i32
    "tpu.region"() ({
      %run_scoped3A = tpu.sem_alloc : memref<!tpu.dma_semaphore, #tpu.memory_space<semaphore_mem>>
      %dma_start3A_54 = arith.constant 0 : i32
      %dma_start3A_55 = arith.constant 0 : i32
      %dma_start3A_56 = tpu.memref_slice %arg10[%dma_start3A_54, %dma_start3A_55] : memref<80x128xf32, #tpu.memory_space<vmem>> -> memref<64x128xf32, #tpu.memory_space<vmem>>
      %dma_start3A_57 = arith.constant 0 : i32
      %dma_start3A_58 = tpu.memref_slice %arg12[%multiple_of3A_45, %dma_start3A_57] : memref<10008x128xf32, #tpu.memory_space<vmem_shared>> -> memref<64x128xf32, #tpu.memory_space<vmem_shared>>
      %dma_start3A_59 = arith.constant 0 : i32
      %dma_start3A_60 = arith.constant 0 : i32
      %dma_start3A_61 = tpu.memref_slice %arg10[%dma_start3A_59, %dma_start3A_60] : memref<80x128xf32, #tpu.memory_space<vmem>> -> memref<64x128xf32, #tpu.memory_space<vmem>>
      %dma_start3A_62 = arith.constant 0 : i32
      %dma_start3A_63 = tpu.memref_slice %arg12[%multiple_of3A_45, %dma_start3A_62] : memref<10008x128xf32, #tpu.memory_space<vmem_shared>> -> memref<64x128xf32, #tpu.memory_space<vmem_shared>>
      tpu.enqueue_dma source(%dma_start3A_63 : memref<64x128xf32, #tpu.memory_space<vmem_shared>>) target(%dma_start3A_61 : memref<64x128xf32, #tpu.memory_space<vmem>>) target_semaphore(%run_scoped3A : memref<!tpu.dma_semaphore, #tpu.memory_space<semaphore_mem>>)
      %dma_wait3A_64 = arith.constant 0 : i32
      %dma_wait3A_65 = arith.constant 0 : i32
      %dma_wait3A_66 = tpu.memref_slice %arg10[%dma_wait3A_64, %dma_wait3A_65] : memref<80x128xf32, #tpu.memory_space<vmem>> -> memref<64x128xf32, #tpu.memory_space<vmem>>
      %dma_wait3A_67 = arith.constant 0 : i32
      %dma_wait3A_68 = tpu.memref_slice %arg12[%multiple_of3A_45, %dma_wait3A_67] : memref<10008x128xf32, #tpu.memory_space<vmem_shared>> -> memref<64x128xf32, #tpu.memory_space<vmem_shared>>
      %dma_wait3A_69 = arith.constant 0 : i32
      %dma_wait3A_70 = arith.constant 0 : i32
      %dma_wait3A_71 = tpu.memref_slice %arg10[%dma_wait3A_69, %dma_wait3A_70] : memref<80x128xf32, #tpu.memory_space<vmem>> -> memref<64x128xf32, #tpu.memory_space<vmem>>
      %dma_wait3A_72 = arith.constant 0 : i32
      %dma_wait3A_73 = tpu.memref_slice %arg12[%multiple_of3A_45, %dma_wait3A_72] : memref<10008x128xf32, #tpu.memory_space<vmem_shared>> -> memref<64x128xf32, #tpu.memory_space<vmem_shared>>
      tpu.wait_dma2 semaphore(%run_scoped3A : memref<!tpu.dma_semaphore, #tpu.memory_space<semaphore_mem>>) src(%dma_wait3A_73 : memref<64x128xf32, #tpu.memory_space<vmem_shared>>) dst(%dma_wait3A_71 : memref<64x128xf32, #tpu.memory_space<vmem>>)
      tpu.yield
    }) : () -> ()
    %add3A_46 = arith.constant 560 : i32
    %add3A_47 = arith.addi %add3A_36, %add3A_46 : i32
    %multiple_of3A_48 = tpu.assume_multiple %add3A_47, 8 : i32
    "tpu.region"() ({
      %run_scoped3A = tpu.sem_alloc : memref<!tpu.dma_semaphore, #tpu.memory_space<semaphore_mem>>
      %dma_start3A_54 = arith.constant 0 : i32
      %dma_start3A_55 = arith.constant 0 : i32
      %dma_start3A_56 = tpu.memref_slice %arg10[%dma_start3A_54, %dma_start3A_55] : memref<80x128xf32, #tpu.memory_space<vmem>> -> memref<64x128xf32, #tpu.memory_space<vmem>>
      %dma_start3A_57 = arith.constant 0 : i32
      %dma_start3A_58 = tpu.memref_slice %arg6[%multiple_of3A_48, %dma_start3A_57] : memref<20000x128xf32, #tpu.memory_space<hbm>> -> memref<64x128xf32, #tpu.memory_space<hbm>>
      %dma_start3A_59 = arith.constant 0 : i32
      %dma_start3A_60 = tpu.memref_slice %arg6[%multiple_of3A_48, %dma_start3A_59] : memref<20000x128xf32, #tpu.memory_space<hbm>> -> memref<64x128xf32, #tpu.memory_space<hbm>>
      %dma_start3A_61 = arith.constant 0 : i32
      %dma_start3A_62 = arith.constant 0 : i32
      %dma_start3A_63 = tpu.memref_slice %arg10[%dma_start3A_61, %dma_start3A_62] : memref<80x128xf32, #tpu.memory_space<vmem>> -> memref<64x128xf32, #tpu.memory_space<vmem>>
      tpu.enqueue_dma source(%dma_start3A_63 : memref<64x128xf32, #tpu.memory_space<vmem>>) target(%dma_start3A_60 : memref<64x128xf32, #tpu.memory_space<hbm>>) target_semaphore(%run_scoped3A : memref<!tpu.dma_semaphore, #tpu.memory_space<semaphore_mem>>)
      %dma_wait3A_64 = arith.constant 0 : i32
      %dma_wait3A_65 = arith.constant 0 : i32
      %dma_wait3A_66 = tpu.memref_slice %arg10[%dma_wait3A_64, %dma_wait3A_65] : memref<80x128xf32, #tpu.memory_space<vmem>> -> memref<64x128xf32, #tpu.memory_space<vmem>>
      %dma_wait3A_67 = arith.constant 0 : i32
      %dma_wait3A_68 = tpu.memref_slice %arg6[%multiple_of3A_48, %dma_wait3A_67] : memref<20000x128xf32, #tpu.memory_space<hbm>> -> memref<64x128xf32, #tpu.memory_space<hbm>>
      %dma_wait3A_69 = arith.constant 0 : i32
      %dma_wait3A_70 = tpu.memref_slice %arg6[%multiple_of3A_48, %dma_wait3A_69] : memref<20000x128xf32, #tpu.memory_space<hbm>> -> memref<64x128xf32, #tpu.memory_space<hbm>>
      %dma_wait3A_71 = arith.constant 0 : i32
      %dma_wait3A_72 = arith.constant 0 : i32
      %dma_wait3A_73 = tpu.memref_slice %arg10[%dma_wait3A_71, %dma_wait3A_72] : memref<80x128xf32, #tpu.memory_space<vmem>> -> memref<64x128xf32, #tpu.memory_space<vmem>>
      tpu.wait_dma2 semaphore(%run_scoped3A : memref<!tpu.dma_semaphore, #tpu.memory_space<semaphore_mem>>) src(%dma_wait3A_73 : memref<64x128xf32, #tpu.memory_space<vmem>>) dst(%dma_wait3A_70 : memref<64x128xf32, #tpu.memory_space<hbm>>)
      tpu.yield
    }) : () -> ()
    %eq3A_49 = arith.constant 15 : i32
    %eq3A_50 = arith.cmpi eq, %arg1, %eq3A_49 : i32
    %convert_element_type3A_51 = arith.extui %eq3A_50 : i1 to i32
    %cond3A_52 = arith.constant 0 : i32
    %cond3A_53 = arith.cmpi ne, %convert_element_type3A_51, %cond3A_52 : i32
    scf.if %cond3A_53 {
      "tpu.region"() ({
        %run_scoped3A = tpu.sem_alloc : memref<!tpu.dma_semaphore, #tpu.memory_space<semaphore_mem>>
        %dma_start3A_59 = arith.constant 0 : i32
        %dma_start3A_60 = arith.constant 0 : i32
        %dma_start3A_61 = tpu.memref_slice %arg10[%dma_start3A_59, %dma_start3A_60] : memref<80x128xf32, #tpu.memory_space<vmem>> -> memref<16x128xf32, #tpu.memory_space<vmem>>
        %dma_start3A_62 = arith.constant 9984 : i32
        %dma_start3A_63 = arith.constant 0 : i32
        %dma_start3A_64 = tpu.memref_slice %arg12[%dma_start3A_62, %dma_start3A_63] : memref<10008x128xf32, #tpu.memory_space<vmem_shared>> -> memref<16x128xf32, #tpu.memory_space<vmem_shared>>
        %dma_start3A_65 = arith.constant 0 : i32
        %dma_start3A_66 = arith.constant 0 : i32
        %dma_start3A_67 = tpu.memref_slice %arg10[%dma_start3A_65, %dma_start3A_66] : memref<80x128xf32, #tpu.memory_space<vmem>> -> memref<16x128xf32, #tpu.memory_space<vmem>>
        %dma_start3A_68 = arith.constant 9984 : i32
        %dma_start3A_69 = arith.constant 0 : i32
        %dma_start3A_70 = tpu.memref_slice %arg12[%dma_start3A_68, %dma_start3A_69] : memref<10008x128xf32, #tpu.memory_space<vmem_shared>> -> memref<16x128xf32, #tpu.memory_space<vmem_shared>>
        tpu.enqueue_dma source(%dma_start3A_70 : memref<16x128xf32, #tpu.memory_space<vmem_shared>>) target(%dma_start3A_67 : memref<16x128xf32, #tpu.memory_space<vmem>>) target_semaphore(%run_scoped3A : memref<!tpu.dma_semaphore, #tpu.memory_space<semaphore_mem>>)
        %dma_wait3A_71 = arith.constant 0 : i32
        %dma_wait3A_72 = arith.constant 0 : i32
        %dma_wait3A_73 = tpu.memref_slice %arg10[%dma_wait3A_71, %dma_wait3A_72] : memref<80x128xf32, #tpu.memory_space<vmem>> -> memref<16x128xf32, #tpu.memory_space<vmem>>
        %dma_wait3A_74 = arith.constant 9984 : i32
        %dma_wait3A_75 = arith.constant 0 : i32
        %dma_wait3A_76 = tpu.memref_slice %arg12[%dma_wait3A_74, %dma_wait3A_75] : memref<10008x128xf32, #tpu.memory_space<vmem_shared>> -> memref<16x128xf32, #tpu.memory_space<vmem_shared>>
        %dma_wait3A_77 = arith.constant 0 : i32
        %dma_wait3A_78 = arith.constant 0 : i32
        %dma_wait3A_79 = tpu.memref_slice %arg10[%dma_wait3A_77, %dma_wait3A_78] : memref<80x128xf32, #tpu.memory_space<vmem>> -> memref<16x128xf32, #tpu.memory_space<vmem>>
        %dma_wait3A_80 = arith.constant 9984 : i32
        %dma_wait3A_81 = arith.constant 0 : i32
        %dma_wait3A_82 = tpu.memref_slice %arg12[%dma_wait3A_80, %dma_wait3A_81] : memref<10008x128xf32, #tpu.memory_space<vmem_shared>> -> memref<16x128xf32, #tpu.memory_space<vmem_shared>>
        tpu.wait_dma2 semaphore(%run_scoped3A : memref<!tpu.dma_semaphore, #tpu.memory_space<semaphore_mem>>) src(%dma_wait3A_82 : memref<16x128xf32, #tpu.memory_space<vmem_shared>>) dst(%dma_wait3A_79 : memref<16x128xf32, #tpu.memory_space<vmem>>)
        tpu.yield
      }) : () -> ()
      %mul3A_54 = arith.constant 10000 : i32
      %mul3A_55 = arith.muli %arg0, %mul3A_54 : i32
      %add3A_56 = arith.constant 9984 : i32
      %add3A_57 = arith.addi %mul3A_55, %add3A_56 : i32
      %multiple_of3A_58 = tpu.assume_multiple %add3A_57, 8 : i32
      "tpu.region"() ({
        %run_scoped3A = tpu.sem_alloc : memref<!tpu.dma_semaphore, #tpu.memory_space<semaphore_mem>>
        %dma_start3A_59 = arith.constant 0 : i32
        %dma_start3A_60 = arith.constant 0 : i32
        %dma_start3A_61 = tpu.memref_slice %arg10[%dma_start3A_59, %dma_start3A_60] : memref<80x128xf32, #tpu.memory_space<vmem>> -> memref<16x128xf32, #tpu.memory_space<vmem>>
        %dma_start3A_62 = arith.constant 0 : i32
        %dma_start3A_63 = tpu.memref_slice %arg6[%multiple_of3A_58, %dma_start3A_62] : memref<20000x128xf32, #tpu.memory_space<hbm>> -> memref<16x128xf32, #tpu.memory_space<hbm>>
        %dma_start3A_64 = arith.constant 0 : i32
        %dma_start3A_65 = tpu.memref_slice %arg6[%multiple_of3A_58, %dma_start3A_64] : memref<20000x128xf32, #tpu.memory_space<hbm>> -> memref<16x128xf32, #tpu.memory_space<hbm>>
        %dma_start3A_66 = arith.constant 0 : i32
        %dma_start3A_67 = arith.constant 0 : i32
        %dma_start3A_68 = tpu.memref_slice %arg10[%dma_start3A_66, %dma_start3A_67] : memref<80x128xf32, #tpu.memory_space<vmem>> -> memref<16x128xf32, #tpu.memory_space<vmem>>
        tpu.enqueue_dma source(%dma_start3A_68 : memref<16x128xf32, #tpu.memory_space<vmem>>) target(%dma_start3A_65 : memref<16x128xf32, #tpu.memory_space<hbm>>) target_semaphore(%run_scoped3A : memref<!tpu.dma_semaphore, #tpu.memory_space<semaphore_mem>>)
        %dma_wait3A_69 = arith.constant 0 : i32
        %dma_wait3A_70 = arith.constant 0 : i32
        %dma_wait3A_71 = tpu.memref_slice %arg10[%dma_wait3A_69, %dma_wait3A_70] : memref<80x128xf32, #tpu.memory_space<vmem>> -> memref<16x128xf32, #tpu.memory_space<vmem>>
        %dma_wait3A_72 = arith.constant 0 : i32
        %dma_wait3A_73 = tpu.memref_slice %arg6[%multiple_of3A_58, %dma_wait3A_72] : memref<20000x128xf32, #tpu.memory_space<hbm>> -> memref<16x128xf32, #tpu.memory_space<hbm>>
        %dma_wait3A_74 = arith.constant 0 : i32
        %dma_wait3A_75 = tpu.memref_slice %arg6[%multiple_of3A_58, %dma_wait3A_74] : memref<20000x128xf32, #tpu.memory_space<hbm>> -> memref<16x128xf32, #tpu.memory_space<hbm>>
        %dma_wait3A_76 = arith.constant 0 : i32
        %dma_wait3A_77 = arith.constant 0 : i32
        %dma_wait3A_78 = tpu.memref_slice %arg10[%dma_wait3A_76, %dma_wait3A_77] : memref<80x128xf32, #tpu.memory_space<vmem>> -> memref<16x128xf32, #tpu.memory_space<vmem>>
        tpu.wait_dma2 semaphore(%run_scoped3A : memref<!tpu.dma_semaphore, #tpu.memory_space<semaphore_mem>>) src(%dma_wait3A_78 : memref<16x128xf32, #tpu.memory_space<vmem>>) dst(%dma_wait3A_75 : memref<16x128xf32, #tpu.memory_space<hbm>>)
        tpu.yield
      }) : () -> ()
    } else {
    }
    return
  }
}

#map = affine_map<(d0, d1) -> (0, 0)>
#map1 = affine_map<(d0, d1) -> (0)>
module attributes {stable_mosaic.version = 14 : i64} {
  func.func @agg_kernel(%arg0: i32, %arg1: i32, %arg2: memref<10000x128xf32, #tpu.memory_space<hbm>>, %arg3: memref<320000xi32, #tpu.memory_space<hbm>>, %arg4: memref<320000xi32, #tpu.memory_space<hbm>>, %arg5: memref<128x128xf32, #tpu.memory_space<hbm>>, %arg6: memref<20000x128xf32, #tpu.memory_space<hbm>>, %arg7: memref<80xi32, #tpu.memory_space<vmem>>, %arg8: memref<80xi32, #tpu.memory_space<vmem>>, %arg9: memref<80xi32, #tpu.memory_space<vmem>>, %arg10: memref<80x128xf32, #tpu.memory_space<vmem>>, %arg11: memref<80x128xf32, #tpu.memory_space<vmem>>, %arg12: memref<10008x128xf32, #tpu.memory_space<vmem_shared>>, %arg13: memref<!tpu.dma_semaphore, #tpu.memory_space<semaphore_mem>>, %arg14: memref<!tpu.dma_semaphore, #tpu.memory_space<semaphore_mem>>) attributes {dimension_semantics = [#tpu.dimension_semantics<core_parallel>, #tpu.dimension_semantics<subcore_parallel>], iteration_bounds = array<i64: 2, 16>, scalar_prefetch = 0 : i64, scratch_operands = 8 : i64, tpu.core_type = #tpu.core_type<sc_vector_subcore>, window_params = [{transform_indices = #map}, {transform_indices = #map1}, {transform_indices = #map1}, {transform_indices = #map}, {transform_indices = #map}]} {
    %mul3A = arith.constant 16 : i32
    %mul3A_0 = arith.muli %arg0, %mul3A : i32
    %add3A = arith.addi %mul3A_0, %arg1 : i32
    %mul3A_1 = arith.constant 10000 : i32
    %mul3A_2 = arith.muli %add3A, %mul3A_1 : i32
    "tpu.region"() ({
      %run_scoped3A = tpu.sem_alloc : memref<!tpu.dma_semaphore, #tpu.memory_space<semaphore_mem>>
      %dma_start3A_54 = arith.constant 0 : i32
      %dma_start3A_55 = arith.constant 0 : i32
      %dma_start3A_56 = tpu.memref_slice %arg5[%dma_start3A_54, %dma_start3A_55] : memref<128x128xf32, #tpu.memory_space<hbm>> -> memref<80x128xf32, #tpu.memory_space<hbm>>
      %dma_start3A_57 = arith.constant 0 : i32
      %dma_start3A_58 = arith.constant 0 : i32
      %dma_start3A_59 = tpu.memref_slice %arg5[%dma_start3A_57, %dma_start3A_58] : memref<128x128xf32, #tpu.memory_space<hbm>> -> memref<80x128xf32, #tpu.memory_space<hbm>>
      tpu.enqueue_dma source(%dma_start3A_59 : memref<80x128xf32, #tpu.memory_space<hbm>>) target(%arg10 : memref<80x128xf32, #tpu.memory_space<vmem>>) target_semaphore(%run_scoped3A : memref<!tpu.dma_semaphore, #tpu.memory_space<semaphore_mem>>)
      %dma_wait3A_60 = arith.constant 0 : i32
      %dma_wait3A_61 = arith.constant 0 : i32
      %dma_wait3A_62 = tpu.memref_slice %arg5[%dma_wait3A_60, %dma_wait3A_61] : memref<128x128xf32, #tpu.memory_space<hbm>> -> memref<80x128xf32, #tpu.memory_space<hbm>>
      %dma_wait3A_63 = arith.constant 0 : i32
      %dma_wait3A_64 = arith.constant 0 : i32
      %dma_wait3A_65 = tpu.memref_slice %arg5[%dma_wait3A_63, %dma_wait3A_64] : memref<128x128xf32, #tpu.memory_space<hbm>> -> memref<80x128xf32, #tpu.memory_space<hbm>>
      tpu.wait_dma2 semaphore(%run_scoped3A : memref<!tpu.dma_semaphore, #tpu.memory_space<semaphore_mem>>) src(%dma_wait3A_65 : memref<80x128xf32, #tpu.memory_space<hbm>>) dst(%arg10 : memref<80x128xf32, #tpu.memory_space<vmem>>)
      tpu.yield
    }) : () -> ()
    %mul3A_3 = arith.constant 624 : i32
    %mul3A_4 = arith.muli %arg1, %mul3A_3 : i32
    %scan3A = arith.constant 0 : i32
    %scan3A_5 = arith.constant 0 : i32
    %scan3A_6 = arith.constant 7 : i32
    %scan3A_7 = arith.addi %scan3A_5, %scan3A_6 : i32
    %scan3A_8 = arith.constant 1 : i32
    scf.for %scan3A_54 = %scan3A_5 to %scan3A_7 step %scan3A_8  : i32 {
      %mul3A_55 = arith.constant 80 : i32
      %mul3A_56 = arith.muli %scan3A_54, %mul3A_55 : i32
      %add3A_57 = arith.addi %mul3A_4, %mul3A_56 : i32
      %multiple_of3A_58 = tpu.assume_multiple %add3A_57, 8 : i32
      "tpu.region"() ({
        %run_scoped3A = tpu.sem_alloc : memref<!tpu.dma_semaphore, #tpu.memory_space<semaphore_mem>>
        %dma_start3A_59 = arith.constant 0 : i32
        %dma_start3A_60 = tpu.memref_slice %arg12[%multiple_of3A_58, %dma_start3A_59] : memref<10008x128xf32, #tpu.memory_space<vmem_shared>> -> memref<80x128xf32, #tpu.memory_space<vmem_shared>>
        %dma_start3A_61 = arith.constant 0 : i32
        %dma_start3A_62 = tpu.memref_slice %arg12[%multiple_of3A_58, %dma_start3A_61] : memref<10008x128xf32, #tpu.memory_space<vmem_shared>> -> memref<80x128xf32, #tpu.memory_space<vmem_shared>>
        tpu.enqueue_dma source(%arg10 : memref<80x128xf32, #tpu.memory_space<vmem>>) target(%dma_start3A_62 : memref<80x128xf32, #tpu.memory_space<vmem_shared>>) target_semaphore(%run_scoped3A : memref<!tpu.dma_semaphore, #tpu.memory_space<semaphore_mem>>)
        %dma_wait3A_63 = arith.constant 0 : i32
        %dma_wait3A_64 = tpu.memref_slice %arg12[%multiple_of3A_58, %dma_wait3A_63] : memref<10008x128xf32, #tpu.memory_space<vmem_shared>> -> memref<80x128xf32, #tpu.memory_space<vmem_shared>>
        %dma_wait3A_65 = arith.constant 0 : i32
        %dma_wait3A_66 = tpu.memref_slice %arg12[%multiple_of3A_58, %dma_wait3A_65] : memref<10008x128xf32, #tpu.memory_space<vmem_shared>> -> memref<80x128xf32, #tpu.memory_space<vmem_shared>>
        tpu.wait_dma2 semaphore(%run_scoped3A : memref<!tpu.dma_semaphore, #tpu.memory_space<semaphore_mem>>) src(%arg10 : memref<80x128xf32, #tpu.memory_space<vmem>>) dst(%dma_wait3A_66 : memref<80x128xf32, #tpu.memory_space<vmem_shared>>)
        tpu.yield
      }) : () -> ()
    }
    %scan3A_9 = arith.constant 7 : i32
    %add3A_10 = arith.constant 560 : i32
    %add3A_11 = arith.addi %mul3A_4, %add3A_10 : i32
    %multiple_of3A = tpu.assume_multiple %add3A_11, 8 : i32
    "tpu.region"() ({
      %run_scoped3A = tpu.sem_alloc : memref<!tpu.dma_semaphore, #tpu.memory_space<semaphore_mem>>
      %dma_start3A_54 = arith.constant 0 : i32
      %dma_start3A_55 = arith.constant 0 : i32
      %dma_start3A_56 = tpu.memref_slice %arg10[%dma_start3A_54, %dma_start3A_55] : memref<80x128xf32, #tpu.memory_space<vmem>> -> memref<64x128xf32, #tpu.memory_space<vmem>>
      %dma_start3A_57 = arith.constant 0 : i32
      %dma_start3A_58 = tpu.memref_slice %arg12[%multiple_of3A, %dma_start3A_57] : memref<10008x128xf32, #tpu.memory_space<vmem_shared>> -> memref<64x128xf32, #tpu.memory_space<vmem_shared>>
      %dma_start3A_59 = arith.constant 0 : i32
      %dma_start3A_60 = tpu.memref_slice %arg12[%multiple_of3A, %dma_start3A_59] : memref<10008x128xf32, #tpu.memory_space<vmem_shared>> -> memref<64x128xf32, #tpu.memory_space<vmem_shared>>
      %dma_start3A_61 = arith.constant 0 : i32
      %dma_start3A_62 = arith.constant 0 : i32
      %dma_start3A_63 = tpu.memref_slice %arg10[%dma_start3A_61, %dma_start3A_62] : memref<80x128xf32, #tpu.memory_space<vmem>> -> memref<64x128xf32, #tpu.memory_space<vmem>>
      tpu.enqueue_dma source(%dma_start3A_63 : memref<64x128xf32, #tpu.memory_space<vmem>>) target(%dma_start3A_60 : memref<64x128xf32, #tpu.memory_space<vmem_shared>>) target_semaphore(%run_scoped3A : memref<!tpu.dma_semaphore, #tpu.memory_space<semaphore_mem>>)
      %dma_wait3A_64 = arith.constant 0 : i32
      %dma_wait3A_65 = arith.constant 0 : i32
      %dma_wait3A_66 = tpu.memref_slice %arg10[%dma_wait3A_64, %dma_wait3A_65] : memref<80x128xf32, #tpu.memory_space<vmem>> -> memref<64x128xf32, #tpu.memory_space<vmem>>
      %dma_wait3A_67 = arith.constant 0 : i32
      %dma_wait3A_68 = tpu.memref_slice %arg12[%multiple_of3A, %dma_wait3A_67] : memref<10008x128xf32, #tpu.memory_space<vmem_shared>> -> memref<64x128xf32, #tpu.memory_space<vmem_shared>>
      %dma_wait3A_69 = arith.constant 0 : i32
      %dma_wait3A_70 = tpu.memref_slice %arg12[%multiple_of3A, %dma_wait3A_69] : memref<10008x128xf32, #tpu.memory_space<vmem_shared>> -> memref<64x128xf32, #tpu.memory_space<vmem_shared>>
      %dma_wait3A_71 = arith.constant 0 : i32
      %dma_wait3A_72 = arith.constant 0 : i32
      %dma_wait3A_73 = tpu.memref_slice %arg10[%dma_wait3A_71, %dma_wait3A_72] : memref<80x128xf32, #tpu.memory_space<vmem>> -> memref<64x128xf32, #tpu.memory_space<vmem>>
      tpu.wait_dma2 semaphore(%run_scoped3A : memref<!tpu.dma_semaphore, #tpu.memory_space<semaphore_mem>>) src(%dma_wait3A_73 : memref<64x128xf32, #tpu.memory_space<vmem>>) dst(%dma_wait3A_70 : memref<64x128xf32, #tpu.memory_space<vmem_shared>>)
      tpu.yield
    }) : () -> ()
    %eq3A = arith.constant 15 : i32
    %eq3A_12 = arith.cmpi eq, %arg1, %eq3A : i32
    %convert_element_type3A = arith.extui %eq3A_12 : i1 to i32
    %cond3A = arith.constant 0 : i32
    %cond3A_13 = arith.cmpi ne, %convert_element_type3A, %cond3A : i32
    scf.if %cond3A_13 {
      "tpu.region"() ({
        %run_scoped3A = tpu.sem_alloc : memref<!tpu.dma_semaphore, #tpu.memory_space<semaphore_mem>>
        %dma_start3A_54 = arith.constant 0 : i32
        %dma_start3A_55 = arith.constant 0 : i32
        %dma_start3A_56 = tpu.memref_slice %arg10[%dma_start3A_54, %dma_start3A_55] : memref<80x128xf32, #tpu.memory_space<vmem>> -> memref<16x128xf32, #tpu.memory_space<vmem>>
        %dma_start3A_57 = arith.constant 9984 : i32
        %dma_start3A_58 = arith.constant 0 : i32
        %dma_start3A_59 = tpu.memref_slice %arg12[%dma_start3A_57, %dma_start3A_58] : memref<10008x128xf32, #tpu.memory_space<vmem_shared>> -> memref<16x128xf32, #tpu.memory_space<vmem_shared>>
        %dma_start3A_60 = arith.constant 9984 : i32
        %dma_start3A_61 = arith.constant 0 : i32
        %dma_start3A_62 = tpu.memref_slice %arg12[%dma_start3A_60, %dma_start3A_61] : memref<10008x128xf32, #tpu.memory_space<vmem_shared>> -> memref<16x128xf32, #tpu.memory_space<vmem_shared>>
        %dma_start3A_63 = arith.constant 0 : i32
        %dma_start3A_64 = arith.constant 0 : i32
        %dma_start3A_65 = tpu.memref_slice %arg10[%dma_start3A_63, %dma_start3A_64] : memref<80x128xf32, #tpu.memory_space<vmem>> -> memref<16x128xf32, #tpu.memory_space<vmem>>
        tpu.enqueue_dma source(%dma_start3A_65 : memref<16x128xf32, #tpu.memory_space<vmem>>) target(%dma_start3A_62 : memref<16x128xf32, #tpu.memory_space<vmem_shared>>) target_semaphore(%run_scoped3A : memref<!tpu.dma_semaphore, #tpu.memory_space<semaphore_mem>>)
        %dma_wait3A_66 = arith.constant 0 : i32
        %dma_wait3A_67 = arith.constant 0 : i32
        %dma_wait3A_68 = tpu.memref_slice %arg10[%dma_wait3A_66, %dma_wait3A_67] : memref<80x128xf32, #tpu.memory_space<vmem>> -> memref<16x128xf32, #tpu.memory_space<vmem>>
        %dma_wait3A_69 = arith.constant 9984 : i32
        %dma_wait3A_70 = arith.constant 0 : i32
        %dma_wait3A_71 = tpu.memref_slice %arg12[%dma_wait3A_69, %dma_wait3A_70] : memref<10008x128xf32, #tpu.memory_space<vmem_shared>> -> memref<16x128xf32, #tpu.memory_space<vmem_shared>>
        %dma_wait3A_72 = arith.constant 9984 : i32
        %dma_wait3A_73 = arith.constant 0 : i32
        %dma_wait3A_74 = tpu.memref_slice %arg12[%dma_wait3A_72, %dma_wait3A_73] : memref<10008x128xf32, #tpu.memory_space<vmem_shared>> -> memref<16x128xf32, #tpu.memory_space<vmem_shared>>
        %dma_wait3A_75 = arith.constant 0 : i32
        %dma_wait3A_76 = arith.constant 0 : i32
        %dma_wait3A_77 = tpu.memref_slice %arg10[%dma_wait3A_75, %dma_wait3A_76] : memref<80x128xf32, #tpu.memory_space<vmem>> -> memref<16x128xf32, #tpu.memory_space<vmem>>
        tpu.wait_dma2 semaphore(%run_scoped3A : memref<!tpu.dma_semaphore, #tpu.memory_space<semaphore_mem>>) src(%dma_wait3A_77 : memref<16x128xf32, #tpu.memory_space<vmem>>) dst(%dma_wait3A_74 : memref<16x128xf32, #tpu.memory_space<vmem_shared>>)
        tpu.yield
      }) : () -> ()
    } else {
    }
    %barrier3A = arith.constant 0 : index
    tpu.barrier barrier_id(%barrier3A)
    %multiple_of3A_14 = tpu.assume_multiple %mul3A_2, 8 : i32
    "tpu.region"() ({
      %run_scoped3A = tpu.sem_alloc : memref<!tpu.dma_semaphore, #tpu.memory_space<semaphore_mem>>
      %dma_start3A_54 = tpu.memref_slice %arg3[%multiple_of3A_14] : memref<320000xi32, #tpu.memory_space<hbm>> -> memref<80xi32, #tpu.memory_space<hbm>>
      %dma_start3A_55 = tpu.memref_slice %arg3[%multiple_of3A_14] : memref<320000xi32, #tpu.memory_space<hbm>> -> memref<80xi32, #tpu.memory_space<hbm>>
      tpu.enqueue_dma source(%dma_start3A_55 : memref<80xi32, #tpu.memory_space<hbm>>) target(%arg7 : memref<80xi32, #tpu.memory_space<vmem>>) target_semaphore(%run_scoped3A : memref<!tpu.dma_semaphore, #tpu.memory_space<semaphore_mem>>)
      %dma_wait3A_56 = tpu.memref_slice %arg3[%multiple_of3A_14] : memref<320000xi32, #tpu.memory_space<hbm>> -> memref<80xi32, #tpu.memory_space<hbm>>
      %dma_wait3A_57 = tpu.memref_slice %arg3[%multiple_of3A_14] : memref<320000xi32, #tpu.memory_space<hbm>> -> memref<80xi32, #tpu.memory_space<hbm>>
      tpu.wait_dma2 semaphore(%run_scoped3A : memref<!tpu.dma_semaphore, #tpu.memory_space<semaphore_mem>>) src(%dma_wait3A_57 : memref<80xi32, #tpu.memory_space<hbm>>) dst(%arg7 : memref<80xi32, #tpu.memory_space<vmem>>)
      tpu.yield
    }) : () -> ()
    %dma_start3A = arith.constant 0 : i32
    %dma_start3A_15 = arith.constant 0 : i32
    %dma_start3A_16 = tpu.memref_slice %arg2[%dma_start3A, %dma_start3A_15] : memref<10000x128xf32, #tpu.memory_space<hbm>> -> memref<10000x128xf32, #tpu.memory_space<hbm>>
    tpu.enqueue_indirect_dma source(%dma_start3A_16 : memref<10000x128xf32, #tpu.memory_space<hbm>>) target(%arg10 : memref<80x128xf32, #tpu.memory_space<vmem>>) offsets(%arg7 : memref<80xi32, #tpu.memory_space<vmem>>) semaphore(%arg13 : memref<!tpu.dma_semaphore, #tpu.memory_space<semaphore_mem>>)
    %scan3A_17 = arith.constant 0 : i32
    %scan3A_18 = arith.constant 0 : i32
    %scan3A_19 = arith.constant 62 : i32
    %scan3A_20 = arith.addi %scan3A_18, %scan3A_19 : i32
    %scan3A_21 = arith.constant 1 : i32
    scf.for %scan3A_54 = %scan3A_18 to %scan3A_20 step %scan3A_21  : i32 {
      %mul3A_55 = arith.constant 2 : i32
      %mul3A_56 = arith.muli %mul3A_55, %scan3A_54 : i32
      %add3A_57 = arith.constant 1 : i32
      %add3A_58 = arith.addi %mul3A_56, %add3A_57 : i32
      %mul3A_59 = arith.constant 80 : i32
      %mul3A_60 = arith.muli %add3A_58, %mul3A_59 : i32
      %add3A_61 = arith.addi %mul3A_2, %mul3A_60 : i32
      %multiple_of3A_62 = tpu.assume_multiple %add3A_61, 8 : i32
      "tpu.region"() ({
        %run_scoped3A = tpu.sem_alloc : memref<!tpu.dma_semaphore, #tpu.memory_space<semaphore_mem>>
        %dma_start3A_87 = tpu.memref_slice %arg3[%multiple_of3A_62] : memref<320000xi32, #tpu.memory_space<hbm>> -> memref<80xi32, #tpu.memory_space<hbm>>
        %dma_start3A_88 = tpu.memref_slice %arg3[%multiple_of3A_62] : memref<320000xi32, #tpu.memory_space<hbm>> -> memref<80xi32, #tpu.memory_space<hbm>>
        tpu.enqueue_dma source(%dma_start3A_88 : memref<80xi32, #tpu.memory_space<hbm>>) target(%arg8 : memref<80xi32, #tpu.memory_space<vmem>>) target_semaphore(%run_scoped3A : memref<!tpu.dma_semaphore, #tpu.memory_space<semaphore_mem>>)
        %dma_wait3A_89 = tpu.memref_slice %arg3[%multiple_of3A_62] : memref<320000xi32, #tpu.memory_space<hbm>> -> memref<80xi32, #tpu.memory_space<hbm>>
        %dma_wait3A_90 = tpu.memref_slice %arg3[%multiple_of3A_62] : memref<320000xi32, #tpu.memory_space<hbm>> -> memref<80xi32, #tpu.memory_space<hbm>>
        tpu.wait_dma2 semaphore(%run_scoped3A : memref<!tpu.dma_semaphore, #tpu.memory_space<semaphore_mem>>) src(%dma_wait3A_90 : memref<80xi32, #tpu.memory_space<hbm>>) dst(%arg8 : memref<80xi32, #tpu.memory_space<vmem>>)
        tpu.yield
      }) : () -> ()
      %dma_wait3A_63 = arith.constant 0 : i32
      %dma_wait3A_64 = arith.constant 0 : i32
      %dma_wait3A_65 = tpu.memref_slice %arg2[%dma_wait3A_63, %dma_wait3A_64] : memref<10000x128xf32, #tpu.memory_space<hbm>> -> memref<10000x128xf32, #tpu.memory_space<hbm>>
      tpu.wait_indirect_dma semaphore(%arg13 : memref<!tpu.dma_semaphore, #tpu.memory_space<semaphore_mem>>) src(%dma_wait3A_65 : memref<10000x128xf32, #tpu.memory_space<hbm>>) dst(%arg10 : memref<80x128xf32, #tpu.memory_space<vmem>>)
      %dma_start3A_66 = arith.constant 0 : i32
      %dma_start3A_67 = arith.constant 0 : i32
      %dma_start3A_68 = tpu.memref_slice %arg2[%dma_start3A_66, %dma_start3A_67] : memref<10000x128xf32, #tpu.memory_space<hbm>> -> memref<10000x128xf32, #tpu.memory_space<hbm>>
      tpu.enqueue_indirect_dma source(%dma_start3A_68 : memref<10000x128xf32, #tpu.memory_space<hbm>>) target(%arg11 : memref<80x128xf32, #tpu.memory_space<vmem>>) offsets(%arg8 : memref<80xi32, #tpu.memory_space<vmem>>) semaphore(%arg14 : memref<!tpu.dma_semaphore, #tpu.memory_space<semaphore_mem>>)
      %mul3A_69 = arith.constant 2 : i32
      %mul3A_70 = arith.muli %mul3A_69, %scan3A_54 : i32
      %mul3A_71 = arith.constant 80 : i32
      %mul3A_72 = arith.muli %mul3A_70, %mul3A_71 : i32
      %add3A_73 = arith.addi %mul3A_2, %mul3A_72 : i32
      %multiple_of3A_74 = tpu.assume_multiple %add3A_73, 8 : i32
      "tpu.region"() ({
        %run_scoped3A = tpu.sem_alloc : memref<!tpu.dma_semaphore, #tpu.memory_space<semaphore_mem>>
        %dma_start3A_87 = tpu.memref_slice %arg4[%multiple_of3A_74] : memref<320000xi32, #tpu.memory_space<hbm>> -> memref<80xi32, #tpu.memory_space<hbm>>
        %dma_start3A_88 = tpu.memref_slice %arg4[%multiple_of3A_74] : memref<320000xi32, #tpu.memory_space<hbm>> -> memref<80xi32, #tpu.memory_space<hbm>>
        tpu.enqueue_dma source(%dma_start3A_88 : memref<80xi32, #tpu.memory_space<hbm>>) target(%arg9 : memref<80xi32, #tpu.memory_space<vmem>>) target_semaphore(%run_scoped3A : memref<!tpu.dma_semaphore, #tpu.memory_space<semaphore_mem>>)
        %dma_wait3A_89 = tpu.memref_slice %arg4[%multiple_of3A_74] : memref<320000xi32, #tpu.memory_space<hbm>> -> memref<80xi32, #tpu.memory_space<hbm>>
        %dma_wait3A_90 = tpu.memref_slice %arg4[%multiple_of3A_74] : memref<320000xi32, #tpu.memory_space<hbm>> -> memref<80xi32, #tpu.memory_space<hbm>>
        tpu.wait_dma2 semaphore(%run_scoped3A : memref<!tpu.dma_semaphore, #tpu.memory_space<semaphore_mem>>) src(%dma_wait3A_90 : memref<80xi32, #tpu.memory_space<hbm>>) dst(%arg9 : memref<80xi32, #tpu.memory_space<vmem>>)
        tpu.yield
      }) : () -> ()
      "tpu.region"() ({
        %run_scoped3A = tpu.sem_alloc : memref<!tpu.dma_semaphore, #tpu.memory_space<semaphore_mem>>
        %dma_start3A_87 = arith.constant 0 : i32
        %dma_start3A_88 = arith.constant 0 : i32
        %dma_start3A_89 = tpu.memref_slice %arg12[%dma_start3A_87, %dma_start3A_88] : memref<10008x128xf32, #tpu.memory_space<vmem_shared>> -> memref<10008x128xf32, #tpu.memory_space<vmem_shared>>
        tpu.enqueue_indirect_dma source(%arg10 : memref<80x128xf32, #tpu.memory_space<vmem>>) target(%dma_start3A_89 : memref<10008x128xf32, #tpu.memory_space<vmem_shared>>) offsets(%arg9 : memref<80xi32, #tpu.memory_space<vmem>>) semaphore(%run_scoped3A : memref<!tpu.dma_semaphore, #tpu.memory_space<semaphore_mem>>) {add = true}
        %dma_wait3A_90 = arith.constant 0 : i32
        %dma_wait3A_91 = arith.constant 0 : i32
        %dma_wait3A_92 = tpu.memref_slice %arg12[%dma_wait3A_90, %dma_wait3A_91] : memref<10008x128xf32, #tpu.memory_space<vmem_shared>> -> memref<10008x128xf32, #tpu.memory_space<vmem_shared>>
        tpu.wait_indirect_dma semaphore(%run_scoped3A : memref<!tpu.dma_semaphore, #tpu.memory_space<semaphore_mem>>) src(%arg10 : memref<80x128xf32, #tpu.memory_space<vmem>>) dst(%dma_wait3A_92 : memref<10008x128xf32, #tpu.memory_space<vmem_shared>>)
        tpu.yield
      }) : () -> ()
      %lt3A = arith.constant 61 : i32
      %lt3A_75 = arith.cmpi slt, %scan3A_54, %lt3A : i32
      %convert_element_type3A_76 = arith.extui %lt3A_75 : i1 to i32
      %cond3A_77 = arith.constant 0 : i32
      %cond3A_78 = arith.cmpi ne, %convert_element_type3A_76, %cond3A_77 : i32
      scf.if %cond3A_78 {
        %mul3A_87 = arith.constant 2 : i32
        %mul3A_88 = arith.muli %mul3A_87, %scan3A_54 : i32
        %add3A_89 = arith.constant 2 : i32
        %add3A_90 = arith.addi %mul3A_88, %add3A_89 : i32
        %mul3A_91 = arith.constant 80 : i32
        %mul3A_92 = arith.muli %add3A_90, %mul3A_91 : i32
        %add3A_93 = arith.addi %mul3A_2, %mul3A_92 : i32
        %multiple_of3A_94 = tpu.assume_multiple %add3A_93, 8 : i32
        "tpu.region"() ({
          %run_scoped3A = tpu.sem_alloc : memref<!tpu.dma_semaphore, #tpu.memory_space<semaphore_mem>>
          %dma_start3A_95 = tpu.memref_slice %arg3[%multiple_of3A_94] : memref<320000xi32, #tpu.memory_space<hbm>> -> memref<80xi32, #tpu.memory_space<hbm>>
          %dma_start3A_96 = tpu.memref_slice %arg3[%multiple_of3A_94] : memref<320000xi32, #tpu.memory_space<hbm>> -> memref<80xi32, #tpu.memory_space<hbm>>
          tpu.enqueue_dma source(%dma_start3A_96 : memref<80xi32, #tpu.memory_space<hbm>>) target(%arg7 : memref<80xi32, #tpu.memory_space<vmem>>) target_semaphore(%run_scoped3A : memref<!tpu.dma_semaphore, #tpu.memory_space<semaphore_mem>>)
          %dma_wait3A_97 = tpu.memref_slice %arg3[%multiple_of3A_94] : memref<320000xi32, #tpu.memory_space<hbm>> -> memref<80xi32, #tpu.memory_space<hbm>>
          %dma_wait3A_98 = tpu.memref_slice %arg3[%multiple_of3A_94] : memref<320000xi32, #tpu.memory_space<hbm>> -> memref<80xi32, #tpu.memory_space<hbm>>
          tpu.wait_dma2 semaphore(%run_scoped3A : memref<!tpu.dma_semaphore, #tpu.memory_space<semaphore_mem>>) src(%dma_wait3A_98 : memref<80xi32, #tpu.memory_space<hbm>>) dst(%arg7 : memref<80xi32, #tpu.memory_space<vmem>>)
          tpu.yield
        }) : () -> ()
      } else {
      }
      %dma_wait3A_79 = arith.constant 0 : i32
      %dma_wait3A_80 = arith.constant 0 : i32
      %dma_wait3A_81 = tpu.memref_slice %arg2[%dma_wait3A_79, %dma_wait3A_80] : memref<10000x128xf32, #tpu.memory_space<hbm>> -> memref<10000x128xf32, #tpu.memory_space<hbm>>
      tpu.wait_indirect_dma semaphore(%arg14 : memref<!tpu.dma_semaphore, #tpu.memory_space<semaphore_mem>>) src(%dma_wait3A_81 : memref<10000x128xf32, #tpu.memory_space<hbm>>) dst(%arg11 : memref<80x128xf32, #tpu.memory_space<vmem>>)
      %lt3A_82 = arith.constant 61 : i32
      %lt3A_83 = arith.cmpi slt, %scan3A_54, %lt3A_82 : i32
      %convert_element_type3A_84 = arith.extui %lt3A_83 : i1 to i32
      %cond3A_85 = arith.constant 0 : i32
      %cond3A_86 = arith.cmpi ne, %convert_element_type3A_84, %cond3A_85 : i32
      scf.if %cond3A_86 {
        %dma_start3A_87 = arith.constant 0 : i32
        %dma_start3A_88 = arith.constant 0 : i32
        %dma_start3A_89 = tpu.memref_slice %arg2[%dma_start3A_87, %dma_start3A_88] : memref<10000x128xf32, #tpu.memory_space<hbm>> -> memref<10000x128xf32, #tpu.memory_space<hbm>>
        tpu.enqueue_indirect_dma source(%dma_start3A_89 : memref<10000x128xf32, #tpu.memory_space<hbm>>) target(%arg10 : memref<80x128xf32, #tpu.memory_space<vmem>>) offsets(%arg7 : memref<80xi32, #tpu.memory_space<vmem>>) semaphore(%arg13 : memref<!tpu.dma_semaphore, #tpu.memory_space<semaphore_mem>>)
      } else {
      }
      "tpu.region"() ({
        %run_scoped3A = tpu.sem_alloc : memref<!tpu.dma_semaphore, #tpu.memory_space<semaphore_mem>>
        %dma_start3A_87 = tpu.memref_slice %arg4[%multiple_of3A_62] : memref<320000xi32, #tpu.memory_space<hbm>> -> memref<80xi32, #tpu.memory_space<hbm>>
        %dma_start3A_88 = tpu.memref_slice %arg4[%multiple_of3A_62] : memref<320000xi32, #tpu.memory_space<hbm>> -> memref<80xi32, #tpu.memory_space<hbm>>
        tpu.enqueue_dma source(%dma_start3A_88 : memref<80xi32, #tpu.memory_space<hbm>>) target(%arg9 : memref<80xi32, #tpu.memory_space<vmem>>) target_semaphore(%run_scoped3A : memref<!tpu.dma_semaphore, #tpu.memory_space<semaphore_mem>>)
        %dma_wait3A_89 = tpu.memref_slice %arg4[%multiple_of3A_62] : memref<320000xi32, #tpu.memory_space<hbm>> -> memref<80xi32, #tpu.memory_space<hbm>>
        %dma_wait3A_90 = tpu.memref_slice %arg4[%multiple_of3A_62] : memref<320000xi32, #tpu.memory_space<hbm>> -> memref<80xi32, #tpu.memory_space<hbm>>
        tpu.wait_dma2 semaphore(%run_scoped3A : memref<!tpu.dma_semaphore, #tpu.memory_space<semaphore_mem>>) src(%dma_wait3A_90 : memref<80xi32, #tpu.memory_space<hbm>>) dst(%arg9 : memref<80xi32, #tpu.memory_space<vmem>>)
        tpu.yield
      }) : () -> ()
      "tpu.region"() ({
        %run_scoped3A = tpu.sem_alloc : memref<!tpu.dma_semaphore, #tpu.memory_space<semaphore_mem>>
        %dma_start3A_87 = arith.constant 0 : i32
        %dma_start3A_88 = arith.constant 0 : i32
        %dma_start3A_89 = tpu.memref_slice %arg12[%dma_start3A_87, %dma_start3A_88] : memref<10008x128xf32, #tpu.memory_space<vmem_shared>> -> memref<10008x128xf32, #tpu.memory_space<vmem_shared>>
        tpu.enqueue_indirect_dma source(%arg11 : memref<80x128xf32, #tpu.memory_space<vmem>>) target(%dma_start3A_89 : memref<10008x128xf32, #tpu.memory_space<vmem_shared>>) offsets(%arg9 : memref<80xi32, #tpu.memory_space<vmem>>) semaphore(%run_scoped3A : memref<!tpu.dma_semaphore, #tpu.memory_space<semaphore_mem>>) {add = true}
        %dma_wait3A_90 = arith.constant 0 : i32
        %dma_wait3A_91 = arith.constant 0 : i32
        %dma_wait3A_92 = tpu.memref_slice %arg12[%dma_wait3A_90, %dma_wait3A_91] : memref<10008x128xf32, #tpu.memory_space<vmem_shared>> -> memref<10008x128xf32, #tpu.memory_space<vmem_shared>>
        tpu.wait_indirect_dma semaphore(%run_scoped3A : memref<!tpu.dma_semaphore, #tpu.memory_space<semaphore_mem>>) src(%arg11 : memref<80x128xf32, #tpu.memory_space<vmem>>) dst(%dma_wait3A_92 : memref<10008x128xf32, #tpu.memory_space<vmem_shared>>)
        tpu.yield
      }) : () -> ()
    }
    %scan3A_22 = arith.constant 62 : i32
    %add3A_23 = arith.constant 9920 : i32
    %add3A_24 = arith.addi %mul3A_2, %add3A_23 : i32
    %multiple_of3A_25 = tpu.assume_multiple %add3A_24, 8 : i32
    "tpu.region"() ({
      %run_scoped3A = tpu.sem_alloc : memref<!tpu.dma_semaphore, #tpu.memory_space<semaphore_mem>>
      %dma_start3A_54 = tpu.memref_slice %arg3[%multiple_of3A_25] : memref<320000xi32, #tpu.memory_space<hbm>> -> memref<80xi32, #tpu.memory_space<hbm>>
      %dma_start3A_55 = tpu.memref_slice %arg3[%multiple_of3A_25] : memref<320000xi32, #tpu.memory_space<hbm>> -> memref<80xi32, #tpu.memory_space<hbm>>
      tpu.enqueue_dma source(%dma_start3A_55 : memref<80xi32, #tpu.memory_space<hbm>>) target(%arg7 : memref<80xi32, #tpu.memory_space<vmem>>) target_semaphore(%run_scoped3A : memref<!tpu.dma_semaphore, #tpu.memory_space<semaphore_mem>>)
      %dma_wait3A_56 = tpu.memref_slice %arg3[%multiple_of3A_25] : memref<320000xi32, #tpu.memory_space<hbm>> -> memref<80xi32, #tpu.memory_space<hbm>>
      %dma_wait3A_57 = tpu.memref_slice %arg3[%multiple_of3A_25] : memref<320000xi32, #tpu.memory_space<hbm>> -> memref<80xi32, #tpu.memory_space<hbm>>
      tpu.wait_dma2 semaphore(%run_scoped3A : memref<!tpu.dma_semaphore, #tpu.memory_space<semaphore_mem>>) src(%dma_wait3A_57 : memref<80xi32, #tpu.memory_space<hbm>>) dst(%arg7 : memref<80xi32, #tpu.memory_space<vmem>>)
      tpu.yield
    }) : () -> ()
    %dma_start3A_26 = arith.constant 0 : i32
    %dma_start3A_27 = arith.constant 0 : i32
    %dma_start3A_28 = tpu.memref_slice %arg2[%dma_start3A_26, %dma_start3A_27] : memref<10000x128xf32, #tpu.memory_space<hbm>> -> memref<10000x128xf32, #tpu.memory_space<hbm>>
    tpu.enqueue_indirect_dma source(%dma_start3A_28 : memref<10000x128xf32, #tpu.memory_space<hbm>>) target(%arg10 : memref<80x128xf32, #tpu.memory_space<vmem>>) offsets(%arg7 : memref<80xi32, #tpu.memory_space<vmem>>) semaphore(%arg13 : memref<!tpu.dma_semaphore, #tpu.memory_space<semaphore_mem>>)
    %dma_wait3A = arith.constant 0 : i32
    %dma_wait3A_29 = arith.constant 0 : i32
    %dma_wait3A_30 = tpu.memref_slice %arg2[%dma_wait3A, %dma_wait3A_29] : memref<10000x128xf32, #tpu.memory_space<hbm>> -> memref<10000x128xf32, #tpu.memory_space<hbm>>
    tpu.wait_indirect_dma semaphore(%arg13 : memref<!tpu.dma_semaphore, #tpu.memory_space<semaphore_mem>>) src(%dma_wait3A_30 : memref<10000x128xf32, #tpu.memory_space<hbm>>) dst(%arg10 : memref<80x128xf32, #tpu.memory_space<vmem>>)
    "tpu.region"() ({
      %run_scoped3A = tpu.sem_alloc : memref<!tpu.dma_semaphore, #tpu.memory_space<semaphore_mem>>
      %dma_start3A_54 = tpu.memref_slice %arg4[%multiple_of3A_25] : memref<320000xi32, #tpu.memory_space<hbm>> -> memref<80xi32, #tpu.memory_space<hbm>>
      %dma_start3A_55 = tpu.memref_slice %arg4[%multiple_of3A_25] : memref<320000xi32, #tpu.memory_space<hbm>> -> memref<80xi32, #tpu.memory_space<hbm>>
      tpu.enqueue_dma source(%dma_start3A_55 : memref<80xi32, #tpu.memory_space<hbm>>) target(%arg9 : memref<80xi32, #tpu.memory_space<vmem>>) target_semaphore(%run_scoped3A : memref<!tpu.dma_semaphore, #tpu.memory_space<semaphore_mem>>)
      %dma_wait3A_56 = tpu.memref_slice %arg4[%multiple_of3A_25] : memref<320000xi32, #tpu.memory_space<hbm>> -> memref<80xi32, #tpu.memory_space<hbm>>
      %dma_wait3A_57 = tpu.memref_slice %arg4[%multiple_of3A_25] : memref<320000xi32, #tpu.memory_space<hbm>> -> memref<80xi32, #tpu.memory_space<hbm>>
      tpu.wait_dma2 semaphore(%run_scoped3A : memref<!tpu.dma_semaphore, #tpu.memory_space<semaphore_mem>>) src(%dma_wait3A_57 : memref<80xi32, #tpu.memory_space<hbm>>) dst(%arg9 : memref<80xi32, #tpu.memory_space<vmem>>)
      tpu.yield
    }) : () -> ()
    "tpu.region"() ({
      %run_scoped3A = tpu.sem_alloc : memref<!tpu.dma_semaphore, #tpu.memory_space<semaphore_mem>>
      %dma_start3A_54 = arith.constant 0 : i32
      %dma_start3A_55 = arith.constant 0 : i32
      %dma_start3A_56 = tpu.memref_slice %arg12[%dma_start3A_54, %dma_start3A_55] : memref<10008x128xf32, #tpu.memory_space<vmem_shared>> -> memref<10008x128xf32, #tpu.memory_space<vmem_shared>>
      tpu.enqueue_indirect_dma source(%arg10 : memref<80x128xf32, #tpu.memory_space<vmem>>) target(%dma_start3A_56 : memref<10008x128xf32, #tpu.memory_space<vmem_shared>>) offsets(%arg9 : memref<80xi32, #tpu.memory_space<vmem>>) semaphore(%run_scoped3A : memref<!tpu.dma_semaphore, #tpu.memory_space<semaphore_mem>>) {add = true}
      %dma_wait3A_57 = arith.constant 0 : i32
      %dma_wait3A_58 = arith.constant 0 : i32
      %dma_wait3A_59 = tpu.memref_slice %arg12[%dma_wait3A_57, %dma_wait3A_58] : memref<10008x128xf32, #tpu.memory_space<vmem_shared>> -> memref<10008x128xf32, #tpu.memory_space<vmem_shared>>
      tpu.wait_indirect_dma semaphore(%run_scoped3A : memref<!tpu.dma_semaphore, #tpu.memory_space<semaphore_mem>>) src(%arg10 : memref<80x128xf32, #tpu.memory_space<vmem>>) dst(%dma_wait3A_59 : memref<10008x128xf32, #tpu.memory_space<vmem_shared>>)
      tpu.yield
    }) : () -> ()
    %barrier3A_31 = arith.constant 0 : index
    tpu.barrier barrier_id(%barrier3A_31)
    %mul3A_32 = arith.constant 624 : i32
    %mul3A_33 = arith.muli %arg1, %mul3A_32 : i32
    %mul3A_34 = arith.constant 10000 : i32
    %mul3A_35 = arith.muli %arg0, %mul3A_34 : i32
    %add3A_36 = arith.addi %mul3A_35, %mul3A_33 : i32
    %scan3A_37 = arith.constant 0 : i32
    %scan3A_38 = arith.constant 0 : i32
    %scan3A_39 = arith.constant 7 : i32
    %scan3A_40 = arith.addi %scan3A_38, %scan3A_39 : i32
    %scan3A_41 = arith.constant 1 : i32
    scf.for %scan3A_54 = %scan3A_38 to %scan3A_40 step %scan3A_41  : i32 {
      %mul3A_55 = arith.constant 80 : i32
      %mul3A_56 = arith.muli %scan3A_54, %mul3A_55 : i32
      %add3A_57 = arith.addi %mul3A_33, %mul3A_56 : i32
      %multiple_of3A_58 = tpu.assume_multiple %add3A_57, 8 : i32
      %mul3A_59 = arith.constant 80 : i32
      %mul3A_60 = arith.muli %scan3A_54, %mul3A_59 : i32
      %add3A_61 = arith.addi %add3A_36, %mul3A_60 : i32
      %multiple_of3A_62 = tpu.assume_multiple %add3A_61, 8 : i32
      "tpu.region"() ({
        %run_scoped3A = tpu.sem_alloc : memref<!tpu.dma_semaphore, #tpu.memory_space<semaphore_mem>>
        %dma_start3A_63 = arith.constant 0 : i32
        %dma_start3A_64 = tpu.memref_slice %arg12[%multiple_of3A_58, %dma_start3A_63] : memref<10008x128xf32, #tpu.memory_space<vmem_shared>> -> memref<80x128xf32, #tpu.memory_space<vmem_shared>>
        %dma_start3A_65 = arith.constant 0 : i32
        %dma_start3A_66 = tpu.memref_slice %arg12[%multiple_of3A_58, %dma_start3A_65] : memref<10008x128xf32, #tpu.memory_space<vmem_shared>> -> memref<80x128xf32, #tpu.memory_space<vmem_shared>>
        tpu.enqueue_dma source(%dma_start3A_66 : memref<80x128xf32, #tpu.memory_space<vmem_shared>>) target(%arg10 : memref<80x128xf32, #tpu.memory_space<vmem>>) target_semaphore(%run_scoped3A : memref<!tpu.dma_semaphore, #tpu.memory_space<semaphore_mem>>)
        %dma_wait3A_67 = arith.constant 0 : i32
        %dma_wait3A_68 = tpu.memref_slice %arg12[%multiple_of3A_58, %dma_wait3A_67] : memref<10008x128xf32, #tpu.memory_space<vmem_shared>> -> memref<80x128xf32, #tpu.memory_space<vmem_shared>>
        %dma_wait3A_69 = arith.constant 0 : i32
        %dma_wait3A_70 = tpu.memref_slice %arg12[%multiple_of3A_58, %dma_wait3A_69] : memref<10008x128xf32, #tpu.memory_space<vmem_shared>> -> memref<80x128xf32, #tpu.memory_space<vmem_shared>>
        tpu.wait_dma2 semaphore(%run_scoped3A : memref<!tpu.dma_semaphore, #tpu.memory_space<semaphore_mem>>) src(%dma_wait3A_70 : memref<80x128xf32, #tpu.memory_space<vmem_shared>>) dst(%arg10 : memref<80x128xf32, #tpu.memory_space<vmem>>)
        tpu.yield
      }) : () -> ()
      "tpu.region"() ({
        %run_scoped3A = tpu.sem_alloc : memref<!tpu.dma_semaphore, #tpu.memory_space<semaphore_mem>>
        %dma_start3A_63 = arith.constant 0 : i32
        %dma_start3A_64 = tpu.memref_slice %arg6[%multiple_of3A_62, %dma_start3A_63] : memref<20000x128xf32, #tpu.memory_space<hbm>> -> memref<80x128xf32, #tpu.memory_space<hbm>>
        %dma_start3A_65 = arith.constant 0 : i32
        %dma_start3A_66 = tpu.memref_slice %arg6[%multiple_of3A_62, %dma_start3A_65] : memref<20000x128xf32, #tpu.memory_space<hbm>> -> memref<80x128xf32, #tpu.memory_space<hbm>>
        tpu.enqueue_dma source(%arg10 : memref<80x128xf32, #tpu.memory_space<vmem>>) target(%dma_start3A_66 : memref<80x128xf32, #tpu.memory_space<hbm>>) target_semaphore(%run_scoped3A : memref<!tpu.dma_semaphore, #tpu.memory_space<semaphore_mem>>)
        %dma_wait3A_67 = arith.constant 0 : i32
        %dma_wait3A_68 = tpu.memref_slice %arg6[%multiple_of3A_62, %dma_wait3A_67] : memref<20000x128xf32, #tpu.memory_space<hbm>> -> memref<80x128xf32, #tpu.memory_space<hbm>>
        %dma_wait3A_69 = arith.constant 0 : i32
        %dma_wait3A_70 = tpu.memref_slice %arg6[%multiple_of3A_62, %dma_wait3A_69] : memref<20000x128xf32, #tpu.memory_space<hbm>> -> memref<80x128xf32, #tpu.memory_space<hbm>>
        tpu.wait_dma2 semaphore(%run_scoped3A : memref<!tpu.dma_semaphore, #tpu.memory_space<semaphore_mem>>) src(%arg10 : memref<80x128xf32, #tpu.memory_space<vmem>>) dst(%dma_wait3A_70 : memref<80x128xf32, #tpu.memory_space<hbm>>)
        tpu.yield
      }) : () -> ()
    }
    %scan3A_42 = arith.constant 7 : i32
    %add3A_43 = arith.constant 560 : i32
    %add3A_44 = arith.addi %mul3A_33, %add3A_43 : i32
    %multiple_of3A_45 = tpu.assume_multiple %add3A_44, 8 : i32
    "tpu.region"() ({
      %run_scoped3A = tpu.sem_alloc : memref<!tpu.dma_semaphore, #tpu.memory_space<semaphore_mem>>
      %dma_start3A_54 = arith.constant 0 : i32
      %dma_start3A_55 = arith.constant 0 : i32
      %dma_start3A_56 = tpu.memref_slice %arg10[%dma_start3A_54, %dma_start3A_55] : memref<80x128xf32, #tpu.memory_space<vmem>> -> memref<64x128xf32, #tpu.memory_space<vmem>>
      %dma_start3A_57 = arith.constant 0 : i32
      %dma_start3A_58 = tpu.memref_slice %arg12[%multiple_of3A_45, %dma_start3A_57] : memref<10008x128xf32, #tpu.memory_space<vmem_shared>> -> memref<64x128xf32, #tpu.memory_space<vmem_shared>>
      %dma_start3A_59 = arith.constant 0 : i32
      %dma_start3A_60 = arith.constant 0 : i32
      %dma_start3A_61 = tpu.memref_slice %arg10[%dma_start3A_59, %dma_start3A_60] : memref<80x128xf32, #tpu.memory_space<vmem>> -> memref<64x128xf32, #tpu.memory_space<vmem>>
      %dma_start3A_62 = arith.constant 0 : i32
      %dma_start3A_63 = tpu.memref_slice %arg12[%multiple_of3A_45, %dma_start3A_62] : memref<10008x128xf32, #tpu.memory_space<vmem_shared>> -> memref<64x128xf32, #tpu.memory_space<vmem_shared>>
      tpu.enqueue_dma source(%dma_start3A_63 : memref<64x128xf32, #tpu.memory_space<vmem_shared>>) target(%dma_start3A_61 : memref<64x128xf32, #tpu.memory_space<vmem>>) target_semaphore(%run_scoped3A : memref<!tpu.dma_semaphore, #tpu.memory_space<semaphore_mem>>)
      %dma_wait3A_64 = arith.constant 0 : i32
      %dma_wait3A_65 = arith.constant 0 : i32
      %dma_wait3A_66 = tpu.memref_slice %arg10[%dma_wait3A_64, %dma_wait3A_65] : memref<80x128xf32, #tpu.memory_space<vmem>> -> memref<64x128xf32, #tpu.memory_space<vmem>>
      %dma_wait3A_67 = arith.constant 0 : i32
      %dma_wait3A_68 = tpu.memref_slice %arg12[%multiple_of3A_45, %dma_wait3A_67] : memref<10008x128xf32, #tpu.memory_space<vmem_shared>> -> memref<64x128xf32, #tpu.memory_space<vmem_shared>>
      %dma_wait3A_69 = arith.constant 0 : i32
      %dma_wait3A_70 = arith.constant 0 : i32
      %dma_wait3A_71 = tpu.memref_slice %arg10[%dma_wait3A_69, %dma_wait3A_70] : memref<80x128xf32, #tpu.memory_space<vmem>> -> memref<64x128xf32, #tpu.memory_space<vmem>>
      %dma_wait3A_72 = arith.constant 0 : i32
      %dma_wait3A_73 = tpu.memref_slice %arg12[%multiple_of3A_45, %dma_wait3A_72] : memref<10008x128xf32, #tpu.memory_space<vmem_shared>> -> memref<64x128xf32, #tpu.memory_space<vmem_shared>>
      tpu.wait_dma2 semaphore(%run_scoped3A : memref<!tpu.dma_semaphore, #tpu.memory_space<semaphore_mem>>) src(%dma_wait3A_73 : memref<64x128xf32, #tpu.memory_space<vmem_shared>>) dst(%dma_wait3A_71 : memref<64x128xf32, #tpu.memory_space<vmem>>)
      tpu.yield
    }) : () -> ()
    %add3A_46 = arith.constant 560 : i32
    %add3A_47 = arith.addi %add3A_36, %add3A_46 : i32
    %multiple_of3A_48 = tpu.assume_multiple %add3A_47, 8 : i32
    "tpu.region"() ({
      %run_scoped3A = tpu.sem_alloc : memref<!tpu.dma_semaphore, #tpu.memory_space<semaphore_mem>>
      %dma_start3A_54 = arith.constant 0 : i32
      %dma_start3A_55 = arith.constant 0 : i32
      %dma_start3A_56 = tpu.memref_slice %arg10[%dma_start3A_54, %dma_start3A_55] : memref<80x128xf32, #tpu.memory_space<vmem>> -> memref<64x128xf32, #tpu.memory_space<vmem>>
      %dma_start3A_57 = arith.constant 0 : i32
      %dma_start3A_58 = tpu.memref_slice %arg6[%multiple_of3A_48, %dma_start3A_57] : memref<20000x128xf32, #tpu.memory_space<hbm>> -> memref<64x128xf32, #tpu.memory_space<hbm>>
      %dma_start3A_59 = arith.constant 0 : i32
      %dma_start3A_60 = tpu.memref_slice %arg6[%multiple_of3A_48, %dma_start3A_59] : memref<20000x128xf32, #tpu.memory_space<hbm>> -> memref<64x128xf32, #tpu.memory_space<hbm>>
      %dma_start3A_61 = arith.constant 0 : i32
      %dma_start3A_62 = arith.constant 0 : i32
      %dma_start3A_63 = tpu.memref_slice %arg10[%dma_start3A_61, %dma_start3A_62] : memref<80x128xf32, #tpu.memory_space<vmem>> -> memref<64x128xf32, #tpu.memory_space<vmem>>
      tpu.enqueue_dma source(%dma_start3A_63 : memref<64x128xf32, #tpu.memory_space<vmem>>) target(%dma_start3A_60 : memref<64x128xf32, #tpu.memory_space<hbm>>) target_semaphore(%run_scoped3A : memref<!tpu.dma_semaphore, #tpu.memory_space<semaphore_mem>>)
      %dma_wait3A_64 = arith.constant 0 : i32
      %dma_wait3A_65 = arith.constant 0 : i32
      %dma_wait3A_66 = tpu.memref_slice %arg10[%dma_wait3A_64, %dma_wait3A_65] : memref<80x128xf32, #tpu.memory_space<vmem>> -> memref<64x128xf32, #tpu.memory_space<vmem>>
      %dma_wait3A_67 = arith.constant 0 : i32
      %dma_wait3A_68 = tpu.memref_slice %arg6[%multiple_of3A_48, %dma_wait3A_67] : memref<20000x128xf32, #tpu.memory_space<hbm>> -> memref<64x128xf32, #tpu.memory_space<hbm>>
      %dma_wait3A_69 = arith.constant 0 : i32
      %dma_wait3A_70 = tpu.memref_slice %arg6[%multiple_of3A_48, %dma_wait3A_69] : memref<20000x128xf32, #tpu.memory_space<hbm>> -> memref<64x128xf32, #tpu.memory_space<hbm>>
      %dma_wait3A_71 = arith.constant 0 : i32
      %dma_wait3A_72 = arith.constant 0 : i32
      %dma_wait3A_73 = tpu.memref_slice %arg10[%dma_wait3A_71, %dma_wait3A_72] : memref<80x128xf32, #tpu.memory_space<vmem>> -> memref<64x128xf32, #tpu.memory_space<vmem>>
      tpu.wait_dma2 semaphore(%run_scoped3A : memref<!tpu.dma_semaphore, #tpu.memory_space<semaphore_mem>>) src(%dma_wait3A_73 : memref<64x128xf32, #tpu.memory_space<vmem>>) dst(%dma_wait3A_70 : memref<64x128xf32, #tpu.memory_space<hbm>>)
      tpu.yield
    }) : () -> ()
    %eq3A_49 = arith.constant 15 : i32
    %eq3A_50 = arith.cmpi eq, %arg1, %eq3A_49 : i32
    %convert_element_type3A_51 = arith.extui %eq3A_50 : i1 to i32
    %cond3A_52 = arith.constant 0 : i32
    %cond3A_53 = arith.cmpi ne, %convert_element_type3A_51, %cond3A_52 : i32
    scf.if %cond3A_53 {
      "tpu.region"() ({
        %run_scoped3A = tpu.sem_alloc : memref<!tpu.dma_semaphore, #tpu.memory_space<semaphore_mem>>
        %dma_start3A_59 = arith.constant 0 : i32
        %dma_start3A_60 = arith.constant 0 : i32
        %dma_start3A_61 = tpu.memref_slice %arg10[%dma_start3A_59, %dma_start3A_60] : memref<80x128xf32, #tpu.memory_space<vmem>> -> memref<16x128xf32, #tpu.memory_space<vmem>>
        %dma_start3A_62 = arith.constant 9984 : i32
        %dma_start3A_63 = arith.constant 0 : i32
        %dma_start3A_64 = tpu.memref_slice %arg12[%dma_start3A_62, %dma_start3A_63] : memref<10008x128xf32, #tpu.memory_space<vmem_shared>> -> memref<16x128xf32, #tpu.memory_space<vmem_shared>>
        %dma_start3A_65 = arith.constant 0 : i32
        %dma_start3A_66 = arith.constant 0 : i32
        %dma_start3A_67 = tpu.memref_slice %arg10[%dma_start3A_65, %dma_start3A_66] : memref<80x128xf32, #tpu.memory_space<vmem>> -> memref<16x128xf32, #tpu.memory_space<vmem>>
        %dma_start3A_68 = arith.constant 9984 : i32
        %dma_start3A_69 = arith.constant 0 : i32
        %dma_start3A_70 = tpu.memref_slice %arg12[%dma_start3A_68, %dma_start3A_69] : memref<10008x128xf32, #tpu.memory_space<vmem_shared>> -> memref<16x128xf32, #tpu.memory_space<vmem_shared>>
        tpu.enqueue_dma source(%dma_start3A_70 : memref<16x128xf32, #tpu.memory_space<vmem_shared>>) target(%dma_start3A_67 : memref<16x128xf32, #tpu.memory_space<vmem>>) target_semaphore(%run_scoped3A : memref<!tpu.dma_semaphore, #tpu.memory_space<semaphore_mem>>)
        %dma_wait3A_71 = arith.constant 0 : i32
        %dma_wait3A_72 = arith.constant 0 : i32
        %dma_wait3A_73 = tpu.memref_slice %arg10[%dma_wait3A_71, %dma_wait3A_72] : memref<80x128xf32, #tpu.memory_space<vmem>> -> memref<16x128xf32, #tpu.memory_space<vmem>>
        %dma_wait3A_74 = arith.constant 9984 : i32
        %dma_wait3A_75 = arith.constant 0 : i32
        %dma_wait3A_76 = tpu.memref_slice %arg12[%dma_wait3A_74, %dma_wait3A_75] : memref<10008x128xf32, #tpu.memory_space<vmem_shared>> -> memref<16x128xf32, #tpu.memory_space<vmem_shared>>
        %dma_wait3A_77 = arith.constant 0 : i32
        %dma_wait3A_78 = arith.constant 0 : i32
        %dma_wait3A_79 = tpu.memref_slice %arg10[%dma_wait3A_77, %dma_wait3A_78] : memref<80x128xf32, #tpu.memory_space<vmem>> -> memref<16x128xf32, #tpu.memory_space<vmem>>
        %dma_wait3A_80 = arith.constant 9984 : i32
        %dma_wait3A_81 = arith.constant 0 : i32
        %dma_wait3A_82 = tpu.memref_slice %arg12[%dma_wait3A_80, %dma_wait3A_81] : memref<10008x128xf32, #tpu.memory_space<vmem_shared>> -> memref<16x128xf32, #tpu.memory_space<vmem_shared>>
        tpu.wait_dma2 semaphore(%run_scoped3A : memref<!tpu.dma_semaphore, #tpu.memory_space<semaphore_mem>>) src(%dma_wait3A_82 : memref<16x128xf32, #tpu.memory_space<vmem_shared>>) dst(%dma_wait3A_79 : memref<16x128xf32, #tpu.memory_space<vmem>>)
        tpu.yield
      }) : () -> ()
      %mul3A_54 = arith.constant 10000 : i32
      %mul3A_55 = arith.muli %arg0, %mul3A_54 : i32
      %add3A_56 = arith.constant 9984 : i32
      %add3A_57 = arith.addi %mul3A_55, %add3A_56 : i32
      %multiple_of3A_58 = tpu.assume_multiple %add3A_57, 8 : i32
      "tpu.region"() ({
        %run_scoped3A = tpu.sem_alloc : memref<!tpu.dma_semaphore, #tpu.memory_space<semaphore_mem>>
        %dma_start3A_59 = arith.constant 0 : i32
        %dma_start3A_60 = arith.constant 0 : i32
        %dma_start3A_61 = tpu.memref_slice %arg10[%dma_start3A_59, %dma_start3A_60] : memref<80x128xf32, #tpu.memory_space<vmem>> -> memref<16x128xf32, #tpu.memory_space<vmem>>
        %dma_start3A_62 = arith.constant 0 : i32
        %dma_start3A_63 = tpu.memref_slice %arg6[%multiple_of3A_58, %dma_start3A_62] : memref<20000x128xf32, #tpu.memory_space<hbm>> -> memref<16x128xf32, #tpu.memory_space<hbm>>
        %dma_start3A_64 = arith.constant 0 : i32
        %dma_start3A_65 = tpu.memref_slice %arg6[%multiple_of3A_58, %dma_start3A_64] : memref<20000x128xf32, #tpu.memory_space<hbm>> -> memref<16x128xf32, #tpu.memory_space<hbm>>
        %dma_start3A_66 = arith.constant 0 : i32
        %dma_start3A_67 = arith.constant 0 : i32
        %dma_start3A_68 = tpu.memref_slice %arg10[%dma_start3A_66, %dma_start3A_67] : memref<80x128xf32, #tpu.memory_space<vmem>> -> memref<16x128xf32, #tpu.memory_space<vmem>>
        tpu.enqueue_dma source(%dma_start3A_68 : memref<16x128xf32, #tpu.memory_space<vmem>>) target(%dma_start3A_65 : memref<16x128xf32, #tpu.memory_space<hbm>>) target_semaphore(%run_scoped3A : memref<!tpu.dma_semaphore, #tpu.memory_space<semaphore_mem>>)
        %dma_wait3A_69 = arith.constant 0 : i32
        %dma_wait3A_70 = arith.constant 0 : i32
        %dma_wait3A_71 = tpu.memref_slice %arg10[%dma_wait3A_69, %dma_wait3A_70] : memref<80x128xf32, #tpu.memory_space<vmem>> -> memref<16x128xf32, #tpu.memory_space<vmem>>
        %dma_wait3A_72 = arith.constant 0 : i32
        %dma_wait3A_73 = tpu.memref_slice %arg6[%multiple_of3A_58, %dma_wait3A_72] : memref<20000x128xf32, #tpu.memory_space<hbm>> -> memref<16x128xf32, #tpu.memory_space<hbm>>
        %dma_wait3A_74 = arith.constant 0 : i32
        %dma_wait3A_75 = tpu.memref_slice %arg6[%multiple_of3A_58, %dma_wait3A_74] : memref<20000x128xf32, #tpu.memory_space<hbm>> -> memref<16x128xf32, #tpu.memory_space<hbm>>
        %dma_wait3A_76 = arith.constant 0 : i32
        %dma_wait3A_77 = arith.constant 0 : i32
        %dma_wait3A_78 = tpu.memref_slice %arg10[%dma_wait3A_76, %dma_wait3A_77] : memref<80x128xf32, #tpu.memory_space<vmem>> -> memref<16x128xf32, #tpu.memory_space<vmem>>
        tpu.wait_dma2 semaphore(%run_scoped3A : memref<!tpu.dma_semaphore, #tpu.memory_space<semaphore_mem>>) src(%dma_wait3A_78 : memref<16x128xf32, #tpu.memory_space<vmem>>) dst(%dma_wait3A_75 : memref<16x128xf32, #tpu.memory_space<hbm>>)
        tpu.yield
      }) : () -> ()
    } else {
    }
    return
  }
}

#map = affine_map<(d0, d1) -> (0, 0)>
#map1 = affine_map<(d0, d1) -> (0)>
module attributes {stable_mosaic.version = 14 : i64} {
  func.func @agg_kernel(%arg0: i32, %arg1: i32, %arg2: memref<10000x128xf32, #tpu.memory_space<hbm>>, %arg3: memref<320000xi32, #tpu.memory_space<hbm>>, %arg4: memref<320000xi32, #tpu.memory_space<hbm>>, %arg5: memref<128x128xf32, #tpu.memory_space<hbm>>, %arg6: memref<20000x128xf32, #tpu.memory_space<hbm>>, %arg7: memref<80xi32, #tpu.memory_space<vmem>>, %arg8: memref<80xi32, #tpu.memory_space<vmem>>, %arg9: memref<80xi32, #tpu.memory_space<vmem>>, %arg10: memref<80x128xf32, #tpu.memory_space<vmem>>, %arg11: memref<80x128xf32, #tpu.memory_space<vmem>>, %arg12: memref<10008x128xf32, #tpu.memory_space<vmem_shared>>, %arg13: memref<!tpu.dma_semaphore, #tpu.memory_space<semaphore_mem>>, %arg14: memref<!tpu.dma_semaphore, #tpu.memory_space<semaphore_mem>>) attributes {dimension_semantics = [#tpu.dimension_semantics<core_parallel>, #tpu.dimension_semantics<subcore_parallel>], iteration_bounds = array<i64: 2, 16>, scalar_prefetch = 0 : i64, scratch_operands = 8 : i64, tpu.core_type = #tpu.core_type<sc_vector_subcore>, window_params = [{transform_indices = #map}, {transform_indices = #map1}, {transform_indices = #map1}, {transform_indices = #map}, {transform_indices = #map}]} {
    %mul3A = arith.constant 16 : i32
    %mul3A_0 = arith.muli %arg0, %mul3A : i32
    %add3A = arith.addi %mul3A_0, %arg1 : i32
    %mul3A_1 = arith.constant 10000 : i32
    %mul3A_2 = arith.muli %add3A, %mul3A_1 : i32
    "tpu.region"() ({
      %run_scoped3A = tpu.sem_alloc : memref<!tpu.dma_semaphore, #tpu.memory_space<semaphore_mem>>
      %dma_start3A_54 = arith.constant 0 : i32
      %dma_start3A_55 = arith.constant 0 : i32
      %dma_start3A_56 = tpu.memref_slice %arg5[%dma_start3A_54, %dma_start3A_55] : memref<128x128xf32, #tpu.memory_space<hbm>> -> memref<80x128xf32, #tpu.memory_space<hbm>>
      %dma_start3A_57 = arith.constant 0 : i32
      %dma_start3A_58 = arith.constant 0 : i32
      %dma_start3A_59 = tpu.memref_slice %arg5[%dma_start3A_57, %dma_start3A_58] : memref<128x128xf32, #tpu.memory_space<hbm>> -> memref<80x128xf32, #tpu.memory_space<hbm>>
      tpu.enqueue_dma source(%dma_start3A_59 : memref<80x128xf32, #tpu.memory_space<hbm>>) target(%arg10 : memref<80x128xf32, #tpu.memory_space<vmem>>) target_semaphore(%run_scoped3A : memref<!tpu.dma_semaphore, #tpu.memory_space<semaphore_mem>>)
      %dma_wait3A_60 = arith.constant 0 : i32
      %dma_wait3A_61 = arith.constant 0 : i32
      %dma_wait3A_62 = tpu.memref_slice %arg5[%dma_wait3A_60, %dma_wait3A_61] : memref<128x128xf32, #tpu.memory_space<hbm>> -> memref<80x128xf32, #tpu.memory_space<hbm>>
      %dma_wait3A_63 = arith.constant 0 : i32
      %dma_wait3A_64 = arith.constant 0 : i32
      %dma_wait3A_65 = tpu.memref_slice %arg5[%dma_wait3A_63, %dma_wait3A_64] : memref<128x128xf32, #tpu.memory_space<hbm>> -> memref<80x128xf32, #tpu.memory_space<hbm>>
      tpu.wait_dma2 semaphore(%run_scoped3A : memref<!tpu.dma_semaphore, #tpu.memory_space<semaphore_mem>>) src(%dma_wait3A_65 : memref<80x128xf32, #tpu.memory_space<hbm>>) dst(%arg10 : memref<80x128xf32, #tpu.memory_space<vmem>>)
      tpu.yield
    }) : () -> ()
    %mul3A_3 = arith.constant 624 : i32
    %mul3A_4 = arith.muli %arg1, %mul3A_3 : i32
    %scan3A = arith.constant 0 : i32
    %scan3A_5 = arith.constant 0 : i32
    %scan3A_6 = arith.constant 7 : i32
    %scan3A_7 = arith.addi %scan3A_5, %scan3A_6 : i32
    %scan3A_8 = arith.constant 1 : i32
    scf.for %scan3A_54 = %scan3A_5 to %scan3A_7 step %scan3A_8  : i32 {
      %mul3A_55 = arith.constant 80 : i32
      %mul3A_56 = arith.muli %scan3A_54, %mul3A_55 : i32
      %add3A_57 = arith.addi %mul3A_4, %mul3A_56 : i32
      %multiple_of3A_58 = tpu.assume_multiple %add3A_57, 8 : i32
      "tpu.region"() ({
        %run_scoped3A = tpu.sem_alloc : memref<!tpu.dma_semaphore, #tpu.memory_space<semaphore_mem>>
        %dma_start3A_59 = arith.constant 0 : i32
        %dma_start3A_60 = tpu.memref_slice %arg12[%multiple_of3A_58, %dma_start3A_59] : memref<10008x128xf32, #tpu.memory_space<vmem_shared>> -> memref<80x128xf32, #tpu.memory_space<vmem_shared>>
        %dma_start3A_61 = arith.constant 0 : i32
        %dma_start3A_62 = tpu.memref_slice %arg12[%multiple_of3A_58, %dma_start3A_61] : memref<10008x128xf32, #tpu.memory_space<vmem_shared>> -> memref<80x128xf32, #tpu.memory_space<vmem_shared>>
        tpu.enqueue_dma source(%arg10 : memref<80x128xf32, #tpu.memory_space<vmem>>) target(%dma_start3A_62 : memref<80x128xf32, #tpu.memory_space<vmem_shared>>) target_semaphore(%run_scoped3A : memref<!tpu.dma_semaphore, #tpu.memory_space<semaphore_mem>>)
        %dma_wait3A_63 = arith.constant 0 : i32
        %dma_wait3A_64 = tpu.memref_slice %arg12[%multiple_of3A_58, %dma_wait3A_63] : memref<10008x128xf32, #tpu.memory_space<vmem_shared>> -> memref<80x128xf32, #tpu.memory_space<vmem_shared>>
        %dma_wait3A_65 = arith.constant 0 : i32
        %dma_wait3A_66 = tpu.memref_slice %arg12[%multiple_of3A_58, %dma_wait3A_65] : memref<10008x128xf32, #tpu.memory_space<vmem_shared>> -> memref<80x128xf32, #tpu.memory_space<vmem_shared>>
        tpu.wait_dma2 semaphore(%run_scoped3A : memref<!tpu.dma_semaphore, #tpu.memory_space<semaphore_mem>>) src(%arg10 : memref<80x128xf32, #tpu.memory_space<vmem>>) dst(%dma_wait3A_66 : memref<80x128xf32, #tpu.memory_space<vmem_shared>>)
        tpu.yield
      }) : () -> ()
    }
    %scan3A_9 = arith.constant 7 : i32
    %add3A_10 = arith.constant 560 : i32
    %add3A_11 = arith.addi %mul3A_4, %add3A_10 : i32
    %multiple_of3A = tpu.assume_multiple %add3A_11, 8 : i32
    "tpu.region"() ({
      %run_scoped3A = tpu.sem_alloc : memref<!tpu.dma_semaphore, #tpu.memory_space<semaphore_mem>>
      %dma_start3A_54 = arith.constant 0 : i32
      %dma_start3A_55 = arith.constant 0 : i32
      %dma_start3A_56 = tpu.memref_slice %arg10[%dma_start3A_54, %dma_start3A_55] : memref<80x128xf32, #tpu.memory_space<vmem>> -> memref<64x128xf32, #tpu.memory_space<vmem>>
      %dma_start3A_57 = arith.constant 0 : i32
      %dma_start3A_58 = tpu.memref_slice %arg12[%multiple_of3A, %dma_start3A_57] : memref<10008x128xf32, #tpu.memory_space<vmem_shared>> -> memref<64x128xf32, #tpu.memory_space<vmem_shared>>
      %dma_start3A_59 = arith.constant 0 : i32
      %dma_start3A_60 = tpu.memref_slice %arg12[%multiple_of3A, %dma_start3A_59] : memref<10008x128xf32, #tpu.memory_space<vmem_shared>> -> memref<64x128xf32, #tpu.memory_space<vmem_shared>>
      %dma_start3A_61 = arith.constant 0 : i32
      %dma_start3A_62 = arith.constant 0 : i32
      %dma_start3A_63 = tpu.memref_slice %arg10[%dma_start3A_61, %dma_start3A_62] : memref<80x128xf32, #tpu.memory_space<vmem>> -> memref<64x128xf32, #tpu.memory_space<vmem>>
      tpu.enqueue_dma source(%dma_start3A_63 : memref<64x128xf32, #tpu.memory_space<vmem>>) target(%dma_start3A_60 : memref<64x128xf32, #tpu.memory_space<vmem_shared>>) target_semaphore(%run_scoped3A : memref<!tpu.dma_semaphore, #tpu.memory_space<semaphore_mem>>)
      %dma_wait3A_64 = arith.constant 0 : i32
      %dma_wait3A_65 = arith.constant 0 : i32
      %dma_wait3A_66 = tpu.memref_slice %arg10[%dma_wait3A_64, %dma_wait3A_65] : memref<80x128xf32, #tpu.memory_space<vmem>> -> memref<64x128xf32, #tpu.memory_space<vmem>>
      %dma_wait3A_67 = arith.constant 0 : i32
      %dma_wait3A_68 = tpu.memref_slice %arg12[%multiple_of3A, %dma_wait3A_67] : memref<10008x128xf32, #tpu.memory_space<vmem_shared>> -> memref<64x128xf32, #tpu.memory_space<vmem_shared>>
      %dma_wait3A_69 = arith.constant 0 : i32
      %dma_wait3A_70 = tpu.memref_slice %arg12[%multiple_of3A, %dma_wait3A_69] : memref<10008x128xf32, #tpu.memory_space<vmem_shared>> -> memref<64x128xf32, #tpu.memory_space<vmem_shared>>
      %dma_wait3A_71 = arith.constant 0 : i32
      %dma_wait3A_72 = arith.constant 0 : i32
      %dma_wait3A_73 = tpu.memref_slice %arg10[%dma_wait3A_71, %dma_wait3A_72] : memref<80x128xf32, #tpu.memory_space<vmem>> -> memref<64x128xf32, #tpu.memory_space<vmem>>
      tpu.wait_dma2 semaphore(%run_scoped3A : memref<!tpu.dma_semaphore, #tpu.memory_space<semaphore_mem>>) src(%dma_wait3A_73 : memref<64x128xf32, #tpu.memory_space<vmem>>) dst(%dma_wait3A_70 : memref<64x128xf32, #tpu.memory_space<vmem_shared>>)
      tpu.yield
    }) : () -> ()
    %eq3A = arith.constant 15 : i32
    %eq3A_12 = arith.cmpi eq, %arg1, %eq3A : i32
    %convert_element_type3A = arith.extui %eq3A_12 : i1 to i32
    %cond3A = arith.constant 0 : i32
    %cond3A_13 = arith.cmpi ne, %convert_element_type3A, %cond3A : i32
    scf.if %cond3A_13 {
      "tpu.region"() ({
        %run_scoped3A = tpu.sem_alloc : memref<!tpu.dma_semaphore, #tpu.memory_space<semaphore_mem>>
        %dma_start3A_54 = arith.constant 0 : i32
        %dma_start3A_55 = arith.constant 0 : i32
        %dma_start3A_56 = tpu.memref_slice %arg10[%dma_start3A_54, %dma_start3A_55] : memref<80x128xf32, #tpu.memory_space<vmem>> -> memref<16x128xf32, #tpu.memory_space<vmem>>
        %dma_start3A_57 = arith.constant 9984 : i32
        %dma_start3A_58 = arith.constant 0 : i32
        %dma_start3A_59 = tpu.memref_slice %arg12[%dma_start3A_57, %dma_start3A_58] : memref<10008x128xf32, #tpu.memory_space<vmem_shared>> -> memref<16x128xf32, #tpu.memory_space<vmem_shared>>
        %dma_start3A_60 = arith.constant 9984 : i32
        %dma_start3A_61 = arith.constant 0 : i32
        %dma_start3A_62 = tpu.memref_slice %arg12[%dma_start3A_60, %dma_start3A_61] : memref<10008x128xf32, #tpu.memory_space<vmem_shared>> -> memref<16x128xf32, #tpu.memory_space<vmem_shared>>
        %dma_start3A_63 = arith.constant 0 : i32
        %dma_start3A_64 = arith.constant 0 : i32
        %dma_start3A_65 = tpu.memref_slice %arg10[%dma_start3A_63, %dma_start3A_64] : memref<80x128xf32, #tpu.memory_space<vmem>> -> memref<16x128xf32, #tpu.memory_space<vmem>>
        tpu.enqueue_dma source(%dma_start3A_65 : memref<16x128xf32, #tpu.memory_space<vmem>>) target(%dma_start3A_62 : memref<16x128xf32, #tpu.memory_space<vmem_shared>>) target_semaphore(%run_scoped3A : memref<!tpu.dma_semaphore, #tpu.memory_space<semaphore_mem>>)
        %dma_wait3A_66 = arith.constant 0 : i32
        %dma_wait3A_67 = arith.constant 0 : i32
        %dma_wait3A_68 = tpu.memref_slice %arg10[%dma_wait3A_66, %dma_wait3A_67] : memref<80x128xf32, #tpu.memory_space<vmem>> -> memref<16x128xf32, #tpu.memory_space<vmem>>
        %dma_wait3A_69 = arith.constant 9984 : i32
        %dma_wait3A_70 = arith.constant 0 : i32
        %dma_wait3A_71 = tpu.memref_slice %arg12[%dma_wait3A_69, %dma_wait3A_70] : memref<10008x128xf32, #tpu.memory_space<vmem_shared>> -> memref<16x128xf32, #tpu.memory_space<vmem_shared>>
        %dma_wait3A_72 = arith.constant 9984 : i32
        %dma_wait3A_73 = arith.constant 0 : i32
        %dma_wait3A_74 = tpu.memref_slice %arg12[%dma_wait3A_72, %dma_wait3A_73] : memref<10008x128xf32, #tpu.memory_space<vmem_shared>> -> memref<16x128xf32, #tpu.memory_space<vmem_shared>>
        %dma_wait3A_75 = arith.constant 0 : i32
        %dma_wait3A_76 = arith.constant 0 : i32
        %dma_wait3A_77 = tpu.memref_slice %arg10[%dma_wait3A_75, %dma_wait3A_76] : memref<80x128xf32, #tpu.memory_space<vmem>> -> memref<16x128xf32, #tpu.memory_space<vmem>>
        tpu.wait_dma2 semaphore(%run_scoped3A : memref<!tpu.dma_semaphore, #tpu.memory_space<semaphore_mem>>) src(%dma_wait3A_77 : memref<16x128xf32, #tpu.memory_space<vmem>>) dst(%dma_wait3A_74 : memref<16x128xf32, #tpu.memory_space<vmem_shared>>)
        tpu.yield
      }) : () -> ()
    } else {
    }
    %barrier3A = arith.constant 0 : index
    tpu.barrier barrier_id(%barrier3A)
    %multiple_of3A_14 = tpu.assume_multiple %mul3A_2, 8 : i32
    "tpu.region"() ({
      %run_scoped3A = tpu.sem_alloc : memref<!tpu.dma_semaphore, #tpu.memory_space<semaphore_mem>>
      %dma_start3A_54 = tpu.memref_slice %arg3[%multiple_of3A_14] : memref<320000xi32, #tpu.memory_space<hbm>> -> memref<80xi32, #tpu.memory_space<hbm>>
      %dma_start3A_55 = tpu.memref_slice %arg3[%multiple_of3A_14] : memref<320000xi32, #tpu.memory_space<hbm>> -> memref<80xi32, #tpu.memory_space<hbm>>
      tpu.enqueue_dma source(%dma_start3A_55 : memref<80xi32, #tpu.memory_space<hbm>>) target(%arg7 : memref<80xi32, #tpu.memory_space<vmem>>) target_semaphore(%run_scoped3A : memref<!tpu.dma_semaphore, #tpu.memory_space<semaphore_mem>>)
      %dma_wait3A_56 = tpu.memref_slice %arg3[%multiple_of3A_14] : memref<320000xi32, #tpu.memory_space<hbm>> -> memref<80xi32, #tpu.memory_space<hbm>>
      %dma_wait3A_57 = tpu.memref_slice %arg3[%multiple_of3A_14] : memref<320000xi32, #tpu.memory_space<hbm>> -> memref<80xi32, #tpu.memory_space<hbm>>
      tpu.wait_dma2 semaphore(%run_scoped3A : memref<!tpu.dma_semaphore, #tpu.memory_space<semaphore_mem>>) src(%dma_wait3A_57 : memref<80xi32, #tpu.memory_space<hbm>>) dst(%arg7 : memref<80xi32, #tpu.memory_space<vmem>>)
      tpu.yield
    }) : () -> ()
    %dma_start3A = arith.constant 0 : i32
    %dma_start3A_15 = arith.constant 0 : i32
    %dma_start3A_16 = tpu.memref_slice %arg2[%dma_start3A, %dma_start3A_15] : memref<10000x128xf32, #tpu.memory_space<hbm>> -> memref<10000x128xf32, #tpu.memory_space<hbm>>
    tpu.enqueue_indirect_dma source(%dma_start3A_16 : memref<10000x128xf32, #tpu.memory_space<hbm>>) target(%arg10 : memref<80x128xf32, #tpu.memory_space<vmem>>) offsets(%arg7 : memref<80xi32, #tpu.memory_space<vmem>>) semaphore(%arg13 : memref<!tpu.dma_semaphore, #tpu.memory_space<semaphore_mem>>)
    %scan3A_17 = arith.constant 0 : i32
    %scan3A_18 = arith.constant 0 : i32
    %scan3A_19 = arith.constant 62 : i32
    %scan3A_20 = arith.addi %scan3A_18, %scan3A_19 : i32
    %scan3A_21 = arith.constant 1 : i32
    scf.for %scan3A_54 = %scan3A_18 to %scan3A_20 step %scan3A_21  : i32 {
      %mul3A_55 = arith.constant 2 : i32
      %mul3A_56 = arith.muli %mul3A_55, %scan3A_54 : i32
      %add3A_57 = arith.constant 1 : i32
      %add3A_58 = arith.addi %mul3A_56, %add3A_57 : i32
      %mul3A_59 = arith.constant 80 : i32
      %mul3A_60 = arith.muli %add3A_58, %mul3A_59 : i32
      %add3A_61 = arith.addi %mul3A_2, %mul3A_60 : i32
      %multiple_of3A_62 = tpu.assume_multiple %add3A_61, 8 : i32
      "tpu.region"() ({
        %run_scoped3A = tpu.sem_alloc : memref<!tpu.dma_semaphore, #tpu.memory_space<semaphore_mem>>
        %dma_start3A_87 = tpu.memref_slice %arg3[%multiple_of3A_62] : memref<320000xi32, #tpu.memory_space<hbm>> -> memref<80xi32, #tpu.memory_space<hbm>>
        %dma_start3A_88 = tpu.memref_slice %arg3[%multiple_of3A_62] : memref<320000xi32, #tpu.memory_space<hbm>> -> memref<80xi32, #tpu.memory_space<hbm>>
        tpu.enqueue_dma source(%dma_start3A_88 : memref<80xi32, #tpu.memory_space<hbm>>) target(%arg8 : memref<80xi32, #tpu.memory_space<vmem>>) target_semaphore(%run_scoped3A : memref<!tpu.dma_semaphore, #tpu.memory_space<semaphore_mem>>)
        %dma_wait3A_89 = tpu.memref_slice %arg3[%multiple_of3A_62] : memref<320000xi32, #tpu.memory_space<hbm>> -> memref<80xi32, #tpu.memory_space<hbm>>
        %dma_wait3A_90 = tpu.memref_slice %arg3[%multiple_of3A_62] : memref<320000xi32, #tpu.memory_space<hbm>> -> memref<80xi32, #tpu.memory_space<hbm>>
        tpu.wait_dma2 semaphore(%run_scoped3A : memref<!tpu.dma_semaphore, #tpu.memory_space<semaphore_mem>>) src(%dma_wait3A_90 : memref<80xi32, #tpu.memory_space<hbm>>) dst(%arg8 : memref<80xi32, #tpu.memory_space<vmem>>)
        tpu.yield
      }) : () -> ()
      %dma_wait3A_63 = arith.constant 0 : i32
      %dma_wait3A_64 = arith.constant 0 : i32
      %dma_wait3A_65 = tpu.memref_slice %arg2[%dma_wait3A_63, %dma_wait3A_64] : memref<10000x128xf32, #tpu.memory_space<hbm>> -> memref<10000x128xf32, #tpu.memory_space<hbm>>
      tpu.wait_indirect_dma semaphore(%arg13 : memref<!tpu.dma_semaphore, #tpu.memory_space<semaphore_mem>>) src(%dma_wait3A_65 : memref<10000x128xf32, #tpu.memory_space<hbm>>) dst(%arg10 : memref<80x128xf32, #tpu.memory_space<vmem>>)
      %dma_start3A_66 = arith.constant 0 : i32
      %dma_start3A_67 = arith.constant 0 : i32
      %dma_start3A_68 = tpu.memref_slice %arg2[%dma_start3A_66, %dma_start3A_67] : memref<10000x128xf32, #tpu.memory_space<hbm>> -> memref<10000x128xf32, #tpu.memory_space<hbm>>
      tpu.enqueue_indirect_dma source(%dma_start3A_68 : memref<10000x128xf32, #tpu.memory_space<hbm>>) target(%arg11 : memref<80x128xf32, #tpu.memory_space<vmem>>) offsets(%arg8 : memref<80xi32, #tpu.memory_space<vmem>>) semaphore(%arg14 : memref<!tpu.dma_semaphore, #tpu.memory_space<semaphore_mem>>)
      %mul3A_69 = arith.constant 2 : i32
      %mul3A_70 = arith.muli %mul3A_69, %scan3A_54 : i32
      %mul3A_71 = arith.constant 80 : i32
      %mul3A_72 = arith.muli %mul3A_70, %mul3A_71 : i32
      %add3A_73 = arith.addi %mul3A_2, %mul3A_72 : i32
      %multiple_of3A_74 = tpu.assume_multiple %add3A_73, 8 : i32
      "tpu.region"() ({
        %run_scoped3A = tpu.sem_alloc : memref<!tpu.dma_semaphore, #tpu.memory_space<semaphore_mem>>
        %dma_start3A_87 = tpu.memref_slice %arg4[%multiple_of3A_74] : memref<320000xi32, #tpu.memory_space<hbm>> -> memref<80xi32, #tpu.memory_space<hbm>>
        %dma_start3A_88 = tpu.memref_slice %arg4[%multiple_of3A_74] : memref<320000xi32, #tpu.memory_space<hbm>> -> memref<80xi32, #tpu.memory_space<hbm>>
        tpu.enqueue_dma source(%dma_start3A_88 : memref<80xi32, #tpu.memory_space<hbm>>) target(%arg9 : memref<80xi32, #tpu.memory_space<vmem>>) target_semaphore(%run_scoped3A : memref<!tpu.dma_semaphore, #tpu.memory_space<semaphore_mem>>)
        %dma_wait3A_89 = tpu.memref_slice %arg4[%multiple_of3A_74] : memref<320000xi32, #tpu.memory_space<hbm>> -> memref<80xi32, #tpu.memory_space<hbm>>
        %dma_wait3A_90 = tpu.memref_slice %arg4[%multiple_of3A_74] : memref<320000xi32, #tpu.memory_space<hbm>> -> memref<80xi32, #tpu.memory_space<hbm>>
        tpu.wait_dma2 semaphore(%run_scoped3A : memref<!tpu.dma_semaphore, #tpu.memory_space<semaphore_mem>>) src(%dma_wait3A_90 : memref<80xi32, #tpu.memory_space<hbm>>) dst(%arg9 : memref<80xi32, #tpu.memory_space<vmem>>)
        tpu.yield
      }) : () -> ()
      "tpu.region"() ({
        %run_scoped3A = tpu.sem_alloc : memref<!tpu.dma_semaphore, #tpu.memory_space<semaphore_mem>>
        %dma_start3A_87 = arith.constant 0 : i32
        %dma_start3A_88 = arith.constant 0 : i32
        %dma_start3A_89 = tpu.memref_slice %arg12[%dma_start3A_87, %dma_start3A_88] : memref<10008x128xf32, #tpu.memory_space<vmem_shared>> -> memref<10008x128xf32, #tpu.memory_space<vmem_shared>>
        tpu.enqueue_indirect_dma source(%arg10 : memref<80x128xf32, #tpu.memory_space<vmem>>) target(%dma_start3A_89 : memref<10008x128xf32, #tpu.memory_space<vmem_shared>>) offsets(%arg9 : memref<80xi32, #tpu.memory_space<vmem>>) semaphore(%run_scoped3A : memref<!tpu.dma_semaphore, #tpu.memory_space<semaphore_mem>>) {add = true}
        %dma_wait3A_90 = arith.constant 0 : i32
        %dma_wait3A_91 = arith.constant 0 : i32
        %dma_wait3A_92 = tpu.memref_slice %arg12[%dma_wait3A_90, %dma_wait3A_91] : memref<10008x128xf32, #tpu.memory_space<vmem_shared>> -> memref<10008x128xf32, #tpu.memory_space<vmem_shared>>
        tpu.wait_indirect_dma semaphore(%run_scoped3A : memref<!tpu.dma_semaphore, #tpu.memory_space<semaphore_mem>>) src(%arg10 : memref<80x128xf32, #tpu.memory_space<vmem>>) dst(%dma_wait3A_92 : memref<10008x128xf32, #tpu.memory_space<vmem_shared>>)
        tpu.yield
      }) : () -> ()
      %lt3A = arith.constant 61 : i32
      %lt3A_75 = arith.cmpi slt, %scan3A_54, %lt3A : i32
      %convert_element_type3A_76 = arith.extui %lt3A_75 : i1 to i32
      %cond3A_77 = arith.constant 0 : i32
      %cond3A_78 = arith.cmpi ne, %convert_element_type3A_76, %cond3A_77 : i32
      scf.if %cond3A_78 {
        %mul3A_87 = arith.constant 2 : i32
        %mul3A_88 = arith.muli %mul3A_87, %scan3A_54 : i32
        %add3A_89 = arith.constant 2 : i32
        %add3A_90 = arith.addi %mul3A_88, %add3A_89 : i32
        %mul3A_91 = arith.constant 80 : i32
        %mul3A_92 = arith.muli %add3A_90, %mul3A_91 : i32
        %add3A_93 = arith.addi %mul3A_2, %mul3A_92 : i32
        %multiple_of3A_94 = tpu.assume_multiple %add3A_93, 8 : i32
        "tpu.region"() ({
          %run_scoped3A = tpu.sem_alloc : memref<!tpu.dma_semaphore, #tpu.memory_space<semaphore_mem>>
          %dma_start3A_95 = tpu.memref_slice %arg3[%multiple_of3A_94] : memref<320000xi32, #tpu.memory_space<hbm>> -> memref<80xi32, #tpu.memory_space<hbm>>
          %dma_start3A_96 = tpu.memref_slice %arg3[%multiple_of3A_94] : memref<320000xi32, #tpu.memory_space<hbm>> -> memref<80xi32, #tpu.memory_space<hbm>>
          tpu.enqueue_dma source(%dma_start3A_96 : memref<80xi32, #tpu.memory_space<hbm>>) target(%arg7 : memref<80xi32, #tpu.memory_space<vmem>>) target_semaphore(%run_scoped3A : memref<!tpu.dma_semaphore, #tpu.memory_space<semaphore_mem>>)
          %dma_wait3A_97 = tpu.memref_slice %arg3[%multiple_of3A_94] : memref<320000xi32, #tpu.memory_space<hbm>> -> memref<80xi32, #tpu.memory_space<hbm>>
          %dma_wait3A_98 = tpu.memref_slice %arg3[%multiple_of3A_94] : memref<320000xi32, #tpu.memory_space<hbm>> -> memref<80xi32, #tpu.memory_space<hbm>>
          tpu.wait_dma2 semaphore(%run_scoped3A : memref<!tpu.dma_semaphore, #tpu.memory_space<semaphore_mem>>) src(%dma_wait3A_98 : memref<80xi32, #tpu.memory_space<hbm>>) dst(%arg7 : memref<80xi32, #tpu.memory_space<vmem>>)
          tpu.yield
        }) : () -> ()
      } else {
      }
      %dma_wait3A_79 = arith.constant 0 : i32
      %dma_wait3A_80 = arith.constant 0 : i32
      %dma_wait3A_81 = tpu.memref_slice %arg2[%dma_wait3A_79, %dma_wait3A_80] : memref<10000x128xf32, #tpu.memory_space<hbm>> -> memref<10000x128xf32, #tpu.memory_space<hbm>>
      tpu.wait_indirect_dma semaphore(%arg14 : memref<!tpu.dma_semaphore, #tpu.memory_space<semaphore_mem>>) src(%dma_wait3A_81 : memref<10000x128xf32, #tpu.memory_space<hbm>>) dst(%arg11 : memref<80x128xf32, #tpu.memory_space<vmem>>)
      %lt3A_82 = arith.constant 61 : i32
      %lt3A_83 = arith.cmpi slt, %scan3A_54, %lt3A_82 : i32
      %convert_element_type3A_84 = arith.extui %lt3A_83 : i1 to i32
      %cond3A_85 = arith.constant 0 : i32
      %cond3A_86 = arith.cmpi ne, %convert_element_type3A_84, %cond3A_85 : i32
      scf.if %cond3A_86 {
        %dma_start3A_87 = arith.constant 0 : i32
        %dma_start3A_88 = arith.constant 0 : i32
        %dma_start3A_89 = tpu.memref_slice %arg2[%dma_start3A_87, %dma_start3A_88] : memref<10000x128xf32, #tpu.memory_space<hbm>> -> memref<10000x128xf32, #tpu.memory_space<hbm>>
        tpu.enqueue_indirect_dma source(%dma_start3A_89 : memref<10000x128xf32, #tpu.memory_space<hbm>>) target(%arg10 : memref<80x128xf32, #tpu.memory_space<vmem>>) offsets(%arg7 : memref<80xi32, #tpu.memory_space<vmem>>) semaphore(%arg13 : memref<!tpu.dma_semaphore, #tpu.memory_space<semaphore_mem>>)
      } else {
      }
      "tpu.region"() ({
        %run_scoped3A = tpu.sem_alloc : memref<!tpu.dma_semaphore, #tpu.memory_space<semaphore_mem>>
        %dma_start3A_87 = tpu.memref_slice %arg4[%multiple_of3A_62] : memref<320000xi32, #tpu.memory_space<hbm>> -> memref<80xi32, #tpu.memory_space<hbm>>
        %dma_start3A_88 = tpu.memref_slice %arg4[%multiple_of3A_62] : memref<320000xi32, #tpu.memory_space<hbm>> -> memref<80xi32, #tpu.memory_space<hbm>>
        tpu.enqueue_dma source(%dma_start3A_88 : memref<80xi32, #tpu.memory_space<hbm>>) target(%arg9 : memref<80xi32, #tpu.memory_space<vmem>>) target_semaphore(%run_scoped3A : memref<!tpu.dma_semaphore, #tpu.memory_space<semaphore_mem>>)
        %dma_wait3A_89 = tpu.memref_slice %arg4[%multiple_of3A_62] : memref<320000xi32, #tpu.memory_space<hbm>> -> memref<80xi32, #tpu.memory_space<hbm>>
        %dma_wait3A_90 = tpu.memref_slice %arg4[%multiple_of3A_62] : memref<320000xi32, #tpu.memory_space<hbm>> -> memref<80xi32, #tpu.memory_space<hbm>>
        tpu.wait_dma2 semaphore(%run_scoped3A : memref<!tpu.dma_semaphore, #tpu.memory_space<semaphore_mem>>) src(%dma_wait3A_90 : memref<80xi32, #tpu.memory_space<hbm>>) dst(%arg9 : memref<80xi32, #tpu.memory_space<vmem>>)
        tpu.yield
      }) : () -> ()
      "tpu.region"() ({
        %run_scoped3A = tpu.sem_alloc : memref<!tpu.dma_semaphore, #tpu.memory_space<semaphore_mem>>
        %dma_start3A_87 = arith.constant 0 : i32
        %dma_start3A_88 = arith.constant 0 : i32
        %dma_start3A_89 = tpu.memref_slice %arg12[%dma_start3A_87, %dma_start3A_88] : memref<10008x128xf32, #tpu.memory_space<vmem_shared>> -> memref<10008x128xf32, #tpu.memory_space<vmem_shared>>
        tpu.enqueue_indirect_dma source(%arg11 : memref<80x128xf32, #tpu.memory_space<vmem>>) target(%dma_start3A_89 : memref<10008x128xf32, #tpu.memory_space<vmem_shared>>) offsets(%arg9 : memref<80xi32, #tpu.memory_space<vmem>>) semaphore(%run_scoped3A : memref<!tpu.dma_semaphore, #tpu.memory_space<semaphore_mem>>) {add = true}
        %dma_wait3A_90 = arith.constant 0 : i32
        %dma_wait3A_91 = arith.constant 0 : i32
        %dma_wait3A_92 = tpu.memref_slice %arg12[%dma_wait3A_90, %dma_wait3A_91] : memref<10008x128xf32, #tpu.memory_space<vmem_shared>> -> memref<10008x128xf32, #tpu.memory_space<vmem_shared>>
        tpu.wait_indirect_dma semaphore(%run_scoped3A : memref<!tpu.dma_semaphore, #tpu.memory_space<semaphore_mem>>) src(%arg11 : memref<80x128xf32, #tpu.memory_space<vmem>>) dst(%dma_wait3A_92 : memref<10008x128xf32, #tpu.memory_space<vmem_shared>>)
        tpu.yield
      }) : () -> ()
    }
    %scan3A_22 = arith.constant 62 : i32
    %add3A_23 = arith.constant 9920 : i32
    %add3A_24 = arith.addi %mul3A_2, %add3A_23 : i32
    %multiple_of3A_25 = tpu.assume_multiple %add3A_24, 8 : i32
    "tpu.region"() ({
      %run_scoped3A = tpu.sem_alloc : memref<!tpu.dma_semaphore, #tpu.memory_space<semaphore_mem>>
      %dma_start3A_54 = tpu.memref_slice %arg3[%multiple_of3A_25] : memref<320000xi32, #tpu.memory_space<hbm>> -> memref<80xi32, #tpu.memory_space<hbm>>
      %dma_start3A_55 = tpu.memref_slice %arg3[%multiple_of3A_25] : memref<320000xi32, #tpu.memory_space<hbm>> -> memref<80xi32, #tpu.memory_space<hbm>>
      tpu.enqueue_dma source(%dma_start3A_55 : memref<80xi32, #tpu.memory_space<hbm>>) target(%arg7 : memref<80xi32, #tpu.memory_space<vmem>>) target_semaphore(%run_scoped3A : memref<!tpu.dma_semaphore, #tpu.memory_space<semaphore_mem>>)
      %dma_wait3A_56 = tpu.memref_slice %arg3[%multiple_of3A_25] : memref<320000xi32, #tpu.memory_space<hbm>> -> memref<80xi32, #tpu.memory_space<hbm>>
      %dma_wait3A_57 = tpu.memref_slice %arg3[%multiple_of3A_25] : memref<320000xi32, #tpu.memory_space<hbm>> -> memref<80xi32, #tpu.memory_space<hbm>>
      tpu.wait_dma2 semaphore(%run_scoped3A : memref<!tpu.dma_semaphore, #tpu.memory_space<semaphore_mem>>) src(%dma_wait3A_57 : memref<80xi32, #tpu.memory_space<hbm>>) dst(%arg7 : memref<80xi32, #tpu.memory_space<vmem>>)
      tpu.yield
    }) : () -> ()
    %dma_start3A_26 = arith.constant 0 : i32
    %dma_start3A_27 = arith.constant 0 : i32
    %dma_start3A_28 = tpu.memref_slice %arg2[%dma_start3A_26, %dma_start3A_27] : memref<10000x128xf32, #tpu.memory_space<hbm>> -> memref<10000x128xf32, #tpu.memory_space<hbm>>
    tpu.enqueue_indirect_dma source(%dma_start3A_28 : memref<10000x128xf32, #tpu.memory_space<hbm>>) target(%arg10 : memref<80x128xf32, #tpu.memory_space<vmem>>) offsets(%arg7 : memref<80xi32, #tpu.memory_space<vmem>>) semaphore(%arg13 : memref<!tpu.dma_semaphore, #tpu.memory_space<semaphore_mem>>)
    %dma_wait3A = arith.constant 0 : i32
    %dma_wait3A_29 = arith.constant 0 : i32
    %dma_wait3A_30 = tpu.memref_slice %arg2[%dma_wait3A, %dma_wait3A_29] : memref<10000x128xf32, #tpu.memory_space<hbm>> -> memref<10000x128xf32, #tpu.memory_space<hbm>>
    tpu.wait_indirect_dma semaphore(%arg13 : memref<!tpu.dma_semaphore, #tpu.memory_space<semaphore_mem>>) src(%dma_wait3A_30 : memref<10000x128xf32, #tpu.memory_space<hbm>>) dst(%arg10 : memref<80x128xf32, #tpu.memory_space<vmem>>)
    "tpu.region"() ({
      %run_scoped3A = tpu.sem_alloc : memref<!tpu.dma_semaphore, #tpu.memory_space<semaphore_mem>>
      %dma_start3A_54 = tpu.memref_slice %arg4[%multiple_of3A_25] : memref<320000xi32, #tpu.memory_space<hbm>> -> memref<80xi32, #tpu.memory_space<hbm>>
      %dma_start3A_55 = tpu.memref_slice %arg4[%multiple_of3A_25] : memref<320000xi32, #tpu.memory_space<hbm>> -> memref<80xi32, #tpu.memory_space<hbm>>
      tpu.enqueue_dma source(%dma_start3A_55 : memref<80xi32, #tpu.memory_space<hbm>>) target(%arg9 : memref<80xi32, #tpu.memory_space<vmem>>) target_semaphore(%run_scoped3A : memref<!tpu.dma_semaphore, #tpu.memory_space<semaphore_mem>>)
      %dma_wait3A_56 = tpu.memref_slice %arg4[%multiple_of3A_25] : memref<320000xi32, #tpu.memory_space<hbm>> -> memref<80xi32, #tpu.memory_space<hbm>>
      %dma_wait3A_57 = tpu.memref_slice %arg4[%multiple_of3A_25] : memref<320000xi32, #tpu.memory_space<hbm>> -> memref<80xi32, #tpu.memory_space<hbm>>
      tpu.wait_dma2 semaphore(%run_scoped3A : memref<!tpu.dma_semaphore, #tpu.memory_space<semaphore_mem>>) src(%dma_wait3A_57 : memref<80xi32, #tpu.memory_space<hbm>>) dst(%arg9 : memref<80xi32, #tpu.memory_space<vmem>>)
      tpu.yield
    }) : () -> ()
    "tpu.region"() ({
      %run_scoped3A = tpu.sem_alloc : memref<!tpu.dma_semaphore, #tpu.memory_space<semaphore_mem>>
      %dma_start3A_54 = arith.constant 0 : i32
      %dma_start3A_55 = arith.constant 0 : i32
      %dma_start3A_56 = tpu.memref_slice %arg12[%dma_start3A_54, %dma_start3A_55] : memref<10008x128xf32, #tpu.memory_space<vmem_shared>> -> memref<10008x128xf32, #tpu.memory_space<vmem_shared>>
      tpu.enqueue_indirect_dma source(%arg10 : memref<80x128xf32, #tpu.memory_space<vmem>>) target(%dma_start3A_56 : memref<10008x128xf32, #tpu.memory_space<vmem_shared>>) offsets(%arg9 : memref<80xi32, #tpu.memory_space<vmem>>) semaphore(%run_scoped3A : memref<!tpu.dma_semaphore, #tpu.memory_space<semaphore_mem>>) {add = true}
      %dma_wait3A_57 = arith.constant 0 : i32
      %dma_wait3A_58 = arith.constant 0 : i32
      %dma_wait3A_59 = tpu.memref_slice %arg12[%dma_wait3A_57, %dma_wait3A_58] : memref<10008x128xf32, #tpu.memory_space<vmem_shared>> -> memref<10008x128xf32, #tpu.memory_space<vmem_shared>>
      tpu.wait_indirect_dma semaphore(%run_scoped3A : memref<!tpu.dma_semaphore, #tpu.memory_space<semaphore_mem>>) src(%arg10 : memref<80x128xf32, #tpu.memory_space<vmem>>) dst(%dma_wait3A_59 : memref<10008x128xf32, #tpu.memory_space<vmem_shared>>)
      tpu.yield
    }) : () -> ()
    %barrier3A_31 = arith.constant 0 : index
    tpu.barrier barrier_id(%barrier3A_31)
    %mul3A_32 = arith.constant 624 : i32
    %mul3A_33 = arith.muli %arg1, %mul3A_32 : i32
    %mul3A_34 = arith.constant 10000 : i32
    %mul3A_35 = arith.muli %arg0, %mul3A_34 : i32
    %add3A_36 = arith.addi %mul3A_35, %mul3A_33 : i32
    %scan3A_37 = arith.constant 0 : i32
    %scan3A_38 = arith.constant 0 : i32
    %scan3A_39 = arith.constant 7 : i32
    %scan3A_40 = arith.addi %scan3A_38, %scan3A_39 : i32
    %scan3A_41 = arith.constant 1 : i32
    scf.for %scan3A_54 = %scan3A_38 to %scan3A_40 step %scan3A_41  : i32 {
      %mul3A_55 = arith.constant 80 : i32
      %mul3A_56 = arith.muli %scan3A_54, %mul3A_55 : i32
      %add3A_57 = arith.addi %mul3A_33, %mul3A_56 : i32
      %multiple_of3A_58 = tpu.assume_multiple %add3A_57, 8 : i32
      %mul3A_59 = arith.constant 80 : i32
      %mul3A_60 = arith.muli %scan3A_54, %mul3A_59 : i32
      %add3A_61 = arith.addi %add3A_36, %mul3A_60 : i32
      %multiple_of3A_62 = tpu.assume_multiple %add3A_61, 8 : i32
      "tpu.region"() ({
        %run_scoped3A = tpu.sem_alloc : memref<!tpu.dma_semaphore, #tpu.memory_space<semaphore_mem>>
        %dma_start3A_63 = arith.constant 0 : i32
        %dma_start3A_64 = tpu.memref_slice %arg12[%multiple_of3A_58, %dma_start3A_63] : memref<10008x128xf32, #tpu.memory_space<vmem_shared>> -> memref<80x128xf32, #tpu.memory_space<vmem_shared>>
        %dma_start3A_65 = arith.constant 0 : i32
        %dma_start3A_66 = tpu.memref_slice %arg12[%multiple_of3A_58, %dma_start3A_65] : memref<10008x128xf32, #tpu.memory_space<vmem_shared>> -> memref<80x128xf32, #tpu.memory_space<vmem_shared>>
        tpu.enqueue_dma source(%dma_start3A_66 : memref<80x128xf32, #tpu.memory_space<vmem_shared>>) target(%arg10 : memref<80x128xf32, #tpu.memory_space<vmem>>) target_semaphore(%run_scoped3A : memref<!tpu.dma_semaphore, #tpu.memory_space<semaphore_mem>>)
        %dma_wait3A_67 = arith.constant 0 : i32
        %dma_wait3A_68 = tpu.memref_slice %arg12[%multiple_of3A_58, %dma_wait3A_67] : memref<10008x128xf32, #tpu.memory_space<vmem_shared>> -> memref<80x128xf32, #tpu.memory_space<vmem_shared>>
        %dma_wait3A_69 = arith.constant 0 : i32
        %dma_wait3A_70 = tpu.memref_slice %arg12[%multiple_of3A_58, %dma_wait3A_69] : memref<10008x128xf32, #tpu.memory_space<vmem_shared>> -> memref<80x128xf32, #tpu.memory_space<vmem_shared>>
        tpu.wait_dma2 semaphore(%run_scoped3A : memref<!tpu.dma_semaphore, #tpu.memory_space<semaphore_mem>>) src(%dma_wait3A_70 : memref<80x128xf32, #tpu.memory_space<vmem_shared>>) dst(%arg10 : memref<80x128xf32, #tpu.memory_space<vmem>>)
        tpu.yield
      }) : () -> ()
      "tpu.region"() ({
        %run_scoped3A = tpu.sem_alloc : memref<!tpu.dma_semaphore, #tpu.memory_space<semaphore_mem>>
        %dma_start3A_63 = arith.constant 0 : i32
        %dma_start3A_64 = tpu.memref_slice %arg6[%multiple_of3A_62, %dma_start3A_63] : memref<20000x128xf32, #tpu.memory_space<hbm>> -> memref<80x128xf32, #tpu.memory_space<hbm>>
        %dma_start3A_65 = arith.constant 0 : i32
        %dma_start3A_66 = tpu.memref_slice %arg6[%multiple_of3A_62, %dma_start3A_65] : memref<20000x128xf32, #tpu.memory_space<hbm>> -> memref<80x128xf32, #tpu.memory_space<hbm>>
        tpu.enqueue_dma source(%arg10 : memref<80x128xf32, #tpu.memory_space<vmem>>) target(%dma_start3A_66 : memref<80x128xf32, #tpu.memory_space<hbm>>) target_semaphore(%run_scoped3A : memref<!tpu.dma_semaphore, #tpu.memory_space<semaphore_mem>>)
        %dma_wait3A_67 = arith.constant 0 : i32
        %dma_wait3A_68 = tpu.memref_slice %arg6[%multiple_of3A_62, %dma_wait3A_67] : memref<20000x128xf32, #tpu.memory_space<hbm>> -> memref<80x128xf32, #tpu.memory_space<hbm>>
        %dma_wait3A_69 = arith.constant 0 : i32
        %dma_wait3A_70 = tpu.memref_slice %arg6[%multiple_of3A_62, %dma_wait3A_69] : memref<20000x128xf32, #tpu.memory_space<hbm>> -> memref<80x128xf32, #tpu.memory_space<hbm>>
        tpu.wait_dma2 semaphore(%run_scoped3A : memref<!tpu.dma_semaphore, #tpu.memory_space<semaphore_mem>>) src(%arg10 : memref<80x128xf32, #tpu.memory_space<vmem>>) dst(%dma_wait3A_70 : memref<80x128xf32, #tpu.memory_space<hbm>>)
        tpu.yield
      }) : () -> ()
    }
    %scan3A_42 = arith.constant 7 : i32
    %add3A_43 = arith.constant 560 : i32
    %add3A_44 = arith.addi %mul3A_33, %add3A_43 : i32
    %multiple_of3A_45 = tpu.assume_multiple %add3A_44, 8 : i32
    "tpu.region"() ({
      %run_scoped3A = tpu.sem_alloc : memref<!tpu.dma_semaphore, #tpu.memory_space<semaphore_mem>>
      %dma_start3A_54 = arith.constant 0 : i32
      %dma_start3A_55 = arith.constant 0 : i32
      %dma_start3A_56 = tpu.memref_slice %arg10[%dma_start3A_54, %dma_start3A_55] : memref<80x128xf32, #tpu.memory_space<vmem>> -> memref<64x128xf32, #tpu.memory_space<vmem>>
      %dma_start3A_57 = arith.constant 0 : i32
      %dma_start3A_58 = tpu.memref_slice %arg12[%multiple_of3A_45, %dma_start3A_57] : memref<10008x128xf32, #tpu.memory_space<vmem_shared>> -> memref<64x128xf32, #tpu.memory_space<vmem_shared>>
      %dma_start3A_59 = arith.constant 0 : i32
      %dma_start3A_60 = arith.constant 0 : i32
      %dma_start3A_61 = tpu.memref_slice %arg10[%dma_start3A_59, %dma_start3A_60] : memref<80x128xf32, #tpu.memory_space<vmem>> -> memref<64x128xf32, #tpu.memory_space<vmem>>
      %dma_start3A_62 = arith.constant 0 : i32
      %dma_start3A_63 = tpu.memref_slice %arg12[%multiple_of3A_45, %dma_start3A_62] : memref<10008x128xf32, #tpu.memory_space<vmem_shared>> -> memref<64x128xf32, #tpu.memory_space<vmem_shared>>
      tpu.enqueue_dma source(%dma_start3A_63 : memref<64x128xf32, #tpu.memory_space<vmem_shared>>) target(%dma_start3A_61 : memref<64x128xf32, #tpu.memory_space<vmem>>) target_semaphore(%run_scoped3A : memref<!tpu.dma_semaphore, #tpu.memory_space<semaphore_mem>>)
      %dma_wait3A_64 = arith.constant 0 : i32
      %dma_wait3A_65 = arith.constant 0 : i32
      %dma_wait3A_66 = tpu.memref_slice %arg10[%dma_wait3A_64, %dma_wait3A_65] : memref<80x128xf32, #tpu.memory_space<vmem>> -> memref<64x128xf32, #tpu.memory_space<vmem>>
      %dma_wait3A_67 = arith.constant 0 : i32
      %dma_wait3A_68 = tpu.memref_slice %arg12[%multiple_of3A_45, %dma_wait3A_67] : memref<10008x128xf32, #tpu.memory_space<vmem_shared>> -> memref<64x128xf32, #tpu.memory_space<vmem_shared>>
      %dma_wait3A_69 = arith.constant 0 : i32
      %dma_wait3A_70 = arith.constant 0 : i32
      %dma_wait3A_71 = tpu.memref_slice %arg10[%dma_wait3A_69, %dma_wait3A_70] : memref<80x128xf32, #tpu.memory_space<vmem>> -> memref<64x128xf32, #tpu.memory_space<vmem>>
      %dma_wait3A_72 = arith.constant 0 : i32
      %dma_wait3A_73 = tpu.memref_slice %arg12[%multiple_of3A_45, %dma_wait3A_72] : memref<10008x128xf32, #tpu.memory_space<vmem_shared>> -> memref<64x128xf32, #tpu.memory_space<vmem_shared>>
      tpu.wait_dma2 semaphore(%run_scoped3A : memref<!tpu.dma_semaphore, #tpu.memory_space<semaphore_mem>>) src(%dma_wait3A_73 : memref<64x128xf32, #tpu.memory_space<vmem_shared>>) dst(%dma_wait3A_71 : memref<64x128xf32, #tpu.memory_space<vmem>>)
      tpu.yield
    }) : () -> ()
    %add3A_46 = arith.constant 560 : i32
    %add3A_47 = arith.addi %add3A_36, %add3A_46 : i32
    %multiple_of3A_48 = tpu.assume_multiple %add3A_47, 8 : i32
    "tpu.region"() ({
      %run_scoped3A = tpu.sem_alloc : memref<!tpu.dma_semaphore, #tpu.memory_space<semaphore_mem>>
      %dma_start3A_54 = arith.constant 0 : i32
      %dma_start3A_55 = arith.constant 0 : i32
      %dma_start3A_56 = tpu.memref_slice %arg10[%dma_start3A_54, %dma_start3A_55] : memref<80x128xf32, #tpu.memory_space<vmem>> -> memref<64x128xf32, #tpu.memory_space<vmem>>
      %dma_start3A_57 = arith.constant 0 : i32
      %dma_start3A_58 = tpu.memref_slice %arg6[%multiple_of3A_48, %dma_start3A_57] : memref<20000x128xf32, #tpu.memory_space<hbm>> -> memref<64x128xf32, #tpu.memory_space<hbm>>
      %dma_start3A_59 = arith.constant 0 : i32
      %dma_start3A_60 = tpu.memref_slice %arg6[%multiple_of3A_48, %dma_start3A_59] : memref<20000x128xf32, #tpu.memory_space<hbm>> -> memref<64x128xf32, #tpu.memory_space<hbm>>
      %dma_start3A_61 = arith.constant 0 : i32
      %dma_start3A_62 = arith.constant 0 : i32
      %dma_start3A_63 = tpu.memref_slice %arg10[%dma_start3A_61, %dma_start3A_62] : memref<80x128xf32, #tpu.memory_space<vmem>> -> memref<64x128xf32, #tpu.memory_space<vmem>>
      tpu.enqueue_dma source(%dma_start3A_63 : memref<64x128xf32, #tpu.memory_space<vmem>>) target(%dma_start3A_60 : memref<64x128xf32, #tpu.memory_space<hbm>>) target_semaphore(%run_scoped3A : memref<!tpu.dma_semaphore, #tpu.memory_space<semaphore_mem>>)
      %dma_wait3A_64 = arith.constant 0 : i32
      %dma_wait3A_65 = arith.constant 0 : i32
      %dma_wait3A_66 = tpu.memref_slice %arg10[%dma_wait3A_64, %dma_wait3A_65] : memref<80x128xf32, #tpu.memory_space<vmem>> -> memref<64x128xf32, #tpu.memory_space<vmem>>
      %dma_wait3A_67 = arith.constant 0 : i32
      %dma_wait3A_68 = tpu.memref_slice %arg6[%multiple_of3A_48, %dma_wait3A_67] : memref<20000x128xf32, #tpu.memory_space<hbm>> -> memref<64x128xf32, #tpu.memory_space<hbm>>
      %dma_wait3A_69 = arith.constant 0 : i32
      %dma_wait3A_70 = tpu.memref_slice %arg6[%multiple_of3A_48, %dma_wait3A_69] : memref<20000x128xf32, #tpu.memory_space<hbm>> -> memref<64x128xf32, #tpu.memory_space<hbm>>
      %dma_wait3A_71 = arith.constant 0 : i32
      %dma_wait3A_72 = arith.constant 0 : i32
      %dma_wait3A_73 = tpu.memref_slice %arg10[%dma_wait3A_71, %dma_wait3A_72] : memref<80x128xf32, #tpu.memory_space<vmem>> -> memref<64x128xf32, #tpu.memory_space<vmem>>
      tpu.wait_dma2 semaphore(%run_scoped3A : memref<!tpu.dma_semaphore, #tpu.memory_space<semaphore_mem>>) src(%dma_wait3A_73 : memref<64x128xf32, #tpu.memory_space<vmem>>) dst(%dma_wait3A_70 : memref<64x128xf32, #tpu.memory_space<hbm>>)
      tpu.yield
    }) : () -> ()
    %eq3A_49 = arith.constant 15 : i32
    %eq3A_50 = arith.cmpi eq, %arg1, %eq3A_49 : i32
    %convert_element_type3A_51 = arith.extui %eq3A_50 : i1 to i32
    %cond3A_52 = arith.constant 0 : i32
    %cond3A_53 = arith.cmpi ne, %convert_element_type3A_51, %cond3A_52 : i32
    scf.if %cond3A_53 {
      "tpu.region"() ({
        %run_scoped3A = tpu.sem_alloc : memref<!tpu.dma_semaphore, #tpu.memory_space<semaphore_mem>>
        %dma_start3A_59 = arith.constant 0 : i32
        %dma_start3A_60 = arith.constant 0 : i32
        %dma_start3A_61 = tpu.memref_slice %arg10[%dma_start3A_59, %dma_start3A_60] : memref<80x128xf32, #tpu.memory_space<vmem>> -> memref<16x128xf32, #tpu.memory_space<vmem>>
        %dma_start3A_62 = arith.constant 9984 : i32
        %dma_start3A_63 = arith.constant 0 : i32
        %dma_start3A_64 = tpu.memref_slice %arg12[%dma_start3A_62, %dma_start3A_63] : memref<10008x128xf32, #tpu.memory_space<vmem_shared>> -> memref<16x128xf32, #tpu.memory_space<vmem_shared>>
        %dma_start3A_65 = arith.constant 0 : i32
        %dma_start3A_66 = arith.constant 0 : i32
        %dma_start3A_67 = tpu.memref_slice %arg10[%dma_start3A_65, %dma_start3A_66] : memref<80x128xf32, #tpu.memory_space<vmem>> -> memref<16x128xf32, #tpu.memory_space<vmem>>
        %dma_start3A_68 = arith.constant 9984 : i32
        %dma_start3A_69 = arith.constant 0 : i32
        %dma_start3A_70 = tpu.memref_slice %arg12[%dma_start3A_68, %dma_start3A_69] : memref<10008x128xf32, #tpu.memory_space<vmem_shared>> -> memref<16x128xf32, #tpu.memory_space<vmem_shared>>
        tpu.enqueue_dma source(%dma_start3A_70 : memref<16x128xf32, #tpu.memory_space<vmem_shared>>) target(%dma_start3A_67 : memref<16x128xf32, #tpu.memory_space<vmem>>) target_semaphore(%run_scoped3A : memref<!tpu.dma_semaphore, #tpu.memory_space<semaphore_mem>>)
        %dma_wait3A_71 = arith.constant 0 : i32
        %dma_wait3A_72 = arith.constant 0 : i32
        %dma_wait3A_73 = tpu.memref_slice %arg10[%dma_wait3A_71, %dma_wait3A_72] : memref<80x128xf32, #tpu.memory_space<vmem>> -> memref<16x128xf32, #tpu.memory_space<vmem>>
        %dma_wait3A_74 = arith.constant 9984 : i32
        %dma_wait3A_75 = arith.constant 0 : i32
        %dma_wait3A_76 = tpu.memref_slice %arg12[%dma_wait3A_74, %dma_wait3A_75] : memref<10008x128xf32, #tpu.memory_space<vmem_shared>> -> memref<16x128xf32, #tpu.memory_space<vmem_shared>>
        %dma_wait3A_77 = arith.constant 0 : i32
        %dma_wait3A_78 = arith.constant 0 : i32
        %dma_wait3A_79 = tpu.memref_slice %arg10[%dma_wait3A_77, %dma_wait3A_78] : memref<80x128xf32, #tpu.memory_space<vmem>> -> memref<16x128xf32, #tpu.memory_space<vmem>>
        %dma_wait3A_80 = arith.constant 9984 : i32
        %dma_wait3A_81 = arith.constant 0 : i32
        %dma_wait3A_82 = tpu.memref_slice %arg12[%dma_wait3A_80, %dma_wait3A_81] : memref<10008x128xf32, #tpu.memory_space<vmem_shared>> -> memref<16x128xf32, #tpu.memory_space<vmem_shared>>
        tpu.wait_dma2 semaphore(%run_scoped3A : memref<!tpu.dma_semaphore, #tpu.memory_space<semaphore_mem>>) src(%dma_wait3A_82 : memref<16x128xf32, #tpu.memory_space<vmem_shared>>) dst(%dma_wait3A_79 : memref<16x128xf32, #tpu.memory_space<vmem>>)
        tpu.yield
      }) : () -> ()
      %mul3A_54 = arith.constant 10000 : i32
      %mul3A_55 = arith.muli %arg0, %mul3A_54 : i32
      %add3A_56 = arith.constant 9984 : i32
      %add3A_57 = arith.addi %mul3A_55, %add3A_56 : i32
      %multiple_of3A_58 = tpu.assume_multiple %add3A_57, 8 : i32
      "tpu.region"() ({
        %run_scoped3A = tpu.sem_alloc : memref<!tpu.dma_semaphore, #tpu.memory_space<semaphore_mem>>
        %dma_start3A_59 = arith.constant 0 : i32
        %dma_start3A_60 = arith.constant 0 : i32
        %dma_start3A_61 = tpu.memref_slice %arg10[%dma_start3A_59, %dma_start3A_60] : memref<80x128xf32, #tpu.memory_space<vmem>> -> memref<16x128xf32, #tpu.memory_space<vmem>>
        %dma_start3A_62 = arith.constant 0 : i32
        %dma_start3A_63 = tpu.memref_slice %arg6[%multiple_of3A_58, %dma_start3A_62] : memref<20000x128xf32, #tpu.memory_space<hbm>> -> memref<16x128xf32, #tpu.memory_space<hbm>>
        %dma_start3A_64 = arith.constant 0 : i32
        %dma_start3A_65 = tpu.memref_slice %arg6[%multiple_of3A_58, %dma_start3A_64] : memref<20000x128xf32, #tpu.memory_space<hbm>> -> memref<16x128xf32, #tpu.memory_space<hbm>>
        %dma_start3A_66 = arith.constant 0 : i32
        %dma_start3A_67 = arith.constant 0 : i32
        %dma_start3A_68 = tpu.memref_slice %arg10[%dma_start3A_66, %dma_start3A_67] : memref<80x128xf32, #tpu.memory_space<vmem>> -> memref<16x128xf32, #tpu.memory_space<vmem>>
        tpu.enqueue_dma source(%dma_start3A_68 : memref<16x128xf32, #tpu.memory_space<vmem>>) target(%dma_start3A_65 : memref<16x128xf32, #tpu.memory_space<hbm>>) target_semaphore(%run_scoped3A : memref<!tpu.dma_semaphore, #tpu.memory_space<semaphore_mem>>)
        %dma_wait3A_69 = arith.constant 0 : i32
        %dma_wait3A_70 = arith.constant 0 : i32
        %dma_wait3A_71 = tpu.memref_slice %arg10[%dma_wait3A_69, %dma_wait3A_70] : memref<80x128xf32, #tpu.memory_space<vmem>> -> memref<16x128xf32, #tpu.memory_space<vmem>>
        %dma_wait3A_72 = arith.constant 0 : i32
        %dma_wait3A_73 = tpu.memref_slice %arg6[%multiple_of3A_58, %dma_wait3A_72] : memref<20000x128xf32, #tpu.memory_space<hbm>> -> memref<16x128xf32, #tpu.memory_space<hbm>>
        %dma_wait3A_74 = arith.constant 0 : i32
        %dma_wait3A_75 = tpu.memref_slice %arg6[%multiple_of3A_58, %dma_wait3A_74] : memref<20000x128xf32, #tpu.memory_space<hbm>> -> memref<16x128xf32, #tpu.memory_space<hbm>>
        %dma_wait3A_76 = arith.constant 0 : i32
        %dma_wait3A_77 = arith.constant 0 : i32
        %dma_wait3A_78 = tpu.memref_slice %arg10[%dma_wait3A_76, %dma_wait3A_77] : memref<80x128xf32, #tpu.memory_space<vmem>> -> memref<16x128xf32, #tpu.memory_space<vmem>>
        tpu.wait_dma2 semaphore(%run_scoped3A : memref<!tpu.dma_semaphore, #tpu.memory_space<semaphore_mem>>) src(%dma_wait3A_78 : memref<16x128xf32, #tpu.memory_space<vmem>>) dst(%dma_wait3A_75 : memref<16x128xf32, #tpu.memory_space<hbm>>)
        tpu.yield
      }) : () -> ()
    } else {
    }
    return
  }
}

#map = affine_map<(d0, d1) -> (0, 0)>
#map1 = affine_map<(d0, d1) -> (0)>
module attributes {stable_mosaic.version = 14 : i64} {
  func.func @agg_kernel(%arg0: i32, %arg1: i32, %arg2: memref<10000x128xf32, #tpu.memory_space<hbm>>, %arg3: memref<320000xi32, #tpu.memory_space<hbm>>, %arg4: memref<320000xi32, #tpu.memory_space<hbm>>, %arg5: memref<128x128xf32, #tpu.memory_space<hbm>>, %arg6: memref<20000x128xf32, #tpu.memory_space<hbm>>, %arg7: memref<80xi32, #tpu.memory_space<vmem>>, %arg8: memref<80xi32, #tpu.memory_space<vmem>>, %arg9: memref<80xi32, #tpu.memory_space<vmem>>, %arg10: memref<80x128xf32, #tpu.memory_space<vmem>>, %arg11: memref<80x128xf32, #tpu.memory_space<vmem>>, %arg12: memref<10008x128xf32, #tpu.memory_space<vmem_shared>>, %arg13: memref<!tpu.dma_semaphore, #tpu.memory_space<semaphore_mem>>, %arg14: memref<!tpu.dma_semaphore, #tpu.memory_space<semaphore_mem>>) attributes {dimension_semantics = [#tpu.dimension_semantics<core_parallel>, #tpu.dimension_semantics<subcore_parallel>], iteration_bounds = array<i64: 2, 16>, scalar_prefetch = 0 : i64, scratch_operands = 8 : i64, tpu.core_type = #tpu.core_type<sc_vector_subcore>, window_params = [{transform_indices = #map}, {transform_indices = #map1}, {transform_indices = #map1}, {transform_indices = #map}, {transform_indices = #map}]} {
    %mul3A = arith.constant 16 : i32
    %mul3A_0 = arith.muli %arg0, %mul3A : i32
    %add3A = arith.addi %mul3A_0, %arg1 : i32
    %mul3A_1 = arith.constant 10000 : i32
    %mul3A_2 = arith.muli %add3A, %mul3A_1 : i32
    "tpu.region"() ({
      %run_scoped3A = tpu.sem_alloc : memref<!tpu.dma_semaphore, #tpu.memory_space<semaphore_mem>>
      %dma_start3A_54 = arith.constant 0 : i32
      %dma_start3A_55 = arith.constant 0 : i32
      %dma_start3A_56 = tpu.memref_slice %arg5[%dma_start3A_54, %dma_start3A_55] : memref<128x128xf32, #tpu.memory_space<hbm>> -> memref<80x128xf32, #tpu.memory_space<hbm>>
      %dma_start3A_57 = arith.constant 0 : i32
      %dma_start3A_58 = arith.constant 0 : i32
      %dma_start3A_59 = tpu.memref_slice %arg5[%dma_start3A_57, %dma_start3A_58] : memref<128x128xf32, #tpu.memory_space<hbm>> -> memref<80x128xf32, #tpu.memory_space<hbm>>
      tpu.enqueue_dma source(%dma_start3A_59 : memref<80x128xf32, #tpu.memory_space<hbm>>) target(%arg10 : memref<80x128xf32, #tpu.memory_space<vmem>>) target_semaphore(%run_scoped3A : memref<!tpu.dma_semaphore, #tpu.memory_space<semaphore_mem>>)
      %dma_wait3A_60 = arith.constant 0 : i32
      %dma_wait3A_61 = arith.constant 0 : i32
      %dma_wait3A_62 = tpu.memref_slice %arg5[%dma_wait3A_60, %dma_wait3A_61] : memref<128x128xf32, #tpu.memory_space<hbm>> -> memref<80x128xf32, #tpu.memory_space<hbm>>
      %dma_wait3A_63 = arith.constant 0 : i32
      %dma_wait3A_64 = arith.constant 0 : i32
      %dma_wait3A_65 = tpu.memref_slice %arg5[%dma_wait3A_63, %dma_wait3A_64] : memref<128x128xf32, #tpu.memory_space<hbm>> -> memref<80x128xf32, #tpu.memory_space<hbm>>
      tpu.wait_dma2 semaphore(%run_scoped3A : memref<!tpu.dma_semaphore, #tpu.memory_space<semaphore_mem>>) src(%dma_wait3A_65 : memref<80x128xf32, #tpu.memory_space<hbm>>) dst(%arg10 : memref<80x128xf32, #tpu.memory_space<vmem>>)
      tpu.yield
    }) : () -> ()
    %mul3A_3 = arith.constant 624 : i32
    %mul3A_4 = arith.muli %arg1, %mul3A_3 : i32
    %scan3A = arith.constant 0 : i32
    %scan3A_5 = arith.constant 0 : i32
    %scan3A_6 = arith.constant 7 : i32
    %scan3A_7 = arith.addi %scan3A_5, %scan3A_6 : i32
    %scan3A_8 = arith.constant 1 : i32
    scf.for %scan3A_54 = %scan3A_5 to %scan3A_7 step %scan3A_8  : i32 {
      %mul3A_55 = arith.constant 80 : i32
      %mul3A_56 = arith.muli %scan3A_54, %mul3A_55 : i32
      %add3A_57 = arith.addi %mul3A_4, %mul3A_56 : i32
      %multiple_of3A_58 = tpu.assume_multiple %add3A_57, 8 : i32
      "tpu.region"() ({
        %run_scoped3A = tpu.sem_alloc : memref<!tpu.dma_semaphore, #tpu.memory_space<semaphore_mem>>
        %dma_start3A_59 = arith.constant 0 : i32
        %dma_start3A_60 = tpu.memref_slice %arg12[%multiple_of3A_58, %dma_start3A_59] : memref<10008x128xf32, #tpu.memory_space<vmem_shared>> -> memref<80x128xf32, #tpu.memory_space<vmem_shared>>
        %dma_start3A_61 = arith.constant 0 : i32
        %dma_start3A_62 = tpu.memref_slice %arg12[%multiple_of3A_58, %dma_start3A_61] : memref<10008x128xf32, #tpu.memory_space<vmem_shared>> -> memref<80x128xf32, #tpu.memory_space<vmem_shared>>
        tpu.enqueue_dma source(%arg10 : memref<80x128xf32, #tpu.memory_space<vmem>>) target(%dma_start3A_62 : memref<80x128xf32, #tpu.memory_space<vmem_shared>>) target_semaphore(%run_scoped3A : memref<!tpu.dma_semaphore, #tpu.memory_space<semaphore_mem>>)
        %dma_wait3A_63 = arith.constant 0 : i32
        %dma_wait3A_64 = tpu.memref_slice %arg12[%multiple_of3A_58, %dma_wait3A_63] : memref<10008x128xf32, #tpu.memory_space<vmem_shared>> -> memref<80x128xf32, #tpu.memory_space<vmem_shared>>
        %dma_wait3A_65 = arith.constant 0 : i32
        %dma_wait3A_66 = tpu.memref_slice %arg12[%multiple_of3A_58, %dma_wait3A_65] : memref<10008x128xf32, #tpu.memory_space<vmem_shared>> -> memref<80x128xf32, #tpu.memory_space<vmem_shared>>
        tpu.wait_dma2 semaphore(%run_scoped3A : memref<!tpu.dma_semaphore, #tpu.memory_space<semaphore_mem>>) src(%arg10 : memref<80x128xf32, #tpu.memory_space<vmem>>) dst(%dma_wait3A_66 : memref<80x128xf32, #tpu.memory_space<vmem_shared>>)
        tpu.yield
      }) : () -> ()
    }
    %scan3A_9 = arith.constant 7 : i32
    %add3A_10 = arith.constant 560 : i32
    %add3A_11 = arith.addi %mul3A_4, %add3A_10 : i32
    %multiple_of3A = tpu.assume_multiple %add3A_11, 8 : i32
    "tpu.region"() ({
      %run_scoped3A = tpu.sem_alloc : memref<!tpu.dma_semaphore, #tpu.memory_space<semaphore_mem>>
      %dma_start3A_54 = arith.constant 0 : i32
      %dma_start3A_55 = arith.constant 0 : i32
      %dma_start3A_56 = tpu.memref_slice %arg10[%dma_start3A_54, %dma_start3A_55] : memref<80x128xf32, #tpu.memory_space<vmem>> -> memref<64x128xf32, #tpu.memory_space<vmem>>
      %dma_start3A_57 = arith.constant 0 : i32
      %dma_start3A_58 = tpu.memref_slice %arg12[%multiple_of3A, %dma_start3A_57] : memref<10008x128xf32, #tpu.memory_space<vmem_shared>> -> memref<64x128xf32, #tpu.memory_space<vmem_shared>>
      %dma_start3A_59 = arith.constant 0 : i32
      %dma_start3A_60 = tpu.memref_slice %arg12[%multiple_of3A, %dma_start3A_59] : memref<10008x128xf32, #tpu.memory_space<vmem_shared>> -> memref<64x128xf32, #tpu.memory_space<vmem_shared>>
      %dma_start3A_61 = arith.constant 0 : i32
      %dma_start3A_62 = arith.constant 0 : i32
      %dma_start3A_63 = tpu.memref_slice %arg10[%dma_start3A_61, %dma_start3A_62] : memref<80x128xf32, #tpu.memory_space<vmem>> -> memref<64x128xf32, #tpu.memory_space<vmem>>
      tpu.enqueue_dma source(%dma_start3A_63 : memref<64x128xf32, #tpu.memory_space<vmem>>) target(%dma_start3A_60 : memref<64x128xf32, #tpu.memory_space<vmem_shared>>) target_semaphore(%run_scoped3A : memref<!tpu.dma_semaphore, #tpu.memory_space<semaphore_mem>>)
      %dma_wait3A_64 = arith.constant 0 : i32
      %dma_wait3A_65 = arith.constant 0 : i32
      %dma_wait3A_66 = tpu.memref_slice %arg10[%dma_wait3A_64, %dma_wait3A_65] : memref<80x128xf32, #tpu.memory_space<vmem>> -> memref<64x128xf32, #tpu.memory_space<vmem>>
      %dma_wait3A_67 = arith.constant 0 : i32
      %dma_wait3A_68 = tpu.memref_slice %arg12[%multiple_of3A, %dma_wait3A_67] : memref<10008x128xf32, #tpu.memory_space<vmem_shared>> -> memref<64x128xf32, #tpu.memory_space<vmem_shared>>
      %dma_wait3A_69 = arith.constant 0 : i32
      %dma_wait3A_70 = tpu.memref_slice %arg12[%multiple_of3A, %dma_wait3A_69] : memref<10008x128xf32, #tpu.memory_space<vmem_shared>> -> memref<64x128xf32, #tpu.memory_space<vmem_shared>>
      %dma_wait3A_71 = arith.constant 0 : i32
      %dma_wait3A_72 = arith.constant 0 : i32
      %dma_wait3A_73 = tpu.memref_slice %arg10[%dma_wait3A_71, %dma_wait3A_72] : memref<80x128xf32, #tpu.memory_space<vmem>> -> memref<64x128xf32, #tpu.memory_space<vmem>>
      tpu.wait_dma2 semaphore(%run_scoped3A : memref<!tpu.dma_semaphore, #tpu.memory_space<semaphore_mem>>) src(%dma_wait3A_73 : memref<64x128xf32, #tpu.memory_space<vmem>>) dst(%dma_wait3A_70 : memref<64x128xf32, #tpu.memory_space<vmem_shared>>)
      tpu.yield
    }) : () -> ()
    %eq3A = arith.constant 15 : i32
    %eq3A_12 = arith.cmpi eq, %arg1, %eq3A : i32
    %convert_element_type3A = arith.extui %eq3A_12 : i1 to i32
    %cond3A = arith.constant 0 : i32
    %cond3A_13 = arith.cmpi ne, %convert_element_type3A, %cond3A : i32
    scf.if %cond3A_13 {
      "tpu.region"() ({
        %run_scoped3A = tpu.sem_alloc : memref<!tpu.dma_semaphore, #tpu.memory_space<semaphore_mem>>
        %dma_start3A_54 = arith.constant 0 : i32
        %dma_start3A_55 = arith.constant 0 : i32
        %dma_start3A_56 = tpu.memref_slice %arg10[%dma_start3A_54, %dma_start3A_55] : memref<80x128xf32, #tpu.memory_space<vmem>> -> memref<16x128xf32, #tpu.memory_space<vmem>>
        %dma_start3A_57 = arith.constant 9984 : i32
        %dma_start3A_58 = arith.constant 0 : i32
        %dma_start3A_59 = tpu.memref_slice %arg12[%dma_start3A_57, %dma_start3A_58] : memref<10008x128xf32, #tpu.memory_space<vmem_shared>> -> memref<16x128xf32, #tpu.memory_space<vmem_shared>>
        %dma_start3A_60 = arith.constant 9984 : i32
        %dma_start3A_61 = arith.constant 0 : i32
        %dma_start3A_62 = tpu.memref_slice %arg12[%dma_start3A_60, %dma_start3A_61] : memref<10008x128xf32, #tpu.memory_space<vmem_shared>> -> memref<16x128xf32, #tpu.memory_space<vmem_shared>>
        %dma_start3A_63 = arith.constant 0 : i32
        %dma_start3A_64 = arith.constant 0 : i32
        %dma_start3A_65 = tpu.memref_slice %arg10[%dma_start3A_63, %dma_start3A_64] : memref<80x128xf32, #tpu.memory_space<vmem>> -> memref<16x128xf32, #tpu.memory_space<vmem>>
        tpu.enqueue_dma source(%dma_start3A_65 : memref<16x128xf32, #tpu.memory_space<vmem>>) target(%dma_start3A_62 : memref<16x128xf32, #tpu.memory_space<vmem_shared>>) target_semaphore(%run_scoped3A : memref<!tpu.dma_semaphore, #tpu.memory_space<semaphore_mem>>)
        %dma_wait3A_66 = arith.constant 0 : i32
        %dma_wait3A_67 = arith.constant 0 : i32
        %dma_wait3A_68 = tpu.memref_slice %arg10[%dma_wait3A_66, %dma_wait3A_67] : memref<80x128xf32, #tpu.memory_space<vmem>> -> memref<16x128xf32, #tpu.memory_space<vmem>>
        %dma_wait3A_69 = arith.constant 9984 : i32
        %dma_wait3A_70 = arith.constant 0 : i32
        %dma_wait3A_71 = tpu.memref_slice %arg12[%dma_wait3A_69, %dma_wait3A_70] : memref<10008x128xf32, #tpu.memory_space<vmem_shared>> -> memref<16x128xf32, #tpu.memory_space<vmem_shared>>
        %dma_wait3A_72 = arith.constant 9984 : i32
        %dma_wait3A_73 = arith.constant 0 : i32
        %dma_wait3A_74 = tpu.memref_slice %arg12[%dma_wait3A_72, %dma_wait3A_73] : memref<10008x128xf32, #tpu.memory_space<vmem_shared>> -> memref<16x128xf32, #tpu.memory_space<vmem_shared>>
        %dma_wait3A_75 = arith.constant 0 : i32
        %dma_wait3A_76 = arith.constant 0 : i32
        %dma_wait3A_77 = tpu.memref_slice %arg10[%dma_wait3A_75, %dma_wait3A_76] : memref<80x128xf32, #tpu.memory_space<vmem>> -> memref<16x128xf32, #tpu.memory_space<vmem>>
        tpu.wait_dma2 semaphore(%run_scoped3A : memref<!tpu.dma_semaphore, #tpu.memory_space<semaphore_mem>>) src(%dma_wait3A_77 : memref<16x128xf32, #tpu.memory_space<vmem>>) dst(%dma_wait3A_74 : memref<16x128xf32, #tpu.memory_space<vmem_shared>>)
        tpu.yield
      }) : () -> ()
    } else {
    }
    %barrier3A = arith.constant 0 : index
    tpu.barrier barrier_id(%barrier3A)
    %multiple_of3A_14 = tpu.assume_multiple %mul3A_2, 8 : i32
    "tpu.region"() ({
      %run_scoped3A = tpu.sem_alloc : memref<!tpu.dma_semaphore, #tpu.memory_space<semaphore_mem>>
      %dma_start3A_54 = tpu.memref_slice %arg3[%multiple_of3A_14] : memref<320000xi32, #tpu.memory_space<hbm>> -> memref<80xi32, #tpu.memory_space<hbm>>
      %dma_start3A_55 = tpu.memref_slice %arg3[%multiple_of3A_14] : memref<320000xi32, #tpu.memory_space<hbm>> -> memref<80xi32, #tpu.memory_space<hbm>>
      tpu.enqueue_dma source(%dma_start3A_55 : memref<80xi32, #tpu.memory_space<hbm>>) target(%arg7 : memref<80xi32, #tpu.memory_space<vmem>>) target_semaphore(%run_scoped3A : memref<!tpu.dma_semaphore, #tpu.memory_space<semaphore_mem>>)
      %dma_wait3A_56 = tpu.memref_slice %arg3[%multiple_of3A_14] : memref<320000xi32, #tpu.memory_space<hbm>> -> memref<80xi32, #tpu.memory_space<hbm>>
      %dma_wait3A_57 = tpu.memref_slice %arg3[%multiple_of3A_14] : memref<320000xi32, #tpu.memory_space<hbm>> -> memref<80xi32, #tpu.memory_space<hbm>>
      tpu.wait_dma2 semaphore(%run_scoped3A : memref<!tpu.dma_semaphore, #tpu.memory_space<semaphore_mem>>) src(%dma_wait3A_57 : memref<80xi32, #tpu.memory_space<hbm>>) dst(%arg7 : memref<80xi32, #tpu.memory_space<vmem>>)
      tpu.yield
    }) : () -> ()
    %dma_start3A = arith.constant 0 : i32
    %dma_start3A_15 = arith.constant 0 : i32
    %dma_start3A_16 = tpu.memref_slice %arg2[%dma_start3A, %dma_start3A_15] : memref<10000x128xf32, #tpu.memory_space<hbm>> -> memref<10000x128xf32, #tpu.memory_space<hbm>>
    tpu.enqueue_indirect_dma source(%dma_start3A_16 : memref<10000x128xf32, #tpu.memory_space<hbm>>) target(%arg10 : memref<80x128xf32, #tpu.memory_space<vmem>>) offsets(%arg7 : memref<80xi32, #tpu.memory_space<vmem>>) semaphore(%arg13 : memref<!tpu.dma_semaphore, #tpu.memory_space<semaphore_mem>>)
    %scan3A_17 = arith.constant 0 : i32
    %scan3A_18 = arith.constant 0 : i32
    %scan3A_19 = arith.constant 62 : i32
    %scan3A_20 = arith.addi %scan3A_18, %scan3A_19 : i32
    %scan3A_21 = arith.constant 1 : i32
    scf.for %scan3A_54 = %scan3A_18 to %scan3A_20 step %scan3A_21  : i32 {
      %mul3A_55 = arith.constant 2 : i32
      %mul3A_56 = arith.muli %mul3A_55, %scan3A_54 : i32
      %add3A_57 = arith.constant 1 : i32
      %add3A_58 = arith.addi %mul3A_56, %add3A_57 : i32
      %mul3A_59 = arith.constant 80 : i32
      %mul3A_60 = arith.muli %add3A_58, %mul3A_59 : i32
      %add3A_61 = arith.addi %mul3A_2, %mul3A_60 : i32
      %multiple_of3A_62 = tpu.assume_multiple %add3A_61, 8 : i32
      "tpu.region"() ({
        %run_scoped3A = tpu.sem_alloc : memref<!tpu.dma_semaphore, #tpu.memory_space<semaphore_mem>>
        %dma_start3A_87 = tpu.memref_slice %arg3[%multiple_of3A_62] : memref<320000xi32, #tpu.memory_space<hbm>> -> memref<80xi32, #tpu.memory_space<hbm>>
        %dma_start3A_88 = tpu.memref_slice %arg3[%multiple_of3A_62] : memref<320000xi32, #tpu.memory_space<hbm>> -> memref<80xi32, #tpu.memory_space<hbm>>
        tpu.enqueue_dma source(%dma_start3A_88 : memref<80xi32, #tpu.memory_space<hbm>>) target(%arg8 : memref<80xi32, #tpu.memory_space<vmem>>) target_semaphore(%run_scoped3A : memref<!tpu.dma_semaphore, #tpu.memory_space<semaphore_mem>>)
        %dma_wait3A_89 = tpu.memref_slice %arg3[%multiple_of3A_62] : memref<320000xi32, #tpu.memory_space<hbm>> -> memref<80xi32, #tpu.memory_space<hbm>>
        %dma_wait3A_90 = tpu.memref_slice %arg3[%multiple_of3A_62] : memref<320000xi32, #tpu.memory_space<hbm>> -> memref<80xi32, #tpu.memory_space<hbm>>
        tpu.wait_dma2 semaphore(%run_scoped3A : memref<!tpu.dma_semaphore, #tpu.memory_space<semaphore_mem>>) src(%dma_wait3A_90 : memref<80xi32, #tpu.memory_space<hbm>>) dst(%arg8 : memref<80xi32, #tpu.memory_space<vmem>>)
        tpu.yield
      }) : () -> ()
      %dma_wait3A_63 = arith.constant 0 : i32
      %dma_wait3A_64 = arith.constant 0 : i32
      %dma_wait3A_65 = tpu.memref_slice %arg2[%dma_wait3A_63, %dma_wait3A_64] : memref<10000x128xf32, #tpu.memory_space<hbm>> -> memref<10000x128xf32, #tpu.memory_space<hbm>>
      tpu.wait_indirect_dma semaphore(%arg13 : memref<!tpu.dma_semaphore, #tpu.memory_space<semaphore_mem>>) src(%dma_wait3A_65 : memref<10000x128xf32, #tpu.memory_space<hbm>>) dst(%arg10 : memref<80x128xf32, #tpu.memory_space<vmem>>)
      %dma_start3A_66 = arith.constant 0 : i32
      %dma_start3A_67 = arith.constant 0 : i32
      %dma_start3A_68 = tpu.memref_slice %arg2[%dma_start3A_66, %dma_start3A_67] : memref<10000x128xf32, #tpu.memory_space<hbm>> -> memref<10000x128xf32, #tpu.memory_space<hbm>>
      tpu.enqueue_indirect_dma source(%dma_start3A_68 : memref<10000x128xf32, #tpu.memory_space<hbm>>) target(%arg11 : memref<80x128xf32, #tpu.memory_space<vmem>>) offsets(%arg8 : memref<80xi32, #tpu.memory_space<vmem>>) semaphore(%arg14 : memref<!tpu.dma_semaphore, #tpu.memory_space<semaphore_mem>>)
      %mul3A_69 = arith.constant 2 : i32
      %mul3A_70 = arith.muli %mul3A_69, %scan3A_54 : i32
      %mul3A_71 = arith.constant 80 : i32
      %mul3A_72 = arith.muli %mul3A_70, %mul3A_71 : i32
      %add3A_73 = arith.addi %mul3A_2, %mul3A_72 : i32
      %multiple_of3A_74 = tpu.assume_multiple %add3A_73, 8 : i32
      "tpu.region"() ({
        %run_scoped3A = tpu.sem_alloc : memref<!tpu.dma_semaphore, #tpu.memory_space<semaphore_mem>>
        %dma_start3A_87 = tpu.memref_slice %arg4[%multiple_of3A_74] : memref<320000xi32, #tpu.memory_space<hbm>> -> memref<80xi32, #tpu.memory_space<hbm>>
        %dma_start3A_88 = tpu.memref_slice %arg4[%multiple_of3A_74] : memref<320000xi32, #tpu.memory_space<hbm>> -> memref<80xi32, #tpu.memory_space<hbm>>
        tpu.enqueue_dma source(%dma_start3A_88 : memref<80xi32, #tpu.memory_space<hbm>>) target(%arg9 : memref<80xi32, #tpu.memory_space<vmem>>) target_semaphore(%run_scoped3A : memref<!tpu.dma_semaphore, #tpu.memory_space<semaphore_mem>>)
        %dma_wait3A_89 = tpu.memref_slice %arg4[%multiple_of3A_74] : memref<320000xi32, #tpu.memory_space<hbm>> -> memref<80xi32, #tpu.memory_space<hbm>>
        %dma_wait3A_90 = tpu.memref_slice %arg4[%multiple_of3A_74] : memref<320000xi32, #tpu.memory_space<hbm>> -> memref<80xi32, #tpu.memory_space<hbm>>
        tpu.wait_dma2 semaphore(%run_scoped3A : memref<!tpu.dma_semaphore, #tpu.memory_space<semaphore_mem>>) src(%dma_wait3A_90 : memref<80xi32, #tpu.memory_space<hbm>>) dst(%arg9 : memref<80xi32, #tpu.memory_space<vmem>>)
        tpu.yield
      }) : () -> ()
      "tpu.region"() ({
        %run_scoped3A = tpu.sem_alloc : memref<!tpu.dma_semaphore, #tpu.memory_space<semaphore_mem>>
        %dma_start3A_87 = arith.constant 0 : i32
        %dma_start3A_88 = arith.constant 0 : i32
        %dma_start3A_89 = tpu.memref_slice %arg12[%dma_start3A_87, %dma_start3A_88] : memref<10008x128xf32, #tpu.memory_space<vmem_shared>> -> memref<10008x128xf32, #tpu.memory_space<vmem_shared>>
        tpu.enqueue_indirect_dma source(%arg10 : memref<80x128xf32, #tpu.memory_space<vmem>>) target(%dma_start3A_89 : memref<10008x128xf32, #tpu.memory_space<vmem_shared>>) offsets(%arg9 : memref<80xi32, #tpu.memory_space<vmem>>) semaphore(%run_scoped3A : memref<!tpu.dma_semaphore, #tpu.memory_space<semaphore_mem>>) {add = true}
        %dma_wait3A_90 = arith.constant 0 : i32
        %dma_wait3A_91 = arith.constant 0 : i32
        %dma_wait3A_92 = tpu.memref_slice %arg12[%dma_wait3A_90, %dma_wait3A_91] : memref<10008x128xf32, #tpu.memory_space<vmem_shared>> -> memref<10008x128xf32, #tpu.memory_space<vmem_shared>>
        tpu.wait_indirect_dma semaphore(%run_scoped3A : memref<!tpu.dma_semaphore, #tpu.memory_space<semaphore_mem>>) src(%arg10 : memref<80x128xf32, #tpu.memory_space<vmem>>) dst(%dma_wait3A_92 : memref<10008x128xf32, #tpu.memory_space<vmem_shared>>)
        tpu.yield
      }) : () -> ()
      %lt3A = arith.constant 61 : i32
      %lt3A_75 = arith.cmpi slt, %scan3A_54, %lt3A : i32
      %convert_element_type3A_76 = arith.extui %lt3A_75 : i1 to i32
      %cond3A_77 = arith.constant 0 : i32
      %cond3A_78 = arith.cmpi ne, %convert_element_type3A_76, %cond3A_77 : i32
      scf.if %cond3A_78 {
        %mul3A_87 = arith.constant 2 : i32
        %mul3A_88 = arith.muli %mul3A_87, %scan3A_54 : i32
        %add3A_89 = arith.constant 2 : i32
        %add3A_90 = arith.addi %mul3A_88, %add3A_89 : i32
        %mul3A_91 = arith.constant 80 : i32
        %mul3A_92 = arith.muli %add3A_90, %mul3A_91 : i32
        %add3A_93 = arith.addi %mul3A_2, %mul3A_92 : i32
        %multiple_of3A_94 = tpu.assume_multiple %add3A_93, 8 : i32
        "tpu.region"() ({
          %run_scoped3A = tpu.sem_alloc : memref<!tpu.dma_semaphore, #tpu.memory_space<semaphore_mem>>
          %dma_start3A_95 = tpu.memref_slice %arg3[%multiple_of3A_94] : memref<320000xi32, #tpu.memory_space<hbm>> -> memref<80xi32, #tpu.memory_space<hbm>>
          %dma_start3A_96 = tpu.memref_slice %arg3[%multiple_of3A_94] : memref<320000xi32, #tpu.memory_space<hbm>> -> memref<80xi32, #tpu.memory_space<hbm>>
          tpu.enqueue_dma source(%dma_start3A_96 : memref<80xi32, #tpu.memory_space<hbm>>) target(%arg7 : memref<80xi32, #tpu.memory_space<vmem>>) target_semaphore(%run_scoped3A : memref<!tpu.dma_semaphore, #tpu.memory_space<semaphore_mem>>)
          %dma_wait3A_97 = tpu.memref_slice %arg3[%multiple_of3A_94] : memref<320000xi32, #tpu.memory_space<hbm>> -> memref<80xi32, #tpu.memory_space<hbm>>
          %dma_wait3A_98 = tpu.memref_slice %arg3[%multiple_of3A_94] : memref<320000xi32, #tpu.memory_space<hbm>> -> memref<80xi32, #tpu.memory_space<hbm>>
          tpu.wait_dma2 semaphore(%run_scoped3A : memref<!tpu.dma_semaphore, #tpu.memory_space<semaphore_mem>>) src(%dma_wait3A_98 : memref<80xi32, #tpu.memory_space<hbm>>) dst(%arg7 : memref<80xi32, #tpu.memory_space<vmem>>)
          tpu.yield
        }) : () -> ()
      } else {
      }
      %dma_wait3A_79 = arith.constant 0 : i32
      %dma_wait3A_80 = arith.constant 0 : i32
      %dma_wait3A_81 = tpu.memref_slice %arg2[%dma_wait3A_79, %dma_wait3A_80] : memref<10000x128xf32, #tpu.memory_space<hbm>> -> memref<10000x128xf32, #tpu.memory_space<hbm>>
      tpu.wait_indirect_dma semaphore(%arg14 : memref<!tpu.dma_semaphore, #tpu.memory_space<semaphore_mem>>) src(%dma_wait3A_81 : memref<10000x128xf32, #tpu.memory_space<hbm>>) dst(%arg11 : memref<80x128xf32, #tpu.memory_space<vmem>>)
      %lt3A_82 = arith.constant 61 : i32
      %lt3A_83 = arith.cmpi slt, %scan3A_54, %lt3A_82 : i32
      %convert_element_type3A_84 = arith.extui %lt3A_83 : i1 to i32
      %cond3A_85 = arith.constant 0 : i32
      %cond3A_86 = arith.cmpi ne, %convert_element_type3A_84, %cond3A_85 : i32
      scf.if %cond3A_86 {
        %dma_start3A_87 = arith.constant 0 : i32
        %dma_start3A_88 = arith.constant 0 : i32
        %dma_start3A_89 = tpu.memref_slice %arg2[%dma_start3A_87, %dma_start3A_88] : memref<10000x128xf32, #tpu.memory_space<hbm>> -> memref<10000x128xf32, #tpu.memory_space<hbm>>
        tpu.enqueue_indirect_dma source(%dma_start3A_89 : memref<10000x128xf32, #tpu.memory_space<hbm>>) target(%arg10 : memref<80x128xf32, #tpu.memory_space<vmem>>) offsets(%arg7 : memref<80xi32, #tpu.memory_space<vmem>>) semaphore(%arg13 : memref<!tpu.dma_semaphore, #tpu.memory_space<semaphore_mem>>)
      } else {
      }
      "tpu.region"() ({
        %run_scoped3A = tpu.sem_alloc : memref<!tpu.dma_semaphore, #tpu.memory_space<semaphore_mem>>
        %dma_start3A_87 = tpu.memref_slice %arg4[%multiple_of3A_62] : memref<320000xi32, #tpu.memory_space<hbm>> -> memref<80xi32, #tpu.memory_space<hbm>>
        %dma_start3A_88 = tpu.memref_slice %arg4[%multiple_of3A_62] : memref<320000xi32, #tpu.memory_space<hbm>> -> memref<80xi32, #tpu.memory_space<hbm>>
        tpu.enqueue_dma source(%dma_start3A_88 : memref<80xi32, #tpu.memory_space<hbm>>) target(%arg9 : memref<80xi32, #tpu.memory_space<vmem>>) target_semaphore(%run_scoped3A : memref<!tpu.dma_semaphore, #tpu.memory_space<semaphore_mem>>)
        %dma_wait3A_89 = tpu.memref_slice %arg4[%multiple_of3A_62] : memref<320000xi32, #tpu.memory_space<hbm>> -> memref<80xi32, #tpu.memory_space<hbm>>
        %dma_wait3A_90 = tpu.memref_slice %arg4[%multiple_of3A_62] : memref<320000xi32, #tpu.memory_space<hbm>> -> memref<80xi32, #tpu.memory_space<hbm>>
        tpu.wait_dma2 semaphore(%run_scoped3A : memref<!tpu.dma_semaphore, #tpu.memory_space<semaphore_mem>>) src(%dma_wait3A_90 : memref<80xi32, #tpu.memory_space<hbm>>) dst(%arg9 : memref<80xi32, #tpu.memory_space<vmem>>)
        tpu.yield
      }) : () -> ()
      "tpu.region"() ({
        %run_scoped3A = tpu.sem_alloc : memref<!tpu.dma_semaphore, #tpu.memory_space<semaphore_mem>>
        %dma_start3A_87 = arith.constant 0 : i32
        %dma_start3A_88 = arith.constant 0 : i32
        %dma_start3A_89 = tpu.memref_slice %arg12[%dma_start3A_87, %dma_start3A_88] : memref<10008x128xf32, #tpu.memory_space<vmem_shared>> -> memref<10008x128xf32, #tpu.memory_space<vmem_shared>>
        tpu.enqueue_indirect_dma source(%arg11 : memref<80x128xf32, #tpu.memory_space<vmem>>) target(%dma_start3A_89 : memref<10008x128xf32, #tpu.memory_space<vmem_shared>>) offsets(%arg9 : memref<80xi32, #tpu.memory_space<vmem>>) semaphore(%run_scoped3A : memref<!tpu.dma_semaphore, #tpu.memory_space<semaphore_mem>>) {add = true}
        %dma_wait3A_90 = arith.constant 0 : i32
        %dma_wait3A_91 = arith.constant 0 : i32
        %dma_wait3A_92 = tpu.memref_slice %arg12[%dma_wait3A_90, %dma_wait3A_91] : memref<10008x128xf32, #tpu.memory_space<vmem_shared>> -> memref<10008x128xf32, #tpu.memory_space<vmem_shared>>
        tpu.wait_indirect_dma semaphore(%run_scoped3A : memref<!tpu.dma_semaphore, #tpu.memory_space<semaphore_mem>>) src(%arg11 : memref<80x128xf32, #tpu.memory_space<vmem>>) dst(%dma_wait3A_92 : memref<10008x128xf32, #tpu.memory_space<vmem_shared>>)
        tpu.yield
      }) : () -> ()
    }
    %scan3A_22 = arith.constant 62 : i32
    %add3A_23 = arith.constant 9920 : i32
    %add3A_24 = arith.addi %mul3A_2, %add3A_23 : i32
    %multiple_of3A_25 = tpu.assume_multiple %add3A_24, 8 : i32
    "tpu.region"() ({
      %run_scoped3A = tpu.sem_alloc : memref<!tpu.dma_semaphore, #tpu.memory_space<semaphore_mem>>
      %dma_start3A_54 = tpu.memref_slice %arg3[%multiple_of3A_25] : memref<320000xi32, #tpu.memory_space<hbm>> -> memref<80xi32, #tpu.memory_space<hbm>>
      %dma_start3A_55 = tpu.memref_slice %arg3[%multiple_of3A_25] : memref<320000xi32, #tpu.memory_space<hbm>> -> memref<80xi32, #tpu.memory_space<hbm>>
      tpu.enqueue_dma source(%dma_start3A_55 : memref<80xi32, #tpu.memory_space<hbm>>) target(%arg7 : memref<80xi32, #tpu.memory_space<vmem>>) target_semaphore(%run_scoped3A : memref<!tpu.dma_semaphore, #tpu.memory_space<semaphore_mem>>)
      %dma_wait3A_56 = tpu.memref_slice %arg3[%multiple_of3A_25] : memref<320000xi32, #tpu.memory_space<hbm>> -> memref<80xi32, #tpu.memory_space<hbm>>
      %dma_wait3A_57 = tpu.memref_slice %arg3[%multiple_of3A_25] : memref<320000xi32, #tpu.memory_space<hbm>> -> memref<80xi32, #tpu.memory_space<hbm>>
      tpu.wait_dma2 semaphore(%run_scoped3A : memref<!tpu.dma_semaphore, #tpu.memory_space<semaphore_mem>>) src(%dma_wait3A_57 : memref<80xi32, #tpu.memory_space<hbm>>) dst(%arg7 : memref<80xi32, #tpu.memory_space<vmem>>)
      tpu.yield
    }) : () -> ()
    %dma_start3A_26 = arith.constant 0 : i32
    %dma_start3A_27 = arith.constant 0 : i32
    %dma_start3A_28 = tpu.memref_slice %arg2[%dma_start3A_26, %dma_start3A_27] : memref<10000x128xf32, #tpu.memory_space<hbm>> -> memref<10000x128xf32, #tpu.memory_space<hbm>>
    tpu.enqueue_indirect_dma source(%dma_start3A_28 : memref<10000x128xf32, #tpu.memory_space<hbm>>) target(%arg10 : memref<80x128xf32, #tpu.memory_space<vmem>>) offsets(%arg7 : memref<80xi32, #tpu.memory_space<vmem>>) semaphore(%arg13 : memref<!tpu.dma_semaphore, #tpu.memory_space<semaphore_mem>>)
    %dma_wait3A = arith.constant 0 : i32
    %dma_wait3A_29 = arith.constant 0 : i32
    %dma_wait3A_30 = tpu.memref_slice %arg2[%dma_wait3A, %dma_wait3A_29] : memref<10000x128xf32, #tpu.memory_space<hbm>> -> memref<10000x128xf32, #tpu.memory_space<hbm>>
    tpu.wait_indirect_dma semaphore(%arg13 : memref<!tpu.dma_semaphore, #tpu.memory_space<semaphore_mem>>) src(%dma_wait3A_30 : memref<10000x128xf32, #tpu.memory_space<hbm>>) dst(%arg10 : memref<80x128xf32, #tpu.memory_space<vmem>>)
    "tpu.region"() ({
      %run_scoped3A = tpu.sem_alloc : memref<!tpu.dma_semaphore, #tpu.memory_space<semaphore_mem>>
      %dma_start3A_54 = tpu.memref_slice %arg4[%multiple_of3A_25] : memref<320000xi32, #tpu.memory_space<hbm>> -> memref<80xi32, #tpu.memory_space<hbm>>
      %dma_start3A_55 = tpu.memref_slice %arg4[%multiple_of3A_25] : memref<320000xi32, #tpu.memory_space<hbm>> -> memref<80xi32, #tpu.memory_space<hbm>>
      tpu.enqueue_dma source(%dma_start3A_55 : memref<80xi32, #tpu.memory_space<hbm>>) target(%arg9 : memref<80xi32, #tpu.memory_space<vmem>>) target_semaphore(%run_scoped3A : memref<!tpu.dma_semaphore, #tpu.memory_space<semaphore_mem>>)
      %dma_wait3A_56 = tpu.memref_slice %arg4[%multiple_of3A_25] : memref<320000xi32, #tpu.memory_space<hbm>> -> memref<80xi32, #tpu.memory_space<hbm>>
      %dma_wait3A_57 = tpu.memref_slice %arg4[%multiple_of3A_25] : memref<320000xi32, #tpu.memory_space<hbm>> -> memref<80xi32, #tpu.memory_space<hbm>>
      tpu.wait_dma2 semaphore(%run_scoped3A : memref<!tpu.dma_semaphore, #tpu.memory_space<semaphore_mem>>) src(%dma_wait3A_57 : memref<80xi32, #tpu.memory_space<hbm>>) dst(%arg9 : memref<80xi32, #tpu.memory_space<vmem>>)
      tpu.yield
    }) : () -> ()
    "tpu.region"() ({
      %run_scoped3A = tpu.sem_alloc : memref<!tpu.dma_semaphore, #tpu.memory_space<semaphore_mem>>
      %dma_start3A_54 = arith.constant 0 : i32
      %dma_start3A_55 = arith.constant 0 : i32
      %dma_start3A_56 = tpu.memref_slice %arg12[%dma_start3A_54, %dma_start3A_55] : memref<10008x128xf32, #tpu.memory_space<vmem_shared>> -> memref<10008x128xf32, #tpu.memory_space<vmem_shared>>
      tpu.enqueue_indirect_dma source(%arg10 : memref<80x128xf32, #tpu.memory_space<vmem>>) target(%dma_start3A_56 : memref<10008x128xf32, #tpu.memory_space<vmem_shared>>) offsets(%arg9 : memref<80xi32, #tpu.memory_space<vmem>>) semaphore(%run_scoped3A : memref<!tpu.dma_semaphore, #tpu.memory_space<semaphore_mem>>) {add = true}
      %dma_wait3A_57 = arith.constant 0 : i32
      %dma_wait3A_58 = arith.constant 0 : i32
      %dma_wait3A_59 = tpu.memref_slice %arg12[%dma_wait3A_57, %dma_wait3A_58] : memref<10008x128xf32, #tpu.memory_space<vmem_shared>> -> memref<10008x128xf32, #tpu.memory_space<vmem_shared>>
      tpu.wait_indirect_dma semaphore(%run_scoped3A : memref<!tpu.dma_semaphore, #tpu.memory_space<semaphore_mem>>) src(%arg10 : memref<80x128xf32, #tpu.memory_space<vmem>>) dst(%dma_wait3A_59 : memref<10008x128xf32, #tpu.memory_space<vmem_shared>>)
      tpu.yield
    }) : () -> ()
    %barrier3A_31 = arith.constant 0 : index
    tpu.barrier barrier_id(%barrier3A_31)
    %mul3A_32 = arith.constant 624 : i32
    %mul3A_33 = arith.muli %arg1, %mul3A_32 : i32
    %mul3A_34 = arith.constant 10000 : i32
    %mul3A_35 = arith.muli %arg0, %mul3A_34 : i32
    %add3A_36 = arith.addi %mul3A_35, %mul3A_33 : i32
    %scan3A_37 = arith.constant 0 : i32
    %scan3A_38 = arith.constant 0 : i32
    %scan3A_39 = arith.constant 7 : i32
    %scan3A_40 = arith.addi %scan3A_38, %scan3A_39 : i32
    %scan3A_41 = arith.constant 1 : i32
    scf.for %scan3A_54 = %scan3A_38 to %scan3A_40 step %scan3A_41  : i32 {
      %mul3A_55 = arith.constant 80 : i32
      %mul3A_56 = arith.muli %scan3A_54, %mul3A_55 : i32
      %add3A_57 = arith.addi %mul3A_33, %mul3A_56 : i32
      %multiple_of3A_58 = tpu.assume_multiple %add3A_57, 8 : i32
      %mul3A_59 = arith.constant 80 : i32
      %mul3A_60 = arith.muli %scan3A_54, %mul3A_59 : i32
      %add3A_61 = arith.addi %add3A_36, %mul3A_60 : i32
      %multiple_of3A_62 = tpu.assume_multiple %add3A_61, 8 : i32
      "tpu.region"() ({
        %run_scoped3A = tpu.sem_alloc : memref<!tpu.dma_semaphore, #tpu.memory_space<semaphore_mem>>
        %dma_start3A_63 = arith.constant 0 : i32
        %dma_start3A_64 = tpu.memref_slice %arg12[%multiple_of3A_58, %dma_start3A_63] : memref<10008x128xf32, #tpu.memory_space<vmem_shared>> -> memref<80x128xf32, #tpu.memory_space<vmem_shared>>
        %dma_start3A_65 = arith.constant 0 : i32
        %dma_start3A_66 = tpu.memref_slice %arg12[%multiple_of3A_58, %dma_start3A_65] : memref<10008x128xf32, #tpu.memory_space<vmem_shared>> -> memref<80x128xf32, #tpu.memory_space<vmem_shared>>
        tpu.enqueue_dma source(%dma_start3A_66 : memref<80x128xf32, #tpu.memory_space<vmem_shared>>) target(%arg10 : memref<80x128xf32, #tpu.memory_space<vmem>>) target_semaphore(%run_scoped3A : memref<!tpu.dma_semaphore, #tpu.memory_space<semaphore_mem>>)
        %dma_wait3A_67 = arith.constant 0 : i32
        %dma_wait3A_68 = tpu.memref_slice %arg12[%multiple_of3A_58, %dma_wait3A_67] : memref<10008x128xf32, #tpu.memory_space<vmem_shared>> -> memref<80x128xf32, #tpu.memory_space<vmem_shared>>
        %dma_wait3A_69 = arith.constant 0 : i32
        %dma_wait3A_70 = tpu.memref_slice %arg12[%multiple_of3A_58, %dma_wait3A_69] : memref<10008x128xf32, #tpu.memory_space<vmem_shared>> -> memref<80x128xf32, #tpu.memory_space<vmem_shared>>
        tpu.wait_dma2 semaphore(%run_scoped3A : memref<!tpu.dma_semaphore, #tpu.memory_space<semaphore_mem>>) src(%dma_wait3A_70 : memref<80x128xf32, #tpu.memory_space<vmem_shared>>) dst(%arg10 : memref<80x128xf32, #tpu.memory_space<vmem>>)
        tpu.yield
      }) : () -> ()
      "tpu.region"() ({
        %run_scoped3A = tpu.sem_alloc : memref<!tpu.dma_semaphore, #tpu.memory_space<semaphore_mem>>
        %dma_start3A_63 = arith.constant 0 : i32
        %dma_start3A_64 = tpu.memref_slice %arg6[%multiple_of3A_62, %dma_start3A_63] : memref<20000x128xf32, #tpu.memory_space<hbm>> -> memref<80x128xf32, #tpu.memory_space<hbm>>
        %dma_start3A_65 = arith.constant 0 : i32
        %dma_start3A_66 = tpu.memref_slice %arg6[%multiple_of3A_62, %dma_start3A_65] : memref<20000x128xf32, #tpu.memory_space<hbm>> -> memref<80x128xf32, #tpu.memory_space<hbm>>
        tpu.enqueue_dma source(%arg10 : memref<80x128xf32, #tpu.memory_space<vmem>>) target(%dma_start3A_66 : memref<80x128xf32, #tpu.memory_space<hbm>>) target_semaphore(%run_scoped3A : memref<!tpu.dma_semaphore, #tpu.memory_space<semaphore_mem>>)
        %dma_wait3A_67 = arith.constant 0 : i32
        %dma_wait3A_68 = tpu.memref_slice %arg6[%multiple_of3A_62, %dma_wait3A_67] : memref<20000x128xf32, #tpu.memory_space<hbm>> -> memref<80x128xf32, #tpu.memory_space<hbm>>
        %dma_wait3A_69 = arith.constant 0 : i32
        %dma_wait3A_70 = tpu.memref_slice %arg6[%multiple_of3A_62, %dma_wait3A_69] : memref<20000x128xf32, #tpu.memory_space<hbm>> -> memref<80x128xf32, #tpu.memory_space<hbm>>
        tpu.wait_dma2 semaphore(%run_scoped3A : memref<!tpu.dma_semaphore, #tpu.memory_space<semaphore_mem>>) src(%arg10 : memref<80x128xf32, #tpu.memory_space<vmem>>) dst(%dma_wait3A_70 : memref<80x128xf32, #tpu.memory_space<hbm>>)
        tpu.yield
      }) : () -> ()
    }
    %scan3A_42 = arith.constant 7 : i32
    %add3A_43 = arith.constant 560 : i32
    %add3A_44 = arith.addi %mul3A_33, %add3A_43 : i32
    %multiple_of3A_45 = tpu.assume_multiple %add3A_44, 8 : i32
    "tpu.region"() ({
      %run_scoped3A = tpu.sem_alloc : memref<!tpu.dma_semaphore, #tpu.memory_space<semaphore_mem>>
      %dma_start3A_54 = arith.constant 0 : i32
      %dma_start3A_55 = arith.constant 0 : i32
      %dma_start3A_56 = tpu.memref_slice %arg10[%dma_start3A_54, %dma_start3A_55] : memref<80x128xf32, #tpu.memory_space<vmem>> -> memref<64x128xf32, #tpu.memory_space<vmem>>
      %dma_start3A_57 = arith.constant 0 : i32
      %dma_start3A_58 = tpu.memref_slice %arg12[%multiple_of3A_45, %dma_start3A_57] : memref<10008x128xf32, #tpu.memory_space<vmem_shared>> -> memref<64x128xf32, #tpu.memory_space<vmem_shared>>
      %dma_start3A_59 = arith.constant 0 : i32
      %dma_start3A_60 = arith.constant 0 : i32
      %dma_start3A_61 = tpu.memref_slice %arg10[%dma_start3A_59, %dma_start3A_60] : memref<80x128xf32, #tpu.memory_space<vmem>> -> memref<64x128xf32, #tpu.memory_space<vmem>>
      %dma_start3A_62 = arith.constant 0 : i32
      %dma_start3A_63 = tpu.memref_slice %arg12[%multiple_of3A_45, %dma_start3A_62] : memref<10008x128xf32, #tpu.memory_space<vmem_shared>> -> memref<64x128xf32, #tpu.memory_space<vmem_shared>>
      tpu.enqueue_dma source(%dma_start3A_63 : memref<64x128xf32, #tpu.memory_space<vmem_shared>>) target(%dma_start3A_61 : memref<64x128xf32, #tpu.memory_space<vmem>>) target_semaphore(%run_scoped3A : memref<!tpu.dma_semaphore, #tpu.memory_space<semaphore_mem>>)
      %dma_wait3A_64 = arith.constant 0 : i32
      %dma_wait3A_65 = arith.constant 0 : i32
      %dma_wait3A_66 = tpu.memref_slice %arg10[%dma_wait3A_64, %dma_wait3A_65] : memref<80x128xf32, #tpu.memory_space<vmem>> -> memref<64x128xf32, #tpu.memory_space<vmem>>
      %dma_wait3A_67 = arith.constant 0 : i32
      %dma_wait3A_68 = tpu.memref_slice %arg12[%multiple_of3A_45, %dma_wait3A_67] : memref<10008x128xf32, #tpu.memory_space<vmem_shared>> -> memref<64x128xf32, #tpu.memory_space<vmem_shared>>
      %dma_wait3A_69 = arith.constant 0 : i32
      %dma_wait3A_70 = arith.constant 0 : i32
      %dma_wait3A_71 = tpu.memref_slice %arg10[%dma_wait3A_69, %dma_wait3A_70] : memref<80x128xf32, #tpu.memory_space<vmem>> -> memref<64x128xf32, #tpu.memory_space<vmem>>
      %dma_wait3A_72 = arith.constant 0 : i32
      %dma_wait3A_73 = tpu.memref_slice %arg12[%multiple_of3A_45, %dma_wait3A_72] : memref<10008x128xf32, #tpu.memory_space<vmem_shared>> -> memref<64x128xf32, #tpu.memory_space<vmem_shared>>
      tpu.wait_dma2 semaphore(%run_scoped3A : memref<!tpu.dma_semaphore, #tpu.memory_space<semaphore_mem>>) src(%dma_wait3A_73 : memref<64x128xf32, #tpu.memory_space<vmem_shared>>) dst(%dma_wait3A_71 : memref<64x128xf32, #tpu.memory_space<vmem>>)
      tpu.yield
    }) : () -> ()
    %add3A_46 = arith.constant 560 : i32
    %add3A_47 = arith.addi %add3A_36, %add3A_46 : i32
    %multiple_of3A_48 = tpu.assume_multiple %add3A_47, 8 : i32
    "tpu.region"() ({
      %run_scoped3A = tpu.sem_alloc : memref<!tpu.dma_semaphore, #tpu.memory_space<semaphore_mem>>
      %dma_start3A_54 = arith.constant 0 : i32
      %dma_start3A_55 = arith.constant 0 : i32
      %dma_start3A_56 = tpu.memref_slice %arg10[%dma_start3A_54, %dma_start3A_55] : memref<80x128xf32, #tpu.memory_space<vmem>> -> memref<64x128xf32, #tpu.memory_space<vmem>>
      %dma_start3A_57 = arith.constant 0 : i32
      %dma_start3A_58 = tpu.memref_slice %arg6[%multiple_of3A_48, %dma_start3A_57] : memref<20000x128xf32, #tpu.memory_space<hbm>> -> memref<64x128xf32, #tpu.memory_space<hbm>>
      %dma_start3A_59 = arith.constant 0 : i32
      %dma_start3A_60 = tpu.memref_slice %arg6[%multiple_of3A_48, %dma_start3A_59] : memref<20000x128xf32, #tpu.memory_space<hbm>> -> memref<64x128xf32, #tpu.memory_space<hbm>>
      %dma_start3A_61 = arith.constant 0 : i32
      %dma_start3A_62 = arith.constant 0 : i32
      %dma_start3A_63 = tpu.memref_slice %arg10[%dma_start3A_61, %dma_start3A_62] : memref<80x128xf32, #tpu.memory_space<vmem>> -> memref<64x128xf32, #tpu.memory_space<vmem>>
      tpu.enqueue_dma source(%dma_start3A_63 : memref<64x128xf32, #tpu.memory_space<vmem>>) target(%dma_start3A_60 : memref<64x128xf32, #tpu.memory_space<hbm>>) target_semaphore(%run_scoped3A : memref<!tpu.dma_semaphore, #tpu.memory_space<semaphore_mem>>)
      %dma_wait3A_64 = arith.constant 0 : i32
      %dma_wait3A_65 = arith.constant 0 : i32
      %dma_wait3A_66 = tpu.memref_slice %arg10[%dma_wait3A_64, %dma_wait3A_65] : memref<80x128xf32, #tpu.memory_space<vmem>> -> memref<64x128xf32, #tpu.memory_space<vmem>>
      %dma_wait3A_67 = arith.constant 0 : i32
      %dma_wait3A_68 = tpu.memref_slice %arg6[%multiple_of3A_48, %dma_wait3A_67] : memref<20000x128xf32, #tpu.memory_space<hbm>> -> memref<64x128xf32, #tpu.memory_space<hbm>>
      %dma_wait3A_69 = arith.constant 0 : i32
      %dma_wait3A_70 = tpu.memref_slice %arg6[%multiple_of3A_48, %dma_wait3A_69] : memref<20000x128xf32, #tpu.memory_space<hbm>> -> memref<64x128xf32, #tpu.memory_space<hbm>>
      %dma_wait3A_71 = arith.constant 0 : i32
      %dma_wait3A_72 = arith.constant 0 : i32
      %dma_wait3A_73 = tpu.memref_slice %arg10[%dma_wait3A_71, %dma_wait3A_72] : memref<80x128xf32, #tpu.memory_space<vmem>> -> memref<64x128xf32, #tpu.memory_space<vmem>>
      tpu.wait_dma2 semaphore(%run_scoped3A : memref<!tpu.dma_semaphore, #tpu.memory_space<semaphore_mem>>) src(%dma_wait3A_73 : memref<64x128xf32, #tpu.memory_space<vmem>>) dst(%dma_wait3A_70 : memref<64x128xf32, #tpu.memory_space<hbm>>)
      tpu.yield
    }) : () -> ()
    %eq3A_49 = arith.constant 15 : i32
    %eq3A_50 = arith.cmpi eq, %arg1, %eq3A_49 : i32
    %convert_element_type3A_51 = arith.extui %eq3A_50 : i1 to i32
    %cond3A_52 = arith.constant 0 : i32
    %cond3A_53 = arith.cmpi ne, %convert_element_type3A_51, %cond3A_52 : i32
    scf.if %cond3A_53 {
      "tpu.region"() ({
        %run_scoped3A = tpu.sem_alloc : memref<!tpu.dma_semaphore, #tpu.memory_space<semaphore_mem>>
        %dma_start3A_59 = arith.constant 0 : i32
        %dma_start3A_60 = arith.constant 0 : i32
        %dma_start3A_61 = tpu.memref_slice %arg10[%dma_start3A_59, %dma_start3A_60] : memref<80x128xf32, #tpu.memory_space<vmem>> -> memref<16x128xf32, #tpu.memory_space<vmem>>
        %dma_start3A_62 = arith.constant 9984 : i32
        %dma_start3A_63 = arith.constant 0 : i32
        %dma_start3A_64 = tpu.memref_slice %arg12[%dma_start3A_62, %dma_start3A_63] : memref<10008x128xf32, #tpu.memory_space<vmem_shared>> -> memref<16x128xf32, #tpu.memory_space<vmem_shared>>
        %dma_start3A_65 = arith.constant 0 : i32
        %dma_start3A_66 = arith.constant 0 : i32
        %dma_start3A_67 = tpu.memref_slice %arg10[%dma_start3A_65, %dma_start3A_66] : memref<80x128xf32, #tpu.memory_space<vmem>> -> memref<16x128xf32, #tpu.memory_space<vmem>>
        %dma_start3A_68 = arith.constant 9984 : i32
        %dma_start3A_69 = arith.constant 0 : i32
        %dma_start3A_70 = tpu.memref_slice %arg12[%dma_start3A_68, %dma_start3A_69] : memref<10008x128xf32, #tpu.memory_space<vmem_shared>> -> memref<16x128xf32, #tpu.memory_space<vmem_shared>>
        tpu.enqueue_dma source(%dma_start3A_70 : memref<16x128xf32, #tpu.memory_space<vmem_shared>>) target(%dma_start3A_67 : memref<16x128xf32, #tpu.memory_space<vmem>>) target_semaphore(%run_scoped3A : memref<!tpu.dma_semaphore, #tpu.memory_space<semaphore_mem>>)
        %dma_wait3A_71 = arith.constant 0 : i32
        %dma_wait3A_72 = arith.constant 0 : i32
        %dma_wait3A_73 = tpu.memref_slice %arg10[%dma_wait3A_71, %dma_wait3A_72] : memref<80x128xf32, #tpu.memory_space<vmem>> -> memref<16x128xf32, #tpu.memory_space<vmem>>
        %dma_wait3A_74 = arith.constant 9984 : i32
        %dma_wait3A_75 = arith.constant 0 : i32
        %dma_wait3A_76 = tpu.memref_slice %arg12[%dma_wait3A_74, %dma_wait3A_75] : memref<10008x128xf32, #tpu.memory_space<vmem_shared>> -> memref<16x128xf32, #tpu.memory_space<vmem_shared>>
        %dma_wait3A_77 = arith.constant 0 : i32
        %dma_wait3A_78 = arith.constant 0 : i32
        %dma_wait3A_79 = tpu.memref_slice %arg10[%dma_wait3A_77, %dma_wait3A_78] : memref<80x128xf32, #tpu.memory_space<vmem>> -> memref<16x128xf32, #tpu.memory_space<vmem>>
        %dma_wait3A_80 = arith.constant 9984 : i32
        %dma_wait3A_81 = arith.constant 0 : i32
        %dma_wait3A_82 = tpu.memref_slice %arg12[%dma_wait3A_80, %dma_wait3A_81] : memref<10008x128xf32, #tpu.memory_space<vmem_shared>> -> memref<16x128xf32, #tpu.memory_space<vmem_shared>>
        tpu.wait_dma2 semaphore(%run_scoped3A : memref<!tpu.dma_semaphore, #tpu.memory_space<semaphore_mem>>) src(%dma_wait3A_82 : memref<16x128xf32, #tpu.memory_space<vmem_shared>>) dst(%dma_wait3A_79 : memref<16x128xf32, #tpu.memory_space<vmem>>)
        tpu.yield
      }) : () -> ()
      %mul3A_54 = arith.constant 10000 : i32
      %mul3A_55 = arith.muli %arg0, %mul3A_54 : i32
      %add3A_56 = arith.constant 9984 : i32
      %add3A_57 = arith.addi %mul3A_55, %add3A_56 : i32
      %multiple_of3A_58 = tpu.assume_multiple %add3A_57, 8 : i32
      "tpu.region"() ({
        %run_scoped3A = tpu.sem_alloc : memref<!tpu.dma_semaphore, #tpu.memory_space<semaphore_mem>>
        %dma_start3A_59 = arith.constant 0 : i32
        %dma_start3A_60 = arith.constant 0 : i32
        %dma_start3A_61 = tpu.memref_slice %arg10[%dma_start3A_59, %dma_start3A_60] : memref<80x128xf32, #tpu.memory_space<vmem>> -> memref<16x128xf32, #tpu.memory_space<vmem>>
        %dma_start3A_62 = arith.constant 0 : i32
        %dma_start3A_63 = tpu.memref_slice %arg6[%multiple_of3A_58, %dma_start3A_62] : memref<20000x128xf32, #tpu.memory_space<hbm>> -> memref<16x128xf32, #tpu.memory_space<hbm>>
        %dma_start3A_64 = arith.constant 0 : i32
        %dma_start3A_65 = tpu.memref_slice %arg6[%multiple_of3A_58, %dma_start3A_64] : memref<20000x128xf32, #tpu.memory_space<hbm>> -> memref<16x128xf32, #tpu.memory_space<hbm>>
        %dma_start3A_66 = arith.constant 0 : i32
        %dma_start3A_67 = arith.constant 0 : i32
        %dma_start3A_68 = tpu.memref_slice %arg10[%dma_start3A_66, %dma_start3A_67] : memref<80x128xf32, #tpu.memory_space<vmem>> -> memref<16x128xf32, #tpu.memory_space<vmem>>
        tpu.enqueue_dma source(%dma_start3A_68 : memref<16x128xf32, #tpu.memory_space<vmem>>) target(%dma_start3A_65 : memref<16x128xf32, #tpu.memory_space<hbm>>) target_semaphore(%run_scoped3A : memref<!tpu.dma_semaphore, #tpu.memory_space<semaphore_mem>>)
        %dma_wait3A_69 = arith.constant 0 : i32
        %dma_wait3A_70 = arith.constant 0 : i32
        %dma_wait3A_71 = tpu.memref_slice %arg10[%dma_wait3A_69, %dma_wait3A_70] : memref<80x128xf32, #tpu.memory_space<vmem>> -> memref<16x128xf32, #tpu.memory_space<vmem>>
        %dma_wait3A_72 = arith.constant 0 : i32
        %dma_wait3A_73 = tpu.memref_slice %arg6[%multiple_of3A_58, %dma_wait3A_72] : memref<20000x128xf32, #tpu.memory_space<hbm>> -> memref<16x128xf32, #tpu.memory_space<hbm>>
        %dma_wait3A_74 = arith.constant 0 : i32
        %dma_wait3A_75 = tpu.memref_slice %arg6[%multiple_of3A_58, %dma_wait3A_74] : memref<20000x128xf32, #tpu.memory_space<hbm>> -> memref<16x128xf32, #tpu.memory_space<hbm>>
        %dma_wait3A_76 = arith.constant 0 : i32
        %dma_wait3A_77 = arith.constant 0 : i32
        %dma_wait3A_78 = tpu.memref_slice %arg10[%dma_wait3A_76, %dma_wait3A_77] : memref<80x128xf32, #tpu.memory_space<vmem>> -> memref<16x128xf32, #tpu.memory_space<vmem>>
        tpu.wait_dma2 semaphore(%run_scoped3A : memref<!tpu.dma_semaphore, #tpu.memory_space<semaphore_mem>>) src(%dma_wait3A_78 : memref<16x128xf32, #tpu.memory_space<vmem>>) dst(%dma_wait3A_75 : memref<16x128xf32, #tpu.memory_space<hbm>>)
        tpu.yield
      }) : () -> ()
    } else {
    }
    return
  }
}

module attributes {stable_mosaic.version = 14 : i64} {
  func.func @_mlp_body(%arg0: i32, %arg1: memref<2000x128xf32, #tpu.memory_space<vmem>>, %arg2: memref<1x128xf32, #tpu.memory_space<vmem>>, %arg3: memref<1x128xf32, #tpu.memory_space<vmem>>, %arg4: memref<128x128xf32, #tpu.memory_space<vmem>>, %arg5: memref<1x128xf32, #tpu.memory_space<vmem>>, %arg6: memref<2000x128xf32, #tpu.memory_space<vmem>>, %arg7: memref<2x128xf32, #tpu.memory_space<vmem>>) attributes {dimension_semantics = [#tpu.dimension_semantics<arbitrary>], iteration_bounds = array<i64: 5>, scalar_prefetch = 0 : i64, scratch_operands = 0 : i64, tpu.core_type = #tpu.core_type<tc>, window_params = [{transform_indices = @transform_0, window_bounds = array<i64: 2000, 128>}, {pipeline_mode = #tpu.pipeline_mode<synchronous>, transform_indices = @transform_1, window_bounds = array<i64: 1, 128>}, {pipeline_mode = #tpu.pipeline_mode<synchronous>, transform_indices = @transform_2, window_bounds = array<i64: 1, 128>}, {pipeline_mode = #tpu.pipeline_mode<synchronous>, transform_indices = @transform_3, window_bounds = array<i64: 128, 128>}, {pipeline_mode = #tpu.pipeline_mode<synchronous>, transform_indices = @transform_4, window_bounds = array<i64: 1, 128>}, {transform_indices = @transform_5, window_bounds = array<i64: 2000, 128>}, {pipeline_mode = #tpu.pipeline_mode<synchronous>, transform_indices = @transform_6, window_bounds = array<i64: 2, 128>}]} {
    %get3A = arith.constant 0 : index
    %get3A_0 = arith.constant 0 : index
    %get3A_1 = vector.load %arg1[%get3A, %get3A_0] : memref<2000x128xf32, #tpu.memory_space<vmem>>, vector<2000x128xf32>
    %get3A_2 = arith.constant 0 : index
    %get3A_3 = arith.constant 0 : index
    %get3A_4 = vector.load %arg4[%get3A_2, %get3A_3] : memref<128x128xf32, #tpu.memory_space<vmem>>, vector<128x128xf32>
    %dot_general3A = arith.constant dense<0.000000e+00> : vector<2000x128xf32>
    %dot_general3A_5 = tpu.matmul %get3A_1, %get3A_4, %dot_general3A {dimension_numbers = #tpu.dot_dimension_numbers<[1], [0], [0], [1], [0, 0, 1, 1], [], []>, transpose_lhs_hint = false} : vector<2000x128xf32>, vector<128x128xf32>, vector<2000x128xf32> -> vector<2000x128xf32>
    %get3A_6 = arith.constant 0 : index
    %get3A_7 = arith.constant 0 : index
    %get3A_8 = vector.load %arg5[%get3A_6, %get3A_7] : memref<1x128xf32, #tpu.memory_space<vmem>>, vector<1x128xf32>
    %add3A = vector.broadcast %get3A_8 : vector<1x128xf32> to vector<2000x128xf32>
    %add3A_9 = arith.addf %dot_general3A_5, %add3A : vector<2000x128xf32>
    %swap3A = arith.constant 0 : index
    %swap3A_10 = arith.constant 0 : index
    %swap3A_11 = vector.load %arg6[%swap3A, %swap3A_10] : memref<2000x128xf32, #tpu.memory_space<vmem>>, vector<2000x128xf32>
    tpu.vector_store %arg6[%swap3A, %swap3A_10], %add3A_9 {strides = array<i32>} : memref<2000x128xf32, #tpu.memory_space<vmem>>, vector<2000x128xf32>,
    %eq3A = arith.constant 0 : i32
    %eq3A_12 = arith.cmpi eq, %arg0, %eq3A : i32
    %convert_element_type3A = arith.extui %eq3A_12 : i1 to i32
    %cond3A = arith.constant 0 : i32
    %cond3A_13 = arith.cmpi ne, %convert_element_type3A, %cond3A : i32
    scf.if %cond3A_13 {
      %broadcast_in_dim3A_32 = arith.constant 0.000000e+00 : f32
      %broadcast_in_dim3A_33 = vector.broadcast %broadcast_in_dim3A_32 : f32 to vector<2x128xf32>
      %swap3A_34 = arith.constant 0 : index
      %swap3A_35 = arith.constant 0 : index
      %swap3A_36 = vector.load %arg7[%swap3A_34, %swap3A_35] : memref<2x128xf32, #tpu.memory_space<vmem>>, vector<2x128xf32>
      tpu.vector_store %arg7[%swap3A_34, %swap3A_35], %broadcast_in_dim3A_33 {strides = array<i32>} : memref<2x128xf32, #tpu.memory_space<vmem>>, vector<2x128xf32>,
    } else {
    }
    %get3A_14 = arith.constant 0 : index
    %get3A_15 = arith.constant 0 : index
    %get3A_16 = vector.load %arg7[%get3A_14, %get3A_15] : memref<2x128xf32, #tpu.memory_space<vmem>>, vector<1x128xf32>
    %reduce_sum3A = arith.constant dense<0.000000e+00> : vector<128xf32>
    %reduce_sum3A_17 = vector.multi_reduction <add>, %add3A_9, %reduce_sum3A [0] : vector<2000x128xf32> to vector<128xf32>
    %broadcast_in_dim3A = vector.shape_cast %reduce_sum3A_17 : vector<128xf32> to vector<1x128xf32>
    %add3A_18 = arith.addf %get3A_16, %broadcast_in_dim3A : vector<1x128xf32>
    %swap3A_19 = arith.constant 0 : index
    %swap3A_20 = arith.constant 0 : index
    %swap3A_21 = vector.load %arg7[%swap3A_19, %swap3A_20] : memref<2x128xf32, #tpu.memory_space<vmem>>, vector<1x128xf32>
    tpu.vector_store %arg7[%swap3A_19, %swap3A_20], %add3A_18 {strides = array<i32>} : memref<2x128xf32, #tpu.memory_space<vmem>>, vector<1x128xf32>,
    %get3A_22 = arith.constant 1 : index
    %get3A_23 = arith.constant 0 : index
    %get3A_24 = vector.load %arg7[%get3A_22, %get3A_23] : memref<2x128xf32, #tpu.memory_space<vmem>>, vector<1x128xf32>
    %mul3A = arith.mulf %add3A_9, %add3A_9 : vector<2000x128xf32>
    %reduce_sum3A_25 = arith.constant dense<0.000000e+00> : vector<128xf32>
    %reduce_sum3A_26 = vector.multi_reduction <add>, %mul3A, %reduce_sum3A_25 [0] : vector<2000x128xf32> to vector<128xf32>
    %broadcast_in_dim3A_27 = vector.shape_cast %reduce_sum3A_26 : vector<128xf32> to vector<1x128xf32>
    %add3A_28 = arith.addf %get3A_24, %broadcast_in_dim3A_27 : vector<1x128xf32>
    %swap3A_29 = arith.constant 1 : index
    %swap3A_30 = arith.constant 0 : index
    %swap3A_31 = vector.load %arg7[%swap3A_29, %swap3A_30] : memref<2x128xf32, #tpu.memory_space<vmem>>, vector<1x128xf32>
    tpu.vector_store %arg7[%swap3A_29, %swap3A_30], %add3A_28 {strides = array<i32>} : memref<2x128xf32, #tpu.memory_space<vmem>>, vector<1x128xf32>,
    return
  }
  func.func @transform_0(%arg0: i32) -> (i32, i32) {
    %c0_i32 = arith.constant 0 : i32
    %c0_i32_0 = arith.constant 0 : i32
    return %arg0, %c0_i32 : i32, i32
  }
  func.func @transform_1(%arg0: i32) -> (i32, i32) {
    %c0_i32 = arith.constant 0 : i32
    %c0_i32_0 = arith.constant 0 : i32
    %c0_i32_1 = arith.constant 0 : i32
    return %c0_i32, %c0_i32_0 : i32, i32
  }
  func.func @transform_2(%arg0: i32) -> (i32, i32) {
    %c0_i32 = arith.constant 0 : i32
    %c0_i32_0 = arith.constant 0 : i32
    %c0_i32_1 = arith.constant 0 : i32
    return %c0_i32, %c0_i32_0 : i32, i32
  }
  func.func @transform_3(%arg0: i32) -> (i32, i32) {
    %c0_i32 = arith.constant 0 : i32
    %c0_i32_0 = arith.constant 0 : i32
    %c0_i32_1 = arith.constant 0 : i32
    return %c0_i32, %c0_i32_0 : i32, i32
  }
  func.func @transform_4(%arg0: i32) -> (i32, i32) {
    %c0_i32 = arith.constant 0 : i32
    %c0_i32_0 = arith.constant 0 : i32
    %c0_i32_1 = arith.constant 0 : i32
    return %c0_i32, %c0_i32_0 : i32, i32
  }
  func.func @transform_5(%arg0: i32) -> (i32, i32) {
    %c0_i32 = arith.constant 0 : i32
    %c0_i32_0 = arith.constant 0 : i32
    return %arg0, %c0_i32 : i32, i32
  }
  func.func @transform_6(%arg0: i32) -> (i32, i32) {
    %c0_i32 = arith.constant 0 : i32
    %c0_i32_0 = arith.constant 0 : i32
    %c0_i32_1 = arith.constant 0 : i32
    return %c0_i32, %c0_i32_0 : i32, i32
  }
}

module attributes {stable_mosaic.version = 14 : i64} {
  func.func @_mlp_body(%arg0: i32, %arg1: memref<2000x128xf32, #tpu.memory_space<vmem>>, %arg2: memref<1x128xf32, #tpu.memory_space<vmem>>, %arg3: memref<1x128xf32, #tpu.memory_space<vmem>>, %arg4: memref<128x128xf32, #tpu.memory_space<vmem>>, %arg5: memref<1x128xf32, #tpu.memory_space<vmem>>, %arg6: memref<2000x128xf32, #tpu.memory_space<vmem>>, %arg7: memref<2x128xf32, #tpu.memory_space<vmem>>) attributes {dimension_semantics = [#tpu.dimension_semantics<arbitrary>], iteration_bounds = array<i64: 5>, scalar_prefetch = 0 : i64, scratch_operands = 0 : i64, tpu.core_type = #tpu.core_type<tc>, window_params = [{transform_indices = @transform_0, window_bounds = array<i64: 2000, 128>}, {pipeline_mode = #tpu.pipeline_mode<synchronous>, transform_indices = @transform_1, window_bounds = array<i64: 1, 128>}, {pipeline_mode = #tpu.pipeline_mode<synchronous>, transform_indices = @transform_2, window_bounds = array<i64: 1, 128>}, {pipeline_mode = #tpu.pipeline_mode<synchronous>, transform_indices = @transform_3, window_bounds = array<i64: 128, 128>}, {pipeline_mode = #tpu.pipeline_mode<synchronous>, transform_indices = @transform_4, window_bounds = array<i64: 1, 128>}, {transform_indices = @transform_5, window_bounds = array<i64: 2000, 128>}, {pipeline_mode = #tpu.pipeline_mode<synchronous>, transform_indices = @transform_6, window_bounds = array<i64: 2, 128>}]} {
    %get3A = arith.constant 0 : index
    %get3A_0 = arith.constant 0 : index
    %get3A_1 = vector.load %arg1[%get3A, %get3A_0] : memref<2000x128xf32, #tpu.memory_space<vmem>>, vector<2000x128xf32>
    %get3A_2 = arith.constant 0 : index
    %get3A_3 = arith.constant 0 : index
    %get3A_4 = vector.load %arg2[%get3A_2, %get3A_3] : memref<1x128xf32, #tpu.memory_space<vmem>>, vector<1x128xf32>
    %mul3A = vector.broadcast %get3A_4 : vector<1x128xf32> to vector<2000x128xf32>
    %mul3A_5 = arith.mulf %get3A_1, %mul3A : vector<2000x128xf32>
    %get3A_6 = arith.constant 0 : index
    %get3A_7 = arith.constant 0 : index
    %get3A_8 = vector.load %arg3[%get3A_6, %get3A_7] : memref<1x128xf32, #tpu.memory_space<vmem>>, vector<1x128xf32>
    %add3A = vector.broadcast %get3A_8 : vector<1x128xf32> to vector<2000x128xf32>
    %add3A_9 = arith.addf %mul3A_5, %add3A : vector<2000x128xf32>
    %max3A = arith.constant 0.000000e+00 : f32
    %max3A_10 = vector.broadcast %max3A : f32 to vector<2000x128xf32>
    %max3A_11 = arith.maximumf %add3A_9, %max3A_10 : vector<2000x128xf32>
    %get3A_12 = arith.constant 0 : index
    %get3A_13 = arith.constant 0 : index
    %get3A_14 = vector.load %arg4[%get3A_12, %get3A_13] : memref<128x128xf32, #tpu.memory_space<vmem>>, vector<128x128xf32>
    %dot_general3A = arith.constant dense<0.000000e+00> : vector<2000x128xf32>
    %dot_general3A_15 = tpu.matmul %max3A_11, %get3A_14, %dot_general3A {dimension_numbers = #tpu.dot_dimension_numbers<[1], [0], [0], [1], [0, 0, 1, 1], [], []>, transpose_lhs_hint = false} : vector<2000x128xf32>, vector<128x128xf32>, vector<2000x128xf32> -> vector<2000x128xf32>
    %get3A_16 = arith.constant 0 : index
    %get3A_17 = arith.constant 0 : index
    %get3A_18 = vector.load %arg5[%get3A_16, %get3A_17] : memref<1x128xf32, #tpu.memory_space<vmem>>, vector<1x128xf32>
    %add3A_19 = vector.broadcast %get3A_18 : vector<1x128xf32> to vector<2000x128xf32>
    %add3A_20 = arith.addf %dot_general3A_15, %add3A_19 : vector<2000x128xf32>
    %swap3A = arith.constant 0 : index
    %swap3A_21 = arith.constant 0 : index
    %swap3A_22 = vector.load %arg6[%swap3A, %swap3A_21] : memref<2000x128xf32, #tpu.memory_space<vmem>>, vector<2000x128xf32>
    tpu.vector_store %arg6[%swap3A, %swap3A_21], %add3A_20 {strides = array<i32>} : memref<2000x128xf32, #tpu.memory_space<vmem>>, vector<2000x128xf32>,
    %eq3A = arith.constant 0 : i32
    %eq3A_23 = arith.cmpi eq, %arg0, %eq3A : i32
    %convert_element_type3A = arith.extui %eq3A_23 : i1 to i32
    %cond3A = arith.constant 0 : i32
    %cond3A_24 = arith.cmpi ne, %convert_element_type3A, %cond3A : i32
    scf.if %cond3A_24 {
      %broadcast_in_dim3A_44 = arith.constant 0.000000e+00 : f32
      %broadcast_in_dim3A_45 = vector.broadcast %broadcast_in_dim3A_44 : f32 to vector<2x128xf32>
      %swap3A_46 = arith.constant 0 : index
      %swap3A_47 = arith.constant 0 : index
      %swap3A_48 = vector.load %arg7[%swap3A_46, %swap3A_47] : memref<2x128xf32, #tpu.memory_space<vmem>>, vector<2x128xf32>
      tpu.vector_store %arg7[%swap3A_46, %swap3A_47], %broadcast_in_dim3A_45 {strides = array<i32>} : memref<2x128xf32, #tpu.memory_space<vmem>>, vector<2x128xf32>,
    } else {
    }
    %get3A_25 = arith.constant 0 : index
    %get3A_26 = arith.constant 0 : index
    %get3A_27 = vector.load %arg7[%get3A_25, %get3A_26] : memref<2x128xf32, #tpu.memory_space<vmem>>, vector<1x128xf32>
    %reduce_sum3A = arith.constant dense<0.000000e+00> : vector<128xf32>
    %reduce_sum3A_28 = vector.multi_reduction <add>, %add3A_20, %reduce_sum3A [0] : vector<2000x128xf32> to vector<128xf32>
    %broadcast_in_dim3A = vector.shape_cast %reduce_sum3A_28 : vector<128xf32> to vector<1x128xf32>
    %add3A_29 = arith.addf %get3A_27, %broadcast_in_dim3A : vector<1x128xf32>
    %swap3A_30 = arith.constant 0 : index
    %swap3A_31 = arith.constant 0 : index
    %swap3A_32 = vector.load %arg7[%swap3A_30, %swap3A_31] : memref<2x128xf32, #tpu.memory_space<vmem>>, vector<1x128xf32>
    tpu.vector_store %arg7[%swap3A_30, %swap3A_31], %add3A_29 {strides = array<i32>} : memref<2x128xf32, #tpu.memory_space<vmem>>, vector<1x128xf32>,
    %get3A_33 = arith.constant 1 : index
    %get3A_34 = arith.constant 0 : index
    %get3A_35 = vector.load %arg7[%get3A_33, %get3A_34] : memref<2x128xf32, #tpu.memory_space<vmem>>, vector<1x128xf32>
    %mul3A_36 = arith.mulf %add3A_20, %add3A_20 : vector<2000x128xf32>
    %reduce_sum3A_37 = arith.constant dense<0.000000e+00> : vector<128xf32>
    %reduce_sum3A_38 = vector.multi_reduction <add>, %mul3A_36, %reduce_sum3A_37 [0] : vector<2000x128xf32> to vector<128xf32>
    %broadcast_in_dim3A_39 = vector.shape_cast %reduce_sum3A_38 : vector<128xf32> to vector<1x128xf32>
    %add3A_40 = arith.addf %get3A_35, %broadcast_in_dim3A_39 : vector<1x128xf32>
    %swap3A_41 = arith.constant 1 : index
    %swap3A_42 = arith.constant 0 : index
    %swap3A_43 = vector.load %arg7[%swap3A_41, %swap3A_42] : memref<2x128xf32, #tpu.memory_space<vmem>>, vector<1x128xf32>
    tpu.vector_store %arg7[%swap3A_41, %swap3A_42], %add3A_40 {strides = array<i32>} : memref<2x128xf32, #tpu.memory_space<vmem>>, vector<1x128xf32>,
    return
  }
  func.func @transform_0(%arg0: i32) -> (i32, i32) {
    %c0_i32 = arith.constant 0 : i32
    %c0_i32_0 = arith.constant 0 : i32
    return %arg0, %c0_i32 : i32, i32
  }
  func.func @transform_1(%arg0: i32) -> (i32, i32) {
    %c0_i32 = arith.constant 0 : i32
    %c0_i32_0 = arith.constant 0 : i32
    %c0_i32_1 = arith.constant 0 : i32
    return %c0_i32, %c0_i32_0 : i32, i32
  }
  func.func @transform_2(%arg0: i32) -> (i32, i32) {
    %c0_i32 = arith.constant 0 : i32
    %c0_i32_0 = arith.constant 0 : i32
    %c0_i32_1 = arith.constant 0 : i32
    return %c0_i32, %c0_i32_0 : i32, i32
  }
  func.func @transform_3(%arg0: i32) -> (i32, i32) {
    %c0_i32 = arith.constant 0 : i32
    %c0_i32_0 = arith.constant 0 : i32
    %c0_i32_1 = arith.constant 0 : i32
    return %c0_i32, %c0_i32_0 : i32, i32
  }
  func.func @transform_4(%arg0: i32) -> (i32, i32) {
    %c0_i32 = arith.constant 0 : i32
    %c0_i32_0 = arith.constant 0 : i32
    %c0_i32_1 = arith.constant 0 : i32
    return %c0_i32, %c0_i32_0 : i32, i32
  }
  func.func @transform_5(%arg0: i32) -> (i32, i32) {
    %c0_i32 = arith.constant 0 : i32
    %c0_i32_0 = arith.constant 0 : i32
    return %arg0, %c0_i32 : i32, i32
  }
  func.func @transform_6(%arg0: i32) -> (i32, i32) {
    %c0_i32 = arith.constant 0 : i32
    %c0_i32_0 = arith.constant 0 : i32
    %c0_i32_1 = arith.constant 0 : i32
    return %c0_i32, %c0_i32_0 : i32, i32
  }
}

module attributes {stable_mosaic.version = 14 : i64} {
  func.func @_dinv_body(%arg0: i32, %arg1: memref<2x2000x128xf32, #tpu.memory_space<vmem>>, %arg2: memref<2000x1xf32, #tpu.memory_space<vmem>>) attributes {dimension_semantics = [#tpu.dimension_semantics<arbitrary>], iteration_bounds = array<i64: 5>, scalar_prefetch = 0 : i64, scratch_operands = 0 : i64, tpu.core_type = #tpu.core_type<tc>, window_params = [{transform_indices = @transform_0, window_bounds = array<i64: 2, 2000, 128>}, {transform_indices = @transform_1, window_bounds = array<i64: 2000, 1>}]} {
    %get3A = arith.constant 0 : index
    %get3A_0 = arith.constant 0 : index
    %get3A_1 = arith.constant 0 : index
    %get3A_2 = vector.load %arg1[%get3A, %get3A_0, %get3A_1] : memref<2x2000x128xf32, #tpu.memory_space<vmem>>, vector<1x2000x1xf32>
    %get3A_3 = vector.shape_cast %get3A_2 : vector<1x2000x1xf32> to vector<2000xf32>
    %get3A_4 = arith.constant 1 : index
    %get3A_5 = arith.constant 0 : index
    %get3A_6 = arith.constant 0 : index
    %get3A_7 = vector.load %arg1[%get3A_4, %get3A_5, %get3A_6] : memref<2x2000x128xf32, #tpu.memory_space<vmem>>, vector<1x2000x1xf32>
    %get3A_8 = vector.shape_cast %get3A_7 : vector<1x2000x1xf32> to vector<2000xf32>
    %add3A = arith.addf %get3A_3, %get3A_8 : vector<2000xf32>
    %add3A_9 = arith.constant 1.000000e+00 : f32
    %add3A_10 = vector.broadcast %add3A_9 : f32 to vector<2000xf32>
    %add3A_11 = arith.addf %add3A, %add3A_10 : vector<2000xf32>
    %max3A = arith.constant 1.000000e+00 : f32
    %max3A_12 = vector.broadcast %max3A : f32 to vector<2000xf32>
    %max3A_13 = arith.maximumf %add3A_11, %max3A_12 : vector<2000xf32>
    %rsqrt3A = math.rsqrt %max3A_13 : vector<2000xf32>
    %broadcast_in_dim3A = vector.shape_cast %rsqrt3A : vector<2000xf32> to vector<2000x1xf32>
    %swap3A = arith.constant 0 : index
    %swap3A_14 = arith.constant 0 : index
    %swap3A_15 = vector.load %arg2[%swap3A, %swap3A_14] : memref<2000x1xf32, #tpu.memory_space<vmem>>, vector<2000x1xf32>
    tpu.vector_store %arg2[%swap3A, %swap3A_14], %broadcast_in_dim3A {strides = array<i32>} : memref<2000x1xf32, #tpu.memory_space<vmem>>, vector<2000x1xf32>,
    return
  }
  func.func @transform_0(%arg0: i32) -> (i32, i32, i32) {
    %c0_i32 = arith.constant 0 : i32
    %c0_i32_0 = arith.constant 0 : i32
    %c0_i32_1 = arith.constant 0 : i32
    return %c0_i32, %arg0, %c0_i32_0 : i32, i32, i32
  }
  func.func @transform_1(%arg0: i32) -> (i32, i32) {
    %c0_i32 = arith.constant 0 : i32
    %c0_i32_0 = arith.constant 0 : i32
    return %arg0, %c0_i32 : i32, i32
  }
}

module attributes {stable_mosaic.version = 14 : i64} {
  func.func @_convin_body(%arg0: i32, %arg1: memref<2000x128xf32, #tpu.memory_space<vmem>>, %arg2: memref<1x128xf32, #tpu.memory_space<vmem>>, %arg3: memref<1x128xf32, #tpu.memory_space<vmem>>, %arg4: memref<128x128xf32, #tpu.memory_space<vmem>>, %arg5: memref<2000x1xf32, #tpu.memory_space<vmem>>, %arg6: memref<2000x128xf32, #tpu.memory_space<vmem>>, %arg7: memref<2000x128xf32, #tpu.memory_space<vmem>>) attributes {dimension_semantics = [#tpu.dimension_semantics<arbitrary>], iteration_bounds = array<i64: 5>, scalar_prefetch = 0 : i64, scratch_operands = 0 : i64, tpu.core_type = #tpu.core_type<tc>, window_params = [{transform_indices = @transform_0, window_bounds = array<i64: 2000, 128>}, {pipeline_mode = #tpu.pipeline_mode<synchronous>, transform_indices = @transform_1, window_bounds = array<i64: 1, 128>}, {pipeline_mode = #tpu.pipeline_mode<synchronous>, transform_indices = @transform_2, window_bounds = array<i64: 1, 128>}, {pipeline_mode = #tpu.pipeline_mode<synchronous>, transform_indices = @transform_3, window_bounds = array<i64: 128, 128>}, {transform_indices = @transform_4, window_bounds = array<i64: 2000, 1>}, {transform_indices = @transform_5, window_bounds = array<i64: 2000, 128>}, {transform_indices = @transform_6, window_bounds = array<i64: 2000, 128>}]} {
    %get3A = arith.constant 0 : index
    %get3A_0 = arith.constant 0 : index
    %get3A_1 = vector.load %arg1[%get3A, %get3A_0] : memref<2000x128xf32, #tpu.memory_space<vmem>>, vector<2000x128xf32>
    %get3A_2 = arith.constant 0 : index
    %get3A_3 = arith.constant 0 : index
    %get3A_4 = vector.load %arg2[%get3A_2, %get3A_3] : memref<1x128xf32, #tpu.memory_space<vmem>>, vector<1x128xf32>
    %mul3A = vector.broadcast %get3A_4 : vector<1x128xf32> to vector<2000x128xf32>
    %mul3A_5 = arith.mulf %get3A_1, %mul3A : vector<2000x128xf32>
    %get3A_6 = arith.constant 0 : index
    %get3A_7 = arith.constant 0 : index
    %get3A_8 = vector.load %arg3[%get3A_6, %get3A_7] : memref<1x128xf32, #tpu.memory_space<vmem>>, vector<1x128xf32>
    %add3A = vector.broadcast %get3A_8 : vector<1x128xf32> to vector<2000x128xf32>
    %add3A_9 = arith.addf %mul3A_5, %add3A : vector<2000x128xf32>
    %swap3A = arith.constant 0 : index
    %swap3A_10 = arith.constant 0 : index
    %swap3A_11 = vector.load %arg6[%swap3A, %swap3A_10] : memref<2000x128xf32, #tpu.memory_space<vmem>>, vector<2000x128xf32>
    tpu.vector_store %arg6[%swap3A, %swap3A_10], %add3A_9 {strides = array<i32>} : memref<2000x128xf32, #tpu.memory_space<vmem>>, vector<2000x128xf32>,
    %get3A_12 = arith.constant 0 : index
    %get3A_13 = arith.constant 0 : index
    %get3A_14 = vector.load %arg4[%get3A_12, %get3A_13] : memref<128x128xf32, #tpu.memory_space<vmem>>, vector<128x128xf32>
    %dot_general3A = arith.constant dense<0.000000e+00> : vector<2000x128xf32>
    %dot_general3A_15 = tpu.matmul %add3A_9, %get3A_14, %dot_general3A {dimension_numbers = #tpu.dot_dimension_numbers<[1], [0], [0], [1], [0, 0, 1, 1], [], []>, transpose_lhs_hint = false} : vector<2000x128xf32>, vector<128x128xf32>, vector<2000x128xf32> -> vector<2000x128xf32>
    %get3A_16 = arith.constant 0 : index
    %get3A_17 = arith.constant 0 : index
    %get3A_18 = vector.load %arg5[%get3A_16, %get3A_17] : memref<2000x1xf32, #tpu.memory_space<vmem>>, vector<2000x1xf32>
    %mul3A_19 = vector.broadcast %get3A_18 : vector<2000x1xf32> to vector<2000x128xf32>
    %mul3A_20 = arith.mulf %dot_general3A_15, %mul3A_19 : vector<2000x128xf32>
    %swap3A_21 = arith.constant 0 : index
    %swap3A_22 = arith.constant 0 : index
    %swap3A_23 = vector.load %arg7[%swap3A_21, %swap3A_22] : memref<2000x128xf32, #tpu.memory_space<vmem>>, vector<2000x128xf32>
    tpu.vector_store %arg7[%swap3A_21, %swap3A_22], %mul3A_20 {strides = array<i32>} : memref<2000x128xf32, #tpu.memory_space<vmem>>, vector<2000x128xf32>,
    return
  }
  func.func @transform_0(%arg0: i32) -> (i32, i32) {
    %c0_i32 = arith.constant 0 : i32
    %c0_i32_0 = arith.constant 0 : i32
    return %arg0, %c0_i32 : i32, i32
  }
  func.func @transform_1(%arg0: i32) -> (i32, i32) {
    %c0_i32 = arith.constant 0 : i32
    %c0_i32_0 = arith.constant 0 : i32
    %c0_i32_1 = arith.constant 0 : i32
    return %c0_i32, %c0_i32_0 : i32, i32
  }
  func.func @transform_2(%arg0: i32) -> (i32, i32) {
    %c0_i32 = arith.constant 0 : i32
    %c0_i32_0 = arith.constant 0 : i32
    %c0_i32_1 = arith.constant 0 : i32
    return %c0_i32, %c0_i32_0 : i32, i32
  }
  func.func @transform_3(%arg0: i32) -> (i32, i32) {
    %c0_i32 = arith.constant 0 : i32
    %c0_i32_0 = arith.constant 0 : i32
    %c0_i32_1 = arith.constant 0 : i32
    return %c0_i32, %c0_i32_0 : i32, i32
  }
  func.func @transform_4(%arg0: i32) -> (i32, i32) {
    %c0_i32 = arith.constant 0 : i32
    %c0_i32_0 = arith.constant 0 : i32
    return %arg0, %c0_i32 : i32, i32
  }
  func.func @transform_5(%arg0: i32) -> (i32, i32) {
    %c0_i32 = arith.constant 0 : i32
    %c0_i32_0 = arith.constant 0 : i32
    return %arg0, %c0_i32 : i32, i32
  }
  func.func @transform_6(%arg0: i32) -> (i32, i32) {
    %c0_i32 = arith.constant 0 : i32
    %c0_i32_0 = arith.constant 0 : i32
    return %arg0, %c0_i32 : i32, i32
  }
}

module attributes {stable_mosaic.version = 14 : i64} {
  func.func @_comb_body(%arg0: i32, %arg1: memref<2000x128xf32, #tpu.memory_space<vmem>>, %arg2: memref<2x2000x128xf32, #tpu.memory_space<vmem>>, %arg3: memref<2000x128xf32, #tpu.memory_space<vmem>>, %arg4: memref<2000x1xf32, #tpu.memory_space<vmem>>, %arg5: memref<1x128xf32, #tpu.memory_space<vmem>>, %arg6: memref<128x128xf32, #tpu.memory_space<vmem>>, %arg7: memref<2000x128xf32, #tpu.memory_space<vmem>>, %arg8: memref<2000x128xf32, #tpu.memory_space<vmem>>) attributes {dimension_semantics = [#tpu.dimension_semantics<arbitrary>], iteration_bounds = array<i64: 5>, scalar_prefetch = 0 : i64, scratch_operands = 0 : i64, tpu.core_type = #tpu.core_type<tc>, window_params = [{transform_indices = @transform_0, window_bounds = array<i64: 2000, 128>}, {transform_indices = @transform_1, window_bounds = array<i64: 2, 2000, 128>}, {transform_indices = @transform_2, window_bounds = array<i64: 2000, 128>}, {transform_indices = @transform_3, window_bounds = array<i64: 2000, 1>}, {pipeline_mode = #tpu.pipeline_mode<synchronous>, transform_indices = @transform_4, window_bounds = array<i64: 1, 128>}, {pipeline_mode = #tpu.pipeline_mode<synchronous>, transform_indices = @transform_5, window_bounds = array<i64: 128, 128>}, {transform_indices = @transform_6, window_bounds = array<i64: 2000, 128>}, {transform_indices = @transform_7, window_bounds = array<i64: 2000, 128>}]} {
    %get3A = arith.constant 0 : index
    %get3A_0 = arith.constant 0 : index
    %get3A_1 = vector.load %arg1[%get3A, %get3A_0] : memref<2000x128xf32, #tpu.memory_space<vmem>>, vector<2000x128xf32>
    %get3A_2 = arith.constant 0 : index
    %get3A_3 = arith.constant 0 : index
    %get3A_4 = arith.constant 0 : index
    %get3A_5 = vector.load %arg2[%get3A_2, %get3A_3, %get3A_4] : memref<2x2000x128xf32, #tpu.memory_space<vmem>>, vector<1x2000x128xf32>
    %get3A_6 = vector.shape_cast %get3A_5 : vector<1x2000x128xf32> to vector<2000x128xf32>
    %add3A = arith.addf %get3A_1, %get3A_6 : vector<2000x128xf32>
    %get3A_7 = arith.constant 1 : index
    %get3A_8 = arith.constant 0 : index
    %get3A_9 = arith.constant 0 : index
    %get3A_10 = vector.load %arg2[%get3A_7, %get3A_8, %get3A_9] : memref<2x2000x128xf32, #tpu.memory_space<vmem>>, vector<1x2000x128xf32>
    %get3A_11 = vector.shape_cast %get3A_10 : vector<1x2000x128xf32> to vector<2000x128xf32>
    %add3A_12 = arith.addf %add3A, %get3A_11 : vector<2000x128xf32>
    %get3A_13 = arith.constant 0 : index
    %get3A_14 = arith.constant 0 : index
    %get3A_15 = vector.load %arg4[%get3A_13, %get3A_14] : memref<2000x1xf32, #tpu.memory_space<vmem>>, vector<2000x1xf32>
    %mul3A = vector.broadcast %get3A_15 : vector<2000x1xf32> to vector<2000x128xf32>
    %mul3A_16 = arith.mulf %mul3A, %add3A_12 : vector<2000x128xf32>
    %get3A_17 = arith.constant 0 : index
    %get3A_18 = arith.constant 0 : index
    %get3A_19 = vector.load %arg5[%get3A_17, %get3A_18] : memref<1x128xf32, #tpu.memory_space<vmem>>, vector<1x128xf32>
    %add3A_20 = vector.broadcast %get3A_19 : vector<1x128xf32> to vector<2000x128xf32>
    %add3A_21 = arith.addf %mul3A_16, %add3A_20 : vector<2000x128xf32>
    %get3A_22 = arith.constant 0 : index
    %get3A_23 = arith.constant 0 : index
    %get3A_24 = vector.load %arg3[%get3A_22, %get3A_23] : memref<2000x128xf32, #tpu.memory_space<vmem>>, vector<2000x128xf32>
    %add3A_25 = arith.addf %add3A_21, %get3A_24 : vector<2000x128xf32>
    %max3A = arith.constant 0.000000e+00 : f32
    %max3A_26 = vector.broadcast %max3A : f32 to vector<2000x128xf32>
    %max3A_27 = arith.maximumf %add3A_25, %max3A_26 : vector<2000x128xf32>
    %swap3A = arith.constant 0 : index
    %swap3A_28 = arith.constant 0 : index
    %swap3A_29 = vector.load %arg7[%swap3A, %swap3A_28] : memref<2000x128xf32, #tpu.memory_space<vmem>>, vector<2000x128xf32>
    tpu.vector_store %arg7[%swap3A, %swap3A_28], %max3A_27 {strides = array<i32>} : memref<2000x128xf32, #tpu.memory_space<vmem>>, vector<2000x128xf32>,
    %get3A_30 = arith.constant 0 : index
    %get3A_31 = arith.constant 0 : index
    %get3A_32 = vector.load %arg6[%get3A_30, %get3A_31] : memref<128x128xf32, #tpu.memory_space<vmem>>, vector<128x128xf32>
    %dot_general3A = arith.constant dense<0.000000e+00> : vector<2000x128xf32>
    %dot_general3A_33 = tpu.matmul %max3A_27, %get3A_32, %dot_general3A {dimension_numbers = #tpu.dot_dimension_numbers<[1], [0], [0], [1], [0, 0, 1, 1], [], []>, transpose_lhs_hint = false} : vector<2000x128xf32>, vector<128x128xf32>, vector<2000x128xf32> -> vector<2000x128xf32>
    %get3A_34 = arith.constant 0 : index
    %get3A_35 = arith.constant 0 : index
    %get3A_36 = vector.load %arg4[%get3A_34, %get3A_35] : memref<2000x1xf32, #tpu.memory_space<vmem>>, vector<2000x1xf32>
    %mul3A_37 = vector.broadcast %get3A_36 : vector<2000x1xf32> to vector<2000x128xf32>
    %mul3A_38 = arith.mulf %dot_general3A_33, %mul3A_37 : vector<2000x128xf32>
    %swap3A_39 = arith.constant 0 : index
    %swap3A_40 = arith.constant 0 : index
    %swap3A_41 = vector.load %arg8[%swap3A_39, %swap3A_40] : memref<2000x128xf32, #tpu.memory_space<vmem>>, vector<2000x128xf32>
    tpu.vector_store %arg8[%swap3A_39, %swap3A_40], %mul3A_38 {strides = array<i32>} : memref<2000x128xf32, #tpu.memory_space<vmem>>, vector<2000x128xf32>,
    return
  }
  func.func @transform_0(%arg0: i32) -> (i32, i32) {
    %c0_i32 = arith.constant 0 : i32
    %c0_i32_0 = arith.constant 0 : i32
    return %arg0, %c0_i32 : i32, i32
  }
  func.func @transform_1(%arg0: i32) -> (i32, i32, i32) {
    %c0_i32 = arith.constant 0 : i32
    %c0_i32_0 = arith.constant 0 : i32
    %c0_i32_1 = arith.constant 0 : i32
    return %c0_i32, %arg0, %c0_i32_0 : i32, i32, i32
  }
  func.func @transform_2(%arg0: i32) -> (i32, i32) {
    %c0_i32 = arith.constant 0 : i32
    %c0_i32_0 = arith.constant 0 : i32
    return %arg0, %c0_i32 : i32, i32
  }
  func.func @transform_3(%arg0: i32) -> (i32, i32) {
    %c0_i32 = arith.constant 0 : i32
    %c0_i32_0 = arith.constant 0 : i32
    return %arg0, %c0_i32 : i32, i32
  }
  func.func @transform_4(%arg0: i32) -> (i32, i32) {
    %c0_i32 = arith.constant 0 : i32
    %c0_i32_0 = arith.constant 0 : i32
    %c0_i32_1 = arith.constant 0 : i32
    return %c0_i32, %c0_i32_0 : i32, i32
  }
  func.func @transform_5(%arg0: i32) -> (i32, i32) {
    %c0_i32 = arith.constant 0 : i32
    %c0_i32_0 = arith.constant 0 : i32
    %c0_i32_1 = arith.constant 0 : i32
    return %c0_i32, %c0_i32_0 : i32, i32
  }
  func.func @transform_6(%arg0: i32) -> (i32, i32) {
    %c0_i32 = arith.constant 0 : i32
    %c0_i32_0 = arith.constant 0 : i32
    return %arg0, %c0_i32 : i32, i32
  }
  func.func @transform_7(%arg0: i32) -> (i32, i32) {
    %c0_i32 = arith.constant 0 : i32
    %c0_i32_0 = arith.constant 0 : i32
    return %arg0, %c0_i32 : i32, i32
  }
}

module attributes {stable_mosaic.version = 14 : i64} {
  func.func @_comblast_body(%arg0: i32, %arg1: memref<2000x128xf32, #tpu.memory_space<vmem>>, %arg2: memref<2x2000x128xf32, #tpu.memory_space<vmem>>, %arg3: memref<2000x128xf32, #tpu.memory_space<vmem>>, %arg4: memref<2000x1xf32, #tpu.memory_space<vmem>>, %arg5: memref<1x128xf32, #tpu.memory_space<vmem>>, %arg6: memref<128x128xf32, #tpu.memory_space<vmem>>, %arg7: memref<1x128xf32, #tpu.memory_space<vmem>>, %arg8: memref<2000x128xf32, #tpu.memory_space<vmem>>, %arg9: memref<2x128xf32, #tpu.memory_space<vmem>>) attributes {dimension_semantics = [#tpu.dimension_semantics<arbitrary>], iteration_bounds = array<i64: 5>, scalar_prefetch = 0 : i64, scratch_operands = 0 : i64, tpu.core_type = #tpu.core_type<tc>, window_params = [{transform_indices = @transform_0, window_bounds = array<i64: 2000, 128>}, {transform_indices = @transform_1, window_bounds = array<i64: 2, 2000, 128>}, {transform_indices = @transform_2, window_bounds = array<i64: 2000, 128>}, {transform_indices = @transform_3, window_bounds = array<i64: 2000, 1>}, {pipeline_mode = #tpu.pipeline_mode<synchronous>, transform_indices = @transform_4, window_bounds = array<i64: 1, 128>}, {pipeline_mode = #tpu.pipeline_mode<synchronous>, transform_indices = @transform_5, window_bounds = array<i64: 128, 128>}, {pipeline_mode = #tpu.pipeline_mode<synchronous>, transform_indices = @transform_6, window_bounds = array<i64: 1, 128>}, {transform_indices = @transform_7, window_bounds = array<i64: 2000, 128>}, {pipeline_mode = #tpu.pipeline_mode<synchronous>, transform_indices = @transform_8, window_bounds = array<i64: 2, 128>}]} {
    %get3A = arith.constant 0 : index
    %get3A_0 = arith.constant 0 : index
    %get3A_1 = vector.load %arg1[%get3A, %get3A_0] : memref<2000x128xf32, #tpu.memory_space<vmem>>, vector<2000x128xf32>
    %get3A_2 = arith.constant 0 : index
    %get3A_3 = arith.constant 0 : index
    %get3A_4 = arith.constant 0 : index
    %get3A_5 = vector.load %arg2[%get3A_2, %get3A_3, %get3A_4] : memref<2x2000x128xf32, #tpu.memory_space<vmem>>, vector<1x2000x128xf32>
    %get3A_6 = vector.shape_cast %get3A_5 : vector<1x2000x128xf32> to vector<2000x128xf32>
    %add3A = arith.addf %get3A_1, %get3A_6 : vector<2000x128xf32>
    %get3A_7 = arith.constant 1 : index
    %get3A_8 = arith.constant 0 : index
    %get3A_9 = arith.constant 0 : index
    %get3A_10 = vector.load %arg2[%get3A_7, %get3A_8, %get3A_9] : memref<2x2000x128xf32, #tpu.memory_space<vmem>>, vector<1x2000x128xf32>
    %get3A_11 = vector.shape_cast %get3A_10 : vector<1x2000x128xf32> to vector<2000x128xf32>
    %add3A_12 = arith.addf %add3A, %get3A_11 : vector<2000x128xf32>
    %get3A_13 = arith.constant 0 : index
    %get3A_14 = arith.constant 0 : index
    %get3A_15 = vector.load %arg4[%get3A_13, %get3A_14] : memref<2000x1xf32, #tpu.memory_space<vmem>>, vector<2000x1xf32>
    %mul3A = vector.broadcast %get3A_15 : vector<2000x1xf32> to vector<2000x128xf32>
    %mul3A_16 = arith.mulf %mul3A, %add3A_12 : vector<2000x128xf32>
    %get3A_17 = arith.constant 0 : index
    %get3A_18 = arith.constant 0 : index
    %get3A_19 = vector.load %arg5[%get3A_17, %get3A_18] : memref<1x128xf32, #tpu.memory_space<vmem>>, vector<1x128xf32>
    %add3A_20 = vector.broadcast %get3A_19 : vector<1x128xf32> to vector<2000x128xf32>
    %add3A_21 = arith.addf %mul3A_16, %add3A_20 : vector<2000x128xf32>
    %get3A_22 = arith.constant 0 : index
    %get3A_23 = arith.constant 0 : index
    %get3A_24 = vector.load %arg3[%get3A_22, %get3A_23] : memref<2000x128xf32, #tpu.memory_space<vmem>>, vector<2000x128xf32>
    %add3A_25 = arith.addf %add3A_21, %get3A_24 : vector<2000x128xf32>
    %get3A_26 = arith.constant 0 : index
    %get3A_27 = arith.constant 0 : index
    %get3A_28 = vector.load %arg6[%get3A_26, %get3A_27] : memref<128x128xf32, #tpu.memory_space<vmem>>, vector<128x128xf32>
    %dot_general3A = arith.constant dense<0.000000e+00> : vector<2000x128xf32>
    %dot_general3A_29 = tpu.matmul %add3A_25, %get3A_28, %dot_general3A {dimension_numbers = #tpu.dot_dimension_numbers<[1], [0], [0], [1], [0, 0, 1, 1], [], []>, transpose_lhs_hint = false} : vector<2000x128xf32>, vector<128x128xf32>, vector<2000x128xf32> -> vector<2000x128xf32>
    %get3A_30 = arith.constant 0 : index
    %get3A_31 = arith.constant 0 : index
    %get3A_32 = vector.load %arg7[%get3A_30, %get3A_31] : memref<1x128xf32, #tpu.memory_space<vmem>>, vector<1x128xf32>
    %add3A_33 = vector.broadcast %get3A_32 : vector<1x128xf32> to vector<2000x128xf32>
    %add3A_34 = arith.addf %dot_general3A_29, %add3A_33 : vector<2000x128xf32>
    %swap3A = arith.constant 0 : index
    %swap3A_35 = arith.constant 0 : index
    %swap3A_36 = vector.load %arg8[%swap3A, %swap3A_35] : memref<2000x128xf32, #tpu.memory_space<vmem>>, vector<2000x128xf32>
    tpu.vector_store %arg8[%swap3A, %swap3A_35], %add3A_34 {strides = array<i32>} : memref<2000x128xf32, #tpu.memory_space<vmem>>, vector<2000x128xf32>,
    %eq3A = arith.constant 0 : i32
    %eq3A_37 = arith.cmpi eq, %arg0, %eq3A : i32
    %convert_element_type3A = arith.extui %eq3A_37 : i1 to i32
    %cond3A = arith.constant 0 : i32
    %cond3A_38 = arith.cmpi ne, %convert_element_type3A, %cond3A : i32
    scf.if %cond3A_38 {
      %broadcast_in_dim3A_58 = arith.constant 0.000000e+00 : f32
      %broadcast_in_dim3A_59 = vector.broadcast %broadcast_in_dim3A_58 : f32 to vector<2x128xf32>
      %swap3A_60 = arith.constant 0 : index
      %swap3A_61 = arith.constant 0 : index
      %swap3A_62 = vector.load %arg9[%swap3A_60, %swap3A_61] : memref<2x128xf32, #tpu.memory_space<vmem>>, vector<2x128xf32>
      tpu.vector_store %arg9[%swap3A_60, %swap3A_61], %broadcast_in_dim3A_59 {strides = array<i32>} : memref<2x128xf32, #tpu.memory_space<vmem>>, vector<2x128xf32>,
    } else {
    }
    %get3A_39 = arith.constant 0 : index
    %get3A_40 = arith.constant 0 : index
    %get3A_41 = vector.load %arg9[%get3A_39, %get3A_40] : memref<2x128xf32, #tpu.memory_space<vmem>>, vector<1x128xf32>
    %reduce_sum3A = arith.constant dense<0.000000e+00> : vector<128xf32>
    %reduce_sum3A_42 = vector.multi_reduction <add>, %add3A_34, %reduce_sum3A [0] : vector<2000x128xf32> to vector<128xf32>
    %broadcast_in_dim3A = vector.shape_cast %reduce_sum3A_42 : vector<128xf32> to vector<1x128xf32>
    %add3A_43 = arith.addf %get3A_41, %broadcast_in_dim3A : vector<1x128xf32>
    %swap3A_44 = arith.constant 0 : index
    %swap3A_45 = arith.constant 0 : index
    %swap3A_46 = vector.load %arg9[%swap3A_44, %swap3A_45] : memref<2x128xf32, #tpu.memory_space<vmem>>, vector<1x128xf32>
    tpu.vector_store %arg9[%swap3A_44, %swap3A_45], %add3A_43 {strides = array<i32>} : memref<2x128xf32, #tpu.memory_space<vmem>>, vector<1x128xf32>,
    %get3A_47 = arith.constant 1 : index
    %get3A_48 = arith.constant 0 : index
    %get3A_49 = vector.load %arg9[%get3A_47, %get3A_48] : memref<2x128xf32, #tpu.memory_space<vmem>>, vector<1x128xf32>
    %mul3A_50 = arith.mulf %add3A_34, %add3A_34 : vector<2000x128xf32>
    %reduce_sum3A_51 = arith.constant dense<0.000000e+00> : vector<128xf32>
    %reduce_sum3A_52 = vector.multi_reduction <add>, %mul3A_50, %reduce_sum3A_51 [0] : vector<2000x128xf32> to vector<128xf32>
    %broadcast_in_dim3A_53 = vector.shape_cast %reduce_sum3A_52 : vector<128xf32> to vector<1x128xf32>
    %add3A_54 = arith.addf %get3A_49, %broadcast_in_dim3A_53 : vector<1x128xf32>
    %swap3A_55 = arith.constant 1 : index
    %swap3A_56 = arith.constant 0 : index
    %swap3A_57 = vector.load %arg9[%swap3A_55, %swap3A_56] : memref<2x128xf32, #tpu.memory_space<vmem>>, vector<1x128xf32>
    tpu.vector_store %arg9[%swap3A_55, %swap3A_56], %add3A_54 {strides = array<i32>} : memref<2x128xf32, #tpu.memory_space<vmem>>, vector<1x128xf32>,
    return
  }
  func.func @transform_0(%arg0: i32) -> (i32, i32) {
    %c0_i32 = arith.constant 0 : i32
    %c0_i32_0 = arith.constant 0 : i32
    return %arg0, %c0_i32 : i32, i32
  }
  func.func @transform_1(%arg0: i32) -> (i32, i32, i32) {
    %c0_i32 = arith.constant 0 : i32
    %c0_i32_0 = arith.constant 0 : i32
    %c0_i32_1 = arith.constant 0 : i32
    return %c0_i32, %arg0, %c0_i32_0 : i32, i32, i32
  }
  func.func @transform_2(%arg0: i32) -> (i32, i32) {
    %c0_i32 = arith.constant 0 : i32
    %c0_i32_0 = arith.constant 0 : i32
    return %arg0, %c0_i32 : i32, i32
  }
  func.func @transform_3(%arg0: i32) -> (i32, i32) {
    %c0_i32 = arith.constant 0 : i32
    %c0_i32_0 = arith.constant 0 : i32
    return %arg0, %c0_i32 : i32, i32
  }
  func.func @transform_4(%arg0: i32) -> (i32, i32) {
    %c0_i32 = arith.constant 0 : i32
    %c0_i32_0 = arith.constant 0 : i32
    %c0_i32_1 = arith.constant 0 : i32
    return %c0_i32, %c0_i32_0 : i32, i32
  }
  func.func @transform_5(%arg0: i32) -> (i32, i32) {
    %c0_i32 = arith.constant 0 : i32
    %c0_i32_0 = arith.constant 0 : i32
    %c0_i32_1 = arith.constant 0 : i32
    return %c0_i32, %c0_i32_0 : i32, i32
  }
  func.func @transform_6(%arg0: i32) -> (i32, i32) {
    %c0_i32 = arith.constant 0 : i32
    %c0_i32_0 = arith.constant 0 : i32
    %c0_i32_1 = arith.constant 0 : i32
    return %c0_i32, %c0_i32_0 : i32, i32
  }
  func.func @transform_7(%arg0: i32) -> (i32, i32) {
    %c0_i32 = arith.constant 0 : i32
    %c0_i32_0 = arith.constant 0 : i32
    return %arg0, %c0_i32 : i32, i32
  }
  func.func @transform_8(%arg0: i32) -> (i32, i32) {
    %c0_i32 = arith.constant 0 : i32
    %c0_i32_0 = arith.constant 0 : i32
    %c0_i32_1 = arith.constant 0 : i32
    return %c0_i32, %c0_i32_0 : i32, i32
  }
}

module attributes {stable_mosaic.version = 14 : i64} {
  func.func @_pool_body(%arg0: i32, %arg1: memref<2000x128xf32, #tpu.memory_space<vmem>>, %arg2: memref<1x128xf32, #tpu.memory_space<vmem>>, %arg3: memref<1x128xf32, #tpu.memory_space<vmem>>, %arg4: memref<2000x1xi32, #tpu.memory_space<vmem>>, %arg5: memref<64x128xf32, #tpu.memory_space<vmem>>, %arg6: memref<64x1xf32, #tpu.memory_space<vmem>>) attributes {dimension_semantics = [#tpu.dimension_semantics<arbitrary>], iteration_bounds = array<i64: 5>, scalar_prefetch = 0 : i64, scratch_operands = 0 : i64, tpu.core_type = #tpu.core_type<tc>, window_params = [{transform_indices = @transform_0, window_bounds = array<i64: 2000, 128>}, {pipeline_mode = #tpu.pipeline_mode<synchronous>, transform_indices = @transform_1, window_bounds = array<i64: 1, 128>}, {pipeline_mode = #tpu.pipeline_mode<synchronous>, transform_indices = @transform_2, window_bounds = array<i64: 1, 128>}, {transform_indices = @transform_3, window_bounds = array<i64: 2000, 1>}, {pipeline_mode = #tpu.pipeline_mode<synchronous>, transform_indices = @transform_4, window_bounds = array<i64: 64, 128>}, {pipeline_mode = #tpu.pipeline_mode<synchronous>, transform_indices = @transform_5, window_bounds = array<i64: 64, 1>}]} {
    %get3A = arith.constant 0 : index
    %get3A_0 = arith.constant 0 : index
    %get3A_1 = vector.load %arg1[%get3A, %get3A_0] : memref<2000x128xf32, #tpu.memory_space<vmem>>, vector<2000x128xf32>
    %get3A_2 = arith.constant 0 : index
    %get3A_3 = arith.constant 0 : index
    %get3A_4 = vector.load %arg2[%get3A_2, %get3A_3] : memref<1x128xf32, #tpu.memory_space<vmem>>, vector<1x128xf32>
    %mul3A = vector.broadcast %get3A_4 : vector<1x128xf32> to vector<2000x128xf32>
    %mul3A_5 = arith.mulf %get3A_1, %mul3A : vector<2000x128xf32>
    %get3A_6 = arith.constant 0 : index
    %get3A_7 = arith.constant 0 : index
    %get3A_8 = vector.load %arg3[%get3A_6, %get3A_7] : memref<1x128xf32, #tpu.memory_space<vmem>>, vector<1x128xf32>
    %add3A = vector.broadcast %get3A_8 : vector<1x128xf32> to vector<2000x128xf32>
    %add3A_9 = arith.addf %mul3A_5, %add3A : vector<2000x128xf32>
    %get3A_10 = arith.constant 0 : index
    %get3A_11 = arith.constant 0 : index
    %get3A_12 = vector.load %arg4[%get3A_10, %get3A_11] : memref<2000x1xi32, #tpu.memory_space<vmem>>, vector<2000x1xi32>
    %squeeze3A = vector.shape_cast %get3A_12 : vector<2000x1xi32> to vector<2000xi32>
    %iota3A = tpu.iota {dimensions = array<i32: 0>} : vector<64x2000xi32>
    %broadcast_in_dim3A = vector.shape_cast %squeeze3A : vector<2000xi32> to vector<1x2000xi32>
    %eq3A = vector.broadcast %broadcast_in_dim3A : vector<1x2000xi32> to vector<64x2000xi32>
    %eq3A_13 = arith.cmpi eq, %iota3A, %eq3A : vector<64x2000xi32>
    %convert_element_type3A = arith.extui %eq3A_13 : vector<64x2000xi1> to vector<64x2000xi32>
    %convert_element_type3A_14 = arith.sitofp %convert_element_type3A : vector<64x2000xi32> to vector<64x2000xf32>
    %eq3A_15 = arith.constant 0 : i32
    %eq3A_16 = arith.cmpi eq, %arg0, %eq3A_15 : i32
    %convert_element_type3A_17 = arith.extui %eq3A_16 : i1 to i32
    %cond3A = arith.constant 0 : i32
    %cond3A_18 = arith.cmpi ne, %convert_element_type3A_17, %cond3A : i32
    scf.if %cond3A_18 {
      %broadcast_in_dim3A_35 = arith.constant 0.000000e+00 : f32
      %broadcast_in_dim3A_36 = vector.broadcast %broadcast_in_dim3A_35 : f32 to vector<64x128xf32>
      %swap3A_37 = arith.constant 0 : index
      %swap3A_38 = arith.constant 0 : index
      %swap3A_39 = vector.load %arg5[%swap3A_37, %swap3A_38] : memref<64x128xf32, #tpu.memory_space<vmem>>, vector<64x128xf32>
      tpu.vector_store %arg5[%swap3A_37, %swap3A_38], %broadcast_in_dim3A_36 {strides = array<i32>} : memref<64x128xf32, #tpu.memory_space<vmem>>, vector<64x128xf32>,
      %broadcast_in_dim3A_40 = arith.constant 0.000000e+00 : f32
      %broadcast_in_dim3A_41 = vector.broadcast %broadcast_in_dim3A_40 : f32 to vector<64x1xf32>
      %swap3A_42 = arith.constant 0 : index
      %swap3A_43 = arith.constant 0 : index
      %swap3A_44 = vector.load %arg6[%swap3A_42, %swap3A_43] : memref<64x1xf32, #tpu.memory_space<vmem>>, vector<64x1xf32>
      tpu.vector_store %arg6[%swap3A_42, %swap3A_43], %broadcast_in_dim3A_41 {strides = array<i32>} : memref<64x1xf32, #tpu.memory_space<vmem>>, vector<64x1xf32>,
    } else {
    }
    %get3A_19 = arith.constant 0 : index
    %get3A_20 = arith.constant 0 : index
    %get3A_21 = vector.load %arg5[%get3A_19, %get3A_20] : memref<64x128xf32, #tpu.memory_space<vmem>>, vector<64x128xf32>
    %dot_general3A = arith.constant dense<0.000000e+00> : vector<64x128xf32>
    %dot_general3A_22 = tpu.matmul %convert_element_type3A_14, %add3A_9, %dot_general3A {dimension_numbers = #tpu.dot_dimension_numbers<[1], [0], [0], [1], [0, 0, 1, 1], [], []>, transpose_lhs_hint = false} : vector<64x2000xf32>, vector<2000x128xf32>, vector<64x128xf32> -> vector<64x128xf32>
    %add3A_23 = arith.addf %get3A_21, %dot_general3A_22 : vector<64x128xf32>
    %swap3A = arith.constant 0 : index
    %swap3A_24 = arith.constant 0 : index
    %swap3A_25 = vector.load %arg5[%swap3A, %swap3A_24] : memref<64x128xf32, #tpu.memory_space<vmem>>, vector<64x128xf32>
    tpu.vector_store %arg5[%swap3A, %swap3A_24], %add3A_23 {strides = array<i32>} : memref<64x128xf32, #tpu.memory_space<vmem>>, vector<64x128xf32>,
    %get3A_26 = arith.constant 0 : index
    %get3A_27 = arith.constant 0 : index
    %get3A_28 = vector.load %arg6[%get3A_26, %get3A_27] : memref<64x1xf32, #tpu.memory_space<vmem>>, vector<64x1xf32>
    %reduce_sum3A = arith.constant dense<0.000000e+00> : vector<64xf32>
    %reduce_sum3A_29 = vector.multi_reduction <add>, %convert_element_type3A_14, %reduce_sum3A [1] : vector<64x2000xf32> to vector<64xf32>
    %broadcast_in_dim3A_30 = vector.shape_cast %reduce_sum3A_29 : vector<64xf32> to vector<64x1xf32>
    %add3A_31 = arith.addf %get3A_28, %broadcast_in_dim3A_30 : vector<64x1xf32>
    %swap3A_32 = arith.constant 0 : index
    %swap3A_33 = arith.constant 0 : index
    %swap3A_34 = vector.load %arg6[%swap3A_32, %swap3A_33] : memref<64x1xf32, #tpu.memory_space<vmem>>, vector<64x1xf32>
    tpu.vector_store %arg6[%swap3A_32, %swap3A_33], %add3A_31 {strides = array<i32>} : memref<64x1xf32, #tpu.memory_space<vmem>>, vector<64x1xf32>,
    return
  }
  func.func @transform_0(%arg0: i32) -> (i32, i32) {
    %c0_i32 = arith.constant 0 : i32
    %c0_i32_0 = arith.constant 0 : i32
    return %arg0, %c0_i32 : i32, i32
  }
  func.func @transform_1(%arg0: i32) -> (i32, i32) {
    %c0_i32 = arith.constant 0 : i32
    %c0_i32_0 = arith.constant 0 : i32
    %c0_i32_1 = arith.constant 0 : i32
    return %c0_i32, %c0_i32_0 : i32, i32
  }
  func.func @transform_2(%arg0: i32) -> (i32, i32) {
    %c0_i32 = arith.constant 0 : i32
    %c0_i32_0 = arith.constant 0 : i32
    %c0_i32_1 = arith.constant 0 : i32
    return %c0_i32, %c0_i32_0 : i32, i32
  }
  func.func @transform_3(%arg0: i32) -> (i32, i32) {
    %c0_i32 = arith.constant 0 : i32
    %c0_i32_0 = arith.constant 0 : i32
    return %arg0, %c0_i32 : i32, i32
  }
  func.func @transform_4(%arg0: i32) -> (i32, i32) {
    %c0_i32 = arith.constant 0 : i32
    %c0_i32_0 = arith.constant 0 : i32
    %c0_i32_1 = arith.constant 0 : i32
    return %c0_i32, %c0_i32_0 : i32, i32
  }
  func.func @transform_5(%arg0: i32) -> (i32, i32) {
    %c0_i32 = arith.constant 0 : i32
    %c0_i32_0 = arith.constant 0 : i32
    %c0_i32_1 = arith.constant 0 : i32
    return %c0_i32, %c0_i32_0 : i32, i32
  }
}

module attributes {stable_mosaic.version = 14 : i64} {
  func.func @_final_body(%arg0: memref<64x128xf32, #tpu.memory_space<vmem>>, %arg1: memref<64x1xf32, #tpu.memory_space<vmem>>, %arg2: memref<128x128xf32, #tpu.memory_space<vmem>>, %arg3: memref<1x128xf32, #tpu.memory_space<vmem>>, %arg4: memref<128x128xf32, #tpu.memory_space<vmem>>, %arg5: memref<1x128xf32, #tpu.memory_space<vmem>>, %arg6: memref<128x64xf32, #tpu.memory_space<vmem>>, %arg7: memref<1x64xf32, #tpu.memory_space<vmem>>, %arg8: memref<64x64xf32, #tpu.memory_space<vmem>>) attributes {dimension_semantics = [], scalar_prefetch = 0 : i64, scratch_operands = 0 : i64, tpu.core_type = #tpu.core_type<tc>} {
    %get3A = arith.constant 0 : index
    %get3A_0 = arith.constant 0 : index
    %get3A_1 = vector.load %arg0[%get3A, %get3A_0] : memref<64x128xf32, #tpu.memory_space<vmem>>, vector<64x128xf32>
    %get3A_2 = arith.constant 0 : index
    %get3A_3 = arith.constant 0 : index
    %get3A_4 = vector.load %arg1[%get3A_2, %get3A_3] : memref<64x1xf32, #tpu.memory_space<vmem>>, vector<64x1xf32>
    %max3A = arith.constant 1.000000e+00 : f32
    %max3A_5 = vector.broadcast %max3A : f32 to vector<64x1xf32>
    %max3A_6 = arith.maximumf %get3A_4, %max3A_5 : vector<64x1xf32>
    %div3A = vector.broadcast %max3A_6 : vector<64x1xf32> to vector<64x128xf32>
    %div3A_7 = arith.divf %get3A_1, %div3A : vector<64x128xf32>
    %get3A_8 = arith.constant 0 : index
    %get3A_9 = arith.constant 0 : index
    %get3A_10 = vector.load %arg2[%get3A_8, %get3A_9] : memref<128x128xf32, #tpu.memory_space<vmem>>, vector<128x128xf32>
    %dot_general3A = arith.constant dense<0.000000e+00> : vector<64x128xf32>
    %dot_general3A_11 = tpu.matmul %div3A_7, %get3A_10, %dot_general3A {dimension_numbers = #tpu.dot_dimension_numbers<[1], [0], [0], [1], [0, 0, 1, 1], [], []>, transpose_lhs_hint = false} : vector<64x128xf32>, vector<128x128xf32>, vector<64x128xf32> -> vector<64x128xf32>
    %get3A_12 = arith.constant 0 : index
    %get3A_13 = arith.constant 0 : index
    %get3A_14 = vector.load %arg3[%get3A_12, %get3A_13] : memref<1x128xf32, #tpu.memory_space<vmem>>, vector<1x128xf32>
    %add3A = vector.broadcast %get3A_14 : vector<1x128xf32> to vector<64x128xf32>
    %add3A_15 = arith.addf %dot_general3A_11, %add3A : vector<64x128xf32>
    %max3A_16 = arith.constant 0.000000e+00 : f32
    %max3A_17 = vector.broadcast %max3A_16 : f32 to vector<64x128xf32>
    %max3A_18 = arith.maximumf %add3A_15, %max3A_17 : vector<64x128xf32>
    %get3A_19 = arith.constant 0 : index
    %get3A_20 = arith.constant 0 : index
    %get3A_21 = vector.load %arg4[%get3A_19, %get3A_20] : memref<128x128xf32, #tpu.memory_space<vmem>>, vector<128x128xf32>
    %dot_general3A_22 = arith.constant dense<0.000000e+00> : vector<64x128xf32>
    %dot_general3A_23 = tpu.matmul %max3A_18, %get3A_21, %dot_general3A_22 {dimension_numbers = #tpu.dot_dimension_numbers<[1], [0], [0], [1], [0, 0, 1, 1], [], []>, transpose_lhs_hint = false} : vector<64x128xf32>, vector<128x128xf32>, vector<64x128xf32> -> vector<64x128xf32>
    %get3A_24 = arith.constant 0 : index
    %get3A_25 = arith.constant 0 : index
    %get3A_26 = vector.load %arg5[%get3A_24, %get3A_25] : memref<1x128xf32, #tpu.memory_space<vmem>>, vector<1x128xf32>
    %add3A_27 = vector.broadcast %get3A_26 : vector<1x128xf32> to vector<64x128xf32>
    %add3A_28 = arith.addf %dot_general3A_23, %add3A_27 : vector<64x128xf32>
    %max3A_29 = arith.constant 0.000000e+00 : f32
    %max3A_30 = vector.broadcast %max3A_29 : f32 to vector<64x128xf32>
    %max3A_31 = arith.maximumf %add3A_28, %max3A_30 : vector<64x128xf32>
    %get3A_32 = arith.constant 0 : index
    %get3A_33 = arith.constant 0 : index
    %get3A_34 = vector.load %arg6[%get3A_32, %get3A_33] : memref<128x64xf32, #tpu.memory_space<vmem>>, vector<128x64xf32>
    %dot_general3A_35 = arith.constant dense<0.000000e+00> : vector<64x64xf32>
    %dot_general3A_36 = tpu.matmul %max3A_31, %get3A_34, %dot_general3A_35 {dimension_numbers = #tpu.dot_dimension_numbers<[1], [0], [0], [1], [0, 0, 1, 1], [], []>, transpose_lhs_hint = false} : vector<64x128xf32>, vector<128x64xf32>, vector<64x64xf32> -> vector<64x64xf32>
    %get3A_37 = arith.constant 0 : index
    %get3A_38 = arith.constant 0 : index
    %get3A_39 = vector.load %arg7[%get3A_37, %get3A_38] : memref<1x64xf32, #tpu.memory_space<vmem>>, vector<1x64xf32>
    %add3A_40 = vector.broadcast %get3A_39 : vector<1x64xf32> to vector<64x64xf32>
    %add3A_41 = arith.addf %dot_general3A_36, %add3A_40 : vector<64x64xf32>
    %swap3A = arith.constant 0 : index
    %swap3A_42 = arith.constant 0 : index
    %swap3A_43 = vector.load %arg8[%swap3A, %swap3A_42] : memref<64x64xf32, #tpu.memory_space<vmem>>, vector<64x64xf32>
    tpu.vector_store %arg8[%swap3A, %swap3A_42], %add3A_41 {strides = array<i32>} : memref<64x64xf32, #tpu.memory_space<vmem>>, vector<64x64xf32>,
    return
  }
}

</mosaic_0001>

<sc_bundles>
// kernel: kernel.20.cloned.1.call-start
scs
__scs_entry_jumppad:
0x0: {  	(pc) =	sbr.rel $0x88, $3  }
0x1: {  	(tag) =	ssettag $0x0;
	lr =	simm.s32 $0x1  }
0x2: {  	[smem:$0x3F8E] =	sst lr;
	_ =	strace $0xD0000000  }
0x3: {  	_ = 	snop  }
0x4: {  	_ = 	snop  }
0x5: {  	_ = 	snop  }
0x6: {  	_ = 	snop  }
0x7: {  	_ = 	snop  }
__scs_overlays_trampoline_lowered:
0x8: {  	[smem:$0x3F9D] =	sst s0  }
0x9: {  	[smem:$0x3F9E] =	sst s1  }
0xa: {  	[smem:$0x3F9F] =	sst s2  }
0xb: {  	[smem:$0x3FA0] =	sst s3  }
0xc: {  	[smem:$0x3FA1] =	sst s4  }
0xd: {  	[smem:$0x3FA2] =	sst s5  }
0xe: {  	[smem:$0x3FA3] =	sst s6  }
0xf: {  	[smem:$0x3FA4] =	sst s7  }
0x10: {  	[smem:$0x3FA5] =	sst s8  }
0x11: {  	[smem:$0x3FA6] =	sst s9;
	s0 =	simm.s32 @!p0 $0x0  }
0x12: {  	s1 =	sld [smem:$0x3F8C];
	s0 =	simm.s32 @p0 $0x1  }
0x13: {  	[smem:$0x3FA7] =	sst s0;
	s0 =	simm.s32 @!p1 $0x0  }
0x14: {  	s2 =	sld [smem:$0x3F8B];
	s0 =	simm.s32 @p1 $0x1  }
0x15: {  	[smem:$0x3FA8] =	sst s0;
	s0 =	simm.s32 @!p2 $0x0  }
0x16: {  	s3 =	sld [smem:$0x3FDB];
	s0 =	simm.s32 @p2 $0x1  }
0x17: {  	s4 =	simm.s32 $0x1BF5;
	[smem:$0x3FAA] =	sst s0  }
0x18: {  	s0 =	sld [smem:$0x3F8D];
	_ =	swait.ge [sflag:s4], $0x0  }
0x19: {  	s7 =	sld [smem:$0x3F8E]  }
0x1a: {  	s8 =	sadd.s32 $0xFFFFE003, lr  }
0x1b: {  	s9 =	sadd.s32 $0xFFFFFEF7, lr;
	s5 =	simm.s32 $0xFFFFFFFF;
	p2 =	slt.u32 s8, $0xFFFFF086  }
0x1c: {  	p1 =	slt.u32 s9, $0xF7A;
	s5 =	simm.s32 @!p2 $0x0  }
0x1d: {  	s5 =	simm.s32 @p1 $0x1;
	p0 =	seq.s32 s7, s2  }
0x1e: {  	s7 =	smul.u32 @!p0 $0xF7A, s2;
	p2 =	seq.s32 @!p0 s5, $0x0  }
0x1f: {  	s9 =	smul.u32 $0xF7A, s1;
	s8 =	simm.s32 @!p0 $0x1BF5;
	p2 =	por !p2, p0  }
0x20: {  	[sflag:s8] =	ssyncset.s32 @!p0 $0xFFFFF086;
	s6 =	sadd.s32 @!p0 s3, s7;
	s7 =	simm.s32 @!p0 $0x108  }
0x21: {  	s3 =	sadd.s32 s3, s9;
	s6 =	sadd.s32 @!p0 $0x88, s6;
	s7 =	simm.s32 @p2 $0x1082  }
0x22: {  	[simem:s7], [sflag:s8] =	dma.local @!p0 [hbm:s6], $0xF7A  }
0x23: {  	s9 =	sor.u32 $0xD0000000, s2;
	s6 =	simm.s32 $0x108;
	_ =	swait.ge @!p0 [sflag:s8], $0x0  }
0x24: {  	s3 =	sadd.s32 $0x88, s3;
	s6 =	simm.s32 @!p1 $0x1082;
	[sflag:s4] =	ssyncset.s32 $0xFFFFF086  }
0x25: {  	[simem:s6], [sflag:s4] =	dma.local [hbm:s3], $0xF7A  }
0x26: {  	[smem:$0x3F8E] =	sst s1;
	(tag) =	ssettag s2;
	_ =	strace s9  }
0x27: {  	s1 =	sld [smem:$0x3F9E]  }
0x28: {  	s2 =	sld [smem:$0x3F9F]  }
0x29: {  	s4 =	sld [smem:$0x3FA1]  }
0x2a: {  	p0 =	seq.s32 s5, $0x0;
	s5 =	sld [smem:$0x3FA2]  }
0x2b: {  	s6 =	sld [smem:$0x3FA3]  }
0x2c: {  	s7 =	sld [smem:$0x3FA4]  }
0x2d: {  	s3 =	simm.s32 $0x108;
	s8 =	sld [smem:$0x3FA5]  }
0x2e: {  	s3 =	simm.s32 @!p0 $0x1082;
	s9 =	sld [smem:$0x3FA6]  }
0x2f: {  	lr =	sadd.s32 s0, s3;
	s0 =	sld [smem:$0x3F9D]  }
0x30: {  	s3 =	sld [smem:$0x3FA0]  }
0x31: {  	[smem:$0x3FA9] =	sst s10  }
0x32: {  	s10 =	sld [smem:$0x3FA7];
	_ =	sdelay $0x3  }
0x33: {  	p0 =	seq.s32 s10, $0x1;
	s10 =	sld [smem:$0x3FA9];
	_ =	sdelay $0x3  }
0x34: {  	[smem:$0x3FA9] =	sst s10  }
0x35: {  	s10 =	sld [smem:$0x3FA8];
	_ =	sdelay $0x3  }
0x36: {  	p1 =	seq.s32 s10, $0x1;
	s10 =	sld [smem:$0x3FA9];
	_ =	sdelay $0x3  }
0x37: {  	[smem:$0x3FA9] =	sst s10  }
0x38: {  	s10 =	sld [smem:$0x3FAA]  }
0x39: {  	_ = 	snop;
	(pc) =	sbr.ind lr, $3  }
0x3a: {  	_ = 	snop  }
0x3b: {  	_ = 	snop  }
0x3c: {  	p2 =	seq.s32 s10, $0x1;
	s10 =	sld [smem:$0x3FA9]  }
0x3d: {  	_ =	shalt  }
0x3e: {  	_ =	shalt  }
0x3f: {  	_ =	shalt  }
0x40: {  	_ =	shalt  }
0x41: {  	_ =	shalt  }
0x42: {  	_ =	shalt  }
0x43: {  	_ =	shalt  }
0x44: {  	_ =	shalt  }
0x45: {  	_ =	shalt  }
0x46: {  	_ =	shalt  }
0x47: {  	_ =	shalt  }
0x48: {  	_ =	shalt  }
0x49: {  	_ =	shalt  }
0x4a: {  	_ =	shalt  }
0x4b: {  	_ =	shalt  }
0x4c: {  	_ =	shalt  }
0x4d: {  	_ =	shalt  }
0x4e: {  	_ =	shalt  }
0x4f: {  	_ =	shalt  }
0x50: {  	_ =	shalt  }
0x51: {  	_ =	shalt  }
0x52: {  	_ =	shalt  }
0x53: {  	_ =	shalt  }
0x54: {  	_ =	shalt  }
0x55: {  	_ =	shalt  }
0x56: {  	_ =	shalt  }
0x57: {  	_ =	shalt  }
0x58: {  	_ =	shalt  }
0x59: {  	_ =	shalt  }
0x5a: {  	_ =	shalt  }
0x5b: {  	_ =	shalt  }
0x5c: {  	_ =	shalt  }
0x5d: {  	_ =	shalt  }
0x5e: {  	_ =	shalt  }
0x5f: {  	_ =	shalt  }
0x60: {  	_ =	shalt  }
0x61: {  	_ =	shalt  }
0x62: {  	_ =	shalt  }
0x63: {  	_ =	shalt  }
0x64: {  	_ =	shalt  }
0x65: {  	_ =	shalt  }
0x66: {  	_ =	shalt  }
0x67: {  	_ =	shalt  }
0x68: {  	_ =	shalt  }
0x69: {  	_ =	shalt  }
0x6a: {  	_ =	shalt  }
0x6b: {  	_ =	shalt  }
0x6c: {  	_ =	shalt  }
0x6d: {  	_ =	shalt  }
0x6e: {  	_ =	shalt  }
0x6f: {  	_ =	shalt  }
0x70: {  	_ =	shalt  }
0x71: {  	_ =	shalt  }
0x72: {  	_ =	shalt  }
0x73: {  	_ =	shalt  }
0x74: {  	_ =	shalt  }
0x75: {  	_ =	shalt  }
0x76: {  	_ =	shalt  }
0x77: {  	_ =	shalt  }
0x78: {  	_ =	shalt  }
0x79: {  	_ =	shalt  }
0x7a: {  	_ =	shalt  }
0x7b: {  	_ =	shalt  }
0x7c: {  	_ =	shalt  }
0x7d: {  	_ =	shalt  }
0x7e: {  	_ =	shalt  }
0x7f: {  	_ =	shalt  }
0x80: {  	_ =	shalt  }
0x81: {  	_ =	shalt  }
0x82: {  	_ =	shalt  }
0x83: {  	_ =	shalt  }
0x84: {  	_ =	shalt  }
0x85: {  	_ =	shalt  }
0x86: {  	_ =	shalt  }
0x87: {  	_ =	shalt  }
.Lfunc_end0:
.L_simem_size_0:
called_computation_lowered:
.L_overlay_start_0:
0x88: {  	s2 =	sld [smem:$0x3FD9]  }
0x89: {  	s3 =	sld [smem:$0x3FFE];
	_ =	sdelay $0x1  }
0x8a: {  	s1 =	srdreg.scid  }
0x8b: {  	s0 =	sand.u32 $0x1, s1  }
0x8c: {  	s16 =	sshll.u32 s0, $0xA;
	s2 =	sadd.s32 s3, s2  }
0x8d: {  	s2 =	sadd.s32 s2, s16  }
0x8e: {  	[smem:$0x3FB5] =	sst s2  }
0x8f: {  	_ = 	snop  }
0x90: {  	(tm) =	ssettm $0x1  }
0x91: {  	s17 =	sld [smem:$0x3FFB];
	_ =	sdelay $0x3  }
0x92: {  	_ =	strace s17  }
0x93: {  	s2 =	sld [smem:$0x3FFC];
	_ =	sdelay $0x3  }
0x94: {  	_ =	strace s2  }
0x95: {  	s2 =	sld [smem:$0x3FFD];
	_ =	sdelay $0x3  }
0x96: {  	_ =	strace s2  }
0x97: {  	_ =	strace $0x8FFFFFFF  }
0x98: {  	s18 =	sld [smem:$0x3FDB];
	_ =	sdelay $0x1  }
0x99: {  	s19 =	simm.s32 $_scs_section_size  }
0x9a: {  	s4 =	simm.s32 $_size__tile_overlayer_lowered;
	s5 =	simm.s32 $_tile_overlayer_lowered  }
0x9b: {  	s22 =	simm.s32 $0x1BFF;
	s21 =	sshll.u32 s5, $0x1;
	s2 =	sadd.s32 s19, s18  }
0x9c: {  	s6 =	simm.s32 $0x0;
	s20 =	sshll.u32 s4, $0x1;
	s4 =	sadd.s32 s21, s2  }
0x9d: {  	[timem:s6], [sflag:s22] =	dma.local [hbm:s4], s20  }
0x9e: {  	_ =	swait.ge [sflag:s22], s20  }
0x9f: {  	s3 =	ssub.s32 $0x0, s20;
	[sflag:s22] =	ssyncset.done $0x0  }
0xa0: {  	[sflag:s22] =	ssyncadd.s32 s3;
	_ =	sdelay $0x1  }
0xa1: {  	s23 =	simm.s32 $0x1B8B  }
0xa2: {  	_ =	swait.ge [sflag:s23], $0x1  }
0xa3: {  	[sflag:s23] =	ssyncset.done $0x0  }
0xa4: {  	s25 =	simm.s32 $0x1B8E;
	s24 =	sld [smem:$0x3FFE];
	[sflag:s23] =	ssyncadd.s32 $0xFFFFFFFF  }
0xa5: {  	s26 =	simm.s32 $execute0_lowered;
	[smem:$0x3FD2] =	sst s25  }
0xa6: {  	s4 =	sshll.u32 s26, $0x1;
	_ =	strace $0x80000046;
	[dreg:$0x1] =	wrdreg $0xFFFFFFFF  }
0xa7: {  	s28 =	simm.s32 $_size_execute0_lowered;
	s2 =	sadd.s32 s2, s4;
	[dreg:$0x0] =	wrdreg $0x0  }
0xa8: {  	s4 =	sshll.u32 s28, $0x1;
	[dreg:$0x2] =	wrdreg s2  }
0xa9: {  	[dreg:$0x3] =	wrdreg s4  }
0xaa: {  	[dreg:$0x4] =	wrdreg $0xC0  }
0xab: {  	_ =	task [dreg:s6], $0x5FFFF  }
0xac: {  	[dreg:$0x1] =	wrdreg $0xFFFFFFFF  }
0xad: {  	[dreg:$0x0] =	wrdreg $0x60  }
0xae: {  	[dreg:$0x2] =	wrdreg s24  }
0xaf: {  	[dreg:$0x3] =	wrdreg $0x94000  }
0xb0: {  	[dreg:$0x4] =	wrdreg $0x9  }
0xb1: {  	_ =	task.clear_ibuf [dreg:s6], $0x5FFFF;
	_ =	strace $0x90000046  }
0xb2: {  	s29 =	simm.s32 $0x9;
	_ =	strace $0x80000048  }
0xb3: {  	_ =	swait.ge [sflag:s29], $0x1  }
0xb4: {  	[sflag:s29] =	ssyncadd.s32 $0xFFFFFFFF  }
0xb5: {  	_ =	strace $0x90000048  }
0xb6: {  	_ =	sfence  }
0xb7: {  	s30 =	sld [smem:$0x0];
	_ =	sdelay $0x2  }
0xb8: {  	s31 =	sshll.u32 s1, $0xD;
	s1 =	sshrl.u32 s1, $0x2  }
0xb9: {  	s3 =	sand.u32 $0x4000, s31;
	s1 =	sadd.s32 s1, s30  }
0xba: {  	s0 =	sor.u32 s3, s0;
	s1 =	sshll.u32 s1, $0x11  }
0xbb: {  	s0 =	sor.u32 s1, s0  }
0xbc: {  	s0 =	sadd.s32 $0x8F2B, s0  }
0xbd: {  	[sflag:s0] =	ssyncadd.remote.s32 $0x1  }
0xbe: {  	_ =	sfence.sel $0xFFFF  }
0xbf: {  	[dreg:$0x0] =	wrdreg $0xFFFFFFFF;
	(pc) =	sbr.abs _section_cstart, $3  }
0xc0: {  	[dreg:$0x1] =	wrdreg $0xFFFFFFFF  }
0xc1: {  	_ =	task.clear_ibuf [dreg:s6], $0x2FFFF;
	_ =	strace $0x9FFFFFFF  }
0xc2: {  	(tm) =	ssettm $0x7FFFFFFF  }
0xc3: {  	_ =	shalt  }
tec
execute0_lowered:
.L_overlay_start_1:
0x0: {  	(tag) =	ssettag $0x1  }
0x1: {  	s6 =	rddreg [dreg:$0x0]  }
0x2: {  	s1 =	rddreg [dreg:$0x1]  }
0x3: {  	s0 =	rddreg [dreg:$0x2];
	s2 =	simm.s32 $0x0  }
0x4: {  	s4 =	srdreg.scid;
	s3 =	stileid.u32;
	s21 =	simm.s32 $0x1400  }
0x5: {  	s22 =	simm.s32 $0x1;
	s23 =	simm.s32 $0x5400;
	s24 =	simm.s32 $0x80  }
0x6: {  	s25 =	simm.s32 $0x0;
	[smem:$0x7FF] =	sst s2;
	s10 =	sadd.s32 $0x1C000, s6  }
0x7: {  	s9 =	sand.u32 $0x1, s4;
	s4 =	sadd.s32 $0x26800, s6;
	s11 =	smul.u32 $0x270, s3  }
0x8: {  	s5 =	sadd.s32 $0x26000, s6;
	s8 =	smul.u32 $0x4E000, s3;
	s12 =	sadd.s32 $0x27000, s6  }
0x9: {  	p0 =	sne.s32 s3, $0xF;
	s7 =	sshll.u32 s9, $0x4;
	s16 =	smul.u32 $0x2710, s9  }
0xa: {  	s29 =	ssub.s32 $0x2, s9;
	s17 =	smul.u32 $0x138800, s9;
	s7 =	sor.u32 s3, s7  }
0xb: {  	_ =	strace $0x80000047;
	s14 =	sshrl.u32 s29, $0x1;
	s13 =	smul.u32 $0x500, s7  }
0xc: {  	s8 =	sshrl.u32 s8, $0x2;
	s15 =	smul.u32 $0x2800, s7;
	s14 =	ssub.s32 s29, s14  }
0xd: {  	s6 =	sadd.s32 s8, s1;
	s8 =	sadd.s32 $0x138000, s1;
	s11 =	sadd.s32 s11, s16  }
0xe: {  	s31 =	sshrl.u32 s17, $0x3;
	s7 =	sadd.s32 $0x10000, s6;
	s11 =	sshll.u32 s11, $0x4  }
0xf: {  	s14 =	smax.u32 s14, $0x1;
	s16 =	sadd.s32 $0x8000, s6;
	s17 =	sadd.s32 $0xC000, s6  }
0x10: {  	s9 =	sadd.s32 s10, s13;
	s30 =	sshrl.u32 s15, $0x3;
	s11 =	sadd.s32 s12, s11  }
0x11: {  	s13 =	sadd.s32 s12, s31;
	s15 =	sadd.s32 $0x4000, s6;
	s10 =	sadd.s32 s10, s30  }
0x12: {  	s12 =	sadd.s32 $0x2000, s11;
	s13 =	sadd.s32 $0x27000, s13;
	s18 =	sadd.s32 $0x800, s11  }
0x13: {  	s19 =	sadd.s32 $0x1000, s11;
	s20 =	sadd.s32 $0x1800, s11;
	s10 =	sadd.s32 $0x280, s10  }
.LBB2_1:
0x14: {  	[tilespmem:s21], [sflag:$0x1] =	stream.linear.gather [hbm4b:s4+s2], $0x4000, $0x38;
	[tilespmem:$0x1CCC0] =	vst v63  }
0x15: {  	_ =	swait.ge [sflag:s22], $0x4000  }
0x16: {  	[sflag:s22] =	ssyncset.done $0x0  }
0x17: {  	[sflag:s22] =	ssyncadd.s32 $0xFFFFC000  }
0x18: {  	[tilespmem:s23], [sflag:$0x1] =	stream.linear.gather [hbm4b:s5+s2], $0x4000, $0x38;
	[tilespmem:$0x1CCC0] =	vst v63  }
0x19: {  	_ =	swait.ge [sflag:s22], $0x4000  }
0x1a: {  	[sflag:s22] =	ssyncset.done $0x0  }
0x1b: {  	[sflag:s22] =	ssyncadd.s32 $0xFFFFC000  }
0x1c: {  	[spmem:s6] =	stream.linear.scatter [tilespmem:s23], [sflag:$0x1], $0x4000, $0x38;
	[tilespmem:$0x1CCC0] =	vst v63  }
0x1d: {  	_ =	swait.ge [sflag:s22], $0x4000  }
0x1e: {  	[sflag:s22] =	ssyncset.done $0x0  }
0x1f: {  	[sflag:s22] =	ssyncadd.s32 $0xFFFFC000  }
0x20: {  	[spmem:s15] =	stream.linear.scatter [tilespmem:s23], [sflag:$0x1], $0x4000, $0x38;
	[tilespmem:$0x1CCC0] =	vst v63  }
0x21: {  	_ =	swait.ge [sflag:s22], $0x4000  }
0x22: {  	[sflag:s22] =	ssyncset.done $0x0  }
0x23: {  	[sflag:s22] =	ssyncadd.s32 $0xFFFFC000  }
0x24: {  	[spmem:s16] =	stream.linear.scatter [tilespmem:s23], [sflag:$0x1], $0x4000, $0x38;
	[tilespmem:$0x1CCC0] =	vst v63  }
0x25: {  	_ =	swait.ge [sflag:s22], $0x4000  }
0x26: {  	[sflag:s22] =	ssyncset.done $0x0  }
0x27: {  	[sflag:s22] =	ssyncadd.s32 $0xFFFFC000  }
0x28: {  	[spmem:s17] =	stream.linear.scatter [tilespmem:s23], [sflag:$0x1], $0x4000, $0x38;
	[tilespmem:$0x1CCC0] =	vst v63  }
0x29: {  	_ =	swait.ge [sflag:s22], $0x4000  }
0x2a: {  	[sflag:s22] =	ssyncset.done $0x0  }
0x2b: {  	[sflag:s22] =	ssyncadd.s32 $0xFFFFC000  }
0x2c: {  	[spmem:s7] =	stream.linear.scatter [tilespmem:s23], [sflag:$0x1], $0x3800, $0x38;
	[tilespmem:$0x1CCC0] =	vst v63  }
0x2d: {  	_ =	swait.ge [sflag:s22], $0x3800  }
0x2e: {  	[sflag:s22] =	ssyncset.done $0x0  }
0x2f: {  	s26 =	simm.s32 @!p0 $0x5400;
	[sflag:s22] =	ssyncadd.s32 $0xFFFFC800  }
0x30: {  	[spmem:s8] =	stream.linear.scatter @!p0 [tilespmem:s26], [sflag:$0x1], $0x800, $0x38;
	[tilespmem:$0x1CCC0] =	vst v63  }
0x31: {  	s26 =	simm.s32 @!p0 $0x1  }
0x32: {  	_ =	swait.ge @!p0 [sflag:s26], $0x800  }
0x33: {  	[sflag:s26] =	ssyncset.done @!p0 $0x0  }
0x34: {  	[sflag:s26] =	ssyncadd.s32 @!p0 $0xFFFFF800  }
0x35: {  	[bflag:$0x0] =	sbarrier.arrive $0xFFFF  }
0x36: {  	[tilespmem:s2], [sflag:$0x1] =	stream.linear.gather [hbm4b:s9+s2], $0x1400, $0x38;
	[tilespmem:$0x1CCC0] =	vst v63  }
0x37: {  	_ =	swait.ge [sflag:s22], $0x1400  }
0x38: {  	[sflag:s22] =	ssyncset.done $0x0  }
0x39: {  	s31 =	simm.s32 $0x0;
	[sflag:s22] =	ssyncadd.s32 $0xFFFFEC00  }
0x3a: {  	[spmem:s1] =	stream.indirect.scatter.add.f32 [tilespmem:s21], [sflag:$0x1], $0x80, s31, s24, $0xb8;
	[tilespmem:$0x1CCC0] =	vst v63  }
0x3b: {  	_ =	swait.ge [sflag:s22], $0x4000  }
0x3c: {  	s26 =	simm.s32 $0x200;
	[sflag:s22] =	ssyncset.done $0x0  }
.LBB2_2:
0x3d: {  	s28 =	sshra.s32 s26, $0x2;
	[sflag:s22] =	ssyncadd.s32 $0xFFFFC000;
	p1 =	sne.s32 s26, $0x4E00  }
0x3e: {  	[spmem:s1] =	stream.indirect.scatter.add.f32 [tilespmem:s21], [sflag:$0x1], $0x80, s28, s24, $0xb8;
	[tilespmem:$0x1CCC0] =	vst v63  }
.Ltmp0:
0x3f: {  	_ = 	snop;
	(pc) =	sbr.rel @p1 .LBB2_2-.Ltmp0, $4  }
0x40: {  	_ = 	snop  }
0x41: {  	s26 =	sadd.s32 $0x200, s26  }
0x42: {  	_ =	swait.ge [sflag:s22], $0x4000  }
0x43: {  	[sflag:s22] =	ssyncset.done $0x0  }
0x44: {  	[sflag:s22] =	ssyncadd.s32 $0xFFFFC000;
	s26 =	simm.s32 $0x0  }
0x45: {  	[tilespmem:s26], [sflag:$0x1] =	stream.linear.gather [hbm4b:s10+s26], $0x1400, $0x38;
	[tilespmem:$0x1CCC0] =	vst v63  }
0x46: {  	_ =	swait.ge [sflag:s22], $0x1400  }
0x47: {  	[sflag:s22] =	ssyncset.done $0x0  }
0x48: {  	s31 =	simm.s32 $0x0;
	[sflag:s22] =	ssyncadd.s32 $0xFFFFEC00  }
0x49: {  	[spmem:s1] =	stream.indirect.scatter.add.f32 [tilespmem:s21], [sflag:$0x1], $0x80, s31, s24, $0xb8;
	[tilespmem:$0x1CCC0] =	vst v63  }
0x4a: {  	_ =	swait.ge [sflag:s22], $0x4000  }
0x4b: {  	s26 =	simm.s32 $0x200;
	[sflag:s22] =	ssyncset.done $0x0  }
.LBB2_4:
0x4c: {  	s28 =	sshra.s32 s26, $0x2;
	[sflag:s22] =	ssyncadd.s32 $0xFFFFC000;
	p1 =	sne.s32 s26, $0x4E00  }
0x4d: {  	[spmem:s1] =	stream.indirect.scatter.add.f32 [tilespmem:s21], [sflag:$0x1], $0x80, s28, s24, $0xb8;
	[tilespmem:$0x1CCC0] =	vst v63  }
.Ltmp1:
0x4e: {  	_ = 	snop;
	(pc) =	sbr.rel @p1 .LBB2_4-.Ltmp1, $4  }
0x4f: {  	_ = 	snop  }
0x50: {  	s26 =	sadd.s32 $0x200, s26  }
0x51: {  	_ =	swait.ge [sflag:s22], $0x4000  }
0x52: {  	[sflag:s22] =	ssyncset.done $0x0  }
0x53: {  	[sflag:s22] =	ssyncadd.s32 $0xFFFFC000  }
0x54: {  	[bflag:$0x0] =	sbarrier.arrive $0xFFFF  }
0x55: {  	[tilespmem:s23], [sflag:$0x1] =	stream.linear.gather [spmem:s6], $0x4000, $0x38;
	[tilespmem:$0x1CCC0] =	vst v63  }
0x56: {  	_ =	swait.ge [sflag:s22], $0x4000  }
0x57: {  	[sflag:s22] =	ssyncset.done $0x0  }
0x58: {  	[sflag:s22] =	ssyncadd.s32 $0xFFFFC000  }
0x59: {  	[hbm4b:s11+s2] =	stream.linear.scatter [tilespmem:s23], [sflag:$0x1], $0x4000, $0x38;
	[tilespmem:$0x1CCC0] =	vst v63  }
0x5a: {  	_ =	swait.ge [sflag:s22], $0x4000  }
0x5b: {  	[sflag:s22] =	ssyncset.done $0x0  }
0x5c: {  	[sflag:s22] =	ssyncadd.s32 $0xFFFFC000  }
0x5d: {  	[tilespmem:s23], [sflag:$0x1] =	stream.linear.gather [spmem:s15], $0x4000, $0x38;
	[tilespmem:$0x1CCC0] =	vst v63  }
0x5e: {  	_ =	swait.ge [sflag:s22], $0x4000  }
0x5f: {  	[sflag:s22] =	ssyncset.done $0x0  }
0x60: {  	[sflag:s22] =	ssyncadd.s32 $0xFFFFC000  }
0x61: {  	[hbm4b:s18+s2] =	stream.linear.scatter [tilespmem:s23], [sflag:$0x1], $0x4000, $0x38;
	[tilespmem:$0x1CCC0] =	vst v63  }
0x62: {  	_ =	swait.ge [sflag:s22], $0x4000  }
0x63: {  	[sflag:s22] =	ssyncset.done $0x0  }
0x64: {  	[sflag:s22] =	ssyncadd.s32 $0xFFFFC000  }
0x65: {  	[tilespmem:s23], [sflag:$0x1] =	stream.linear.gather [spmem:s16], $0x4000, $0x38;
	[tilespmem:$0x1CCC0] =	vst v63  }
0x66: {  	_ =	swait.ge [sflag:s22], $0x4000  }
0x67: {  	[sflag:s22] =	ssyncset.done $0x0  }
0x68: {  	[sflag:s22] =	ssyncadd.s32 $0xFFFFC000  }
0x69: {  	[hbm4b:s19+s2] =	stream.linear.scatter [tilespmem:s23], [sflag:$0x1], $0x4000, $0x38;
	[tilespmem:$0x1CCC0] =	vst v63  }
0x6a: {  	_ =	swait.ge [sflag:s22], $0x4000  }
0x6b: {  	[sflag:s22] =	ssyncset.done $0x0  }
0x6c: {  	[sflag:s22] =	ssyncadd.s32 $0xFFFFC000  }
0x6d: {  	[tilespmem:s23], [sflag:$0x1] =	stream.linear.gather [spmem:s17], $0x4000, $0x38;
	[tilespmem:$0x1CCC0] =	vst v63  }
0x6e: {  	_ =	swait.ge [sflag:s22], $0x4000  }
0x6f: {  	[sflag:s22] =	ssyncset.done $0x0  }
0x70: {  	[sflag:s22] =	ssyncadd.s32 $0xFFFFC000  }
0x71: {  	[hbm4b:s20+s2] =	stream.linear.scatter [tilespmem:s23], [sflag:$0x1], $0x4000, $0x38;
	[tilespmem:$0x1CCC0] =	vst v63  }
0x72: {  	_ =	swait.ge [sflag:s22], $0x4000  }
0x73: {  	[sflag:s22] =	ssyncset.done $0x0  }
0x74: {  	[sflag:s22] =	ssyncadd.s32 $0xFFFFC000  }
0x75: {  	[tilespmem:s23], [sflag:$0x1] =	stream.linear.gather [spmem:s7], $0x3800, $0x38;
	[tilespmem:$0x1CCC0] =	vst v63  }
0x76: {  	_ =	swait.ge [sflag:s22], $0x3800  }
0x77: {  	[sflag:s22] =	ssyncset.done $0x0  }
0x78: {  	[sflag:s22] =	ssyncadd.s32 $0xFFFFC800  }
0x79: {  	[hbm4b:s12+s2] =	stream.linear.scatter [tilespmem:s23], [sflag:$0x1], $0x3800, $0x38;
	[tilespmem:$0x1CCC0] =	vst v63  }
0x7a: {  	_ =	swait.ge [sflag:s22], $0x3800  }
0x7b: {  	[sflag:s22] =	ssyncset.done $0x0  }
0x7c: {  	s26 =	simm.s32 @!p0 $0x5400;
	s28 =	simm.s32 @!p0 $0x1;
	[sflag:s22] =	ssyncadd.s32 $0xFFFFC800  }
0x7d: {  	[tilespmem:s26], [sflag:$0x1] =	stream.linear.gather @!p0 [spmem:s8], $0x800, $0x38;
	[tilespmem:$0x1CCC0] =	vst v63  }
0x7e: {  	s25 =	sadd.s32 $0x1, s25;
	_ =	swait.ge @!p0 [sflag:s28], $0x800  }
0x7f: {  	p1 =	sne.s32 s25, s14;
	[sflag:s28] =	ssyncset.done @!p0 $0x0  }
.Ltmp2:
0x80: {  	s29 =	simm.s32 @!p0 $0x0;
	[sflag:s28] =	ssyncadd.s32 @!p0 $0xFFFFF800;
	(pc) =	sbr.rel @p1 .LBB2_1-.Ltmp2, $4  }
0x81: {  	[hbm4b:s13+s29] =	stream.linear.scatter @!p0 [tilespmem:s26], [sflag:$0x1], $0x800, $0x38;
	[tilespmem:$0x1CCC0] =	vst v63  }
0x82: {  	_ =	swait.ge @!p0 [sflag:s28], $0x800  }
0x83: {  	[sflag:s28] =	ssyncset.done @!p0 $0x0  }
0x84: {  	[sflag:s28] =	ssyncadd.s32 @!p0 $0xFFFFF800  }
0x85: {  	_ =	sfence.sel $0x180000  }
0x86: {  	[bflag:$0x0] =	sbarrier.arrive $0xFFFF  }
0x87: {  	p0 =	sne.s32 s3, $0x0;
	_ =	strace $0x90000047  }
0x88: {  	s0 =	sadd.s32 @!p0 $0x100000, s0;
	[bflag:$0x2] =	sbarrier.arrive $0xFFFF  }
0x89: {  	[sflag:s0] =	ssyncadd.tile.s32 @!p0 $0x1;
	_ =	shalt  }
.Lfunc_end2:
_tile_overlayer_lowered:
.L_overlay_start_2:
0x8a: {  	(tag) =	ssettag $0x2  }
0x8b: {  	s0 =	rddreg [dreg:$0x0];
	s2 =	stileid.u32  }
0x8c: {  	s1 =	rddreg [dreg:$0x1];
	p0 =	sne.s32 s2, $0x0  }
0x8d: {  	s3 =	rddreg [dreg:$0x2];
	[bflag:$0x3] =	sbarrier.arrive $0xFFFF;
	s2 =	simm.s32 @!p0 $0x1C01  }
0x8e: {  	[timem:s3], [sflag:s2] =	dma.local @!p0 [hbm:s0], s1  }
0x8f: {  	s0 =	simm.s32 @!p0 $0x1  }
0x90: {  	_ =	swait.ge @!p0 [sflag:s0], s1  }
0x91: {  	s1 =	ssub.s32 @!p0 $0x0, s1;
	[sflag:s0] =	ssyncset.done @!p0 $0x0  }
0x92: {  	[sflag:s0] =	ssyncadd.s32 @!p0 s1  }
0x93: {  	[bflag:$0x3] =	sbarrier.arrive $0xFFFF  }
0x94: {  	_ =	shalt  }

// kernel: kernel.23.cloned.1.call-start
scs
__scs_entry_jumppad:
0x0: {  	(pc) =	sbr.rel $0x88, $3  }
0x1: {  	(tag) =	ssettag $0x0;
	lr =	simm.s32 $0x1  }
0x2: {  	[smem:$0x3F8E] =	sst lr;
	_ =	strace $0xD0000000  }
0x3: {  	_ = 	snop  }
0x4: {  	_ = 	snop  }
0x5: {  	_ = 	snop  }
0x6: {  	_ = 	snop  }
0x7: {  	_ = 	snop  }
__scs_overlays_trampoline_lowered:
0x8: {  	[smem:$0x3F9D] =	sst s0  }
0x9: {  	[smem:$0x3F9E] =	sst s1  }
0xa: {  	[smem:$0x3F9F] =	sst s2  }
0xb: {  	[smem:$0x3FA0] =	sst s3  }
0xc: {  	[smem:$0x3FA1] =	sst s4  }
0xd: {  	[smem:$0x3FA2] =	sst s5  }
0xe: {  	[smem:$0x3FA3] =	sst s6  }
0xf: {  	[smem:$0x3FA4] =	sst s7  }
0x10: {  	[smem:$0x3FA5] =	sst s8  }
0x11: {  	[smem:$0x3FA6] =	sst s9;
	s0 =	simm.s32 @!p0 $0x0  }
0x12: {  	s1 =	sld [smem:$0x3F8C];
	s0 =	simm.s32 @p0 $0x1  }
0x13: {  	[smem:$0x3FA7] =	sst s0;
	s0 =	simm.s32 @!p1 $0x0  }
0x14: {  	s2 =	sld [smem:$0x3F8B];
	s0 =	simm.s32 @p1 $0x1  }
0x15: {  	[smem:$0x3FA8] =	sst s0;
	s0 =	simm.s32 @!p2 $0x0  }
0x16: {  	s3 =	sld [smem:$0x3FDB];
	s0 =	simm.s32 @p2 $0x1  }
0x17: {  	s4 =	simm.s32 $0x1BF5;
	[smem:$0x3FAA] =	sst s0  }
0x18: {  	s0 =	sld [smem:$0x3F8D];
	_ =	swait.ge [sflag:s4], $0x0  }
0x19: {  	s7 =	sld [smem:$0x3F8E]  }
0x1a: {  	s8 =	sadd.s32 $0xFFFFE003, lr  }
0x1b: {  	s9 =	sadd.s32 $0xFFFFFEF7, lr;
	s5 =	simm.s32 $0xFFFFFFFF;
	p2 =	slt.u32 s8, $0xFFFFF086  }
0x1c: {  	p1 =	slt.u32 s9, $0xF7A;
	s5 =	simm.s32 @!p2 $0x0  }
0x1d: {  	s5 =	simm.s32 @p1 $0x1;
	p0 =	seq.s32 s7, s2  }
0x1e: {  	s7 =	smul.u32 @!p0 $0xF7A, s2;
	p2 =	seq.s32 @!p0 s5, $0x0  }
0x1f: {  	s9 =	smul.u32 $0xF7A, s1;
	s8 =	simm.s32 @!p0 $0x1BF5;
	p2 =	por !p2, p0  }
0x20: {  	[sflag:s8] =	ssyncset.s32 @!p0 $0xFFFFF086;
	s6 =	sadd.s32 @!p0 s3, s7;
	s7 =	simm.s32 @!p0 $0x108  }
0x21: {  	s3 =	sadd.s32 s3, s9;
	s6 =	sadd.s32 @!p0 $0x88, s6;
	s7 =	simm.s32 @p2 $0x1082  }
0x22: {  	[simem:s7], [sflag:s8] =	dma.local @!p0 [hbm:s6], $0xF7A  }
0x23: {  	s9 =	sor.u32 $0xD0000000, s2;
	s6 =	simm.s32 $0x108;
	_ =	swait.ge @!p0 [sflag:s8], $0x0  }
0x24: {  	s3 =	sadd.s32 $0x88, s3;
	s6 =	simm.s32 @!p1 $0x1082;
	[sflag:s4] =	ssyncset.s32 $0xFFFFF086  }
0x25: {  	[simem:s6], [sflag:s4] =	dma.local [hbm:s3], $0xF7A  }
0x26: {  	[smem:$0x3F8E] =	sst s1;
	(tag) =	ssettag s2;
	_ =	strace s9  }
0x27: {  	s1 =	sld [smem:$0x3F9E]  }
0x28: {  	s2 =	sld [smem:$0x3F9F]  }
0x29: {  	s4 =	sld [smem:$0x3FA1]  }
0x2a: {  	p0 =	seq.s32 s5, $0x0;
	s5 =	sld [smem:$0x3FA2]  }
0x2b: {  	s6 =	sld [smem:$0x3FA3]  }
0x2c: {  	s7 =	sld [smem:$0x3FA4]  }
0x2d: {  	s3 =	simm.s32 $0x108;
	s8 =	sld [smem:$0x3FA5]  }
0x2e: {  	s3 =	simm.s32 @!p0 $0x1082;
	s9 =	sld [smem:$0x3FA6]  }
0x2f: {  	lr =	sadd.s32 s0, s3;
	s0 =	sld [smem:$0x3F9D]  }
0x30: {  	s3 =	sld [smem:$0x3FA0]  }
0x31: {  	[smem:$0x3FA9] =	sst s10  }
0x32: {  	s10 =	sld [smem:$0x3FA7];
	_ =	sdelay $0x3  }
0x33: {  	p0 =	seq.s32 s10, $0x1;
	s10 =	sld [smem:$0x3FA9];
	_ =	sdelay $0x3  }
0x34: {  	[smem:$0x3FA9] =	sst s10  }
0x35: {  	s10 =	sld [smem:$0x3FA8];
	_ =	sdelay $0x3  }
0x36: {  	p1 =	seq.s32 s10, $0x1;
	s10 =	sld [smem:$0x3FA9];
	_ =	sdelay $0x3  }
0x37: {  	[smem:$0x3FA9] =	sst s10  }
0x38: {  	s10 =	sld [smem:$0x3FAA]  }
0x39: {  	_ = 	snop;
	(pc) =	sbr.ind lr, $3  }
0x3a: {  	_ = 	snop  }
0x3b: {  	_ = 	snop  }
0x3c: {  	p2 =	seq.s32 s10, $0x1;
	s10 =	sld [smem:$0x3FA9]  }
0x3d: {  	_ =	shalt  }
0x3e: {  	_ =	shalt  }
0x3f: {  	_ =	shalt  }
0x40: {  	_ =	shalt  }
0x41: {  	_ =	shalt  }
0x42: {  	_ =	shalt  }
0x43: {  	_ =	shalt  }
0x44: {  	_ =	shalt  }
0x45: {  	_ =	shalt  }
0x46: {  	_ =	shalt  }
0x47: {  	_ =	shalt  }
0x48: {  	_ =	shalt  }
0x49: {  	_ =	shalt  }
0x4a: {  	_ =	shalt  }
0x4b: {  	_ =	shalt  }
0x4c: {  	_ =	shalt  }
0x4d: {  	_ =	shalt  }
0x4e: {  	_ =	shalt  }
0x4f: {  	_ =	shalt  }
0x50: {  	_ =	shalt  }
0x51: {  	_ =	shalt  }
0x52: {  	_ =	shalt  }
0x53: {  	_ =	shalt  }
0x54: {  	_ =	shalt  }
0x55: {  	_ =	shalt  }
0x56: {  	_ =	shalt  }
0x57: {  	_ =	shalt  }
0x58: {  	_ =	shalt  }
0x59: {  	_ =	shalt  }
0x5a: {  	_ =	shalt  }
0x5b: {  	_ =	shalt  }
0x5c: {  	_ =	shalt  }
0x5d: {  	_ =	shalt  }
0x5e: {  	_ =	shalt  }
0x5f: {  	_ =	shalt  }
0x60: {  	_ =	shalt  }
0x61: {  	_ =	shalt  }
0x62: {  	_ =	shalt  }
0x63: {  	_ =	shalt  }
0x64: {  	_ =	shalt  }
0x65: {  	_ =	shalt  }
0x66: {  	_ =	shalt  }
0x67: {  	_ =	shalt  }
0x68: {  	_ =	shalt  }
0x69: {  	_ =	shalt  }
0x6a: {  	_ =	shalt  }
0x6b: {  	_ =	shalt  }
0x6c: {  	_ =	shalt  }
0x6d: {  	_ =	shalt  }
0x6e: {  	_ =	shalt  }
0x6f: {  	_ =	shalt  }
0x70: {  	_ =	shalt  }
0x71: {  	_ =	shalt  }
0x72: {  	_ =	shalt  }
0x73: {  	_ =	shalt  }
0x74: {  	_ =	shalt  }
0x75: {  	_ =	shalt  }
0x76: {  	_ =	shalt  }
0x77: {  	_ =	shalt  }
0x78: {  	_ =	shalt  }
0x79: {  	_ =	shalt  }
0x7a: {  	_ =	shalt  }
0x7b: {  	_ =	shalt  }
0x7c: {  	_ =	shalt  }
0x7d: {  	_ =	shalt  }
0x7e: {  	_ =	shalt  }
0x7f: {  	_ =	shalt  }
0x80: {  	_ =	shalt  }
0x81: {  	_ =	shalt  }
0x82: {  	_ =	shalt  }
0x83: {  	_ =	shalt  }
0x84: {  	_ =	shalt  }
0x85: {  	_ =	shalt  }
0x86: {  	_ =	shalt  }
0x87: {  	_ =	shalt  }
.Lfunc_end0:
.L_simem_size_0:
called_computation.1_lowered:
.L_overlay_start_0:
0x88: {  	s2 =	sld [smem:$0x3FD9]  }
0x89: {  	s3 =	sld [smem:$0x3FFE];
	_ =	sdelay $0x1  }
0x8a: {  	s1 =	srdreg.scid  }
0x8b: {  	s0 =	sand.u32 $0x1, s1  }
0x8c: {  	s16 =	sshll.u32 s0, $0xA;
	s2 =	sadd.s32 s3, s2  }
0x8d: {  	s2 =	sadd.s32 s2, s16  }
0x8e: {  	[smem:$0x3FB5] =	sst s2  }
0x8f: {  	_ = 	snop  }
0x90: {  	(tm) =	ssettm $0x1  }
0x91: {  	s17 =	sld [smem:$0x3FFB];
	_ =	sdelay $0x3  }
0x92: {  	_ =	strace s17  }
0x93: {  	s2 =	sld [smem:$0x3FFC];
	_ =	sdelay $0x3  }
0x94: {  	_ =	strace s2  }
0x95: {  	s2 =	sld [smem:$0x3FFD];
	_ =	sdelay $0x3  }
0x96: {  	_ =	strace s2  }
0x97: {  	_ =	strace $0x8FFFFFFF  }
0x98: {  	s18 =	sld [smem:$0x3FDB];
	_ =	sdelay $0x1  }
0x99: {  	s19 =	simm.s32 $_scs_section_size  }
0x9a: {  	s4 =	simm.s32 $_size__tile_overlayer_lowered;
	s5 =	simm.s32 $_tile_overlayer_lowered  }
0x9b: {  	s22 =	simm.s32 $0x1BFF;
	s21 =	sshll.u32 s5, $0x1;
	s2 =	sadd.s32 s19, s18  }
0x9c: {  	s6 =	simm.s32 $0x0;
	s20 =	sshll.u32 s4, $0x1;
	s4 =	sadd.s32 s21, s2  }
0x9d: {  	[timem:s6], [sflag:s22] =	dma.local [hbm:s4], s20  }
0x9e: {  	_ =	swait.ge [sflag:s22], s20  }
0x9f: {  	s3 =	ssub.s32 $0x0, s20;
	[sflag:s22] =	ssyncset.done $0x0  }
0xa0: {  	[sflag:s22] =	ssyncadd.s32 s3;
	_ =	sdelay $0x1  }
0xa1: {  	s23 =	simm.s32 $0x1B8B  }
0xa2: {  	_ =	swait.ge [sflag:s23], $0x1  }
0xa3: {  	[sflag:s23] =	ssyncset.done $0x0  }
0xa4: {  	s25 =	simm.s32 $0x1B8E;
	s24 =	sld [smem:$0x3FFE];
	[sflag:s23] =	ssyncadd.s32 $0xFFFFFFFF  }
0xa5: {  	s26 =	simm.s32 $execute0_lowered;
	[smem:$0x3FD2] =	sst s25  }
0xa6: {  	s4 =	sshll.u32 s26, $0x1;
	_ =	strace $0x80000049;
	[dreg:$0x1] =	wrdreg $0xFFFFFFFF  }
0xa7: {  	s28 =	simm.s32 $_size_execute0_lowered;
	s2 =	sadd.s32 s2, s4;
	[dreg:$0x0] =	wrdreg $0x0  }
0xa8: {  	s4 =	sshll.u32 s28, $0x1;
	[dreg:$0x2] =	wrdreg s2  }
0xa9: {  	[dreg:$0x3] =	wrdreg s4  }
0xaa: {  	[dreg:$0x4] =	wrdreg $0xC0  }
0xab: {  	_ =	task [dreg:s6], $0x5FFFF  }
0xac: {  	[dreg:$0x1] =	wrdreg $0xFFFFFFFF  }
0xad: {  	[dreg:$0x0] =	wrdreg $0x60  }
0xae: {  	[dreg:$0x2] =	wrdreg s24  }
0xaf: {  	[dreg:$0x3] =	wrdreg $0x51800  }
0xb0: {  	[dreg:$0x4] =	wrdreg $0x9  }
0xb1: {  	_ =	task.clear_ibuf [dreg:s6], $0x5FFFF;
	_ =	strace $0x90000049  }
0xb2: {  	s29 =	simm.s32 $0x9;
	_ =	strace $0x8000004B  }
0xb3: {  	_ =	swait.ge [sflag:s29], $0x1  }
0xb4: {  	[sflag:s29] =	ssyncadd.s32 $0xFFFFFFFF  }
0xb5: {  	_ =	strace $0x9000004B  }
0xb6: {  	_ =	sfence  }
0xb7: {  	s30 =	sld [smem:$0x0];
	_ =	sdelay $0x2  }
0xb8: {  	s31 =	sshll.u32 s1, $0xD;
	s1 =	sshrl.u32 s1, $0x2  }
0xb9: {  	s3 =	sand.u32 $0x4000, s31;
	s1 =	sadd.s32 s1, s30  }
0xba: {  	s0 =	sor.u32 s3, s0;
	s1 =	sshll.u32 s1, $0x11  }
0xbb: {  	s0 =	sor.u32 s1, s0  }
0xbc: {  	s0 =	sadd.s32 $0x8F2B, s0  }
0xbd: {  	[sflag:s0] =	ssyncadd.remote.s32 $0x1  }
0xbe: {  	_ =	sfence.sel $0xFFFF  }
0xbf: {  	[dreg:$0x0] =	wrdreg $0xFFFFFFFF;
	(pc) =	sbr.abs _section_cstart, $3  }
0xc0: {  	[dreg:$0x1] =	wrdreg $0xFFFFFFFF  }
0xc1: {  	_ =	task.clear_ibuf [dreg:s6], $0x2FFFF;
	_ =	strace $0x9FFFFFFF  }
0xc2: {  	(tm) =	ssettm $0x7FFFFFFF  }
0xc3: {  	_ =	shalt  }
tec
execute0_lowered:
.L_overlay_start_1:
0x0: {  	(tag) =	ssettag $0x1  }
0x1: {  	s0 =	rddreg [dreg:$0x0]  }
0x2: {  	s1 =	rddreg [dreg:$0x1];
	s2 =	simm.s32 $0x0;
	s3 =	srdreg.scid  }
0x3: {  	s16 =	stileid.u32;
	s31 =	simm.s32 $0x2;
	[smem:$0x7FF] =	sst s2  }
0x4: {  	s4 =	sadd.s32 $0x4DA00, s0;
	s5 =	sadd.s32 $0x8400, s0;
	s8 =	smul.u32 $0x4E000, s16  }
0x5: {  	s6 =	sadd.s32 $0x12200, s0;
	s3 =	sand.u32 $0x1, s3;
	s12 =	smul.u32 $0x270, s16  }
0x6: {  	s7 =	sadd.s32 $0x26000, s0;
	s0 =	sadd.s32 $0x74C00, s0;
	s22 =	smul.u32 $0x2710, s16  }
0x7: {  	s26 =	sadd.s32 $0x138000, s1;
	p0 =	sne.s32 s16, $0xF;
	s13 =	smul.u32 $0x2710, s3  }
0x8: {  	_ =	strace $0x8000004A;
	[dreg:$0x3] =	wrdreg s7;
	s15 =	smul.u32 $0x138800, s3  }
0x9: {  	s24 =	sshll.u32 s3, $0x4;
	s9 =	ssub.s32 $0x2, s3;
	s3 =	smul.u32 $0x27100, s3  }
0xa: {  	s7 =	sor.u32 s16, s24;
	s10 =	sshrl.u32 s9, $0x1;
	s25 =	sshrl.u32 s8, $0x2  }
0xb: {  	s11 =	smul.u32 $0x2710, s7;
	s10 =	ssub.s32 s9, s10;
	s7 =	sadd.s32 s25, s1  }
0xc: {  	s12 =	sadd.s32 s12, s13;
	s20 =	sshrl.u32 s15, $0x3;
	s8 =	sadd.s32 $0x11800, s7  }
0xd: {  	s12 =	sshll.u32 s12, $0x4;
	s10 =	smax.u32 s10, $0x1;
	s13 =	sadd.s32 $0x2800, s7  }
0xe: {  	s28 =	sadd.s32 $0xA000, s7;
	s29 =	sadd.s32 $0xC800, s7;
	s30 =	sadd.s32 $0xF000, s7  }
0xf: {  	s11 =	sshrl.u32 s11, $0x3;
	s12 =	sadd.s32 s0, s12;
	s0 =	sadd.s32 s0, s20  }
0x10: {  	[dreg:$0xa] =	wrdreg s10;
	s10 =	smov.u32 s8;
	s14 =	sadd.s32 $0x4D8, s11  }
0x11: {  	s17 =	sadd.s32 s5, s11;
	s21 =	sadd.s32 $0x2300, s12;
	[dreg:$0x7] =	wrdreg s12  }
0x12: {  	s0 =	sadd.s32 $0x27000, s0;
	s23 =	sadd.s32 $0x4CE, s11;
	[dreg:$0x4] =	wrdreg s17  }
0x13: {  	s11 =	sadd.s32 s6, s11;
	s16 =	sadd.s32 $0x500, s12;
	[dreg:$0x8] =	wrdreg s21  }
0x14: {  	s20 =	sadd.s32 $0x1400, s12;
	s18 =	sadd.s32 s5, s14;
	[dreg:$0x9] =	wrdreg s0  }
0x15: {  	s19 =	sadd.s32 s6, s14;
	s17 =	sadd.s32 $0x5000, s7;
	[dreg:$0xf] =	wrdreg s16  }
0x16: {  	s0 =	sadd.s32 s22, s3;
	s24 =	sadd.s32 s5, s23;
	[dreg:$0x12] =	wrdreg s20  }
0x17: {  	s25 =	sadd.s32 $0x4C4, s11;
	s11 =	smov.u32 s26;
	[dreg:$0x5] =	wrdreg s18  }
0x18: {  	s14 =	sadd.s32 s6, s23;
	s21 =	sadd.s32 $0x1900, s12;
	[dreg:$0x6] =	wrdreg s19  }
0x19: {  	s22 =	sadd.s32 $0x1E00, s12;
	s16 =	simm.s32 $0x80;
	[dreg:$0xb] =	wrdreg s24  }
0x1a: {  	s20 =	simm.s32 $0x2980;
	[dreg:$0xc] =	wrdreg s25;
	s26 =	sadd.s32 $0x50, s0  }
0x1b: {  	[dreg:$0xd] =	wrdreg s14;
	s15 =	sshrl.u32 s0, $0x3;
	s0 =	sadd.s32 $0xA0, s0  }
0x1c: {  	s18 =	sadd.s32 $0xA00, s12;
	s19 =	sadd.s32 $0xF00, s12;
	[dreg:$0x13] =	wrdreg s21  }
0x1d: {  	[dreg:$0x14] =	wrdreg s22;
	s12 =	simm.s32 $0x180;
	s14 =	simm.s32 $0x3  }
0x1e: {  	s21 =	simm.s32 $0x100;
	s3 =	sshrl.u32 s26, $0x3;
	[dreg:$0xe] =	wrdreg s0  }
0x1f: {  	s23 =	sadd.s32 s15, s6;
	s26 =	sadd.s32 $0x7800, s7;
	[dreg:$0x10] =	wrdreg s18  }
0x20: {  	[dreg:$0x11] =	wrdreg s19;
	s15 =	simm.s32 $0x50;
	s19 =	simm.s32 $0x1  }
0x21: {  	s0 =	simm.s32 $0x0;
	s24 =	sadd.s32 s3, s6;
	s25 =	sadd.s32 s3, s5  }
.LBB2_1:
0x22: {  	s3 =	rddreg [dreg:$0x3]  }
0x23: {  	[tilespmem:s12], [sflag:$0x3] =	stream.linear.gather [hbm4b:s3+s2], $0x2800, $0x38;
	[tilespmem:$0x18A40] =	vst v63  }
0x24: {  	_ =	swait.ge [sflag:s14], $0x2800  }
0x25: {  	[sflag:s14] =	ssyncset.done $0x0  }
0x26: {  	[sflag:s14] =	ssyncadd.s32 $0xFFFFD800  }
0x27: {  	[spmem:s7] =	stream.linear.scatter [tilespmem:s12], [sflag:$0x3], $0x2800, $0x38;
	[tilespmem:$0x18A40] =	vst v63  }
0x28: {  	_ =	swait.ge [sflag:s14], $0x2800  }
0x29: {  	[sflag:s14] =	ssyncset.done $0x0  }
0x2a: {  	[sflag:s14] =	ssyncadd.s32 $0xFFFFD800  }
0x2b: {  	[spmem:s13] =	stream.linear.scatter [tilespmem:s12], [sflag:$0x3], $0x2800, $0x38;
	[tilespmem:$0x18A40] =	vst v63  }
0x2c: {  	_ =	swait.ge [sflag:s14], $0x2800  }
0x2d: {  	[sflag:s14] =	ssyncset.done $0x0  }
0x2e: {  	[sflag:s14] =	ssyncadd.s32 $0xFFFFD800  }
0x2f: {  	[spmem:s17] =	stream.linear.scatter [tilespmem:s12], [sflag:$0x3], $0x2800, $0x38;
	[tilespmem:$0x18A40] =	vst v63  }
0x30: {  	_ =	swait.ge [sflag:s14], $0x2800  }
0x31: {  	[sflag:s14] =	ssyncset.done $0x0  }
0x32: {  	[sflag:s14] =	ssyncadd.s32 $0xFFFFD800  }
0x33: {  	[spmem:s26] =	stream.linear.scatter [tilespmem:s12], [sflag:$0x3], $0x2800, $0x38;
	[tilespmem:$0x18A40] =	vst v63  }
0x34: {  	_ =	swait.ge [sflag:s14], $0x2800  }
0x35: {  	[sflag:s14] =	ssyncset.done $0x0  }
0x36: {  	[sflag:s14] =	ssyncadd.s32 $0xFFFFD800  }
0x37: {  	[spmem:s28] =	stream.linear.scatter [tilespmem:s12], [sflag:$0x3], $0x2800, $0x38;
	[tilespmem:$0x18A40] =	vst v63  }
0x38: {  	_ =	swait.ge [sflag:s14], $0x2800  }
0x39: {  	[sflag:s14] =	ssyncset.done $0x0  }
0x3a: {  	[sflag:s14] =	ssyncadd.s32 $0xFFFFD800  }
0x3b: {  	[spmem:s29] =	stream.linear.scatter [tilespmem:s12], [sflag:$0x3], $0x2800, $0x38;
	[tilespmem:$0x18A40] =	vst v63  }
0x3c: {  	_ =	swait.ge [sflag:s14], $0x2800  }
0x3d: {  	[sflag:s14] =	ssyncset.done $0x0  }
0x3e: {  	[sflag:s14] =	ssyncadd.s32 $0xFFFFD800  }
0x3f: {  	[spmem:s30] =	stream.linear.scatter [tilespmem:s12], [sflag:$0x3], $0x2800, $0x38;
	[tilespmem:$0x18A40] =	vst v63  }
0x40: {  	_ =	swait.ge [sflag:s14], $0x2800  }
0x41: {  	[sflag:s14] =	ssyncset.done $0x0  }
0x42: {  	[sflag:s14] =	ssyncadd.s32 $0xFFFFD800  }
0x43: {  	[spmem:s10] =	stream.linear.scatter [tilespmem:s12], [sflag:$0x3], $0x2000, $0x38;
	[tilespmem:$0x18A40] =	vst v63  }
0x44: {  	_ =	swait.ge [sflag:s14], $0x2000  }
0x45: {  	[sflag:s14] =	ssyncset.done $0x0  }
0x46: {  	s3 =	simm.s32 @!p0 $0x180;
	[sflag:s14] =	ssyncadd.s32 $0xFFFFE000  }
0x47: {  	[spmem:s11] =	stream.linear.scatter @!p0 [tilespmem:s3], [sflag:$0x3], $0x800, $0x38;
	[tilespmem:$0x18A40] =	vst v63  }
0x48: {  	s3 =	simm.s32 @!p0 $0x3  }
0x49: {  	_ =	swait.ge @!p0 [sflag:s3], $0x800  }
0x4a: {  	[sflag:s3] =	ssyncset.done @!p0 $0x0  }
0x4b: {  	[sflag:s3] =	ssyncadd.s32 @!p0 $0xFFFFF800  }
0x4c: {  	[bflag:$0x0] =	sbarrier.arrive $0xFFFF  }
0x4d: {  	s6 =	rddreg [dreg:$0x4]  }
0x4e: {  	[tilespmem:s2], [sflag:$0x3] =	stream.linear.gather [hbm4b:s6+s2], $0x50, $0x38;
	[tilespmem:$0x18A40] =	vst v63  }
0x4f: {  	_ =	swait.ge [sflag:s14], $0x50  }
0x50: {  	[sflag:s14] =	ssyncset.done $0x0  }
0x51: {  	[sflag:s14] =	ssyncadd.s32 $0xFFFFFFB0  }
0x52: {  	[tilespmem:s12], [sflag:$0x1] =	stream.indirect.gather [hbm4b:s4+s15], $0x80, s2, s15, $0xb8;
	[tilespmem:$0x18A40] =	vst v63  }
0x53: {  	s8 =	sadd.s32 $0x0, s25  }
0x54: {  	[tilespmem:s16], [sflag:$0x3] =	stream.linear.gather [hbm4b:s8+s2], $0x50, $0x38;
	[tilespmem:$0x18A40] =	vst v63  }
0x55: {  	_ =	swait.ge [sflag:s14], $0x50  }
0x56: {  	[sflag:s14] =	ssyncset.done $0x0  }
0x57: {  	[sflag:s14] =	ssyncadd.s32 $0xFFFFFFB0  }
0x58: {  	_ =	swait.ge [sflag:s19], $0x2800  }
0x59: {  	[sflag:s19] =	ssyncset.done $0x0  }
0x5a: {  	[sflag:s19] =	ssyncadd.s32 $0xFFFFD800  }
0x5b: {  	[tilespmem:s20], [sflag:$0x2] =	stream.indirect.gather [hbm4b:s4+s15], $0x80, s16, s15, $0xb8;
	[tilespmem:$0x18A40] =	vst v63  }
0x5c: {  	s9 =	smov.u32 s10;
	s10 =	sadd.s32 $0x0, s23  }
0x5d: {  	[tilespmem:s21], [sflag:$0x3] =	stream.linear.gather [hbm4b:s10+s2], $0x50, $0x38;
	[tilespmem:$0x18A40] =	vst v63  }
0x5e: {  	_ =	swait.ge [sflag:s14], $0x50  }
0x5f: {  	[sflag:s14] =	ssyncset.done $0x0  }
0x60: {  	[sflag:s14] =	ssyncadd.s32 $0xFFFFFFB0  }
0x61: {  	[spmem:s1] =	stream.indirect.scatter.add.f32 [tilespmem:s12], [sflag:$0x3], $0x80, s21, s15, $0xb8;
	[tilespmem:$0x18A40] =	vst v63  }
0x62: {  	_ =	swait.ge [sflag:s14], $0x2800  }
0x63: {  	s22 =	smov.u32 s17;
	s6 =	rddreg [dreg:$0xe]  }
0x64: {  	s17 =	smov.u32 s11;
	[sflag:s14] =	ssyncset.done $0x0;
	s11 =	sshrl.u32 s6, $0x3  }
0x65: {  	[sflag:s14] =	ssyncadd.s32 $0xFFFFD800;
	s3 =	sadd.s32 s5, s11  }
0x66: {  	[tilespmem:s2], [sflag:$0x3] =	stream.linear.gather [hbm4b:s3+s2], $0x50, $0x38;
	[tilespmem:$0x18A40] =	vst v63  }
0x67: {  	_ =	swait.ge [sflag:s14], $0x50  }
0x68: {  	[sflag:s14] =	ssyncset.done $0x0  }
0x69: {  	[sflag:s14] =	ssyncadd.s32 $0xFFFFFFB0  }
0x6a: {  	_ =	swait.ge [sflag:s31], $0x2800  }
0x6b: {  	[sflag:s31] =	ssyncset.done $0x0  }
0x6c: {  	[sflag:s31] =	ssyncadd.s32 $0xFFFFD800  }
0x6d: {  	[tilespmem:s12], [sflag:$0x1] =	stream.indirect.gather [hbm4b:s4+s15], $0x80, s2, s15, $0xb8;
	[tilespmem:$0x18A40] =	vst v63  }
0x6e: {  	s18 =	smov.u32 s13;
	s13 =	sadd.s32 $0x0, s24  }
0x6f: {  	[tilespmem:s21], [sflag:$0x3] =	stream.linear.gather [hbm4b:s13+s2], $0x50, $0x38;
	[tilespmem:$0x18A40] =	vst v63  }
0x70: {  	_ =	swait.ge [sflag:s14], $0x50  }
0x71: {  	[sflag:s14] =	ssyncset.done $0x0  }
0x72: {  	[sflag:s14] =	ssyncadd.s32 $0xFFFFFFB0  }
0x73: {  	[spmem:s1] =	stream.indirect.scatter.add.f32 [tilespmem:s20], [sflag:$0x3], $0x80, s21, s15, $0xb8;
	[tilespmem:$0x18A40] =	vst v63  }
0x74: {  	s10 =	simm.s32 $0x28;
	_ =	swait.ge [sflag:s14], $0x2800  }
0x75: {  	s6 =	sadd.s32 $0xA0, s6;
	s3 =	simm.s32 $0x14;
	[sflag:s14] =	ssyncset.done $0x0  }
.LBB2_2:
0x76: {  	s13 =	sadd.s32 s3, s25  }
0x77: {  	[sflag:s14] =	ssyncadd.s32 $0xFFFFD800;
	s8 =	smov.u32 s10;
	s11 =	sadd.s32 $0x14, s10  }
0x78: {  	[tilespmem:s16], [sflag:$0x3] =	stream.linear.gather [hbm4b:s13+s2], $0x50, $0x38;
	[tilespmem:$0x18A40] =	vst v63  }
0x79: {  	p1 =	sne.s32 s10, $0x4B0;
	_ =	swait.ge [sflag:s14], $0x50  }
0x7a: {  	[sflag:s14] =	ssyncset.done $0x0  }
0x7b: {  	[sflag:s14] =	ssyncadd.s32 $0xFFFFFFB0  }
0x7c: {  	_ =	swait.ge [sflag:s19], $0x2800  }
0x7d: {  	[sflag:s19] =	ssyncset.done $0x0  }
0x7e: {  	[sflag:s19] =	ssyncadd.s32 $0xFFFFD800  }
0x7f: {  	[tilespmem:s20], [sflag:$0x2] =	stream.indirect.gather [hbm4b:s4+s15], $0x80, s16, s15, $0xb8;
	[tilespmem:$0x18A40] =	vst v63  }
0x80: {  	s10 =	sadd.s32 s3, s23  }
0x81: {  	[tilespmem:s21], [sflag:$0x3] =	stream.linear.gather [hbm4b:s10+s2], $0x50, $0x38;
	[tilespmem:$0x18A40] =	vst v63  }
0x82: {  	_ =	swait.ge [sflag:s14], $0x50  }
0x83: {  	[sflag:s14] =	ssyncset.done $0x0  }
0x84: {  	[sflag:s14] =	ssyncadd.s32 $0xFFFFFFB0  }
0x85: {  	[spmem:s1] =	stream.indirect.scatter.add.f32 [tilespmem:s12], [sflag:$0x3], $0x80, s21, s15, $0xb8;
	[tilespmem:$0x18A40] =	vst v63  }
0x86: {  	_ =	swait.ge [sflag:s14], $0x2800  }
0x87: {  	s10 =	sshrl.u32 s6, $0x3;
	[sflag:s14] =	ssyncset.done $0x0  }
0x88: {  	s10 =	sadd.s32 s5, s10;
	[sflag:s14] =	ssyncadd.s32 $0xFFFFD800  }
0x89: {  	[tilespmem:s2], [sflag:$0x3] =	stream.linear.gather [hbm4b:s10+s2], $0x50, $0x38;
	[tilespmem:$0x18A40] =	vst v63  }
0x8a: {  	_ =	swait.ge [sflag:s14], $0x50  }
0x8b: {  	[sflag:s14] =	ssyncset.done $0x0  }
0x8c: {  	[sflag:s14] =	ssyncadd.s32 $0xFFFFFFB0  }
0x8d: {  	_ =	swait.ge [sflag:s31], $0x2800  }
0x8e: {  	[sflag:s31] =	ssyncset.done $0x0  }
0x8f: {  	[sflag:s31] =	ssyncadd.s32 $0xFFFFD800  }
0x90: {  	[tilespmem:s12], [sflag:$0x1] =	stream.indirect.gather [hbm4b:s4+s15], $0x80, s2, s15, $0xb8;
	[tilespmem:$0x18A40] =	vst v63  }
0x91: {  	s10 =	sadd.s32 s3, s24;
	s3 =	smov.u32 s8  }
0x92: {  	[tilespmem:s21], [sflag:$0x3] =	stream.linear.gather [hbm4b:s10+s2], $0x50, $0x38;
	[tilespmem:$0x18A40] =	vst v63  }
0x93: {  	_ =	swait.ge [sflag:s14], $0x50  }
.Ltmp0:
0x94: {  	[sflag:s14] =	ssyncset.done $0x0;
	(pc) =	sbr.rel @p1 .LBB2_2-.Ltmp0, $4  }
0x95: {  	[sflag:s14] =	ssyncadd.s32 $0xFFFFFFB0  }
0x96: {  	[spmem:s1] =	stream.indirect.scatter.add.f32 [tilespmem:s20], [sflag:$0x3], $0x80, s21, s15, $0xb8;
	[tilespmem:$0x18A40] =	vst v63  }
0x97: {  	_ =	swait.ge [sflag:s14], $0x2800  }
0x98: {  	s6 =	sadd.s32 $0xA0, s6;
	s10 =	smov.u32 s11;
	[sflag:s14] =	ssyncset.done $0x0  }
0x99: {  	s8 =	sadd.s32 s3, s25;
	[sflag:s14] =	ssyncadd.s32 $0xFFFFD800  }
0x9a: {  	[tilespmem:s16], [sflag:$0x3] =	stream.linear.gather [hbm4b:s8+s2], $0x50, $0x38;
	[tilespmem:$0x18A40] =	vst v63  }
0x9b: {  	_ =	swait.ge [sflag:s14], $0x50  }
0x9c: {  	[sflag:s14] =	ssyncset.done $0x0  }
0x9d: {  	[sflag:s14] =	ssyncadd.s32 $0xFFFFFFB0  }
0x9e: {  	_ =	swait.ge [sflag:s19], $0x2800  }
0x9f: {  	[sflag:s19] =	ssyncset.done $0x0  }
0xa0: {  	[sflag:s19] =	ssyncadd.s32 $0xFFFFD800  }
0xa1: {  	[tilespmem:s20], [sflag:$0x2] =	stream.indirect.gather [hbm4b:s4+s15], $0x80, s16, s15, $0xb8;
	[tilespmem:$0x18A40] =	vst v63  }
0xa2: {  	s13 =	sadd.s32 s3, s23  }
0xa3: {  	[tilespmem:s21], [sflag:$0x3] =	stream.linear.gather [hbm4b:s13+s2], $0x50, $0x38;
	[tilespmem:$0x18A40] =	vst v63  }
0xa4: {  	_ =	swait.ge [sflag:s14], $0x50  }
0xa5: {  	[sflag:s14] =	ssyncset.done $0x0  }
0xa6: {  	[sflag:s14] =	ssyncadd.s32 $0xFFFFFFB0  }
0xa7: {  	[spmem:s1] =	stream.indirect.scatter.add.f32 [tilespmem:s12], [sflag:$0x3], $0x80, s21, s15, $0xb8;
	[tilespmem:$0x18A40] =	vst v63  }
0xa8: {  	_ =	swait.ge [sflag:s14], $0x2800  }
0xa9: {  	s6 =	sshrl.u32 s6, $0x3;
	[sflag:s14] =	ssyncset.done $0x0  }
0xaa: {  	s6 =	sadd.s32 s5, s6;
	[sflag:s14] =	ssyncadd.s32 $0xFFFFD800  }
0xab: {  	[tilespmem:s2], [sflag:$0x3] =	stream.linear.gather [hbm4b:s6+s2], $0x50, $0x38;
	[tilespmem:$0x18A40] =	vst v63  }
0xac: {  	_ =	swait.ge [sflag:s14], $0x50  }
0xad: {  	[sflag:s14] =	ssyncset.done $0x0  }
0xae: {  	[sflag:s14] =	ssyncadd.s32 $0xFFFFFFB0  }
0xaf: {  	_ =	swait.ge [sflag:s31], $0x2800  }
0xb0: {  	[sflag:s31] =	ssyncset.done $0x0  }
0xb1: {  	[sflag:s31] =	ssyncadd.s32 $0xFFFFD800  }
0xb2: {  	[tilespmem:s12], [sflag:$0x1] =	stream.indirect.gather [hbm4b:s4+s15], $0x80, s2, s15, $0xb8;
	[tilespmem:$0x18A40] =	vst v63  }
0xb3: {  	s8 =	sadd.s32 s3, s24  }
0xb4: {  	[tilespmem:s21], [sflag:$0x3] =	stream.linear.gather [hbm4b:s8+s2], $0x50, $0x38;
	[tilespmem:$0x18A40] =	vst v63  }
0xb5: {  	_ =	swait.ge [sflag:s14], $0x50  }
0xb6: {  	[sflag:s14] =	ssyncset.done $0x0  }
0xb7: {  	[sflag:s14] =	ssyncadd.s32 $0xFFFFFFB0  }
0xb8: {  	[spmem:s1] =	stream.indirect.scatter.add.f32 [tilespmem:s20], [sflag:$0x3], $0x80, s21, s15, $0xb8;
	[tilespmem:$0x18A40] =	vst v63  }
0xb9: {  	_ =	swait.ge [sflag:s14], $0x2800  }
0xba: {  	[sflag:s14] =	ssyncset.done $0x0  }
0xbb: {  	s10 =	rddreg [dreg:$0xb];
	[sflag:s14] =	ssyncadd.s32 $0xFFFFD800  }
0xbc: {  	[tilespmem:s16], [sflag:$0x3] =	stream.linear.gather [hbm4b:s10+s2], $0x50, $0x38;
	[tilespmem:$0x18A40] =	vst v63  }
0xbd: {  	_ =	swait.ge [sflag:s14], $0x50  }
0xbe: {  	[sflag:s14] =	ssyncset.done $0x0  }
0xbf: {  	[sflag:s14] =	ssyncadd.s32 $0xFFFFFFB0  }
0xc0: {  	_ =	swait.ge [sflag:s19], $0x2800  }
0xc1: {  	[sflag:s19] =	ssyncset.done $0x0  }
0xc2: {  	[sflag:s19] =	ssyncadd.s32 $0xFFFFD800  }
0xc3: {  	[tilespmem:s20], [sflag:$0x2] =	stream.indirect.gather [hbm4b:s4+s15], $0x80, s16, s15, $0xb8;
	[tilespmem:$0x18A40] =	vst v63  }
0xc4: {  	s11 =	rddreg [dreg:$0xc]  }
0xc5: {  	[tilespmem:s21], [sflag:$0x3] =	stream.linear.gather [hbm4b:s11+s2], $0x50, $0x38;
	[tilespmem:$0x18A40] =	vst v63  }
0xc6: {  	_ =	swait.ge [sflag:s14], $0x50  }
0xc7: {  	[sflag:s14] =	ssyncset.done $0x0  }
0xc8: {  	[sflag:s14] =	ssyncadd.s32 $0xFFFFFFB0  }
0xc9: {  	[spmem:s1] =	stream.indirect.scatter.add.f32 [tilespmem:s12], [sflag:$0x3], $0x80, s21, s15, $0xb8;
	[tilespmem:$0x18A40] =	vst v63  }
0xca: {  	_ =	swait.ge [sflag:s14], $0x2800  }
0xcb: {  	[sflag:s14] =	ssyncset.done $0x0  }
0xcc: {  	[sflag:s14] =	ssyncadd.s32 $0xFFFFD800  }
0xcd: {  	_ =	swait.ge [sflag:s31], $0x2800  }
0xce: {  	[sflag:s31] =	ssyncset.done $0x0  }
0xcf: {  	s13 =	rddreg [dreg:$0xd];
	[sflag:s31] =	ssyncadd.s32 $0xFFFFD800  }
0xd0: {  	[tilespmem:s21], [sflag:$0x3] =	stream.linear.gather [hbm4b:s13+s2], $0x50, $0x38;
	[tilespmem:$0x18A40] =	vst v63  }
0xd1: {  	_ =	swait.ge [sflag:s14], $0x50  }
0xd2: {  	[sflag:s14] =	ssyncset.done $0x0  }
0xd3: {  	[sflag:s14] =	ssyncadd.s32 $0xFFFFFFB0  }
0xd4: {  	[spmem:s1] =	stream.indirect.scatter.add.f32 [tilespmem:s20], [sflag:$0x3], $0x80, s21, s15, $0xb8;
	[tilespmem:$0x18A40] =	vst v63  }
0xd5: {  	_ =	swait.ge [sflag:s14], $0x2800  }
0xd6: {  	[sflag:s14] =	ssyncset.done $0x0  }
0xd7: {  	s6 =	rddreg [dreg:$0x5];
	[sflag:s14] =	ssyncadd.s32 $0xFFFFD800  }
0xd8: {  	[tilespmem:s2], [sflag:$0x3] =	stream.linear.gather [hbm4b:s6+s2], $0x50, $0x38;
	[tilespmem:$0x18A40] =	vst v63  }
0xd9: {  	_ =	swait.ge [sflag:s14], $0x50  }
0xda: {  	[sflag:s14] =	ssyncset.done $0x0  }
0xdb: {  	[sflag:s14] =	ssyncadd.s32 $0xFFFFFFB0  }
0xdc: {  	[tilespmem:s12], [sflag:$0x1] =	stream.indirect.gather [hbm4b:s4+s15], $0x80, s2, s15, $0xb8;
	[tilespmem:$0x18A40] =	vst v63  }
0xdd: {  	_ =	swait.ge [sflag:s19], $0x2800  }
0xde: {  	[sflag:s19] =	ssyncset.done $0x0  }
0xdf: {  	s8 =	rddreg [dreg:$0x6];
	[sflag:s19] =	ssyncadd.s32 $0xFFFFD800  }
0xe0: {  	[tilespmem:s21], [sflag:$0x3] =	stream.linear.gather [hbm4b:s8+s2], $0x50, $0x38;
	[tilespmem:$0x18A40] =	vst v63  }
0xe1: {  	_ =	swait.ge [sflag:s14], $0x50  }
0xe2: {  	[sflag:s14] =	ssyncset.done $0x0  }
0xe3: {  	[sflag:s14] =	ssyncadd.s32 $0xFFFFFFB0  }
0xe4: {  	[spmem:s1] =	stream.indirect.scatter.add.f32 [tilespmem:s12], [sflag:$0x3], $0x80, s21, s15, $0xb8;
	[tilespmem:$0x18A40] =	vst v63  }
0xe5: {  	_ =	swait.ge [sflag:s14], $0x2800  }
0xe6: {  	[sflag:s14] =	ssyncset.done $0x0  }
0xe7: {  	[sflag:s14] =	ssyncadd.s32 $0xFFFFD800  }
0xe8: {  	[bflag:$0x0] =	sbarrier.arrive $0xFFFF  }
0xe9: {  	[tilespmem:s12], [sflag:$0x3] =	stream.linear.gather [spmem:s7], $0x2800, $0x38;
	[tilespmem:$0x18A40] =	vst v63  }
0xea: {  	_ =	swait.ge [sflag:s14], $0x2800  }
0xeb: {  	[sflag:s14] =	ssyncset.done $0x0  }
0xec: {  	s10 =	rddreg [dreg:$0x7];
	[sflag:s14] =	ssyncadd.s32 $0xFFFFD800  }
0xed: {  	[hbm4b:s10+s2] =	stream.linear.scatter [tilespmem:s12], [sflag:$0x3], $0x2800, $0x38;
	[tilespmem:$0x18A40] =	vst v63  }
0xee: {  	_ =	swait.ge [sflag:s14], $0x2800  }
0xef: {  	[sflag:s14] =	ssyncset.done $0x0  }
0xf0: {  	[sflag:s14] =	ssyncadd.s32 $0xFFFFD800  }
0xf1: {  	[tilespmem:s12], [sflag:$0x3] =	stream.linear.gather [spmem:s18], $0x2800, $0x38;
	[tilespmem:$0x18A40] =	vst v63  }
0xf2: {  	_ =	swait.ge [sflag:s14], $0x2800  }
0xf3: {  	[sflag:s14] =	ssyncset.done $0x0  }
0xf4: {  	s11 =	rddreg [dreg:$0xf];
	[sflag:s14] =	ssyncadd.s32 $0xFFFFD800  }
0xf5: {  	[hbm4b:s11+s2] =	stream.linear.scatter [tilespmem:s12], [sflag:$0x3], $0x2800, $0x38;
	[tilespmem:$0x18A40] =	vst v63  }
0xf6: {  	_ =	swait.ge [sflag:s14], $0x2800  }
0xf7: {  	[sflag:s14] =	ssyncset.done $0x0  }
0xf8: {  	[sflag:s14] =	ssyncadd.s32 $0xFFFFD800  }
0xf9: {  	[tilespmem:s12], [sflag:$0x3] =	stream.linear.gather [spmem:s22], $0x2800, $0x38;
	[tilespmem:$0x18A40] =	vst v63  }
0xfa: {  	_ =	swait.ge [sflag:s14], $0x2800  }
0xfb: {  	[sflag:s14] =	ssyncset.done $0x0  }
0xfc: {  	s13 =	smov.u32 s18;
	s18 =	rddreg [dreg:$0x10];
	[sflag:s14] =	ssyncadd.s32 $0xFFFFD800  }
0xfd: {  	[hbm4b:s18+s2] =	stream.linear.scatter [tilespmem:s12], [sflag:$0x3], $0x2800, $0x38;
	[tilespmem:$0x18A40] =	vst v63  }
0xfe: {  	_ =	swait.ge [sflag:s14], $0x2800  }
0xff: {  	[sflag:s14] =	ssyncset.done $0x0  }
0x100: {  	[sflag:s14] =	ssyncadd.s32 $0xFFFFD800  }
0x101: {  	[tilespmem:s12], [sflag:$0x3] =	stream.linear.gather [spmem:s26], $0x2800, $0x38;
	[tilespmem:$0x18A40] =	vst v63  }
0x102: {  	_ =	swait.ge [sflag:s14], $0x2800  }
0x103: {  	[sflag:s14] =	ssyncset.done $0x0  }
0x104: {  	s6 =	rddreg [dreg:$0x11];
	[sflag:s14] =	ssyncadd.s32 $0xFFFFD800  }
0x105: {  	[hbm4b:s6+s2] =	stream.linear.scatter [tilespmem:s12], [sflag:$0x3], $0x2800, $0x38;
	[tilespmem:$0x18A40] =	vst v63  }
0x106: {  	_ =	swait.ge [sflag:s14], $0x2800  }
0x107: {  	[sflag:s14] =	ssyncset.done $0x0  }
0x108: {  	[sflag:s14] =	ssyncadd.s32 $0xFFFFD800  }
0x109: {  	[tilespmem:s12], [sflag:$0x3] =	stream.linear.gather [spmem:s28], $0x2800, $0x38;
	[tilespmem:$0x18A40] =	vst v63  }
0x10a: {  	_ =	swait.ge [sflag:s14], $0x2800  }
0x10b: {  	[sflag:s14] =	ssyncset.done $0x0  }
0x10c: {  	s8 =	rddreg [dreg:$0x12];
	[sflag:s14] =	ssyncadd.s32 $0xFFFFD800  }
0x10d: {  	[hbm4b:s8+s2] =	stream.linear.scatter [tilespmem:s12], [sflag:$0x3], $0x2800, $0x38;
	[tilespmem:$0x18A40] =	vst v63  }
0x10e: {  	_ =	swait.ge [sflag:s14], $0x2800  }
0x10f: {  	[sflag:s14] =	ssyncset.done $0x0  }
0x110: {  	[sflag:s14] =	ssyncadd.s32 $0xFFFFD800  }
0x111: {  	[tilespmem:s12], [sflag:$0x3] =	stream.linear.gather [spmem:s29], $0x2800, $0x38;
	[tilespmem:$0x18A40] =	vst v63  }
0x112: {  	_ =	swait.ge [sflag:s14], $0x2800  }
0x113: {  	[sflag:s14] =	ssyncset.done $0x0  }
0x114: {  	s10 =	rddreg [dreg:$0x13];
	[sflag:s14] =	ssyncadd.s32 $0xFFFFD800  }
0x115: {  	[hbm4b:s10+s2] =	stream.linear.scatter [tilespmem:s12], [sflag:$0x3], $0x2800, $0x38;
	[tilespmem:$0x18A40] =	vst v63  }
0x116: {  	_ =	swait.ge [sflag:s14], $0x2800  }
0x117: {  	[sflag:s14] =	ssyncset.done $0x0  }
0x118: {  	[sflag:s14] =	ssyncadd.s32 $0xFFFFD800  }
0x119: {  	[tilespmem:s12], [sflag:$0x3] =	stream.linear.gather [spmem:s30], $0x2800, $0x38;
	[tilespmem:$0x18A40] =	vst v63  }
0x11a: {  	_ =	swait.ge [sflag:s14], $0x2800  }
0x11b: {  	[sflag:s14] =	ssyncset.done $0x0  }
0x11c: {  	s11 =	rddreg [dreg:$0x14];
	[sflag:s14] =	ssyncadd.s32 $0xFFFFD800  }
0x11d: {  	[hbm4b:s11+s2] =	stream.linear.scatter [tilespmem:s12], [sflag:$0x3], $0x2800, $0x38;
	[tilespmem:$0x18A40] =	vst v63  }
0x11e: {  	_ =	swait.ge [sflag:s14], $0x2800  }
0x11f: {  	[sflag:s14] =	ssyncset.done $0x0  }
0x120: {  	[sflag:s14] =	ssyncadd.s32 $0xFFFFD800  }
0x121: {  	[tilespmem:s12], [sflag:$0x3] =	stream.linear.gather [spmem:s9], $0x2000, $0x38;
	[tilespmem:$0x18A40] =	vst v63  }
0x122: {  	_ =	swait.ge [sflag:s14], $0x2000  }
0x123: {  	[sflag:s14] =	ssyncset.done $0x0  }
0x124: {  	s18 =	rddreg [dreg:$0x8];
	[sflag:s14] =	ssyncadd.s32 $0xFFFFE000  }
0x125: {  	[hbm4b:s18+s2] =	stream.linear.scatter [tilespmem:s12], [sflag:$0x3], $0x2000, $0x38;
	[tilespmem:$0x18A40] =	vst v63  }
0x126: {  	_ =	swait.ge [sflag:s14], $0x2000  }
0x127: {  	s3 =	simm.s32 @!p0 $0x180;
	[sflag:s14] =	ssyncset.done $0x0  }
0x128: {  	s6 =	simm.s32 @!p0 $0x3;
	s11 =	smov.u32 s17;
	[sflag:s14] =	ssyncadd.s32 $0xFFFFE000  }
0x129: {  	[tilespmem:s3], [sflag:$0x3] =	stream.linear.gather @!p0 [spmem:s11], $0x800, $0x38;
	[tilespmem:$0x18A40] =	vst v63  }
0x12a: {  	_ =	swait.ge @!p0 [sflag:s6], $0x800  }
0x12b: {  	s8 =	simm.s32 @!p0 $0x0;
	[sflag:s6] =	ssyncset.done @!p0 $0x0  }
0x12c: {  	s10 =	smov.u32 s9;
	s9 =	rddreg [dreg:$0x9];
	[sflag:s6] =	ssyncadd.s32 @!p0 $0xFFFFF800  }
0x12d: {  	[hbm4b:s9+s8] =	stream.linear.scatter @!p0 [tilespmem:s3], [sflag:$0x3], $0x800, $0x38;
	[tilespmem:$0x18A40] =	vst v63  }
0x12e: {  	_ =	swait.ge @!p0 [sflag:s6], $0x800  }
0x12f: {  	s0 =	sadd.s32 $0x1, s0;
	s17 =	smov.u32 s22;
	s22 =	rddreg [dreg:$0xa]  }
0x130: {  	p1 =	sne.s32 s0, s22  }
.Ltmp1:
0x131: {  	_ = 	snop;
	(pc) =	sbr.rel @p1 .LBB2_1-.Ltmp1, $3  }
0x132: {  	_ =	sdelay $0x1  }
0x133: {  	[sflag:s6] =	ssyncset.done @!p0 $0x0  }
0x134: {  	[sflag:s6] =	ssyncadd.s32 @!p0 $0xFFFFF800  }
0x135: {  	_ =	sfence.sel $0x180000  }
0x136: {  	[bflag:$0x0] =	sbarrier.arrive $0xFFFF  }
0x137: {  	_ =	strace $0x9000004A  }
0x138: {  	s0 =	stileid.u32;
	[bflag:$0x2] =	sbarrier.arrive $0xFFFF  }
0x139: {  	p0 =	sne.s32 s0, $0x0;
	s0 =	rddreg [dreg:$0x2]  }
0x13a: {  	s0 =	sadd.s32 @!p0 $0x100000, s0  }
0x13b: {  	[sflag:s0] =	ssyncadd.tile.s32 @!p0 $0x1;
	_ =	shalt  }
.Lfunc_end2:
_tile_overlayer_lowered:
.L_overlay_start_2:
0x13c: {  	(tag) =	ssettag $0x2  }
0x13d: {  	s0 =	rddreg [dreg:$0x0];
	s2 =	stileid.u32  }
0x13e: {  	s1 =	rddreg [dreg:$0x1];
	p0 =	sne.s32 s2, $0x0  }
0x13f: {  	s3 =	rddreg [dreg:$0x2];
	[bflag:$0x3] =	sbarrier.arrive $0xFFFF;
	s2 =	simm.s32 @!p0 $0x1C03  }
0x140: {  	[timem:s3], [sflag:s2] =	dma.local @!p0 [hbm:s0], s1  }
0x141: {  	s0 =	simm.s32 @!p0 $0x3  }
0x142: {  	_ =	swait.ge @!p0 [sflag:s0], s1  }
0x143: {  	s1 =	ssub.s32 @!p0 $0x0, s1;
	[sflag:s0] =	ssyncset.done @!p0 $0x0  }
0x144: {  	[sflag:s0] =	ssyncadd.s32 @!p0 s1  }
0x145: {  	[bflag:$0x3] =	sbarrier.arrive $0xFFFF  }
0x146: {  	_ =	shalt  }

// kernel: kernel.26.cloned.1.call-start
scs
__scs_entry_jumppad:
0x0: {  	(pc) =	sbr.rel $0x88, $3  }
0x1: {  	(tag) =	ssettag $0x0;
	lr =	simm.s32 $0x1  }
0x2: {  	[smem:$0x3F8E] =	sst lr;
	_ =	strace $0xD0000000  }
0x3: {  	_ = 	snop  }
0x4: {  	_ = 	snop  }
0x5: {  	_ = 	snop  }
0x6: {  	_ = 	snop  }
0x7: {  	_ = 	snop  }
__scs_overlays_trampoline_lowered:
0x8: {  	[smem:$0x3F9D] =	sst s0  }
0x9: {  	[smem:$0x3F9E] =	sst s1  }
0xa: {  	[smem:$0x3F9F] =	sst s2  }
0xb: {  	[smem:$0x3FA0] =	sst s3  }
0xc: {  	[smem:$0x3FA1] =	sst s4  }
0xd: {  	[smem:$0x3FA2] =	sst s5  }
0xe: {  	[smem:$0x3FA3] =	sst s6  }
0xf: {  	[smem:$0x3FA4] =	sst s7  }
0x10: {  	[smem:$0x3FA5] =	sst s8  }
0x11: {  	[smem:$0x3FA6] =	sst s9;
	s0 =	simm.s32 @!p0 $0x0  }
0x12: {  	s1 =	sld [smem:$0x3F8C];
	s0 =	simm.s32 @p0 $0x1  }
0x13: {  	[smem:$0x3FA7] =	sst s0;
	s0 =	simm.s32 @!p1 $0x0  }
0x14: {  	s2 =	sld [smem:$0x3F8B];
	s0 =	simm.s32 @p1 $0x1  }
0x15: {  	[smem:$0x3FA8] =	sst s0;
	s0 =	simm.s32 @!p2 $0x0  }
0x16: {  	s3 =	sld [smem:$0x3FDB];
	s0 =	simm.s32 @p2 $0x1  }
0x17: {  	s4 =	simm.s32 $0x1BF5;
	[smem:$0x3FAA] =	sst s0  }
0x18: {  	s0 =	sld [smem:$0x3F8D];
	_ =	swait.ge [sflag:s4], $0x0  }
0x19: {  	s7 =	sld [smem:$0x3F8E]  }
0x1a: {  	s8 =	sadd.s32 $0xFFFFE003, lr  }
0x1b: {  	s9 =	sadd.s32 $0xFFFFFEF7, lr;
	s5 =	simm.s32 $0xFFFFFFFF;
	p2 =	slt.u32 s8, $0xFFFFF086  }
0x1c: {  	p1 =	slt.u32 s9, $0xF7A;
	s5 =	simm.s32 @!p2 $0x0  }
0x1d: {  	s5 =	simm.s32 @p1 $0x1;
	p0 =	seq.s32 s7, s2  }
0x1e: {  	s7 =	smul.u32 @!p0 $0xF7A, s2;
	p2 =	seq.s32 @!p0 s5, $0x0  }
0x1f: {  	s9 =	smul.u32 $0xF7A, s1;
	s8 =	simm.s32 @!p0 $0x1BF5;
	p2 =	por !p2, p0  }
0x20: {  	[sflag:s8] =	ssyncset.s32 @!p0 $0xFFFFF086;
	s6 =	sadd.s32 @!p0 s3, s7;
	s7 =	simm.s32 @!p0 $0x108  }
0x21: {  	s3 =	sadd.s32 s3, s9;
	s6 =	sadd.s32 @!p0 $0x88, s6;
	s7 =	simm.s32 @p2 $0x1082  }
0x22: {  	[simem:s7], [sflag:s8] =	dma.local @!p0 [hbm:s6], $0xF7A  }
0x23: {  	s9 =	sor.u32 $0xD0000000, s2;
	s6 =	simm.s32 $0x108;
	_ =	swait.ge @!p0 [sflag:s8], $0x0  }
0x24: {  	s3 =	sadd.s32 $0x88, s3;
	s6 =	simm.s32 @!p1 $0x1082;
	[sflag:s4] =	ssyncset.s32 $0xFFFFF086  }
0x25: {  	[simem:s6], [sflag:s4] =	dma.local [hbm:s3], $0xF7A  }
0x26: {  	[smem:$0x3F8E] =	sst s1;
	(tag) =	ssettag s2;
	_ =	strace s9  }
0x27: {  	s1 =	sld [smem:$0x3F9E]  }
0x28: {  	s2 =	sld [smem:$0x3F9F]  }
0x29: {  	s4 =	sld [smem:$0x3FA1]  }
0x2a: {  	p0 =	seq.s32 s5, $0x0;
	s5 =	sld [smem:$0x3FA2]  }
0x2b: {  	s6 =	sld [smem:$0x3FA3]  }
0x2c: {  	s7 =	sld [smem:$0x3FA4]  }
0x2d: {  	s3 =	simm.s32 $0x108;
	s8 =	sld [smem:$0x3FA5]  }
0x2e: {  	s3 =	simm.s32 @!p0 $0x1082;
	s9 =	sld [smem:$0x3FA6]  }
0x2f: {  	lr =	sadd.s32 s0, s3;
	s0 =	sld [smem:$0x3F9D]  }
0x30: {  	s3 =	sld [smem:$0x3FA0]  }
0x31: {  	[smem:$0x3FA9] =	sst s10  }
0x32: {  	s10 =	sld [smem:$0x3FA7];
	_ =	sdelay $0x3  }
0x33: {  	p0 =	seq.s32 s10, $0x1;
	s10 =	sld [smem:$0x3FA9];
	_ =	sdelay $0x3  }
0x34: {  	[smem:$0x3FA9] =	sst s10  }
0x35: {  	s10 =	sld [smem:$0x3FA8];
	_ =	sdelay $0x3  }
0x36: {  	p1 =	seq.s32 s10, $0x1;
	s10 =	sld [smem:$0x3FA9];
	_ =	sdelay $0x3  }
0x37: {  	[smem:$0x3FA9] =	sst s10  }
0x38: {  	s10 =	sld [smem:$0x3FAA]  }
0x39: {  	_ = 	snop;
	(pc) =	sbr.ind lr, $3  }
0x3a: {  	_ = 	snop  }
0x3b: {  	_ = 	snop  }
0x3c: {  	p2 =	seq.s32 s10, $0x1;
	s10 =	sld [smem:$0x3FA9]  }
0x3d: {  	_ =	shalt  }
0x3e: {  	_ =	shalt  }
0x3f: {  	_ =	shalt  }
0x40: {  	_ =	shalt  }
0x41: {  	_ =	shalt  }
0x42: {  	_ =	shalt  }
0x43: {  	_ =	shalt  }
0x44: {  	_ =	shalt  }
0x45: {  	_ =	shalt  }
0x46: {  	_ =	shalt  }
0x47: {  	_ =	shalt  }
0x48: {  	_ =	shalt  }
0x49: {  	_ =	shalt  }
0x4a: {  	_ =	shalt  }
0x4b: {  	_ =	shalt  }
0x4c: {  	_ =	shalt  }
0x4d: {  	_ =	shalt  }
0x4e: {  	_ =	shalt  }
0x4f: {  	_ =	shalt  }
0x50: {  	_ =	shalt  }
0x51: {  	_ =	shalt  }
0x52: {  	_ =	shalt  }
0x53: {  	_ =	shalt  }
0x54: {  	_ =	shalt  }
0x55: {  	_ =	shalt  }
0x56: {  	_ =	shalt  }
0x57: {  	_ =	shalt  }
0x58: {  	_ =	shalt  }
0x59: {  	_ =	shalt  }
0x5a: {  	_ =	shalt  }
0x5b: {  	_ =	shalt  }
0x5c: {  	_ =	shalt  }
0x5d: {  	_ =	shalt  }
0x5e: {  	_ =	shalt  }
0x5f: {  	_ =	shalt  }
0x60: {  	_ =	shalt  }
0x61: {  	_ =	shalt  }
0x62: {  	_ =	shalt  }
0x63: {  	_ =	shalt  }
0x64: {  	_ =	shalt  }
0x65: {  	_ =	shalt  }
0x66: {  	_ =	shalt  }
0x67: {  	_ =	shalt  }
0x68: {  	_ =	shalt  }
0x69: {  	_ =	shalt  }
0x6a: {  	_ =	shalt  }
0x6b: {  	_ =	shalt  }
0x6c: {  	_ =	shalt  }
0x6d: {  	_ =	shalt  }
0x6e: {  	_ =	shalt  }
0x6f: {  	_ =	shalt  }
0x70: {  	_ =	shalt  }
0x71: {  	_ =	shalt  }
0x72: {  	_ =	shalt  }
0x73: {  	_ =	shalt  }
0x74: {  	_ =	shalt  }
0x75: {  	_ =	shalt  }
0x76: {  	_ =	shalt  }
0x77: {  	_ =	shalt  }
0x78: {  	_ =	shalt  }
0x79: {  	_ =	shalt  }
0x7a: {  	_ =	shalt  }
0x7b: {  	_ =	shalt  }
0x7c: {  	_ =	shalt  }
0x7d: {  	_ =	shalt  }
0x7e: {  	_ =	shalt  }
0x7f: {  	_ =	shalt  }
0x80: {  	_ =	shalt  }
0x81: {  	_ =	shalt  }
0x82: {  	_ =	shalt  }
0x83: {  	_ =	shalt  }
0x84: {  	_ =	shalt  }
0x85: {  	_ =	shalt  }
0x86: {  	_ =	shalt  }
0x87: {  	_ =	shalt  }
.Lfunc_end0:
.L_simem_size_0:
called_computation.2_lowered:
.L_overlay_start_0:
0x88: {  	s2 =	sld [smem:$0x3FD9]  }
0x89: {  	s3 =	sld [smem:$0x3FFE];
	_ =	sdelay $0x1  }
0x8a: {  	s1 =	srdreg.scid  }
0x8b: {  	s0 =	sand.u32 $0x1, s1  }
0x8c: {  	s16 =	sshll.u32 s0, $0xA;
	s2 =	sadd.s32 s3, s2  }
0x8d: {  	s2 =	sadd.s32 s2, s16  }
0x8e: {  	[smem:$0x3FB5] =	sst s2  }
0x8f: {  	_ = 	snop  }
0x90: {  	(tm) =	ssettm $0x1  }
0x91: {  	s17 =	sld [smem:$0x3FFB];
	_ =	sdelay $0x3  }
0x92: {  	_ =	strace s17  }
0x93: {  	s2 =	sld [smem:$0x3FFC];
	_ =	sdelay $0x3  }
0x94: {  	_ =	strace s2  }
0x95: {  	s2 =	sld [smem:$0x3FFD];
	_ =	sdelay $0x3  }
0x96: {  	_ =	strace s2  }
0x97: {  	_ =	strace $0x8FFFFFFF  }
0x98: {  	s18 =	sld [smem:$0x3FDB];
	_ =	sdelay $0x1  }
0x99: {  	s19 =	simm.s32 $_scs_section_size  }
0x9a: {  	s4 =	simm.s32 $_size__tile_overlayer_lowered;
	s5 =	simm.s32 $_tile_overlayer_lowered  }
0x9b: {  	s22 =	simm.s32 $0x1BFF;
	s21 =	sshll.u32 s5, $0x1;
	s2 =	sadd.s32 s19, s18  }
0x9c: {  	s6 =	simm.s32 $0x0;
	s20 =	sshll.u32 s4, $0x1;
	s4 =	sadd.s32 s21, s2  }
0x9d: {  	[timem:s6], [sflag:s22] =	dma.local [hbm:s4], s20  }
0x9e: {  	_ =	swait.ge [sflag:s22], s20  }
0x9f: {  	s3 =	ssub.s32 $0x0, s20;
	[sflag:s22] =	ssyncset.done $0x0  }
0xa0: {  	[sflag:s22] =	ssyncadd.s32 s3;
	_ =	sdelay $0x1  }
0xa1: {  	s23 =	simm.s32 $0x1B8B  }
0xa2: {  	_ =	swait.ge [sflag:s23], $0x1  }
0xa3: {  	[sflag:s23] =	ssyncset.done $0x0  }
0xa4: {  	s25 =	simm.s32 $0x1B8E;
	s24 =	sld [smem:$0x3FFE];
	[sflag:s23] =	ssyncadd.s32 $0xFFFFFFFF  }
0xa5: {  	s26 =	simm.s32 $execute0_lowered;
	[smem:$0x3FD2] =	sst s25  }
0xa6: {  	s4 =	sshll.u32 s26, $0x1;
	_ =	strace $0x8000004C;
	[dreg:$0x1] =	wrdreg $0xFFFFFFFF  }
0xa7: {  	s28 =	simm.s32 $_size_execute0_lowered;
	s2 =	sadd.s32 s2, s4;
	[dreg:$0x0] =	wrdreg $0x0  }
0xa8: {  	s4 =	sshll.u32 s28, $0x1;
	[dreg:$0x2] =	wrdreg s2  }
0xa9: {  	[dreg:$0x3] =	wrdreg s4  }
0xaa: {  	[dreg:$0x4] =	wrdreg $0xC0  }
0xab: {  	_ =	task [dreg:s6], $0x5FFFF  }
0xac: {  	[dreg:$0x1] =	wrdreg $0xFFFFFFFF  }
0xad: {  	[dreg:$0x0] =	wrdreg $0x60  }
0xae: {  	[dreg:$0x2] =	wrdreg s24  }
0xaf: {  	[dreg:$0x3] =	wrdreg $0x51800  }
0xb0: {  	[dreg:$0x4] =	wrdreg $0x9  }
0xb1: {  	_ =	task.clear_ibuf [dreg:s6], $0x5FFFF;
	_ =	strace $0x9000004C  }
0xb2: {  	s29 =	simm.s32 $0x9;
	_ =	strace $0x8000004E  }
0xb3: {  	_ =	swait.ge [sflag:s29], $0x1  }
0xb4: {  	[sflag:s29] =	ssyncadd.s32 $0xFFFFFFFF  }
0xb5: {  	_ =	strace $0x9000004E  }
0xb6: {  	_ =	sfence  }
0xb7: {  	s30 =	sld [smem:$0x0];
	_ =	sdelay $0x2  }
0xb8: {  	s31 =	sshll.u32 s1, $0xD;
	s1 =	sshrl.u32 s1, $0x2  }
0xb9: {  	s3 =	sand.u32 $0x4000, s31;
	s1 =	sadd.s32 s1, s30  }
0xba: {  	s0 =	sor.u32 s3, s0;
	s1 =	sshll.u32 s1, $0x11  }
0xbb: {  	s0 =	sor.u32 s1, s0  }
0xbc: {  	s0 =	sadd.s32 $0x8F2B, s0  }
0xbd: {  	[sflag:s0] =	ssyncadd.remote.s32 $0x1  }
0xbe: {  	_ =	sfence.sel $0xFFFF  }
0xbf: {  	[dreg:$0x0] =	wrdreg $0xFFFFFFFF;
	(pc) =	sbr.abs _section_cstart, $3  }
0xc0: {  	[dreg:$0x1] =	wrdreg $0xFFFFFFFF  }
0xc1: {  	_ =	task.clear_ibuf [dreg:s6], $0x2FFFF;
	_ =	strace $0x9FFFFFFF  }
0xc2: {  	(tm) =	ssettm $0x7FFFFFFF  }
0xc3: {  	_ =	shalt  }
tec
execute0_lowered:
.L_overlay_start_1:
0x0: {  	(tag) =	ssettag $0x1  }
0x1: {  	s0 =	rddreg [dreg:$0x0]  }
0x2: {  	s1 =	rddreg [dreg:$0x1];
	s2 =	simm.s32 $0x0;
	s3 =	srdreg.scid  }
0x3: {  	s16 =	stileid.u32;
	s31 =	simm.s32 $0x2;
	[smem:$0x7FF] =	sst s2  }
0x4: {  	s4 =	sadd.s32 $0x4DA00, s0;
	s5 =	sadd.s32 $0x8400, s0;
	s8 =	smul.u32 $0x4E000, s16  }
0x5: {  	s6 =	sadd.s32 $0x12200, s0;
	s3 =	sand.u32 $0x1, s3;
	s12 =	smul.u32 $0x270, s16  }
0x6: {  	s7 =	sadd.s32 $0x26000, s0;
	s0 =	sadd.s32 $0x74C00, s0;
	s22 =	smul.u32 $0x2710, s16  }
0x7: {  	s26 =	sadd.s32 $0x138000, s1;
	p0 =	sne.s32 s16, $0xF;
	s13 =	smul.u32 $0x2710, s3  }
0x8: {  	_ =	strace $0x8000004D;
	[dreg:$0x3] =	wrdreg s7;
	s15 =	smul.u32 $0x138800, s3  }
0x9: {  	s24 =	sshll.u32 s3, $0x4;
	s9 =	ssub.s32 $0x2, s3;
	s3 =	smul.u32 $0x27100, s3  }
0xa: {  	s7 =	sor.u32 s16, s24;
	s10 =	sshrl.u32 s9, $0x1;
	s25 =	sshrl.u32 s8, $0x2  }
0xb: {  	s11 =	smul.u32 $0x2710, s7;
	s10 =	ssub.s32 s9, s10;
	s7 =	sadd.s32 s25, s1  }
0xc: {  	s12 =	sadd.s32 s12, s13;
	s20 =	sshrl.u32 s15, $0x3;
	s8 =	sadd.s32 $0x11800, s7  }
0xd: {  	s12 =	sshll.u32 s12, $0x4;
	s10 =	smax.u32 s10, $0x1;
	s13 =	sadd.s32 $0x2800, s7  }
0xe: {  	s28 =	sadd.s32 $0xA000, s7;
	s29 =	sadd.s32 $0xC800, s7;
	s30 =	sadd.s32 $0xF000, s7  }
0xf: {  	s11 =	sshrl.u32 s11, $0x3;
	s12 =	sadd.s32 s0, s12;
	s0 =	sadd.s32 s0, s20  }
0x10: {  	[dreg:$0xa] =	wrdreg s10;
	s10 =	smov.u32 s8;
	s14 =	sadd.s32 $0x4D8, s11  }
0x11: {  	s17 =	sadd.s32 s5, s11;
	s21 =	sadd.s32 $0x2300, s12;
	[dreg:$0x7] =	wrdreg s12  }
0x12: {  	s0 =	sadd.s32 $0x27000, s0;
	s23 =	sadd.s32 $0x4CE, s11;
	[dreg:$0x4] =	wrdreg s17  }
0x13: {  	s11 =	sadd.s32 s6, s11;
	s16 =	sadd.s32 $0x500, s12;
	[dreg:$0x8] =	wrdreg s21  }
0x14: {  	s20 =	sadd.s32 $0x1400, s12;
	s18 =	sadd.s32 s5, s14;
	[dreg:$0x9] =	wrdreg s0  }
0x15: {  	s19 =	sadd.s32 s6, s14;
	s17 =	sadd.s32 $0x5000, s7;
	[dreg:$0xf] =	wrdreg s16  }
0x16: {  	s0 =	sadd.s32 s22, s3;
	s24 =	sadd.s32 s5, s23;
	[dreg:$0x12] =	wrdreg s20  }
0x17: {  	s25 =	sadd.s32 $0x4C4, s11;
	s11 =	smov.u32 s26;
	[dreg:$0x5] =	wrdreg s18  }
0x18: {  	s14 =	sadd.s32 s6, s23;
	s21 =	sadd.s32 $0x1900, s12;
	[dreg:$0x6] =	wrdreg s19  }
0x19: {  	s22 =	sadd.s32 $0x1E00, s12;
	s16 =	simm.s32 $0x80;
	[dreg:$0xb] =	wrdreg s24  }
0x1a: {  	s20 =	simm.s32 $0x2980;
	[dreg:$0xc] =	wrdreg s25;
	s26 =	sadd.s32 $0x50, s0  }
0x1b: {  	[dreg:$0xd] =	wrdreg s14;
	s15 =	sshrl.u32 s0, $0x3;
	s0 =	sadd.s32 $0xA0, s0  }
0x1c: {  	s18 =	sadd.s32 $0xA00, s12;
	s19 =	sadd.s32 $0xF00, s12;
	[dreg:$0x13] =	wrdreg s21  }
0x1d: {  	[dreg:$0x14] =	wrdreg s22;
	s12 =	simm.s32 $0x180;
	s14 =	simm.s32 $0x3  }
0x1e: {  	s21 =	simm.s32 $0x100;
	s3 =	sshrl.u32 s26, $0x3;
	[dreg:$0xe] =	wrdreg s0  }
0x1f: {  	s23 =	sadd.s32 s15, s6;
	s26 =	sadd.s32 $0x7800, s7;
	[dreg:$0x10] =	wrdreg s18  }
0x20: {  	[dreg:$0x11] =	wrdreg s19;
	s15 =	simm.s32 $0x50;
	s19 =	simm.s32 $0x1  }
0x21: {  	s0 =	simm.s32 $0x0;
	s24 =	sadd.s32 s3, s6;
	s25 =	sadd.s32 s3, s5  }
.LBB2_1:
0x22: {  	s3 =	rddreg [dreg:$0x3]  }
0x23: {  	[tilespmem:s12], [sflag:$0x3] =	stream.linear.gather [hbm4b:s3+s2], $0x2800, $0x38;
	[tilespmem:$0x18A40] =	vst v63  }
0x24: {  	_ =	swait.ge [sflag:s14], $0x2800  }
0x25: {  	[sflag:s14] =	ssyncset.done $0x0  }
0x26: {  	[sflag:s14] =	ssyncadd.s32 $0xFFFFD800  }
0x27: {  	[spmem:s7] =	stream.linear.scatter [tilespmem:s12], [sflag:$0x3], $0x2800, $0x38;
	[tilespmem:$0x18A40] =	vst v63  }
0x28: {  	_ =	swait.ge [sflag:s14], $0x2800  }
0x29: {  	[sflag:s14] =	ssyncset.done $0x0  }
0x2a: {  	[sflag:s14] =	ssyncadd.s32 $0xFFFFD800  }
0x2b: {  	[spmem:s13] =	stream.linear.scatter [tilespmem:s12], [sflag:$0x3], $0x2800, $0x38;
	[tilespmem:$0x18A40] =	vst v63  }
0x2c: {  	_ =	swait.ge [sflag:s14], $0x2800  }
0x2d: {  	[sflag:s14] =	ssyncset.done $0x0  }
0x2e: {  	[sflag:s14] =	ssyncadd.s32 $0xFFFFD800  }
0x2f: {  	[spmem:s17] =	stream.linear.scatter [tilespmem:s12], [sflag:$0x3], $0x2800, $0x38;
	[tilespmem:$0x18A40] =	vst v63  }
0x30: {  	_ =	swait.ge [sflag:s14], $0x2800  }
0x31: {  	[sflag:s14] =	ssyncset.done $0x0  }
0x32: {  	[sflag:s14] =	ssyncadd.s32 $0xFFFFD800  }
0x33: {  	[spmem:s26] =	stream.linear.scatter [tilespmem:s12], [sflag:$0x3], $0x2800, $0x38;
	[tilespmem:$0x18A40] =	vst v63  }
0x34: {  	_ =	swait.ge [sflag:s14], $0x2800  }
0x35: {  	[sflag:s14] =	ssyncset.done $0x0  }
0x36: {  	[sflag:s14] =	ssyncadd.s32 $0xFFFFD800  }
0x37: {  	[spmem:s28] =	stream.linear.scatter [tilespmem:s12], [sflag:$0x3], $0x2800, $0x38;
	[tilespmem:$0x18A40] =	vst v63  }
0x38: {  	_ =	swait.ge [sflag:s14], $0x2800  }
0x39: {  	[sflag:s14] =	ssyncset.done $0x0  }
0x3a: {  	[sflag:s14] =	ssyncadd.s32 $0xFFFFD800  }
0x3b: {  	[spmem:s29] =	stream.linear.scatter [tilespmem:s12], [sflag:$0x3], $0x2800, $0x38;
	[tilespmem:$0x18A40] =	vst v63  }
0x3c: {  	_ =	swait.ge [sflag:s14], $0x2800  }
0x3d: {  	[sflag:s14] =	ssyncset.done $0x0  }
0x3e: {  	[sflag:s14] =	ssyncadd.s32 $0xFFFFD800  }
0x3f: {  	[spmem:s30] =	stream.linear.scatter [tilespmem:s12], [sflag:$0x3], $0x2800, $0x38;
	[tilespmem:$0x18A40] =	vst v63  }
0x40: {  	_ =	swait.ge [sflag:s14], $0x2800  }
0x41: {  	[sflag:s14] =	ssyncset.done $0x0  }
0x42: {  	[sflag:s14] =	ssyncadd.s32 $0xFFFFD800  }
0x43: {  	[spmem:s10] =	stream.linear.scatter [tilespmem:s12], [sflag:$0x3], $0x2000, $0x38;
	[tilespmem:$0x18A40] =	vst v63  }
0x44: {  	_ =	swait.ge [sflag:s14], $0x2000  }
0x45: {  	[sflag:s14] =	ssyncset.done $0x0  }
0x46: {  	s3 =	simm.s32 @!p0 $0x180;
	[sflag:s14] =	ssyncadd.s32 $0xFFFFE000  }
0x47: {  	[spmem:s11] =	stream.linear.scatter @!p0 [tilespmem:s3], [sflag:$0x3], $0x800, $0x38;
	[tilespmem:$0x18A40] =	vst v63  }
0x48: {  	s3 =	simm.s32 @!p0 $0x3  }
0x49: {  	_ =	swait.ge @!p0 [sflag:s3], $0x800  }
0x4a: {  	[sflag:s3] =	ssyncset.done @!p0 $0x0  }
0x4b: {  	[sflag:s3] =	ssyncadd.s32 @!p0 $0xFFFFF800  }
0x4c: {  	[bflag:$0x0] =	sbarrier.arrive $0xFFFF  }
0x4d: {  	s6 =	rddreg [dreg:$0x4]  }
0x4e: {  	[tilespmem:s2], [sflag:$0x3] =	stream.linear.gather [hbm4b:s6+s2], $0x50, $0x38;
	[tilespmem:$0x18A40] =	vst v63  }
0x4f: {  	_ =	swait.ge [sflag:s14], $0x50  }
0x50: {  	[sflag:s14] =	ssyncset.done $0x0  }
0x51: {  	[sflag:s14] =	ssyncadd.s32 $0xFFFFFFB0  }
0x52: {  	[tilespmem:s12], [sflag:$0x1] =	stream.indirect.gather [hbm4b:s4+s15], $0x80, s2, s15, $0xb8;
	[tilespmem:$0x18A40] =	vst v63  }
0x53: {  	s8 =	sadd.s32 $0x0, s25  }
0x54: {  	[tilespmem:s16], [sflag:$0x3] =	stream.linear.gather [hbm4b:s8+s2], $0x50, $0x38;
	[tilespmem:$0x18A40] =	vst v63  }
0x55: {  	_ =	swait.ge [sflag:s14], $0x50  }
0x56: {  	[sflag:s14] =	ssyncset.done $0x0  }
0x57: {  	[sflag:s14] =	ssyncadd.s32 $0xFFFFFFB0  }
0x58: {  	_ =	swait.ge [sflag:s19], $0x2800  }
0x59: {  	[sflag:s19] =	ssyncset.done $0x0  }
0x5a: {  	[sflag:s19] =	ssyncadd.s32 $0xFFFFD800  }
0x5b: {  	[tilespmem:s20], [sflag:$0x2] =	stream.indirect.gather [hbm4b:s4+s15], $0x80, s16, s15, $0xb8;
	[tilespmem:$0x18A40] =	vst v63  }
0x5c: {  	s9 =	smov.u32 s10;
	s10 =	sadd.s32 $0x0, s23  }
0x5d: {  	[tilespmem:s21], [sflag:$0x3] =	stream.linear.gather [hbm4b:s10+s2], $0x50, $0x38;
	[tilespmem:$0x18A40] =	vst v63  }
0x5e: {  	_ =	swait.ge [sflag:s14], $0x50  }
0x5f: {  	[sflag:s14] =	ssyncset.done $0x0  }
0x60: {  	[sflag:s14] =	ssyncadd.s32 $0xFFFFFFB0  }
0x61: {  	[spmem:s1] =	stream.indirect.scatter.add.f32 [tilespmem:s12], [sflag:$0x3], $0x80, s21, s15, $0xb8;
	[tilespmem:$0x18A40] =	vst v63  }
0x62: {  	_ =	swait.ge [sflag:s14], $0x2800  }
0x63: {  	s22 =	smov.u32 s17;
	s6 =	rddreg [dreg:$0xe]  }
0x64: {  	s17 =	smov.u32 s11;
	[sflag:s14] =	ssyncset.done $0x0;
	s11 =	sshrl.u32 s6, $0x3  }
0x65: {  	[sflag:s14] =	ssyncadd.s32 $0xFFFFD800;
	s3 =	sadd.s32 s5, s11  }
0x66: {  	[tilespmem:s2], [sflag:$0x3] =	stream.linear.gather [hbm4b:s3+s2], $0x50, $0x38;
	[tilespmem:$0x18A40] =	vst v63  }
0x67: {  	_ =	swait.ge [sflag:s14], $0x50  }
0x68: {  	[sflag:s14] =	ssyncset.done $0x0  }
0x69: {  	[sflag:s14] =	ssyncadd.s32 $0xFFFFFFB0  }
0x6a: {  	_ =	swait.ge [sflag:s31], $0x2800  }
0x6b: {  	[sflag:s31] =	ssyncset.done $0x0  }
0x6c: {  	[sflag:s31] =	ssyncadd.s32 $0xFFFFD800  }
0x6d: {  	[tilespmem:s12], [sflag:$0x1] =	stream.indirect.gather [hbm4b:s4+s15], $0x80, s2, s15, $0xb8;
	[tilespmem:$0x18A40] =	vst v63  }
0x6e: {  	s18 =	smov.u32 s13;
	s13 =	sadd.s32 $0x0, s24  }
0x6f: {  	[tilespmem:s21], [sflag:$0x3] =	stream.linear.gather [hbm4b:s13+s2], $0x50, $0x38;
	[tilespmem:$0x18A40] =	vst v63  }
0x70: {  	_ =	swait.ge [sflag:s14], $0x50  }
0x71: {  	[sflag:s14] =	ssyncset.done $0x0  }
0x72: {  	[sflag:s14] =	ssyncadd.s32 $0xFFFFFFB0  }
0x73: {  	[spmem:s1] =	stream.indirect.scatter.add.f32 [tilespmem:s20], [sflag:$0x3], $0x80, s21, s15, $0xb8;
	[tilespmem:$0x18A40] =	vst v63  }
0x74: {  	s10 =	simm.s32 $0x28;
	_ =	swait.ge [sflag:s14], $0x2800  }
0x75: {  	s6 =	sadd.s32 $0xA0, s6;
	s3 =	simm.s32 $0x14;
	[sflag:s14] =	ssyncset.done $0x0  }
.LBB2_2:
0x76: {  	s13 =	sadd.s32 s3, s25  }
0x77: {  	[sflag:s14] =	ssyncadd.s32 $0xFFFFD800;
	s8 =	smov.u32 s10;
	s11 =	sadd.s32 $0x14, s10  }
0x78: {  	[tilespmem:s16], [sflag:$0x3] =	stream.linear.gather [hbm4b:s13+s2], $0x50, $0x38;
	[tilespmem:$0x18A40] =	vst v63  }
0x79: {  	p1 =	sne.s32 s10, $0x4B0;
	_ =	swait.ge [sflag:s14], $0x50  }
0x7a: {  	[sflag:s14] =	ssyncset.done $0x0  }
0x7b: {  	[sflag:s14] =	ssyncadd.s32 $0xFFFFFFB0  }
0x7c: {  	_ =	swait.ge [sflag:s19], $0x2800  }
0x7d: {  	[sflag:s19] =	ssyncset.done $0x0  }
0x7e: {  	[sflag:s19] =	ssyncadd.s32 $0xFFFFD800  }
0x7f: {  	[tilespmem:s20], [sflag:$0x2] =	stream.indirect.gather [hbm4b:s4+s15], $0x80, s16, s15, $0xb8;
	[tilespmem:$0x18A40] =	vst v63  }
0x80: {  	s10 =	sadd.s32 s3, s23  }
0x81: {  	[tilespmem:s21], [sflag:$0x3] =	stream.linear.gather [hbm4b:s10+s2], $0x50, $0x38;
	[tilespmem:$0x18A40] =	vst v63  }
0x82: {  	_ =	swait.ge [sflag:s14], $0x50  }
0x83: {  	[sflag:s14] =	ssyncset.done $0x0  }
0x84: {  	[sflag:s14] =	ssyncadd.s32 $0xFFFFFFB0  }
0x85: {  	[spmem:s1] =	stream.indirect.scatter.add.f32 [tilespmem:s12], [sflag:$0x3], $0x80, s21, s15, $0xb8;
	[tilespmem:$0x18A40] =	vst v63  }
0x86: {  	_ =	swait.ge [sflag:s14], $0x2800  }
0x87: {  	s10 =	sshrl.u32 s6, $0x3;
	[sflag:s14] =	ssyncset.done $0x0  }
0x88: {  	s10 =	sadd.s32 s5, s10;
	[sflag:s14] =	ssyncadd.s32 $0xFFFFD800  }
0x89: {  	[tilespmem:s2], [sflag:$0x3] =	stream.linear.gather [hbm4b:s10+s2], $0x50, $0x38;
	[tilespmem:$0x18A40] =	vst v63  }
0x8a: {  	_ =	swait.ge [sflag:s14], $0x50  }
0x8b: {  	[sflag:s14] =	ssyncset.done $0x0  }
0x8c: {  	[sflag:s14] =	ssyncadd.s32 $0xFFFFFFB0  }
0x8d: {  	_ =	swait.ge [sflag:s31], $0x2800  }
0x8e: {  	[sflag:s31] =	ssyncset.done $0x0  }
0x8f: {  	[sflag:s31] =	ssyncadd.s32 $0xFFFFD800  }
0x90: {  	[tilespmem:s12], [sflag:$0x1] =	stream.indirect.gather [hbm4b:s4+s15], $0x80, s2, s15, $0xb8;
	[tilespmem:$0x18A40] =	vst v63  }
0x91: {  	s10 =	sadd.s32 s3, s24;
	s3 =	smov.u32 s8  }
0x92: {  	[tilespmem:s21], [sflag:$0x3] =	stream.linear.gather [hbm4b:s10+s2], $0x50, $0x38;
	[tilespmem:$0x18A40] =	vst v63  }
0x93: {  	_ =	swait.ge [sflag:s14], $0x50  }
.Ltmp0:
0x94: {  	[sflag:s14] =	ssyncset.done $0x0;
	(pc) =	sbr.rel @p1 .LBB2_2-.Ltmp0, $4  }
0x95: {  	[sflag:s14] =	ssyncadd.s32 $0xFFFFFFB0  }
0x96: {  	[spmem:s1] =	stream.indirect.scatter.add.f32 [tilespmem:s20], [sflag:$0x3], $0x80, s21, s15, $0xb8;
	[tilespmem:$0x18A40] =	vst v63  }
0x97: {  	_ =	swait.ge [sflag:s14], $0x2800  }
0x98: {  	s6 =	sadd.s32 $0xA0, s6;
	s10 =	smov.u32 s11;
	[sflag:s14] =	ssyncset.done $0x0  }
0x99: {  	s8 =	sadd.s32 s3, s25;
	[sflag:s14] =	ssyncadd.s32 $0xFFFFD800  }
0x9a: {  	[tilespmem:s16], [sflag:$0x3] =	stream.linear.gather [hbm4b:s8+s2], $0x50, $0x38;
	[tilespmem:$0x18A40] =	vst v63  }
0x9b: {  	_ =	swait.ge [sflag:s14], $0x50  }
0x9c: {  	[sflag:s14] =	ssyncset.done $0x0  }
0x9d: {  	[sflag:s14] =	ssyncadd.s32 $0xFFFFFFB0  }
0x9e: {  	_ =	swait.ge [sflag:s19], $0x2800  }
0x9f: {  	[sflag:s19] =	ssyncset.done $0x0  }
0xa0: {  	[sflag:s19] =	ssyncadd.s32 $0xFFFFD800  }
0xa1: {  	[tilespmem:s20], [sflag:$0x2] =	stream.indirect.gather [hbm4b:s4+s15], $0x80, s16, s15, $0xb8;
	[tilespmem:$0x18A40] =	vst v63  }
0xa2: {  	s13 =	sadd.s32 s3, s23  }
0xa3: {  	[tilespmem:s21], [sflag:$0x3] =	stream.linear.gather [hbm4b:s13+s2], $0x50, $0x38;
	[tilespmem:$0x18A40] =	vst v63  }
0xa4: {  	_ =	swait.ge [sflag:s14], $0x50  }
0xa5: {  	[sflag:s14] =	ssyncset.done $0x0  }
0xa6: {  	[sflag:s14] =	ssyncadd.s32 $0xFFFFFFB0  }
0xa7: {  	[spmem:s1] =	stream.indirect.scatter.add.f32 [tilespmem:s12], [sflag:$0x3], $0x80, s21, s15, $0xb8;
	[tilespmem:$0x18A40] =	vst v63  }
0xa8: {  	_ =	swait.ge [sflag:s14], $0x2800  }
0xa9: {  	s6 =	sshrl.u32 s6, $0x3;
	[sflag:s14] =	ssyncset.done $0x0  }
0xaa: {  	s6 =	sadd.s32 s5, s6;
	[sflag:s14] =	ssyncadd.s32 $0xFFFFD800  }
0xab: {  	[tilespmem:s2], [sflag:$0x3] =	stream.linear.gather [hbm4b:s6+s2], $0x50, $0x38;
	[tilespmem:$0x18A40] =	vst v63  }
0xac: {  	_ =	swait.ge [sflag:s14], $0x50  }
0xad: {  	[sflag:s14] =	ssyncset.done $0x0  }
0xae: {  	[sflag:s14] =	ssyncadd.s32 $0xFFFFFFB0  }
0xaf: {  	_ =	swait.ge [sflag:s31], $0x2800  }
0xb0: {  	[sflag:s31] =	ssyncset.done $0x0  }
0xb1: {  	[sflag:s31] =	ssyncadd.s32 $0xFFFFD800  }
0xb2: {  	[tilespmem:s12], [sflag:$0x1] =	stream.indirect.gather [hbm4b:s4+s15], $0x80, s2, s15, $0xb8;
	[tilespmem:$0x18A40] =	vst v63  }
0xb3: {  	s8 =	sadd.s32 s3, s24  }
0xb4: {  	[tilespmem:s21], [sflag:$0x3] =	stream.linear.gather [hbm4b:s8+s2], $0x50, $0x38;
	[tilespmem:$0x18A40] =	vst v63  }
0xb5: {  	_ =	swait.ge [sflag:s14], $0x50  }
0xb6: {  	[sflag:s14] =	ssyncset.done $0x0  }
0xb7: {  	[sflag:s14] =	ssyncadd.s32 $0xFFFFFFB0  }
0xb8: {  	[spmem:s1] =	stream.indirect.scatter.add.f32 [tilespmem:s20], [sflag:$0x3], $0x80, s21, s15, $0xb8;
	[tilespmem:$0x18A40] =	vst v63  }
0xb9: {  	_ =	swait.ge [sflag:s14], $0x2800  }
0xba: {  	[sflag:s14] =	ssyncset.done $0x0  }
0xbb: {  	s10 =	rddreg [dreg:$0xb];
	[sflag:s14] =	ssyncadd.s32 $0xFFFFD800  }
0xbc: {  	[tilespmem:s16], [sflag:$0x3] =	stream.linear.gather [hbm4b:s10+s2], $0x50, $0x38;
	[tilespmem:$0x18A40] =	vst v63  }
0xbd: {  	_ =	swait.ge [sflag:s14], $0x50  }
0xbe: {  	[sflag:s14] =	ssyncset.done $0x0  }
0xbf: {  	[sflag:s14] =	ssyncadd.s32 $0xFFFFFFB0  }
0xc0: {  	_ =	swait.ge [sflag:s19], $0x2800  }
0xc1: {  	[sflag:s19] =	ssyncset.done $0x0  }
0xc2: {  	[sflag:s19] =	ssyncadd.s32 $0xFFFFD800  }
0xc3: {  	[tilespmem:s20], [sflag:$0x2] =	stream.indirect.gather [hbm4b:s4+s15], $0x80, s16, s15, $0xb8;
	[tilespmem:$0x18A40] =	vst v63  }
0xc4: {  	s11 =	rddreg [dreg:$0xc]  }
0xc5: {  	[tilespmem:s21], [sflag:$0x3] =	stream.linear.gather [hbm4b:s11+s2], $0x50, $0x38;
	[tilespmem:$0x18A40] =	vst v63  }
0xc6: {  	_ =	swait.ge [sflag:s14], $0x50  }
0xc7: {  	[sflag:s14] =	ssyncset.done $0x0  }
0xc8: {  	[sflag:s14] =	ssyncadd.s32 $0xFFFFFFB0  }
0xc9: {  	[spmem:s1] =	stream.indirect.scatter.add.f32 [tilespmem:s12], [sflag:$0x3], $0x80, s21, s15, $0xb8;
	[tilespmem:$0x18A40] =	vst v63  }
0xca: {  	_ =	swait.ge [sflag:s14], $0x2800  }
0xcb: {  	[sflag:s14] =	ssyncset.done $0x0  }
0xcc: {  	[sflag:s14] =	ssyncadd.s32 $0xFFFFD800  }
0xcd: {  	_ =	swait.ge [sflag:s31], $0x2800  }
0xce: {  	[sflag:s31] =	ssyncset.done $0x0  }
0xcf: {  	s13 =	rddreg [dreg:$0xd];
	[sflag:s31] =	ssyncadd.s32 $0xFFFFD800  }
0xd0: {  	[tilespmem:s21], [sflag:$0x3] =	stream.linear.gather [hbm4b:s13+s2], $0x50, $0x38;
	[tilespmem:$0x18A40] =	vst v63  }
0xd1: {  	_ =	swait.ge [sflag:s14], $0x50  }
0xd2: {  	[sflag:s14] =	ssyncset.done $0x0  }
0xd3: {  	[sflag:s14] =	ssyncadd.s32 $0xFFFFFFB0  }
0xd4: {  	[spmem:s1] =	stream.indirect.scatter.add.f32 [tilespmem:s20], [sflag:$0x3], $0x80, s21, s15, $0xb8;
	[tilespmem:$0x18A40] =	vst v63  }
0xd5: {  	_ =	swait.ge [sflag:s14], $0x2800  }
0xd6: {  	[sflag:s14] =	ssyncset.done $0x0  }
0xd7: {  	s6 =	rddreg [dreg:$0x5];
	[sflag:s14] =	ssyncadd.s32 $0xFFFFD800  }
0xd8: {  	[tilespmem:s2], [sflag:$0x3] =	stream.linear.gather [hbm4b:s6+s2], $0x50, $0x38;
	[tilespmem:$0x18A40] =	vst v63  }
0xd9: {  	_ =	swait.ge [sflag:s14], $0x50  }
0xda: {  	[sflag:s14] =	ssyncset.done $0x0  }
0xdb: {  	[sflag:s14] =	ssyncadd.s32 $0xFFFFFFB0  }
0xdc: {  	[tilespmem:s12], [sflag:$0x1] =	stream.indirect.gather [hbm4b:s4+s15], $0x80, s2, s15, $0xb8;
	[tilespmem:$0x18A40] =	vst v63  }
0xdd: {  	_ =	swait.ge [sflag:s19], $0x2800  }
0xde: {  	[sflag:s19] =	ssyncset.done $0x0  }
0xdf: {  	s8 =	rddreg [dreg:$0x6];
	[sflag:s19] =	ssyncadd.s32 $0xFFFFD800  }
0xe0: {  	[tilespmem:s21], [sflag:$0x3] =	stream.linear.gather [hbm4b:s8+s2], $0x50, $0x38;
	[tilespmem:$0x18A40] =	vst v63  }
0xe1: {  	_ =	swait.ge [sflag:s14], $0x50  }
0xe2: {  	[sflag:s14] =	ssyncset.done $0x0  }
0xe3: {  	[sflag:s14] =	ssyncadd.s32 $0xFFFFFFB0  }
0xe4: {  	[spmem:s1] =	stream.indirect.scatter.add.f32 [tilespmem:s12], [sflag:$0x3], $0x80, s21, s15, $0xb8;
	[tilespmem:$0x18A40] =	vst v63  }
0xe5: {  	_ =	swait.ge [sflag:s14], $0x2800  }
0xe6: {  	[sflag:s14] =	ssyncset.done $0x0  }
0xe7: {  	[sflag:s14] =	ssyncadd.s32 $0xFFFFD800  }
0xe8: {  	[bflag:$0x0] =	sbarrier.arrive $0xFFFF  }
0xe9: {  	[tilespmem:s12], [sflag:$0x3] =	stream.linear.gather [spmem:s7], $0x2800, $0x38;
	[tilespmem:$0x18A40] =	vst v63  }
0xea: {  	_ =	swait.ge [sflag:s14], $0x2800  }
0xeb: {  	[sflag:s14] =	ssyncset.done $0x0  }
0xec: {  	s10 =	rddreg [dreg:$0x7];
	[sflag:s14] =	ssyncadd.s32 $0xFFFFD800  }
0xed: {  	[hbm4b:s10+s2] =	stream.linear.scatter [tilespmem:s12], [sflag:$0x3], $0x2800, $0x38;
	[tilespmem:$0x18A40] =	vst v63  }
0xee: {  	_ =	swait.ge [sflag:s14], $0x2800  }
0xef: {  	[sflag:s14] =	ssyncset.done $0x0  }
0xf0: {  	[sflag:s14] =	ssyncadd.s32 $0xFFFFD800  }
0xf1: {  	[tilespmem:s12], [sflag:$0x3] =	stream.linear.gather [spmem:s18], $0x2800, $0x38;
	[tilespmem:$0x18A40] =	vst v63  }
0xf2: {  	_ =	swait.ge [sflag:s14], $0x2800  }
0xf3: {  	[sflag:s14] =	ssyncset.done $0x0  }
0xf4: {  	s11 =	rddreg [dreg:$0xf];
	[sflag:s14] =	ssyncadd.s32 $0xFFFFD800  }
0xf5: {  	[hbm4b:s11+s2] =	stream.linear.scatter [tilespmem:s12], [sflag:$0x3], $0x2800, $0x38;
	[tilespmem:$0x18A40] =	vst v63  }
0xf6: {  	_ =	swait.ge [sflag:s14], $0x2800  }
0xf7: {  	[sflag:s14] =	ssyncset.done $0x0  }
0xf8: {  	[sflag:s14] =	ssyncadd.s32 $0xFFFFD800  }
0xf9: {  	[tilespmem:s12], [sflag:$0x3] =	stream.linear.gather [spmem:s22], $0x2800, $0x38;
	[tilespmem:$0x18A40] =	vst v63  }
0xfa: {  	_ =	swait.ge [sflag:s14], $0x2800  }
0xfb: {  	[sflag:s14] =	ssyncset.done $0x0  }
0xfc: {  	s13 =	smov.u32 s18;
	s18 =	rddreg [dreg:$0x10];
	[sflag:s14] =	ssyncadd.s32 $0xFFFFD800  }
0xfd: {  	[hbm4b:s18+s2] =	stream.linear.scatter [tilespmem:s12], [sflag:$0x3], $0x2800, $0x38;
	[tilespmem:$0x18A40] =	vst v63  }
0xfe: {  	_ =	swait.ge [sflag:s14], $0x2800  }
0xff: {  	[sflag:s14] =	ssyncset.done $0x0  }
0x100: {  	[sflag:s14] =	ssyncadd.s32 $0xFFFFD800  }
0x101: {  	[tilespmem:s12], [sflag:$0x3] =	stream.linear.gather [spmem:s26], $0x2800, $0x38;
	[tilespmem:$0x18A40] =	vst v63  }
0x102: {  	_ =	swait.ge [sflag:s14], $0x2800  }
0x103: {  	[sflag:s14] =	ssyncset.done $0x0  }
0x104: {  	s6 =	rddreg [dreg:$0x11];
	[sflag:s14] =	ssyncadd.s32 $0xFFFFD800  }
0x105: {  	[hbm4b:s6+s2] =	stream.linear.scatter [tilespmem:s12], [sflag:$0x3], $0x2800, $0x38;
	[tilespmem:$0x18A40] =	vst v63  }
0x106: {  	_ =	swait.ge [sflag:s14], $0x2800  }
0x107: {  	[sflag:s14] =	ssyncset.done $0x0  }
0x108: {  	[sflag:s14] =	ssyncadd.s32 $0xFFFFD800  }
0x109: {  	[tilespmem:s12], [sflag:$0x3] =	stream.linear.gather [spmem:s28], $0x2800, $0x38;
	[tilespmem:$0x18A40] =	vst v63  }
0x10a: {  	_ =	swait.ge [sflag:s14], $0x2800  }
0x10b: {  	[sflag:s14] =	ssyncset.done $0x0  }
0x10c: {  	s8 =	rddreg [dreg:$0x12];
	[sflag:s14] =	ssyncadd.s32 $0xFFFFD800  }
0x10d: {  	[hbm4b:s8+s2] =	stream.linear.scatter [tilespmem:s12], [sflag:$0x3], $0x2800, $0x38;
	[tilespmem:$0x18A40] =	vst v63  }
0x10e: {  	_ =	swait.ge [sflag:s14], $0x2800  }
0x10f: {  	[sflag:s14] =	ssyncset.done $0x0  }
0x110: {  	[sflag:s14] =	ssyncadd.s32 $0xFFFFD800  }
0x111: {  	[tilespmem:s12], [sflag:$0x3] =	stream.linear.gather [spmem:s29], $0x2800, $0x38;
	[tilespmem:$0x18A40] =	vst v63  }
0x112: {  	_ =	swait.ge [sflag:s14], $0x2800  }
0x113: {  	[sflag:s14] =	ssyncset.done $0x0  }
0x114: {  	s10 =	rddreg [dreg:$0x13];
	[sflag:s14] =	ssyncadd.s32 $0xFFFFD800  }
0x115: {  	[hbm4b:s10+s2] =	stream.linear.scatter [tilespmem:s12], [sflag:$0x3], $0x2800, $0x38;
	[tilespmem:$0x18A40] =	vst v63  }
0x116: {  	_ =	swait.ge [sflag:s14], $0x2800  }
0x117: {  	[sflag:s14] =	ssyncset.done $0x0  }
0x118: {  	[sflag:s14] =	ssyncadd.s32 $0xFFFFD800  }
0x119: {  	[tilespmem:s12], [sflag:$0x3] =	stream.linear.gather [spmem:s30], $0x2800, $0x38;
	[tilespmem:$0x18A40] =	vst v63  }
0x11a: {  	_ =	swait.ge [sflag:s14], $0x2800  }
0x11b: {  	[sflag:s14] =	ssyncset.done $0x0  }
0x11c: {  	s11 =	rddreg [dreg:$0x14];
	[sflag:s14] =	ssyncadd.s32 $0xFFFFD800  }
0x11d: {  	[hbm4b:s11+s2] =	stream.linear.scatter [tilespmem:s12], [sflag:$0x3], $0x2800, $0x38;
	[tilespmem:$0x18A40] =	vst v63  }
0x11e: {  	_ =	swait.ge [sflag:s14], $0x2800  }
0x11f: {  	[sflag:s14] =	ssyncset.done $0x0  }
0x120: {  	[sflag:s14] =	ssyncadd.s32 $0xFFFFD800  }
0x121: {  	[tilespmem:s12], [sflag:$0x3] =	stream.linear.gather [spmem:s9], $0x2000, $0x38;
	[tilespmem:$0x18A40] =	vst v63  }
0x122: {  	_ =	swait.ge [sflag:s14], $0x2000  }
0x123: {  	[sflag:s14] =	ssyncset.done $0x0  }
0x124: {  	s18 =	rddreg [dreg:$0x8];
	[sflag:s14] =	ssyncadd.s32 $0xFFFFE000  }
0x125: {  	[hbm4b:s18+s2] =	stream.linear.scatter [tilespmem:s12], [sflag:$0x3], $0x2000, $0x38;
	[tilespmem:$0x18A40] =	vst v63  }
0x126: {  	_ =	swait.ge [sflag:s14], $0x2000  }
0x127: {  	s3 =	simm.s32 @!p0 $0x180;
	[sflag:s14] =	ssyncset.done $0x0  }
0x128: {  	s6 =	simm.s32 @!p0 $0x3;
	s11 =	smov.u32 s17;
	[sflag:s14] =	ssyncadd.s32 $0xFFFFE000  }
0x129: {  	[tilespmem:s3], [sflag:$0x3] =	stream.linear.gather @!p0 [spmem:s11], $0x800, $0x38;
	[tilespmem:$0x18A40] =	vst v63  }
0x12a: {  	_ =	swait.ge @!p0 [sflag:s6], $0x800  }
0x12b: {  	s8 =	simm.s32 @!p0 $0x0;
	[sflag:s6] =	ssyncset.done @!p0 $0x0  }
0x12c: {  	s10 =	smov.u32 s9;
	s9 =	rddreg [dreg:$0x9];
	[sflag:s6] =	ssyncadd.s32 @!p0 $0xFFFFF800  }
0x12d: {  	[hbm4b:s9+s8] =	stream.linear.scatter @!p0 [tilespmem:s3], [sflag:$0x3], $0x800, $0x38;
	[tilespmem:$0x18A40] =	vst v63  }
0x12e: {  	_ =	swait.ge @!p0 [sflag:s6], $0x800  }
0x12f: {  	s0 =	sadd.s32 $0x1, s0;
	s17 =	smov.u32 s22;
	s22 =	rddreg [dreg:$0xa]  }
0x130: {  	p1 =	sne.s32 s0, s22  }
.Ltmp1:
0x131: {  	_ = 	snop;
	(pc) =	sbr.rel @p1 .LBB2_1-.Ltmp1, $3  }
0x132: {  	_ =	sdelay $0x1  }
0x133: {  	[sflag:s6] =	ssyncset.done @!p0 $0x0  }
0x134: {  	[sflag:s6] =	ssyncadd.s32 @!p0 $0xFFFFF800  }
0x135: {  	_ =	sfence.sel $0x180000  }
0x136: {  	[bflag:$0x0] =	sbarrier.arrive $0xFFFF  }
0x137: {  	_ =	strace $0x9000004D  }
0x138: {  	s0 =	stileid.u32;
	[bflag:$0x2] =	sbarrier.arrive $0xFFFF  }
0x139: {  	p0 =	sne.s32 s0, $0x0;
	s0 =	rddreg [dreg:$0x2]  }
0x13a: {  	s0 =	sadd.s32 @!p0 $0x100000, s0  }
0x13b: {  	[sflag:s0] =	ssyncadd.tile.s32 @!p0 $0x1;
	_ =	shalt  }
.Lfunc_end2:
_tile_overlayer_lowered:
.L_overlay_start_2:
0x13c: {  	(tag) =	ssettag $0x2  }
0x13d: {  	s0 =	rddreg [dreg:$0x0];
	s2 =	stileid.u32  }
0x13e: {  	s1 =	rddreg [dreg:$0x1];
	p0 =	sne.s32 s2, $0x0  }
0x13f: {  	s3 =	rddreg [dreg:$0x2];
	[bflag:$0x3] =	sbarrier.arrive $0xFFFF;
	s2 =	simm.s32 @!p0 $0x1C03  }
0x140: {  	[timem:s3], [sflag:s2] =	dma.local @!p0 [hbm:s0], s1  }
0x141: {  	s0 =	simm.s32 @!p0 $0x3  }
0x142: {  	_ =	swait.ge @!p0 [sflag:s0], s1  }
0x143: {  	s1 =	ssub.s32 @!p0 $0x0, s1;
	[sflag:s0] =	ssyncset.done @!p0 $0x0  }
0x144: {  	[sflag:s0] =	ssyncadd.s32 @!p0 s1  }
0x145: {  	[bflag:$0x3] =	sbarrier.arrive $0xFFFF  }
0x146: {  	_ =	shalt  }

// kernel: kernel.29.cloned.1.call-start
scs
__scs_entry_jumppad:
0x0: {  	(pc) =	sbr.rel $0x88, $3  }
0x1: {  	(tag) =	ssettag $0x0;
	lr =	simm.s32 $0x1  }
0x2: {  	[smem:$0x3F8E] =	sst lr;
	_ =	strace $0xD0000000  }
0x3: {  	_ = 	snop  }
0x4: {  	_ = 	snop  }
0x5: {  	_ = 	snop  }
0x6: {  	_ = 	snop  }
0x7: {  	_ = 	snop  }
__scs_overlays_trampoline_lowered:
0x8: {  	[smem:$0x3F9D] =	sst s0  }
0x9: {  	[smem:$0x3F9E] =	sst s1  }
0xa: {  	[smem:$0x3F9F] =	sst s2  }
0xb: {  	[smem:$0x3FA0] =	sst s3  }
0xc: {  	[smem:$0x3FA1] =	sst s4  }
0xd: {  	[smem:$0x3FA2] =	sst s5  }
0xe: {  	[smem:$0x3FA3] =	sst s6  }
0xf: {  	[smem:$0x3FA4] =	sst s7  }
0x10: {  	[smem:$0x3FA5] =	sst s8  }
0x11: {  	[smem:$0x3FA6] =	sst s9;
	s0 =	simm.s32 @!p0 $0x0  }
0x12: {  	s1 =	sld [smem:$0x3F8C];
	s0 =	simm.s32 @p0 $0x1  }
0x13: {  	[smem:$0x3FA7] =	sst s0;
	s0 =	simm.s32 @!p1 $0x0  }
0x14: {  	s2 =	sld [smem:$0x3F8B];
	s0 =	simm.s32 @p1 $0x1  }
0x15: {  	[smem:$0x3FA8] =	sst s0;
	s0 =	simm.s32 @!p2 $0x0  }
0x16: {  	s3 =	sld [smem:$0x3FDB];
	s0 =	simm.s32 @p2 $0x1  }
0x17: {  	s4 =	simm.s32 $0x1BF5;
	[smem:$0x3FAA] =	sst s0  }
0x18: {  	s0 =	sld [smem:$0x3F8D];
	_ =	swait.ge [sflag:s4], $0x0  }
0x19: {  	s7 =	sld [smem:$0x3F8E]  }
0x1a: {  	s8 =	sadd.s32 $0xFFFFE003, lr  }
0x1b: {  	s9 =	sadd.s32 $0xFFFFFEF7, lr;
	s5 =	simm.s32 $0xFFFFFFFF;
	p2 =	slt.u32 s8, $0xFFFFF086  }
0x1c: {  	p1 =	slt.u32 s9, $0xF7A;
	s5 =	simm.s32 @!p2 $0x0  }
0x1d: {  	s5 =	simm.s32 @p1 $0x1;
	p0 =	seq.s32 s7, s2  }
0x1e: {  	s7 =	smul.u32 @!p0 $0xF7A, s2;
	p2 =	seq.s32 @!p0 s5, $0x0  }
0x1f: {  	s9 =	smul.u32 $0xF7A, s1;
	s8 =	simm.s32 @!p0 $0x1BF5;
	p2 =	por !p2, p0  }
0x20: {  	[sflag:s8] =	ssyncset.s32 @!p0 $0xFFFFF086;
	s6 =	sadd.s32 @!p0 s3, s7;
	s7 =	simm.s32 @!p0 $0x108  }
0x21: {  	s3 =	sadd.s32 s3, s9;
	s6 =	sadd.s32 @!p0 $0x88, s6;
	s7 =	simm.s32 @p2 $0x1082  }
0x22: {  	[simem:s7], [sflag:s8] =	dma.local @!p0 [hbm:s6], $0xF7A  }
0x23: {  	s9 =	sor.u32 $0xD0000000, s2;
	s6 =	simm.s32 $0x108;
	_ =	swait.ge @!p0 [sflag:s8], $0x0  }
0x24: {  	s3 =	sadd.s32 $0x88, s3;
	s6 =	simm.s32 @!p1 $0x1082;
	[sflag:s4] =	ssyncset.s32 $0xFFFFF086  }
0x25: {  	[simem:s6], [sflag:s4] =	dma.local [hbm:s3], $0xF7A  }
0x26: {  	[smem:$0x3F8E] =	sst s1;
	(tag) =	ssettag s2;
	_ =	strace s9  }
0x27: {  	s1 =	sld [smem:$0x3F9E]  }
0x28: {  	s2 =	sld [smem:$0x3F9F]  }
0x29: {  	s4 =	sld [smem:$0x3FA1]  }
0x2a: {  	p0 =	seq.s32 s5, $0x0;
	s5 =	sld [smem:$0x3FA2]  }
0x2b: {  	s6 =	sld [smem:$0x3FA3]  }
0x2c: {  	s7 =	sld [smem:$0x3FA4]  }
0x2d: {  	s3 =	simm.s32 $0x108;
	s8 =	sld [smem:$0x3FA5]  }
0x2e: {  	s3 =	simm.s32 @!p0 $0x1082;
	s9 =	sld [smem:$0x3FA6]  }
0x2f: {  	lr =	sadd.s32 s0, s3;
	s0 =	sld [smem:$0x3F9D]  }
0x30: {  	s3 =	sld [smem:$0x3FA0]  }
0x31: {  	[smem:$0x3FA9] =	sst s10  }
0x32: {  	s10 =	sld [smem:$0x3FA7];
	_ =	sdelay $0x3  }
0x33: {  	p0 =	seq.s32 s10, $0x1;
	s10 =	sld [smem:$0x3FA9];
	_ =	sdelay $0x3  }
0x34: {  	[smem:$0x3FA9] =	sst s10  }
0x35: {  	s10 =	sld [smem:$0x3FA8];
	_ =	sdelay $0x3  }
0x36: {  	p1 =	seq.s32 s10, $0x1;
	s10 =	sld [smem:$0x3FA9];
	_ =	sdelay $0x3  }
0x37: {  	[smem:$0x3FA9] =	sst s10  }
0x38: {  	s10 =	sld [smem:$0x3FAA]  }
0x39: {  	_ = 	snop;
	(pc) =	sbr.ind lr, $3  }
0x3a: {  	_ = 	snop  }
0x3b: {  	_ = 	snop  }
0x3c: {  	p2 =	seq.s32 s10, $0x1;
	s10 =	sld [smem:$0x3FA9]  }
0x3d: {  	_ =	shalt  }
0x3e: {  	_ =	shalt  }
0x3f: {  	_ =	shalt  }
0x40: {  	_ =	shalt  }
0x41: {  	_ =	shalt  }
0x42: {  	_ =	shalt  }
0x43: {  	_ =	shalt  }
0x44: {  	_ =	shalt  }
0x45: {  	_ =	shalt  }
0x46: {  	_ =	shalt  }
0x47: {  	_ =	shalt  }
0x48: {  	_ =	shalt  }
0x49: {  	_ =	shalt  }
0x4a: {  	_ =	shalt  }
0x4b: {  	_ =	shalt  }
0x4c: {  	_ =	shalt  }
0x4d: {  	_ =	shalt  }
0x4e: {  	_ =	shalt  }
0x4f: {  	_ =	shalt  }
0x50: {  	_ =	shalt  }
0x51: {  	_ =	shalt  }
0x52: {  	_ =	shalt  }
0x53: {  	_ =	shalt  }
0x54: {  	_ =	shalt  }
0x55: {  	_ =	shalt  }
0x56: {  	_ =	shalt  }
0x57: {  	_ =	shalt  }
0x58: {  	_ =	shalt  }
0x59: {  	_ =	shalt  }
0x5a: {  	_ =	shalt  }
0x5b: {  	_ =	shalt  }
0x5c: {  	_ =	shalt  }
0x5d: {  	_ =	shalt  }
0x5e: {  	_ =	shalt  }
0x5f: {  	_ =	shalt  }
0x60: {  	_ =	shalt  }
0x61: {  	_ =	shalt  }
0x62: {  	_ =	shalt  }
0x63: {  	_ =	shalt  }
0x64: {  	_ =	shalt  }
0x65: {  	_ =	shalt  }
0x66: {  	_ =	shalt  }
0x67: {  	_ =	shalt  }
0x68: {  	_ =	shalt  }
0x69: {  	_ =	shalt  }
0x6a: {  	_ =	shalt  }
0x6b: {  	_ =	shalt  }
0x6c: {  	_ =	shalt  }
0x6d: {  	_ =	shalt  }
0x6e: {  	_ =	shalt  }
0x6f: {  	_ =	shalt  }
0x70: {  	_ =	shalt  }
0x71: {  	_ =	shalt  }
0x72: {  	_ =	shalt  }
0x73: {  	_ =	shalt  }
0x74: {  	_ =	shalt  }
0x75: {  	_ =	shalt  }
0x76: {  	_ =	shalt  }
0x77: {  	_ =	shalt  }
0x78: {  	_ =	shalt  }
0x79: {  	_ =	shalt  }
0x7a: {  	_ =	shalt  }
0x7b: {  	_ =	shalt  }
0x7c: {  	_ =	shalt  }
0x7d: {  	_ =	shalt  }
0x7e: {  	_ =	shalt  }
0x7f: {  	_ =	shalt  }
0x80: {  	_ =	shalt  }
0x81: {  	_ =	shalt  }
0x82: {  	_ =	shalt  }
0x83: {  	_ =	shalt  }
0x84: {  	_ =	shalt  }
0x85: {  	_ =	shalt  }
0x86: {  	_ =	shalt  }
0x87: {  	_ =	shalt  }
.Lfunc_end0:
.L_simem_size_0:
called_computation.3_lowered:
.L_overlay_start_0:
0x88: {  	s2 =	sld [smem:$0x3FD9]  }
0x89: {  	s3 =	sld [smem:$0x3FFE];
	_ =	sdelay $0x1  }
0x8a: {  	s1 =	srdreg.scid  }
0x8b: {  	s0 =	sand.u32 $0x1, s1  }
0x8c: {  	s16 =	sshll.u32 s0, $0xA;
	s2 =	sadd.s32 s3, s2  }
0x8d: {  	s2 =	sadd.s32 s2, s16  }
0x8e: {  	[smem:$0x3FB5] =	sst s2  }
0x8f: {  	_ = 	snop  }
0x90: {  	(tm) =	ssettm $0x1  }
0x91: {  	s17 =	sld [smem:$0x3FFB];
	_ =	sdelay $0x3  }
0x92: {  	_ =	strace s17  }
0x93: {  	s2 =	sld [smem:$0x3FFC];
	_ =	sdelay $0x3  }
0x94: {  	_ =	strace s2  }
0x95: {  	s2 =	sld [smem:$0x3FFD];
	_ =	sdelay $0x3  }
0x96: {  	_ =	strace s2  }
0x97: {  	_ =	strace $0x8FFFFFFF  }
0x98: {  	s18 =	sld [smem:$0x3FDB];
	_ =	sdelay $0x1  }
0x99: {  	s19 =	simm.s32 $_scs_section_size  }
0x9a: {  	s4 =	simm.s32 $_size__tile_overlayer_lowered;
	s5 =	simm.s32 $_tile_overlayer_lowered  }
0x9b: {  	s22 =	simm.s32 $0x1BFF;
	s21 =	sshll.u32 s5, $0x1;
	s2 =	sadd.s32 s19, s18  }
0x9c: {  	s6 =	simm.s32 $0x0;
	s20 =	sshll.u32 s4, $0x1;
	s4 =	sadd.s32 s21, s2  }
0x9d: {  	[timem:s6], [sflag:s22] =	dma.local [hbm:s4], s20  }
0x9e: {  	_ =	swait.ge [sflag:s22], s20  }
0x9f: {  	s3 =	ssub.s32 $0x0, s20;
	[sflag:s22] =	ssyncset.done $0x0  }
0xa0: {  	[sflag:s22] =	ssyncadd.s32 s3;
	_ =	sdelay $0x1  }
0xa1: {  	s23 =	simm.s32 $0x1B8B  }
0xa2: {  	_ =	swait.ge [sflag:s23], $0x1  }
0xa3: {  	[sflag:s23] =	ssyncset.done $0x0  }
0xa4: {  	s25 =	simm.s32 $0x1B8E;
	s24 =	sld [smem:$0x3FFE];
	[sflag:s23] =	ssyncadd.s32 $0xFFFFFFFF  }
0xa5: {  	s26 =	simm.s32 $execute0_lowered;
	[smem:$0x3FD2] =	sst s25  }
0xa6: {  	s4 =	sshll.u32 s26, $0x1;
	_ =	strace $0x8000004F;
	[dreg:$0x1] =	wrdreg $0xFFFFFFFF  }
0xa7: {  	s28 =	simm.s32 $_size_execute0_lowered;
	s2 =	sadd.s32 s2, s4;
	[dreg:$0x0] =	wrdreg $0x0  }
0xa8: {  	s4 =	sshll.u32 s28, $0x1;
	[dreg:$0x2] =	wrdreg s2  }
0xa9: {  	[dreg:$0x3] =	wrdreg s4  }
0xaa: {  	[dreg:$0x4] =	wrdreg $0xC0  }
0xab: {  	_ =	task [dreg:s6], $0x5FFFF  }
0xac: {  	[dreg:$0x1] =	wrdreg $0xFFFFFFFF  }
0xad: {  	[dreg:$0x0] =	wrdreg $0x60  }
0xae: {  	[dreg:$0x2] =	wrdreg s24  }
0xaf: {  	[dreg:$0x3] =	wrdreg $0x51800  }
0xb0: {  	[dreg:$0x4] =	wrdreg $0x9  }
0xb1: {  	_ =	task.clear_ibuf [dreg:s6], $0x5FFFF;
	_ =	strace $0x9000004F  }
0xb2: {  	s29 =	simm.s32 $0x9;
	_ =	strace $0x80000051  }
0xb3: {  	_ =	swait.ge [sflag:s29], $0x1  }
0xb4: {  	[sflag:s29] =	ssyncadd.s32 $0xFFFFFFFF  }
0xb5: {  	_ =	strace $0x90000051  }
0xb6: {  	_ =	sfence  }
0xb7: {  	s30 =	sld [smem:$0x0];
	_ =	sdelay $0x2  }
0xb8: {  	s31 =	sshll.u32 s1, $0xD;
	s1 =	sshrl.u32 s1, $0x2  }
0xb9: {  	s3 =	sand.u32 $0x4000, s31;
	s1 =	sadd.s32 s1, s30  }
0xba: {  	s0 =	sor.u32 s3, s0;
	s1 =	sshll.u32 s1, $0x11  }
0xbb: {  	s0 =	sor.u32 s1, s0  }
0xbc: {  	s0 =	sadd.s32 $0x8F2B, s0  }
0xbd: {  	[sflag:s0] =	ssyncadd.remote.s32 $0x1  }
0xbe: {  	_ =	sfence.sel $0xFFFF  }
0xbf: {  	[dreg:$0x0] =	wrdreg $0xFFFFFFFF;
	(pc) =	sbr.abs _section_cstart, $3  }
0xc0: {  	[dreg:$0x1] =	wrdreg $0xFFFFFFFF  }
0xc1: {  	_ =	task.clear_ibuf [dreg:s6], $0x2FFFF;
	_ =	strace $0x9FFFFFFF  }
0xc2: {  	(tm) =	ssettm $0x7FFFFFFF  }
0xc3: {  	_ =	shalt  }
tec
execute0_lowered:
.L_overlay_start_1:
0x0: {  	(tag) =	ssettag $0x1  }
0x1: {  	s0 =	rddreg [dreg:$0x0]  }
0x2: {  	s1 =	rddreg [dreg:$0x1];
	s2 =	simm.s32 $0x0;
	s3 =	srdreg.scid  }
0x3: {  	s16 =	stileid.u32;
	s31 =	simm.s32 $0x2;
	[smem:$0x7FF] =	sst s2  }
0x4: {  	s4 =	sadd.s32 $0x4DA00, s0;
	s5 =	sadd.s32 $0x8400, s0;
	s8 =	smul.u32 $0x4E000, s16  }
0x5: {  	s6 =	sadd.s32 $0x12200, s0;
	s3 =	sand.u32 $0x1, s3;
	s12 =	smul.u32 $0x270, s16  }
0x6: {  	s7 =	sadd.s32 $0x26000, s0;
	s0 =	sadd.s32 $0x74C00, s0;
	s22 =	smul.u32 $0x2710, s16  }
0x7: {  	s26 =	sadd.s32 $0x138000, s1;
	p0 =	sne.s32 s16, $0xF;
	s13 =	smul.u32 $0x2710, s3  }
0x8: {  	_ =	strace $0x80000050;
	[dreg:$0x3] =	wrdreg s7;
	s15 =	smul.u32 $0x138800, s3  }
0x9: {  	s24 =	sshll.u32 s3, $0x4;
	s9 =	ssub.s32 $0x2, s3;
	s3 =	smul.u32 $0x27100, s3  }
0xa: {  	s7 =	sor.u32 s16, s24;
	s10 =	sshrl.u32 s9, $0x1;
	s25 =	sshrl.u32 s8, $0x2  }
0xb: {  	s11 =	smul.u32 $0x2710, s7;
	s10 =	ssub.s32 s9, s10;
	s7 =	sadd.s32 s25, s1  }
0xc: {  	s12 =	sadd.s32 s12, s13;
	s20 =	sshrl.u32 s15, $0x3;
	s8 =	sadd.s32 $0x11800, s7  }
0xd: {  	s12 =	sshll.u32 s12, $0x4;
	s10 =	smax.u32 s10, $0x1;
	s13 =	sadd.s32 $0x2800, s7  }
0xe: {  	s28 =	sadd.s32 $0xA000, s7;
	s29 =	sadd.s32 $0xC800, s7;
	s30 =	sadd.s32 $0xF000, s7  }
0xf: {  	s11 =	sshrl.u32 s11, $0x3;
	s12 =	sadd.s32 s0, s12;
	s0 =	sadd.s32 s0, s20  }
0x10: {  	[dreg:$0xa] =	wrdreg s10;
	s10 =	smov.u32 s8;
	s14 =	sadd.s32 $0x4D8, s11  }
0x11: {  	s17 =	sadd.s32 s5, s11;
	s21 =	sadd.s32 $0x2300, s12;
	[dreg:$0x7] =	wrdreg s12  }
0x12: {  	s0 =	sadd.s32 $0x27000, s0;
	s23 =	sadd.s32 $0x4CE, s11;
	[dreg:$0x4] =	wrdreg s17  }
0x13: {  	s11 =	sadd.s32 s6, s11;
	s16 =	sadd.s32 $0x500, s12;
	[dreg:$0x8] =	wrdreg s21  }
0x14: {  	s20 =	sadd.s32 $0x1400, s12;
	s18 =	sadd.s32 s5, s14;
	[dreg:$0x9] =	wrdreg s0  }
0x15: {  	s19 =	sadd.s32 s6, s14;
	s17 =	sadd.s32 $0x5000, s7;
	[dreg:$0xf] =	wrdreg s16  }
0x16: {  	s0 =	sadd.s32 s22, s3;
	s24 =	sadd.s32 s5, s23;
	[dreg:$0x12] =	wrdreg s20  }
0x17: {  	s25 =	sadd.s32 $0x4C4, s11;
	s11 =	smov.u32 s26;
	[dreg:$0x5] =	wrdreg s18  }
0x18: {  	s14 =	sadd.s32 s6, s23;
	s21 =	sadd.s32 $0x1900, s12;
	[dreg:$0x6] =	wrdreg s19  }
0x19: {  	s22 =	sadd.s32 $0x1E00, s12;
	s16 =	simm.s32 $0x80;
	[dreg:$0xb] =	wrdreg s24  }
0x1a: {  	s20 =	simm.s32 $0x2980;
	[dreg:$0xc] =	wrdreg s25;
	s26 =	sadd.s32 $0x50, s0  }
0x1b: {  	[dreg:$0xd] =	wrdreg s14;
	s15 =	sshrl.u32 s0, $0x3;
	s0 =	sadd.s32 $0xA0, s0  }
0x1c: {  	s18 =	sadd.s32 $0xA00, s12;
	s19 =	sadd.s32 $0xF00, s12;
	[dreg:$0x13] =	wrdreg s21  }
0x1d: {  	[dreg:$0x14] =	wrdreg s22;
	s12 =	simm.s32 $0x180;
	s14 =	simm.s32 $0x3  }
0x1e: {  	s21 =	simm.s32 $0x100;
	s3 =	sshrl.u32 s26, $0x3;
	[dreg:$0xe] =	wrdreg s0  }
0x1f: {  	s23 =	sadd.s32 s15, s6;
	s26 =	sadd.s32 $0x7800, s7;
	[dreg:$0x10] =	wrdreg s18  }
0x20: {  	[dreg:$0x11] =	wrdreg s19;
	s15 =	simm.s32 $0x50;
	s19 =	simm.s32 $0x1  }
0x21: {  	s0 =	simm.s32 $0x0;
	s24 =	sadd.s32 s3, s6;
	s25 =	sadd.s32 s3, s5  }
.LBB2_1:
0x22: {  	s3 =	rddreg [dreg:$0x3]  }
0x23: {  	[tilespmem:s12], [sflag:$0x3] =	stream.linear.gather [hbm4b:s3+s2], $0x2800, $0x38;
	[tilespmem:$0x18A40] =	vst v63  }
0x24: {  	_ =	swait.ge [sflag:s14], $0x2800  }
0x25: {  	[sflag:s14] =	ssyncset.done $0x0  }
0x26: {  	[sflag:s14] =	ssyncadd.s32 $0xFFFFD800  }
0x27: {  	[spmem:s7] =	stream.linear.scatter [tilespmem:s12], [sflag:$0x3], $0x2800, $0x38;
	[tilespmem:$0x18A40] =	vst v63  }
0x28: {  	_ =	swait.ge [sflag:s14], $0x2800  }
0x29: {  	[sflag:s14] =	ssyncset.done $0x0  }
0x2a: {  	[sflag:s14] =	ssyncadd.s32 $0xFFFFD800  }
0x2b: {  	[spmem:s13] =	stream.linear.scatter [tilespmem:s12], [sflag:$0x3], $0x2800, $0x38;
	[tilespmem:$0x18A40] =	vst v63  }
0x2c: {  	_ =	swait.ge [sflag:s14], $0x2800  }
0x2d: {  	[sflag:s14] =	ssyncset.done $0x0  }
0x2e: {  	[sflag:s14] =	ssyncadd.s32 $0xFFFFD800  }
0x2f: {  	[spmem:s17] =	stream.linear.scatter [tilespmem:s12], [sflag:$0x3], $0x2800, $0x38;
	[tilespmem:$0x18A40] =	vst v63  }
0x30: {  	_ =	swait.ge [sflag:s14], $0x2800  }
0x31: {  	[sflag:s14] =	ssyncset.done $0x0  }
0x32: {  	[sflag:s14] =	ssyncadd.s32 $0xFFFFD800  }
0x33: {  	[spmem:s26] =	stream.linear.scatter [tilespmem:s12], [sflag:$0x3], $0x2800, $0x38;
	[tilespmem:$0x18A40] =	vst v63  }
0x34: {  	_ =	swait.ge [sflag:s14], $0x2800  }
0x35: {  	[sflag:s14] =	ssyncset.done $0x0  }
0x36: {  	[sflag:s14] =	ssyncadd.s32 $0xFFFFD800  }
0x37: {  	[spmem:s28] =	stream.linear.scatter [tilespmem:s12], [sflag:$0x3], $0x2800, $0x38;
	[tilespmem:$0x18A40] =	vst v63  }
0x38: {  	_ =	swait.ge [sflag:s14], $0x2800  }
0x39: {  	[sflag:s14] =	ssyncset.done $0x0  }
0x3a: {  	[sflag:s14] =	ssyncadd.s32 $0xFFFFD800  }
0x3b: {  	[spmem:s29] =	stream.linear.scatter [tilespmem:s12], [sflag:$0x3], $0x2800, $0x38;
	[tilespmem:$0x18A40] =	vst v63  }
0x3c: {  	_ =	swait.ge [sflag:s14], $0x2800  }
0x3d: {  	[sflag:s14] =	ssyncset.done $0x0  }
0x3e: {  	[sflag:s14] =	ssyncadd.s32 $0xFFFFD800  }
0x3f: {  	[spmem:s30] =	stream.linear.scatter [tilespmem:s12], [sflag:$0x3], $0x2800, $0x38;
	[tilespmem:$0x18A40] =	vst v63  }
0x40: {  	_ =	swait.ge [sflag:s14], $0x2800  }
0x41: {  	[sflag:s14] =	ssyncset.done $0x0  }
0x42: {  	[sflag:s14] =	ssyncadd.s32 $0xFFFFD800  }
0x43: {  	[spmem:s10] =	stream.linear.scatter [tilespmem:s12], [sflag:$0x3], $0x2000, $0x38;
	[tilespmem:$0x18A40] =	vst v63  }
0x44: {  	_ =	swait.ge [sflag:s14], $0x2000  }
0x45: {  	[sflag:s14] =	ssyncset.done $0x0  }
0x46: {  	s3 =	simm.s32 @!p0 $0x180;
	[sflag:s14] =	ssyncadd.s32 $0xFFFFE000  }
0x47: {  	[spmem:s11] =	stream.linear.scatter @!p0 [tilespmem:s3], [sflag:$0x3], $0x800, $0x38;
	[tilespmem:$0x18A40] =	vst v63  }
0x48: {  	s3 =	simm.s32 @!p0 $0x3  }
0x49: {  	_ =	swait.ge @!p0 [sflag:s3], $0x800  }
0x4a: {  	[sflag:s3] =	ssyncset.done @!p0 $0x0  }
0x4b: {  	[sflag:s3] =	ssyncadd.s32 @!p0 $0xFFFFF800  }
0x4c: {  	[bflag:$0x0] =	sbarrier.arrive $0xFFFF  }
0x4d: {  	s6 =	rddreg [dreg:$0x4]  }
0x4e: {  	[tilespmem:s2], [sflag:$0x3] =	stream.linear.gather [hbm4b:s6+s2], $0x50, $0x38;
	[tilespmem:$0x18A40] =	vst v63  }
0x4f: {  	_ =	swait.ge [sflag:s14], $0x50  }
0x50: {  	[sflag:s14] =	ssyncset.done $0x0  }
0x51: {  	[sflag:s14] =	ssyncadd.s32 $0xFFFFFFB0  }
0x52: {  	[tilespmem:s12], [sflag:$0x1] =	stream.indirect.gather [hbm4b:s4+s15], $0x80, s2, s15, $0xb8;
	[tilespmem:$0x18A40] =	vst v63  }
0x53: {  	s8 =	sadd.s32 $0x0, s25  }
0x54: {  	[tilespmem:s16], [sflag:$0x3] =	stream.linear.gather [hbm4b:s8+s2], $0x50, $0x38;
	[tilespmem:$0x18A40] =	vst v63  }
0x55: {  	_ =	swait.ge [sflag:s14], $0x50  }
0x56: {  	[sflag:s14] =	ssyncset.done $0x0  }
0x57: {  	[sflag:s14] =	ssyncadd.s32 $0xFFFFFFB0  }
0x58: {  	_ =	swait.ge [sflag:s19], $0x2800  }
0x59: {  	[sflag:s19] =	ssyncset.done $0x0  }
0x5a: {  	[sflag:s19] =	ssyncadd.s32 $0xFFFFD800  }
0x5b: {  	[tilespmem:s20], [sflag:$0x2] =	stream.indirect.gather [hbm4b:s4+s15], $0x80, s16, s15, $0xb8;
	[tilespmem:$0x18A40] =	vst v63  }
0x5c: {  	s9 =	smov.u32 s10;
	s10 =	sadd.s32 $0x0, s23  }
0x5d: {  	[tilespmem:s21], [sflag:$0x3] =	stream.linear.gather [hbm4b:s10+s2], $0x50, $0x38;
	[tilespmem:$0x18A40] =	vst v63  }
0x5e: {  	_ =	swait.ge [sflag:s14], $0x50  }
0x5f: {  	[sflag:s14] =	ssyncset.done $0x0  }
0x60: {  	[sflag:s14] =	ssyncadd.s32 $0xFFFFFFB0  }
0x61: {  	[spmem:s1] =	stream.indirect.scatter.add.f32 [tilespmem:s12], [sflag:$0x3], $0x80, s21, s15, $0xb8;
	[tilespmem:$0x18A40] =	vst v63  }
0x62: {  	_ =	swait.ge [sflag:s14], $0x2800  }
0x63: {  	s22 =	smov.u32 s17;
	s6 =	rddreg [dreg:$0xe]  }
0x64: {  	s17 =	smov.u32 s11;
	[sflag:s14] =	ssyncset.done $0x0;
	s11 =	sshrl.u32 s6, $0x3  }
0x65: {  	[sflag:s14] =	ssyncadd.s32 $0xFFFFD800;
	s3 =	sadd.s32 s5, s11  }
0x66: {  	[tilespmem:s2], [sflag:$0x3] =	stream.linear.gather [hbm4b:s3+s2], $0x50, $0x38;
	[tilespmem:$0x18A40] =	vst v63  }
0x67: {  	_ =	swait.ge [sflag:s14], $0x50  }
0x68: {  	[sflag:s14] =	ssyncset.done $0x0  }
0x69: {  	[sflag:s14] =	ssyncadd.s32 $0xFFFFFFB0  }
0x6a: {  	_ =	swait.ge [sflag:s31], $0x2800  }
0x6b: {  	[sflag:s31] =	ssyncset.done $0x0  }
0x6c: {  	[sflag:s31] =	ssyncadd.s32 $0xFFFFD800  }
0x6d: {  	[tilespmem:s12], [sflag:$0x1] =	stream.indirect.gather [hbm4b:s4+s15], $0x80, s2, s15, $0xb8;
	[tilespmem:$0x18A40] =	vst v63  }
0x6e: {  	s18 =	smov.u32 s13;
	s13 =	sadd.s32 $0x0, s24  }
0x6f: {  	[tilespmem:s21], [sflag:$0x3] =	stream.linear.gather [hbm4b:s13+s2], $0x50, $0x38;
	[tilespmem:$0x18A40] =	vst v63  }
0x70: {  	_ =	swait.ge [sflag:s14], $0x50  }
0x71: {  	[sflag:s14] =	ssyncset.done $0x0  }
0x72: {  	[sflag:s14] =	ssyncadd.s32 $0xFFFFFFB0  }
0x73: {  	[spmem:s1] =	stream.indirect.scatter.add.f32 [tilespmem:s20], [sflag:$0x3], $0x80, s21, s15, $0xb8;
	[tilespmem:$0x18A40] =	vst v63  }
0x74: {  	s10 =	simm.s32 $0x28;
	_ =	swait.ge [sflag:s14], $0x2800  }
0x75: {  	s6 =	sadd.s32 $0xA0, s6;
	s3 =	simm.s32 $0x14;
	[sflag:s14] =	ssyncset.done $0x0  }
.LBB2_2:
0x76: {  	s13 =	sadd.s32 s3, s25  }
0x77: {  	[sflag:s14] =	ssyncadd.s32 $0xFFFFD800;
	s8 =	smov.u32 s10;
	s11 =	sadd.s32 $0x14, s10  }
0x78: {  	[tilespmem:s16], [sflag:$0x3] =	stream.linear.gather [hbm4b:s13+s2], $0x50, $0x38;
	[tilespmem:$0x18A40] =	vst v63  }
0x79: {  	p1 =	sne.s32 s10, $0x4B0;
	_ =	swait.ge [sflag:s14], $0x50  }
0x7a: {  	[sflag:s14] =	ssyncset.done $0x0  }
0x7b: {  	[sflag:s14] =	ssyncadd.s32 $0xFFFFFFB0  }
0x7c: {  	_ =	swait.ge [sflag:s19], $0x2800  }
0x7d: {  	[sflag:s19] =	ssyncset.done $0x0  }
0x7e: {  	[sflag:s19] =	ssyncadd.s32 $0xFFFFD800  }
0x7f: {  	[tilespmem:s20], [sflag:$0x2] =	stream.indirect.gather [hbm4b:s4+s15], $0x80, s16, s15, $0xb8;
	[tilespmem:$0x18A40] =	vst v63  }
0x80: {  	s10 =	sadd.s32 s3, s23  }
0x81: {  	[tilespmem:s21], [sflag:$0x3] =	stream.linear.gather [hbm4b:s10+s2], $0x50, $0x38;
	[tilespmem:$0x18A40] =	vst v63  }
0x82: {  	_ =	swait.ge [sflag:s14], $0x50  }
0x83: {  	[sflag:s14] =	ssyncset.done $0x0  }
0x84: {  	[sflag:s14] =	ssyncadd.s32 $0xFFFFFFB0  }
0x85: {  	[spmem:s1] =	stream.indirect.scatter.add.f32 [tilespmem:s12], [sflag:$0x3], $0x80, s21, s15, $0xb8;
	[tilespmem:$0x18A40] =	vst v63  }
0x86: {  	_ =	swait.ge [sflag:s14], $0x2800  }
0x87: {  	s10 =	sshrl.u32 s6, $0x3;
	[sflag:s14] =	ssyncset.done $0x0  }
0x88: {  	s10 =	sadd.s32 s5, s10;
	[sflag:s14] =	ssyncadd.s32 $0xFFFFD800  }
0x89: {  	[tilespmem:s2], [sflag:$0x3] =	stream.linear.gather [hbm4b:s10+s2], $0x50, $0x38;
	[tilespmem:$0x18A40] =	vst v63  }
0x8a: {  	_ =	swait.ge [sflag:s14], $0x50  }
0x8b: {  	[sflag:s14] =	ssyncset.done $0x0  }
0x8c: {  	[sflag:s14] =	ssyncadd.s32 $0xFFFFFFB0  }
0x8d: {  	_ =	swait.ge [sflag:s31], $0x2800  }
0x8e: {  	[sflag:s31] =	ssyncset.done $0x0  }
0x8f: {  	[sflag:s31] =	ssyncadd.s32 $0xFFFFD800  }
0x90: {  	[tilespmem:s12], [sflag:$0x1] =	stream.indirect.gather [hbm4b:s4+s15], $0x80, s2, s15, $0xb8;
	[tilespmem:$0x18A40] =	vst v63  }
0x91: {  	s10 =	sadd.s32 s3, s24;
	s3 =	smov.u32 s8  }
0x92: {  	[tilespmem:s21], [sflag:$0x3] =	stream.linear.gather [hbm4b:s10+s2], $0x50, $0x38;
	[tilespmem:$0x18A40] =	vst v63  }
0x93: {  	_ =	swait.ge [sflag:s14], $0x50  }
.Ltmp0:
0x94: {  	[sflag:s14] =	ssyncset.done $0x0;
	(pc) =	sbr.rel @p1 .LBB2_2-.Ltmp0, $4  }
0x95: {  	[sflag:s14] =	ssyncadd.s32 $0xFFFFFFB0  }
0x96: {  	[spmem:s1] =	stream.indirect.scatter.add.f32 [tilespmem:s20], [sflag:$0x3], $0x80, s21, s15, $0xb8;
	[tilespmem:$0x18A40] =	vst v63  }
0x97: {  	_ =	swait.ge [sflag:s14], $0x2800  }
0x98: {  	s6 =	sadd.s32 $0xA0, s6;
	s10 =	smov.u32 s11;
	[sflag:s14] =	ssyncset.done $0x0  }
0x99: {  	s8 =	sadd.s32 s3, s25;
	[sflag:s14] =	ssyncadd.s32 $0xFFFFD800  }
0x9a: {  	[tilespmem:s16], [sflag:$0x3] =	stream.linear.gather [hbm4b:s8+s2], $0x50, $0x38;
	[tilespmem:$0x18A40] =	vst v63  }
0x9b: {  	_ =	swait.ge [sflag:s14], $0x50  }
0x9c: {  	[sflag:s14] =	ssyncset.done $0x0  }
0x9d: {  	[sflag:s14] =	ssyncadd.s32 $0xFFFFFFB0  }
0x9e: {  	_ =	swait.ge [sflag:s19], $0x2800  }
0x9f: {  	[sflag:s19] =	ssyncset.done $0x0  }
0xa0: {  	[sflag:s19] =	ssyncadd.s32 $0xFFFFD800  }
0xa1: {  	[tilespmem:s20], [sflag:$0x2] =	stream.indirect.gather [hbm4b:s4+s15], $0x80, s16, s15, $0xb8;
	[tilespmem:$0x18A40] =	vst v63  }
0xa2: {  	s13 =	sadd.s32 s3, s23  }
0xa3: {  	[tilespmem:s21], [sflag:$0x3] =	stream.linear.gather [hbm4b:s13+s2], $0x50, $0x38;
	[tilespmem:$0x18A40] =	vst v63  }
0xa4: {  	_ =	swait.ge [sflag:s14], $0x50  }
0xa5: {  	[sflag:s14] =	ssyncset.done $0x0  }
0xa6: {  	[sflag:s14] =	ssyncadd.s32 $0xFFFFFFB0  }
0xa7: {  	[spmem:s1] =	stream.indirect.scatter.add.f32 [tilespmem:s12], [sflag:$0x3], $0x80, s21, s15, $0xb8;
	[tilespmem:$0x18A40] =	vst v63  }
0xa8: {  	_ =	swait.ge [sflag:s14], $0x2800  }
0xa9: {  	s6 =	sshrl.u32 s6, $0x3;
	[sflag:s14] =	ssyncset.done $0x0  }
0xaa: {  	s6 =	sadd.s32 s5, s6;
	[sflag:s14] =	ssyncadd.s32 $0xFFFFD800  }
0xab: {  	[tilespmem:s2], [sflag:$0x3] =	stream.linear.gather [hbm4b:s6+s2], $0x50, $0x38;
	[tilespmem:$0x18A40] =	vst v63  }
0xac: {  	_ =	swait.ge [sflag:s14], $0x50  }
0xad: {  	[sflag:s14] =	ssyncset.done $0x0  }
0xae: {  	[sflag:s14] =	ssyncadd.s32 $0xFFFFFFB0  }
0xaf: {  	_ =	swait.ge [sflag:s31], $0x2800  }
0xb0: {  	[sflag:s31] =	ssyncset.done $0x0  }
0xb1: {  	[sflag:s31] =	ssyncadd.s32 $0xFFFFD800  }
0xb2: {  	[tilespmem:s12], [sflag:$0x1] =	stream.indirect.gather [hbm4b:s4+s15], $0x80, s2, s15, $0xb8;
	[tilespmem:$0x18A40] =	vst v63  }
0xb3: {  	s8 =	sadd.s32 s3, s24  }
0xb4: {  	[tilespmem:s21], [sflag:$0x3] =	stream.linear.gather [hbm4b:s8+s2], $0x50, $0x38;
	[tilespmem:$0x18A40] =	vst v63  }
0xb5: {  	_ =	swait.ge [sflag:s14], $0x50  }
0xb6: {  	[sflag:s14] =	ssyncset.done $0x0  }
0xb7: {  	[sflag:s14] =	ssyncadd.s32 $0xFFFFFFB0  }
0xb8: {  	[spmem:s1] =	stream.indirect.scatter.add.f32 [tilespmem:s20], [sflag:$0x3], $0x80, s21, s15, $0xb8;
	[tilespmem:$0x18A40] =	vst v63  }
0xb9: {  	_ =	swait.ge [sflag:s14], $0x2800  }
0xba: {  	[sflag:s14] =	ssyncset.done $0x0  }
0xbb: {  	s10 =	rddreg [dreg:$0xb];
	[sflag:s14] =	ssyncadd.s32 $0xFFFFD800  }
0xbc: {  	[tilespmem:s16], [sflag:$0x3] =	stream.linear.gather [hbm4b:s10+s2], $0x50, $0x38;
	[tilespmem:$0x18A40] =	vst v63  }
0xbd: {  	_ =	swait.ge [sflag:s14], $0x50  }
0xbe: {  	[sflag:s14] =	ssyncset.done $0x0  }
0xbf: {  	[sflag:s14] =	ssyncadd.s32 $0xFFFFFFB0  }
0xc0: {  	_ =	swait.ge [sflag:s19], $0x2800  }
0xc1: {  	[sflag:s19] =	ssyncset.done $0x0  }
0xc2: {  	[sflag:s19] =	ssyncadd.s32 $0xFFFFD800  }
0xc3: {  	[tilespmem:s20], [sflag:$0x2] =	stream.indirect.gather [hbm4b:s4+s15], $0x80, s16, s15, $0xb8;
	[tilespmem:$0x18A40] =	vst v63  }
0xc4: {  	s11 =	rddreg [dreg:$0xc]  }
0xc5: {  	[tilespmem:s21], [sflag:$0x3] =	stream.linear.gather [hbm4b:s11+s2], $0x50, $0x38;
	[tilespmem:$0x18A40] =	vst v63  }
0xc6: {  	_ =	swait.ge [sflag:s14], $0x50  }
0xc7: {  	[sflag:s14] =	ssyncset.done $0x0  }
0xc8: {  	[sflag:s14] =	ssyncadd.s32 $0xFFFFFFB0  }
0xc9: {  	[spmem:s1] =	stream.indirect.scatter.add.f32 [tilespmem:s12], [sflag:$0x3], $0x80, s21, s15, $0xb8;
	[tilespmem:$0x18A40] =	vst v63  }
0xca: {  	_ =	swait.ge [sflag:s14], $0x2800  }
0xcb: {  	[sflag:s14] =	ssyncset.done $0x0  }
0xcc: {  	[sflag:s14] =	ssyncadd.s32 $0xFFFFD800  }
0xcd: {  	_ =	swait.ge [sflag:s31], $0x2800  }
0xce: {  	[sflag:s31] =	ssyncset.done $0x0  }
0xcf: {  	s13 =	rddreg [dreg:$0xd];
	[sflag:s31] =	ssyncadd.s32 $0xFFFFD800  }
0xd0: {  	[tilespmem:s21], [sflag:$0x3] =	stream.linear.gather [hbm4b:s13+s2], $0x50, $0x38;
	[tilespmem:$0x18A40] =	vst v63  }
0xd1: {  	_ =	swait.ge [sflag:s14], $0x50  }
0xd2: {  	[sflag:s14] =	ssyncset.done $0x0  }
0xd3: {  	[sflag:s14] =	ssyncadd.s32 $0xFFFFFFB0  }
0xd4: {  	[spmem:s1] =	stream.indirect.scatter.add.f32 [tilespmem:s20], [sflag:$0x3], $0x80, s21, s15, $0xb8;
	[tilespmem:$0x18A40] =	vst v63  }
0xd5: {  	_ =	swait.ge [sflag:s14], $0x2800  }
0xd6: {  	[sflag:s14] =	ssyncset.done $0x0  }
0xd7: {  	s6 =	rddreg [dreg:$0x5];
	[sflag:s14] =	ssyncadd.s32 $0xFFFFD800  }
0xd8: {  	[tilespmem:s2], [sflag:$0x3] =	stream.linear.gather [hbm4b:s6+s2], $0x50, $0x38;
	[tilespmem:$0x18A40] =	vst v63  }
0xd9: {  	_ =	swait.ge [sflag:s14], $0x50  }
0xda: {  	[sflag:s14] =	ssyncset.done $0x0  }
0xdb: {  	[sflag:s14] =	ssyncadd.s32 $0xFFFFFFB0  }
0xdc: {  	[tilespmem:s12], [sflag:$0x1] =	stream.indirect.gather [hbm4b:s4+s15], $0x80, s2, s15, $0xb8;
	[tilespmem:$0x18A40] =	vst v63  }
0xdd: {  	_ =	swait.ge [sflag:s19], $0x2800  }
0xde: {  	[sflag:s19] =	ssyncset.done $0x0  }
0xdf: {  	s8 =	rddreg [dreg:$0x6];
	[sflag:s19] =	ssyncadd.s32 $0xFFFFD800  }
0xe0: {  	[tilespmem:s21], [sflag:$0x3] =	stream.linear.gather [hbm4b:s8+s2], $0x50, $0x38;
	[tilespmem:$0x18A40] =	vst v63  }
0xe1: {  	_ =	swait.ge [sflag:s14], $0x50  }
0xe2: {  	[sflag:s14] =	ssyncset.done $0x0  }
0xe3: {  	[sflag:s14] =	ssyncadd.s32 $0xFFFFFFB0  }
0xe4: {  	[spmem:s1] =	stream.indirect.scatter.add.f32 [tilespmem:s12], [sflag:$0x3], $0x80, s21, s15, $0xb8;
	[tilespmem:$0x18A40] =	vst v63  }
0xe5: {  	_ =	swait.ge [sflag:s14], $0x2800  }
0xe6: {  	[sflag:s14] =	ssyncset.done $0x0  }
0xe7: {  	[sflag:s14] =	ssyncadd.s32 $0xFFFFD800  }
0xe8: {  	[bflag:$0x0] =	sbarrier.arrive $0xFFFF  }
0xe9: {  	[tilespmem:s12], [sflag:$0x3] =	stream.linear.gather [spmem:s7], $0x2800, $0x38;
	[tilespmem:$0x18A40] =	vst v63  }
0xea: {  	_ =	swait.ge [sflag:s14], $0x2800  }
0xeb: {  	[sflag:s14] =	ssyncset.done $0x0  }
0xec: {  	s10 =	rddreg [dreg:$0x7];
	[sflag:s14] =	ssyncadd.s32 $0xFFFFD800  }
0xed: {  	[hbm4b:s10+s2] =	stream.linear.scatter [tilespmem:s12], [sflag:$0x3], $0x2800, $0x38;
	[tilespmem:$0x18A40] =	vst v63  }
0xee: {  	_ =	swait.ge [sflag:s14], $0x2800  }
0xef: {  	[sflag:s14] =	ssyncset.done $0x0  }
0xf0: {  	[sflag:s14] =	ssyncadd.s32 $0xFFFFD800  }
0xf1: {  	[tilespmem:s12], [sflag:$0x3] =	stream.linear.gather [spmem:s18], $0x2800, $0x38;
	[tilespmem:$0x18A40] =	vst v63  }
0xf2: {  	_ =	swait.ge [sflag:s14], $0x2800  }
0xf3: {  	[sflag:s14] =	ssyncset.done $0x0  }
0xf4: {  	s11 =	rddreg [dreg:$0xf];
	[sflag:s14] =	ssyncadd.s32 $0xFFFFD800  }
0xf5: {  	[hbm4b:s11+s2] =	stream.linear.scatter [tilespmem:s12], [sflag:$0x3], $0x2800, $0x38;
	[tilespmem:$0x18A40] =	vst v63  }
0xf6: {  	_ =	swait.ge [sflag:s14], $0x2800  }
0xf7: {  	[sflag:s14] =	ssyncset.done $0x0  }
0xf8: {  	[sflag:s14] =	ssyncadd.s32 $0xFFFFD800  }
0xf9: {  	[tilespmem:s12], [sflag:$0x3] =	stream.linear.gather [spmem:s22], $0x2800, $0x38;
	[tilespmem:$0x18A40] =	vst v63  }
0xfa: {  	_ =	swait.ge [sflag:s14], $0x2800  }
0xfb: {  	[sflag:s14] =	ssyncset.done $0x0  }
0xfc: {  	s13 =	smov.u32 s18;
	s18 =	rddreg [dreg:$0x10];
	[sflag:s14] =	ssyncadd.s32 $0xFFFFD800  }
0xfd: {  	[hbm4b:s18+s2] =	stream.linear.scatter [tilespmem:s12], [sflag:$0x3], $0x2800, $0x38;
	[tilespmem:$0x18A40] =	vst v63  }
0xfe: {  	_ =	swait.ge [sflag:s14], $0x2800  }
0xff: {  	[sflag:s14] =	ssyncset.done $0x0  }
0x100: {  	[sflag:s14] =	ssyncadd.s32 $0xFFFFD800  }
0x101: {  	[tilespmem:s12], [sflag:$0x3] =	stream.linear.gather [spmem:s26], $0x2800, $0x38;
	[tilespmem:$0x18A40] =	vst v63  }
0x102: {  	_ =	swait.ge [sflag:s14], $0x2800  }
0x103: {  	[sflag:s14] =	ssyncset.done $0x0  }
0x104: {  	s6 =	rddreg [dreg:$0x11];
	[sflag:s14] =	ssyncadd.s32 $0xFFFFD800  }
0x105: {  	[hbm4b:s6+s2] =	stream.linear.scatter [tilespmem:s12], [sflag:$0x3], $0x2800, $0x38;
	[tilespmem:$0x18A40] =	vst v63  }
0x106: {  	_ =	swait.ge [sflag:s14], $0x2800  }
0x107: {  	[sflag:s14] =	ssyncset.done $0x0  }
0x108: {  	[sflag:s14] =	ssyncadd.s32 $0xFFFFD800  }
0x109: {  	[tilespmem:s12], [sflag:$0x3] =	stream.linear.gather [spmem:s28], $0x2800, $0x38;
	[tilespmem:$0x18A40] =	vst v63  }
0x10a: {  	_ =	swait.ge [sflag:s14], $0x2800  }
0x10b: {  	[sflag:s14] =	ssyncset.done $0x0  }
0x10c: {  	s8 =	rddreg [dreg:$0x12];
	[sflag:s14] =	ssyncadd.s32 $0xFFFFD800  }
0x10d: {  	[hbm4b:s8+s2] =	stream.linear.scatter [tilespmem:s12], [sflag:$0x3], $0x2800, $0x38;
	[tilespmem:$0x18A40] =	vst v63  }
0x10e: {  	_ =	swait.ge [sflag:s14], $0x2800  }
0x10f: {  	[sflag:s14] =	ssyncset.done $0x0  }
0x110: {  	[sflag:s14] =	ssyncadd.s32 $0xFFFFD800  }
0x111: {  	[tilespmem:s12], [sflag:$0x3] =	stream.linear.gather [spmem:s29], $0x2800, $0x38;
	[tilespmem:$0x18A40] =	vst v63  }
0x112: {  	_ =	swait.ge [sflag:s14], $0x2800  }
0x113: {  	[sflag:s14] =	ssyncset.done $0x0  }
0x114: {  	s10 =	rddreg [dreg:$0x13];
	[sflag:s14] =	ssyncadd.s32 $0xFFFFD800  }
0x115: {  	[hbm4b:s10+s2] =	stream.linear.scatter [tilespmem:s12], [sflag:$0x3], $0x2800, $0x38;
	[tilespmem:$0x18A40] =	vst v63  }
0x116: {  	_ =	swait.ge [sflag:s14], $0x2800  }
0x117: {  	[sflag:s14] =	ssyncset.done $0x0  }
0x118: {  	[sflag:s14] =	ssyncadd.s32 $0xFFFFD800  }
0x119: {  	[tilespmem:s12], [sflag:$0x3] =	stream.linear.gather [spmem:s30], $0x2800, $0x38;
	[tilespmem:$0x18A40] =	vst v63  }
0x11a: {  	_ =	swait.ge [sflag:s14], $0x2800  }
0x11b: {  	[sflag:s14] =	ssyncset.done $0x0  }
0x11c: {  	s11 =	rddreg [dreg:$0x14];
	[sflag:s14] =	ssyncadd.s32 $0xFFFFD800  }
0x11d: {  	[hbm4b:s11+s2] =	stream.linear.scatter [tilespmem:s12], [sflag:$0x3], $0x2800, $0x38;
	[tilespmem:$0x18A40] =	vst v63  }
0x11e: {  	_ =	swait.ge [sflag:s14], $0x2800  }
0x11f: {  	[sflag:s14] =	ssyncset.done $0x0  }
0x120: {  	[sflag:s14] =	ssyncadd.s32 $0xFFFFD800  }
0x121: {  	[tilespmem:s12], [sflag:$0x3] =	stream.linear.gather [spmem:s9], $0x2000, $0x38;
	[tilespmem:$0x18A40] =	vst v63  }
0x122: {  	_ =	swait.ge [sflag:s14], $0x2000  }
0x123: {  	[sflag:s14] =	ssyncset.done $0x0  }
0x124: {  	s18 =	rddreg [dreg:$0x8];
	[sflag:s14] =	ssyncadd.s32 $0xFFFFE000  }
0x125: {  	[hbm4b:s18+s2] =	stream.linear.scatter [tilespmem:s12], [sflag:$0x3], $0x2000, $0x38;
	[tilespmem:$0x18A40] =	vst v63  }
0x126: {  	_ =	swait.ge [sflag:s14], $0x2000  }
0x127: {  	s3 =	simm.s32 @!p0 $0x180;
	[sflag:s14] =	ssyncset.done $0x0  }
0x128: {  	s6 =	simm.s32 @!p0 $0x3;
	s11 =	smov.u32 s17;
	[sflag:s14] =	ssyncadd.s32 $0xFFFFE000  }
0x129: {  	[tilespmem:s3], [sflag:$0x3] =	stream.linear.gather @!p0 [spmem:s11], $0x800, $0x38;
	[tilespmem:$0x18A40] =	vst v63  }
0x12a: {  	_ =	swait.ge @!p0 [sflag:s6], $0x800  }
0x12b: {  	s8 =	simm.s32 @!p0 $0x0;
	[sflag:s6] =	ssyncset.done @!p0 $0x0  }
0x12c: {  	s10 =	smov.u32 s9;
	s9 =	rddreg [dreg:$0x9];
	[sflag:s6] =	ssyncadd.s32 @!p0 $0xFFFFF800  }
0x12d: {  	[hbm4b:s9+s8] =	stream.linear.scatter @!p0 [tilespmem:s3], [sflag:$0x3], $0x800, $0x38;
	[tilespmem:$0x18A40] =	vst v63  }
0x12e: {  	_ =	swait.ge @!p0 [sflag:s6], $0x800  }
0x12f: {  	s0 =	sadd.s32 $0x1, s0;
	s17 =	smov.u32 s22;
	s22 =	rddreg [dreg:$0xa]  }
0x130: {  	p1 =	sne.s32 s0, s22  }
.Ltmp1:
0x131: {  	_ = 	snop;
	(pc) =	sbr.rel @p1 .LBB2_1-.Ltmp1, $3  }
0x132: {  	_ =	sdelay $0x1  }
0x133: {  	[sflag:s6] =	ssyncset.done @!p0 $0x0  }
0x134: {  	[sflag:s6] =	ssyncadd.s32 @!p0 $0xFFFFF800  }
0x135: {  	_ =	sfence.sel $0x180000  }
0x136: {  	[bflag:$0x0] =	sbarrier.arrive $0xFFFF  }
0x137: {  	_ =	strace $0x90000050  }
0x138: {  	s0 =	stileid.u32;
	[bflag:$0x2] =	sbarrier.arrive $0xFFFF  }
0x139: {  	p0 =	sne.s32 s0, $0x0;
	s0 =	rddreg [dreg:$0x2]  }
0x13a: {  	s0 =	sadd.s32 @!p0 $0x100000, s0  }
0x13b: {  	[sflag:s0] =	ssyncadd.tile.s32 @!p0 $0x1;
	_ =	shalt  }
.Lfunc_end2:
_tile_overlayer_lowered:
.L_overlay_start_2:
0x13c: {  	(tag) =	ssettag $0x2  }
0x13d: {  	s0 =	rddreg [dreg:$0x0];
	s2 =	stileid.u32  }
0x13e: {  	s1 =	rddreg [dreg:$0x1];
	p0 =	sne.s32 s2, $0x0  }
0x13f: {  	s3 =	rddreg [dreg:$0x2];
	[bflag:$0x3] =	sbarrier.arrive $0xFFFF;
	s2 =	simm.s32 @!p0 $0x1C03  }
0x140: {  	[timem:s3], [sflag:s2] =	dma.local @!p0 [hbm:s0], s1  }
0x141: {  	s0 =	simm.s32 @!p0 $0x3  }
0x142: {  	_ =	swait.ge @!p0 [sflag:s0], s1  }
0x143: {  	s1 =	ssub.s32 @!p0 $0x0, s1;
	[sflag:s0] =	ssyncset.done @!p0 $0x0  }
0x144: {  	[sflag:s0] =	ssyncadd.s32 @!p0 s1  }
0x145: {  	[bflag:$0x3] =	sbarrier.arrive $0xFFFF  }
0x146: {  	_ =	shalt  }

// kernel: kernel.32.cloned.1.call-start
scs
__scs_entry_jumppad:
0x0: {  	(pc) =	sbr.rel $0x88, $3  }
0x1: {  	(tag) =	ssettag $0x0;
	lr =	simm.s32 $0x1  }
0x2: {  	[smem:$0x3F8E] =	sst lr;
	_ =	strace $0xD0000000  }
0x3: {  	_ = 	snop  }
0x4: {  	_ = 	snop  }
0x5: {  	_ = 	snop  }
0x6: {  	_ = 	snop  }
0x7: {  	_ = 	snop  }
__scs_overlays_trampoline_lowered:
0x8: {  	[smem:$0x3F9D] =	sst s0  }
0x9: {  	[smem:$0x3F9E] =	sst s1  }
0xa: {  	[smem:$0x3F9F] =	sst s2  }
0xb: {  	[smem:$0x3FA0] =	sst s3  }
0xc: {  	[smem:$0x3FA1] =	sst s4  }
0xd: {  	[smem:$0x3FA2] =	sst s5  }
0xe: {  	[smem:$0x3FA3] =	sst s6  }
0xf: {  	[smem:$0x3FA4] =	sst s7  }
0x10: {  	[smem:$0x3FA5] =	sst s8  }
0x11: {  	[smem:$0x3FA6] =	sst s9;
	s0 =	simm.s32 @!p0 $0x0  }
0x12: {  	s1 =	sld [smem:$0x3F8C];
	s0 =	simm.s32 @p0 $0x1  }
0x13: {  	[smem:$0x3FA7] =	sst s0;
	s0 =	simm.s32 @!p1 $0x0  }
0x14: {  	s2 =	sld [smem:$0x3F8B];
	s0 =	simm.s32 @p1 $0x1  }
0x15: {  	[smem:$0x3FA8] =	sst s0;
	s0 =	simm.s32 @!p2 $0x0  }
0x16: {  	s3 =	sld [smem:$0x3FDB];
	s0 =	simm.s32 @p2 $0x1  }
0x17: {  	s4 =	simm.s32 $0x1BF5;
	[smem:$0x3FAA] =	sst s0  }
0x18: {  	s0 =	sld [smem:$0x3F8D];
	_ =	swait.ge [sflag:s4], $0x0  }
0x19: {  	s7 =	sld [smem:$0x3F8E]  }
0x1a: {  	s8 =	sadd.s32 $0xFFFFE003, lr  }
0x1b: {  	s9 =	sadd.s32 $0xFFFFFEF7, lr;
	s5 =	simm.s32 $0xFFFFFFFF;
	p2 =	slt.u32 s8, $0xFFFFF086  }
0x1c: {  	p1 =	slt.u32 s9, $0xF7A;
	s5 =	simm.s32 @!p2 $0x0  }
0x1d: {  	s5 =	simm.s32 @p1 $0x1;
	p0 =	seq.s32 s7, s2  }
0x1e: {  	s7 =	smul.u32 @!p0 $0xF7A, s2;
	p2 =	seq.s32 @!p0 s5, $0x0  }
0x1f: {  	s9 =	smul.u32 $0xF7A, s1;
	s8 =	simm.s32 @!p0 $0x1BF5;
	p2 =	por !p2, p0  }
0x20: {  	[sflag:s8] =	ssyncset.s32 @!p0 $0xFFFFF086;
	s6 =	sadd.s32 @!p0 s3, s7;
	s7 =	simm.s32 @!p0 $0x108  }
0x21: {  	s3 =	sadd.s32 s3, s9;
	s6 =	sadd.s32 @!p0 $0x88, s6;
	s7 =	simm.s32 @p2 $0x1082  }
0x22: {  	[simem:s7], [sflag:s8] =	dma.local @!p0 [hbm:s6], $0xF7A  }
0x23: {  	s9 =	sor.u32 $0xD0000000, s2;
	s6 =	simm.s32 $0x108;
	_ =	swait.ge @!p0 [sflag:s8], $0x0  }
0x24: {  	s3 =	sadd.s32 $0x88, s3;
	s6 =	simm.s32 @!p1 $0x1082;
	[sflag:s4] =	ssyncset.s32 $0xFFFFF086  }
0x25: {  	[simem:s6], [sflag:s4] =	dma.local [hbm:s3], $0xF7A  }
0x26: {  	[smem:$0x3F8E] =	sst s1;
	(tag) =	ssettag s2;
	_ =	strace s9  }
0x27: {  	s1 =	sld [smem:$0x3F9E]  }
0x28: {  	s2 =	sld [smem:$0x3F9F]  }
0x29: {  	s4 =	sld [smem:$0x3FA1]  }
0x2a: {  	p0 =	seq.s32 s5, $0x0;
	s5 =	sld [smem:$0x3FA2]  }
0x2b: {  	s6 =	sld [smem:$0x3FA3]  }
0x2c: {  	s7 =	sld [smem:$0x3FA4]  }
0x2d: {  	s3 =	simm.s32 $0x108;
	s8 =	sld [smem:$0x3FA5]  }
0x2e: {  	s3 =	simm.s32 @!p0 $0x1082;
	s9 =	sld [smem:$0x3FA6]  }
0x2f: {  	lr =	sadd.s32 s0, s3;
	s0 =	sld [smem:$0x3F9D]  }
0x30: {  	s3 =	sld [smem:$0x3FA0]  }
0x31: {  	[smem:$0x3FA9] =	sst s10  }
0x32: {  	s10 =	sld [smem:$0x3FA7];
	_ =	sdelay $0x3  }
0x33: {  	p0 =	seq.s32 s10, $0x1;
	s10 =	sld [smem:$0x3FA9];
	_ =	sdelay $0x3  }
0x34: {  	[smem:$0x3FA9] =	sst s10  }
0x35: {  	s10 =	sld [smem:$0x3FA8];
	_ =	sdelay $0x3  }
0x36: {  	p1 =	seq.s32 s10, $0x1;
	s10 =	sld [smem:$0x3FA9];
	_ =	sdelay $0x3  }
0x37: {  	[smem:$0x3FA9] =	sst s10  }
0x38: {  	s10 =	sld [smem:$0x3FAA]  }
0x39: {  	_ = 	snop;
	(pc) =	sbr.ind lr, $3  }
0x3a: {  	_ = 	snop  }
0x3b: {  	_ = 	snop  }
0x3c: {  	p2 =	seq.s32 s10, $0x1;
	s10 =	sld [smem:$0x3FA9]  }
0x3d: {  	_ =	shalt  }
0x3e: {  	_ =	shalt  }
0x3f: {  	_ =	shalt  }
0x40: {  	_ =	shalt  }
0x41: {  	_ =	shalt  }
0x42: {  	_ =	shalt  }
0x43: {  	_ =	shalt  }
0x44: {  	_ =	shalt  }
0x45: {  	_ =	shalt  }
0x46: {  	_ =	shalt  }
0x47: {  	_ =	shalt  }
0x48: {  	_ =	shalt  }
0x49: {  	_ =	shalt  }
0x4a: {  	_ =	shalt  }
0x4b: {  	_ =	shalt  }
0x4c: {  	_ =	shalt  }
0x4d: {  	_ =	shalt  }
0x4e: {  	_ =	shalt  }
0x4f: {  	_ =	shalt  }
0x50: {  	_ =	shalt  }
0x51: {  	_ =	shalt  }
0x52: {  	_ =	shalt  }
0x53: {  	_ =	shalt  }
0x54: {  	_ =	shalt  }
0x55: {  	_ =	shalt  }
0x56: {  	_ =	shalt  }
0x57: {  	_ =	shalt  }
0x58: {  	_ =	shalt  }
0x59: {  	_ =	shalt  }
0x5a: {  	_ =	shalt  }
0x5b: {  	_ =	shalt  }
0x5c: {  	_ =	shalt  }
0x5d: {  	_ =	shalt  }
0x5e: {  	_ =	shalt  }
0x5f: {  	_ =	shalt  }
0x60: {  	_ =	shalt  }
0x61: {  	_ =	shalt  }
0x62: {  	_ =	shalt  }
0x63: {  	_ =	shalt  }
0x64: {  	_ =	shalt  }
0x65: {  	_ =	shalt  }
0x66: {  	_ =	shalt  }
0x67: {  	_ =	shalt  }
0x68: {  	_ =	shalt  }
0x69: {  	_ =	shalt  }
0x6a: {  	_ =	shalt  }
0x6b: {  	_ =	shalt  }
0x6c: {  	_ =	shalt  }
0x6d: {  	_ =	shalt  }
0x6e: {  	_ =	shalt  }
0x6f: {  	_ =	shalt  }
0x70: {  	_ =	shalt  }
0x71: {  	_ =	shalt  }
0x72: {  	_ =	shalt  }
0x73: {  	_ =	shalt  }
0x74: {  	_ =	shalt  }
0x75: {  	_ =	shalt  }
0x76: {  	_ =	shalt  }
0x77: {  	_ =	shalt  }
0x78: {  	_ =	shalt  }
0x79: {  	_ =	shalt  }
0x7a: {  	_ =	shalt  }
0x7b: {  	_ =	shalt  }
0x7c: {  	_ =	shalt  }
0x7d: {  	_ =	shalt  }
0x7e: {  	_ =	shalt  }
0x7f: {  	_ =	shalt  }
0x80: {  	_ =	shalt  }
0x81: {  	_ =	shalt  }
0x82: {  	_ =	shalt  }
0x83: {  	_ =	shalt  }
0x84: {  	_ =	shalt  }
0x85: {  	_ =	shalt  }
0x86: {  	_ =	shalt  }
0x87: {  	_ =	shalt  }
.Lfunc_end0:
.L_simem_size_0:
called_computation.4_lowered:
.L_overlay_start_0:
0x88: {  	s2 =	sld [smem:$0x3FD9]  }
0x89: {  	s3 =	sld [smem:$0x3FFE];
	_ =	sdelay $0x1  }
0x8a: {  	s1 =	srdreg.scid  }
0x8b: {  	s0 =	sand.u32 $0x1, s1  }
0x8c: {  	s16 =	sshll.u32 s0, $0xA;
	s2 =	sadd.s32 s3, s2  }
0x8d: {  	s2 =	sadd.s32 s2, s16  }
0x8e: {  	[smem:$0x3FB5] =	sst s2  }
0x8f: {  	_ = 	snop  }
0x90: {  	(tm) =	ssettm $0x1  }
0x91: {  	s17 =	sld [smem:$0x3FFB];
	_ =	sdelay $0x3  }
0x92: {  	_ =	strace s17  }
0x93: {  	s2 =	sld [smem:$0x3FFC];
	_ =	sdelay $0x3  }
0x94: {  	_ =	strace s2  }
0x95: {  	s2 =	sld [smem:$0x3FFD];
	_ =	sdelay $0x3  }
0x96: {  	_ =	strace s2  }
0x97: {  	_ =	strace $0x8FFFFFFF  }
0x98: {  	s18 =	sld [smem:$0x3FDB];
	_ =	sdelay $0x1  }
0x99: {  	s19 =	simm.s32 $_scs_section_size  }
0x9a: {  	s4 =	simm.s32 $_size__tile_overlayer_lowered;
	s5 =	simm.s32 $_tile_overlayer_lowered  }
0x9b: {  	s22 =	simm.s32 $0x1BFF;
	s21 =	sshll.u32 s5, $0x1;
	s2 =	sadd.s32 s19, s18  }
0x9c: {  	s6 =	simm.s32 $0x0;
	s20 =	sshll.u32 s4, $0x1;
	s4 =	sadd.s32 s21, s2  }
0x9d: {  	[timem:s6], [sflag:s22] =	dma.local [hbm:s4], s20  }
0x9e: {  	_ =	swait.ge [sflag:s22], s20  }
0x9f: {  	s3 =	ssub.s32 $0x0, s20;
	[sflag:s22] =	ssyncset.done $0x0  }
0xa0: {  	[sflag:s22] =	ssyncadd.s32 s3;
	_ =	sdelay $0x1  }
0xa1: {  	s23 =	simm.s32 $0x1B8B  }
0xa2: {  	_ =	swait.ge [sflag:s23], $0x1  }
0xa3: {  	[sflag:s23] =	ssyncset.done $0x0  }
0xa4: {  	s25 =	simm.s32 $0x1B8E;
	s24 =	sld [smem:$0x3FFE];
	[sflag:s23] =	ssyncadd.s32 $0xFFFFFFFF  }
0xa5: {  	s26 =	simm.s32 $execute0_lowered;
	[smem:$0x3FD2] =	sst s25  }
0xa6: {  	s4 =	sshll.u32 s26, $0x1;
	_ =	strace $0x80000052;
	[dreg:$0x1] =	wrdreg $0xFFFFFFFF  }
0xa7: {  	s28 =	simm.s32 $_size_execute0_lowered;
	s2 =	sadd.s32 s2, s4;
	[dreg:$0x0] =	wrdreg $0x0  }
0xa8: {  	s4 =	sshll.u32 s28, $0x1;
	[dreg:$0x2] =	wrdreg s2  }
0xa9: {  	[dreg:$0x3] =	wrdreg s4  }
0xaa: {  	[dreg:$0x4] =	wrdreg $0xC0  }
0xab: {  	_ =	task [dreg:s6], $0x5FFFF  }
0xac: {  	[dreg:$0x1] =	wrdreg $0xFFFFFFFF  }
0xad: {  	[dreg:$0x0] =	wrdreg $0x60  }
0xae: {  	[dreg:$0x2] =	wrdreg s24  }
0xaf: {  	[dreg:$0x3] =	wrdreg $0x51800  }
0xb0: {  	[dreg:$0x4] =	wrdreg $0x9  }
0xb1: {  	_ =	task.clear_ibuf [dreg:s6], $0x5FFFF;
	_ =	strace $0x90000052  }
0xb2: {  	s29 =	simm.s32 $0x9;
	_ =	strace $0x80000054  }
0xb3: {  	_ =	swait.ge [sflag:s29], $0x1  }
0xb4: {  	[sflag:s29] =	ssyncadd.s32 $0xFFFFFFFF  }
0xb5: {  	_ =	strace $0x90000054  }
0xb6: {  	_ =	sfence  }
0xb7: {  	s30 =	sld [smem:$0x0];
	_ =	sdelay $0x2  }
0xb8: {  	s31 =	sshll.u32 s1, $0xD;
	s1 =	sshrl.u32 s1, $0x2  }
0xb9: {  	s3 =	sand.u32 $0x4000, s31;
	s1 =	sadd.s32 s1, s30  }
0xba: {  	s0 =	sor.u32 s3, s0;
	s1 =	sshll.u32 s1, $0x11  }
0xbb: {  	s0 =	sor.u32 s1, s0  }
0xbc: {  	s0 =	sadd.s32 $0x8F2B, s0  }
0xbd: {  	[sflag:s0] =	ssyncadd.remote.s32 $0x1  }
0xbe: {  	_ =	sfence.sel $0xFFFF  }
0xbf: {  	[dreg:$0x0] =	wrdreg $0xFFFFFFFF;
	(pc) =	sbr.abs _section_cstart, $3  }
0xc0: {  	[dreg:$0x1] =	wrdreg $0xFFFFFFFF  }
0xc1: {  	_ =	task.clear_ibuf [dreg:s6], $0x2FFFF;
	_ =	strace $0x9FFFFFFF  }
0xc2: {  	(tm) =	ssettm $0x7FFFFFFF  }
0xc3: {  	_ =	shalt  }
tec
execute0_lowered:
.L_overlay_start_1:
0x0: {  	(tag) =	ssettag $0x1  }
0x1: {  	s0 =	rddreg [dreg:$0x0]  }
0x2: {  	s1 =	rddreg [dreg:$0x1];
	s2 =	simm.s32 $0x0;
	s3 =	srdreg.scid  }
0x3: {  	s16 =	stileid.u32;
	s31 =	simm.s32 $0x2;
	[smem:$0x7FF] =	sst s2  }
0x4: {  	s4 =	sadd.s32 $0x4DA00, s0;
	s5 =	sadd.s32 $0x8400, s0;
	s8 =	smul.u32 $0x4E000, s16  }
0x5: {  	s6 =	sadd.s32 $0x12200, s0;
	s3 =	sand.u32 $0x1, s3;
	s12 =	smul.u32 $0x270, s16  }
0x6: {  	s7 =	sadd.s32 $0x26000, s0;
	s0 =	sadd.s32 $0x9BE00, s0;
	s22 =	smul.u32 $0x2710, s16  }
0x7: {  	s26 =	sadd.s32 $0x138000, s1;
	p0 =	sne.s32 s16, $0xF;
	s13 =	smul.u32 $0x2710, s3  }
0x8: {  	_ =	strace $0x80000053;
	[dreg:$0x3] =	wrdreg s7;
	s15 =	smul.u32 $0x138800, s3  }
0x9: {  	s24 =	sshll.u32 s3, $0x4;
	s9 =	ssub.s32 $0x2, s3;
	s3 =	smul.u32 $0x27100, s3  }
0xa: {  	s7 =	sor.u32 s16, s24;
	s10 =	sshrl.u32 s9, $0x1;
	s25 =	sshrl.u32 s8, $0x2  }
0xb: {  	s11 =	smul.u32 $0x2710, s7;
	s10 =	ssub.s32 s9, s10;
	s7 =	sadd.s32 s25, s1  }
0xc: {  	s12 =	sadd.s32 s12, s13;
	s20 =	sshrl.u32 s15, $0x3;
	s8 =	sadd.s32 $0x11800, s7  }
0xd: {  	s12 =	sshll.u32 s12, $0x4;
	s10 =	smax.u32 s10, $0x1;
	s13 =	sadd.s32 $0x2800, s7  }
0xe: {  	s28 =	sadd.s32 $0xA000, s7;
	s29 =	sadd.s32 $0xC800, s7;
	s30 =	sadd.s32 $0xF000, s7  }
0xf: {  	s11 =	sshrl.u32 s11, $0x3;
	s12 =	sadd.s32 s0, s12;
	s0 =	sadd.s32 s0, s20  }
0x10: {  	[dreg:$0xa] =	wrdreg s10;
	s10 =	smov.u32 s8;
	s14 =	sadd.s32 $0x4D8, s11  }
0x11: {  	s17 =	sadd.s32 s5, s11;
	s21 =	sadd.s32 $0x2300, s12;
	[dreg:$0x7] =	wrdreg s12  }
0x12: {  	s0 =	sadd.s32 $0x27000, s0;
	s23 =	sadd.s32 $0x4CE, s11;
	[dreg:$0x4] =	wrdreg s17  }
0x13: {  	s11 =	sadd.s32 s6, s11;
	s16 =	sadd.s32 $0x500, s12;
	[dreg:$0x8] =	wrdreg s21  }
0x14: {  	s20 =	sadd.s32 $0x1400, s12;
	s18 =	sadd.s32 s5, s14;
	[dreg:$0x9] =	wrdreg s0  }
0x15: {  	s19 =	sadd.s32 s6, s14;
	s17 =	sadd.s32 $0x5000, s7;
	[dreg:$0xf] =	wrdreg s16  }
0x16: {  	s0 =	sadd.s32 s22, s3;
	s24 =	sadd.s32 s5, s23;
	[dreg:$0x12] =	wrdreg s20  }
0x17: {  	s25 =	sadd.s32 $0x4C4, s11;
	s11 =	smov.u32 s26;
	[dreg:$0x5] =	wrdreg s18  }
0x18: {  	s14 =	sadd.s32 s6, s23;
	s21 =	sadd.s32 $0x1900, s12;
	[dreg:$0x6] =	wrdreg s19  }
0x19: {  	s22 =	sadd.s32 $0x1E00, s12;
	s16 =	simm.s32 $0x80;
	[dreg:$0xb] =	wrdreg s24  }
0x1a: {  	s20 =	simm.s32 $0x2980;
	[dreg:$0xc] =	wrdreg s25;
	s26 =	sadd.s32 $0x50, s0  }
0x1b: {  	[dreg:$0xd] =	wrdreg s14;
	s15 =	sshrl.u32 s0, $0x3;
	s0 =	sadd.s32 $0xA0, s0  }
0x1c: {  	s18 =	sadd.s32 $0xA00, s12;
	s19 =	sadd.s32 $0xF00, s12;
	[dreg:$0x13] =	wrdreg s21  }
0x1d: {  	[dreg:$0x14] =	wrdreg s22;
	s12 =	simm.s32 $0x180;
	s14 =	simm.s32 $0x3  }
0x1e: {  	s21 =	simm.s32 $0x100;
	s3 =	sshrl.u32 s26, $0x3;
	[dreg:$0xe] =	wrdreg s0  }
0x1f: {  	s23 =	sadd.s32 s15, s6;
	s26 =	sadd.s32 $0x7800, s7;
	[dreg:$0x10] =	wrdreg s18  }
0x20: {  	[dreg:$0x11] =	wrdreg s19;
	s15 =	simm.s32 $0x50;
	s19 =	simm.s32 $0x1  }
0x21: {  	s0 =	simm.s32 $0x0;
	s24 =	sadd.s32 s3, s6;
	s25 =	sadd.s32 s3, s5  }
.LBB2_1:
0x22: {  	s3 =	rddreg [dreg:$0x3]  }
0x23: {  	[tilespmem:s12], [sflag:$0x3] =	stream.linear.gather [hbm4b:s3+s2], $0x2800, $0x38;
	[tilespmem:$0x18A40] =	vst v63  }
0x24: {  	_ =	swait.ge [sflag:s14], $0x2800  }
0x25: {  	[sflag:s14] =	ssyncset.done $0x0  }
0x26: {  	[sflag:s14] =	ssyncadd.s32 $0xFFFFD800  }
0x27: {  	[spmem:s7] =	stream.linear.scatter [tilespmem:s12], [sflag:$0x3], $0x2800, $0x38;
	[tilespmem:$0x18A40] =	vst v63  }
0x28: {  	_ =	swait.ge [sflag:s14], $0x2800  }
0x29: {  	[sflag:s14] =	ssyncset.done $0x0  }
0x2a: {  	[sflag:s14] =	ssyncadd.s32 $0xFFFFD800  }
0x2b: {  	[spmem:s13] =	stream.linear.scatter [tilespmem:s12], [sflag:$0x3], $0x2800, $0x38;
	[tilespmem:$0x18A40] =	vst v63  }
0x2c: {  	_ =	swait.ge [sflag:s14], $0x2800  }
0x2d: {  	[sflag:s14] =	ssyncset.done $0x0  }
0x2e: {  	[sflag:s14] =	ssyncadd.s32 $0xFFFFD800  }
0x2f: {  	[spmem:s17] =	stream.linear.scatter [tilespmem:s12], [sflag:$0x3], $0x2800, $0x38;
	[tilespmem:$0x18A40] =	vst v63  }
0x30: {  	_ =	swait.ge [sflag:s14], $0x2800  }
0x31: {  	[sflag:s14] =	ssyncset.done $0x0  }
0x32: {  	[sflag:s14] =	ssyncadd.s32 $0xFFFFD800  }
0x33: {  	[spmem:s26] =	stream.linear.scatter [tilespmem:s12], [sflag:$0x3], $0x2800, $0x38;
	[tilespmem:$0x18A40] =	vst v63  }
0x34: {  	_ =	swait.ge [sflag:s14], $0x2800  }
0x35: {  	[sflag:s14] =	ssyncset.done $0x0  }
0x36: {  	[sflag:s14] =	ssyncadd.s32 $0xFFFFD800  }
0x37: {  	[spmem:s28] =	stream.linear.scatter [tilespmem:s12], [sflag:$0x3], $0x2800, $0x38;
	[tilespmem:$0x18A40] =	vst v63  }
0x38: {  	_ =	swait.ge [sflag:s14], $0x2800  }
0x39: {  	[sflag:s14] =	ssyncset.done $0x0  }
0x3a: {  	[sflag:s14] =	ssyncadd.s32 $0xFFFFD800  }
0x3b: {  	[spmem:s29] =	stream.linear.scatter [tilespmem:s12], [sflag:$0x3], $0x2800, $0x38;
	[tilespmem:$0x18A40] =	vst v63  }
0x3c: {  	_ =	swait.ge [sflag:s14], $0x2800  }
0x3d: {  	[sflag:s14] =	ssyncset.done $0x0  }
0x3e: {  	[sflag:s14] =	ssyncadd.s32 $0xFFFFD800  }
0x3f: {  	[spmem:s30] =	stream.linear.scatter [tilespmem:s12], [sflag:$0x3], $0x2800, $0x38;
	[tilespmem:$0x18A40] =	vst v63  }
0x40: {  	_ =	swait.ge [sflag:s14], $0x2800  }
0x41: {  	[sflag:s14] =	ssyncset.done $0x0  }
0x42: {  	[sflag:s14] =	ssyncadd.s32 $0xFFFFD800  }
0x43: {  	[spmem:s10] =	stream.linear.scatter [tilespmem:s12], [sflag:$0x3], $0x2000, $0x38;
	[tilespmem:$0x18A40] =	vst v63  }
0x44: {  	_ =	swait.ge [sflag:s14], $0x2000  }
0x45: {  	[sflag:s14] =	ssyncset.done $0x0  }
0x46: {  	s3 =	simm.s32 @!p0 $0x180;
	[sflag:s14] =	ssyncadd.s32 $0xFFFFE000  }
0x47: {  	[spmem:s11] =	stream.linear.scatter @!p0 [tilespmem:s3], [sflag:$0x3], $0x800, $0x38;
	[tilespmem:$0x18A40] =	vst v63  }
0x48: {  	s3 =	simm.s32 @!p0 $0x3  }
0x49: {  	_ =	swait.ge @!p0 [sflag:s3], $0x800  }
0x4a: {  	[sflag:s3] =	ssyncset.done @!p0 $0x0  }
0x4b: {  	[sflag:s3] =	ssyncadd.s32 @!p0 $0xFFFFF800  }
0x4c: {  	[bflag:$0x0] =	sbarrier.arrive $0xFFFF  }
0x4d: {  	s6 =	rddreg [dreg:$0x4]  }
0x4e: {  	[tilespmem:s2], [sflag:$0x3] =	stream.linear.gather [hbm4b:s6+s2], $0x50, $0x38;
	[tilespmem:$0x18A40] =	vst v63  }
0x4f: {  	_ =	swait.ge [sflag:s14], $0x50  }
0x50: {  	[sflag:s14] =	ssyncset.done $0x0  }
0x51: {  	[sflag:s14] =	ssyncadd.s32 $0xFFFFFFB0  }
0x52: {  	[tilespmem:s12], [sflag:$0x1] =	stream.indirect.gather [hbm4b:s4+s15], $0x80, s2, s15, $0xb8;
	[tilespmem:$0x18A40] =	vst v63  }
0x53: {  	s8 =	sadd.s32 $0x0, s25  }
0x54: {  	[tilespmem:s16], [sflag:$0x3] =	stream.linear.gather [hbm4b:s8+s2], $0x50, $0x38;
	[tilespmem:$0x18A40] =	vst v63  }
0x55: {  	_ =	swait.ge [sflag:s14], $0x50  }
0x56: {  	[sflag:s14] =	ssyncset.done $0x0  }
0x57: {  	[sflag:s14] =	ssyncadd.s32 $0xFFFFFFB0  }
0x58: {  	_ =	swait.ge [sflag:s19], $0x2800  }
0x59: {  	[sflag:s19] =	ssyncset.done $0x0  }
0x5a: {  	[sflag:s19] =	ssyncadd.s32 $0xFFFFD800  }
0x5b: {  	[tilespmem:s20], [sflag:$0x2] =	stream.indirect.gather [hbm4b:s4+s15], $0x80, s16, s15, $0xb8;
	[tilespmem:$0x18A40] =	vst v63  }
0x5c: {  	s9 =	smov.u32 s10;
	s10 =	sadd.s32 $0x0, s23  }
0x5d: {  	[tilespmem:s21], [sflag:$0x3] =	stream.linear.gather [hbm4b:s10+s2], $0x50, $0x38;
	[tilespmem:$0x18A40] =	vst v63  }
0x5e: {  	_ =	swait.ge [sflag:s14], $0x50  }
0x5f: {  	[sflag:s14] =	ssyncset.done $0x0  }
0x60: {  	[sflag:s14] =	ssyncadd.s32 $0xFFFFFFB0  }
0x61: {  	[spmem:s1] =	stream.indirect.scatter.add.f32 [tilespmem:s12], [sflag:$0x3], $0x80, s21, s15, $0xb8;
	[tilespmem:$0x18A40] =	vst v63  }
0x62: {  	_ =	swait.ge [sflag:s14], $0x2800  }
0x63: {  	s22 =	smov.u32 s17;
	s6 =	rddreg [dreg:$0xe]  }
0x64: {  	s17 =	smov.u32 s11;
	[sflag:s14] =	ssyncset.done $0x0;
	s11 =	sshrl.u32 s6, $0x3  }
0x65: {  	[sflag:s14] =	ssyncadd.s32 $0xFFFFD800;
	s3 =	sadd.s32 s5, s11  }
0x66: {  	[tilespmem:s2], [sflag:$0x3] =	stream.linear.gather [hbm4b:s3+s2], $0x50, $0x38;
	[tilespmem:$0x18A40] =	vst v63  }
0x67: {  	_ =	swait.ge [sflag:s14], $0x50  }
0x68: {  	[sflag:s14] =	ssyncset.done $0x0  }
0x69: {  	[sflag:s14] =	ssyncadd.s32 $0xFFFFFFB0  }
0x6a: {  	_ =	swait.ge [sflag:s31], $0x2800  }
0x6b: {  	[sflag:s31] =	ssyncset.done $0x0  }
0x6c: {  	[sflag:s31] =	ssyncadd.s32 $0xFFFFD800  }
0x6d: {  	[tilespmem:s12], [sflag:$0x1] =	stream.indirect.gather [hbm4b:s4+s15], $0x80, s2, s15, $0xb8;
	[tilespmem:$0x18A40] =	vst v63  }
0x6e: {  	s18 =	smov.u32 s13;
	s13 =	sadd.s32 $0x0, s24  }
0x6f: {  	[tilespmem:s21], [sflag:$0x3] =	stream.linear.gather [hbm4b:s13+s2], $0x50, $0x38;
	[tilespmem:$0x18A40] =	vst v63  }
0x70: {  	_ =	swait.ge [sflag:s14], $0x50  }
0x71: {  	[sflag:s14] =	ssyncset.done $0x0  }
0x72: {  	[sflag:s14] =	ssyncadd.s32 $0xFFFFFFB0  }
0x73: {  	[spmem:s1] =	stream.indirect.scatter.add.f32 [tilespmem:s20], [sflag:$0x3], $0x80, s21, s15, $0xb8;
	[tilespmem:$0x18A40] =	vst v63  }
0x74: {  	s10 =	simm.s32 $0x28;
	_ =	swait.ge [sflag:s14], $0x2800  }
0x75: {  	s6 =	sadd.s32 $0xA0, s6;
	s3 =	simm.s32 $0x14;
	[sflag:s14] =	ssyncset.done $0x0  }
.LBB2_2:
0x76: {  	s13 =	sadd.s32 s3, s25  }
0x77: {  	[sflag:s14] =	ssyncadd.s32 $0xFFFFD800;
	s8 =	smov.u32 s10;
	s11 =	sadd.s32 $0x14, s10  }
0x78: {  	[tilespmem:s16], [sflag:$0x3] =	stream.linear.gather [hbm4b:s13+s2], $0x50, $0x38;
	[tilespmem:$0x18A40] =	vst v63  }
0x79: {  	p1 =	sne.s32 s10, $0x4B0;
	_ =	swait.ge [sflag:s14], $0x50  }
0x7a: {  	[sflag:s14] =	ssyncset.done $0x0  }
0x7b: {  	[sflag:s14] =	ssyncadd.s32 $0xFFFFFFB0  }
0x7c: {  	_ =	swait.ge [sflag:s19], $0x2800  }
0x7d: {  	[sflag:s19] =	ssyncset.done $0x0  }
0x7e: {  	[sflag:s19] =	ssyncadd.s32 $0xFFFFD800  }
0x7f: {  	[tilespmem:s20], [sflag:$0x2] =	stream.indirect.gather [hbm4b:s4+s15], $0x80, s16, s15, $0xb8;
	[tilespmem:$0x18A40] =	vst v63  }
0x80: {  	s10 =	sadd.s32 s3, s23  }
0x81: {  	[tilespmem:s21], [sflag:$0x3] =	stream.linear.gather [hbm4b:s10+s2], $0x50, $0x38;
	[tilespmem:$0x18A40] =	vst v63  }
0x82: {  	_ =	swait.ge [sflag:s14], $0x50  }
0x83: {  	[sflag:s14] =	ssyncset.done $0x0  }
0x84: {  	[sflag:s14] =	ssyncadd.s32 $0xFFFFFFB0  }
0x85: {  	[spmem:s1] =	stream.indirect.scatter.add.f32 [tilespmem:s12], [sflag:$0x3], $0x80, s21, s15, $0xb8;
	[tilespmem:$0x18A40] =	vst v63  }
0x86: {  	_ =	swait.ge [sflag:s14], $0x2800  }
0x87: {  	s10 =	sshrl.u32 s6, $0x3;
	[sflag:s14] =	ssyncset.done $0x0  }
0x88: {  	s10 =	sadd.s32 s5, s10;
	[sflag:s14] =	ssyncadd.s32 $0xFFFFD800  }
0x89: {  	[tilespmem:s2], [sflag:$0x3] =	stream.linear.gather [hbm4b:s10+s2], $0x50, $0x38;
	[tilespmem:$0x18A40] =	vst v63  }
0x8a: {  	_ =	swait.ge [sflag:s14], $0x50  }
0x8b: {  	[sflag:s14] =	ssyncset.done $0x0  }
0x8c: {  	[sflag:s14] =	ssyncadd.s32 $0xFFFFFFB0  }
0x8d: {  	_ =	swait.ge [sflag:s31], $0x2800  }
0x8e: {  	[sflag:s31] =	ssyncset.done $0x0  }
0x8f: {  	[sflag:s31] =	ssyncadd.s32 $0xFFFFD800  }
0x90: {  	[tilespmem:s12], [sflag:$0x1] =	stream.indirect.gather [hbm4b:s4+s15], $0x80, s2, s15, $0xb8;
	[tilespmem:$0x18A40] =	vst v63  }
0x91: {  	s10 =	sadd.s32 s3, s24;
	s3 =	smov.u32 s8  }
0x92: {  	[tilespmem:s21], [sflag:$0x3] =	stream.linear.gather [hbm4b:s10+s2], $0x50, $0x38;
	[tilespmem:$0x18A40] =	vst v63  }
0x93: {  	_ =	swait.ge [sflag:s14], $0x50  }
.Ltmp0:
0x94: {  	[sflag:s14] =	ssyncset.done $0x0;
	(pc) =	sbr.rel @p1 .LBB2_2-.Ltmp0, $4  }
0x95: {  	[sflag:s14] =	ssyncadd.s32 $0xFFFFFFB0  }
0x96: {  	[spmem:s1] =	stream.indirect.scatter.add.f32 [tilespmem:s20], [sflag:$0x3], $0x80, s21, s15, $0xb8;
	[tilespmem:$0x18A40] =	vst v63  }
0x97: {  	_ =	swait.ge [sflag:s14], $0x2800  }
0x98: {  	s6 =	sadd.s32 $0xA0, s6;
	s10 =	smov.u32 s11;
	[sflag:s14] =	ssyncset.done $0x0  }
0x99: {  	s8 =	sadd.s32 s3, s25;
	[sflag:s14] =	ssyncadd.s32 $0xFFFFD800  }
0x9a: {  	[tilespmem:s16], [sflag:$0x3] =	stream.linear.gather [hbm4b:s8+s2], $0x50, $0x38;
	[tilespmem:$0x18A40] =	vst v63  }
0x9b: {  	_ =	swait.ge [sflag:s14], $0x50  }
0x9c: {  	[sflag:s14] =	ssyncset.done $0x0  }
0x9d: {  	[sflag:s14] =	ssyncadd.s32 $0xFFFFFFB0  }
0x9e: {  	_ =	swait.ge [sflag:s19], $0x2800  }
0x9f: {  	[sflag:s19] =	ssyncset.done $0x0  }
0xa0: {  	[sflag:s19] =	ssyncadd.s32 $0xFFFFD800  }
0xa1: {  	[tilespmem:s20], [sflag:$0x2] =	stream.indirect.gather [hbm4b:s4+s15], $0x80, s16, s15, $0xb8;
	[tilespmem:$0x18A40] =	vst v63  }
0xa2: {  	s13 =	sadd.s32 s3, s23  }
0xa3: {  	[tilespmem:s21], [sflag:$0x3] =	stream.linear.gather [hbm4b:s13+s2], $0x50, $0x38;
	[tilespmem:$0x18A40] =	vst v63  }
0xa4: {  	_ =	swait.ge [sflag:s14], $0x50  }
0xa5: {  	[sflag:s14] =	ssyncset.done $0x0  }
0xa6: {  	[sflag:s14] =	ssyncadd.s32 $0xFFFFFFB0  }
0xa7: {  	[spmem:s1] =	stream.indirect.scatter.add.f32 [tilespmem:s12], [sflag:$0x3], $0x80, s21, s15, $0xb8;
	[tilespmem:$0x18A40] =	vst v63  }
0xa8: {  	_ =	swait.ge [sflag:s14], $0x2800  }
0xa9: {  	s6 =	sshrl.u32 s6, $0x3;
	[sflag:s14] =	ssyncset.done $0x0  }
0xaa: {  	s6 =	sadd.s32 s5, s6;
	[sflag:s14] =	ssyncadd.s32 $0xFFFFD800  }
0xab: {  	[tilespmem:s2], [sflag:$0x3] =	stream.linear.gather [hbm4b:s6+s2], $0x50, $0x38;
	[tilespmem:$0x18A40] =	vst v63  }
0xac: {  	_ =	swait.ge [sflag:s14], $0x50  }
0xad: {  	[sflag:s14] =	ssyncset.done $0x0  }
0xae: {  	[sflag:s14] =	ssyncadd.s32 $0xFFFFFFB0  }
0xaf: {  	_ =	swait.ge [sflag:s31], $0x2800  }
0xb0: {  	[sflag:s31] =	ssyncset.done $0x0  }
0xb1: {  	[sflag:s31] =	ssyncadd.s32 $0xFFFFD800  }
0xb2: {  	[tilespmem:s12], [sflag:$0x1] =	stream.indirect.gather [hbm4b:s4+s15], $0x80, s2, s15, $0xb8;
	[tilespmem:$0x18A40] =	vst v63  }
0xb3: {  	s8 =	sadd.s32 s3, s24  }
0xb4: {  	[tilespmem:s21], [sflag:$0x3] =	stream.linear.gather [hbm4b:s8+s2], $0x50, $0x38;
	[tilespmem:$0x18A40] =	vst v63  }
0xb5: {  	_ =	swait.ge [sflag:s14], $0x50  }
0xb6: {  	[sflag:s14] =	ssyncset.done $0x0  }
0xb7: {  	[sflag:s14] =	ssyncadd.s32 $0xFFFFFFB0  }
0xb8: {  	[spmem:s1] =	stream.indirect.scatter.add.f32 [tilespmem:s20], [sflag:$0x3], $0x80, s21, s15, $0xb8;
	[tilespmem:$0x18A40] =	vst v63  }
0xb9: {  	_ =	swait.ge [sflag:s14], $0x2800  }
0xba: {  	[sflag:s14] =	ssyncset.done $0x0  }
0xbb: {  	s10 =	rddreg [dreg:$0xb];
	[sflag:s14] =	ssyncadd.s32 $0xFFFFD800  }
0xbc: {  	[tilespmem:s16], [sflag:$0x3] =	stream.linear.gather [hbm4b:s10+s2], $0x50, $0x38;
	[tilespmem:$0x18A40] =	vst v63  }
0xbd: {  	_ =	swait.ge [sflag:s14], $0x50  }
0xbe: {  	[sflag:s14] =	ssyncset.done $0x0  }
0xbf: {  	[sflag:s14] =	ssyncadd.s32 $0xFFFFFFB0  }
0xc0: {  	_ =	swait.ge [sflag:s19], $0x2800  }
0xc1: {  	[sflag:s19] =	ssyncset.done $0x0  }
0xc2: {  	[sflag:s19] =	ssyncadd.s32 $0xFFFFD800  }
0xc3: {  	[tilespmem:s20], [sflag:$0x2] =	stream.indirect.gather [hbm4b:s4+s15], $0x80, s16, s15, $0xb8;
	[tilespmem:$0x18A40] =	vst v63  }
0xc4: {  	s11 =	rddreg [dreg:$0xc]  }
0xc5: {  	[tilespmem:s21], [sflag:$0x3] =	stream.linear.gather [hbm4b:s11+s2], $0x50, $0x38;
	[tilespmem:$0x18A40] =	vst v63  }
0xc6: {  	_ =	swait.ge [sflag:s14], $0x50  }
0xc7: {  	[sflag:s14] =	ssyncset.done $0x0  }
0xc8: {  	[sflag:s14] =	ssyncadd.s32 $0xFFFFFFB0  }
0xc9: {  	[spmem:s1] =	stream.indirect.scatter.add.f32 [tilespmem:s12], [sflag:$0x3], $0x80, s21, s15, $0xb8;
	[tilespmem:$0x18A40] =	vst v63  }
0xca: {  	_ =	swait.ge [sflag:s14], $0x2800  }
0xcb: {  	[sflag:s14] =	ssyncset.done $0x0  }
0xcc: {  	[sflag:s14] =	ssyncadd.s32 $0xFFFFD800  }
0xcd: {  	_ =	swait.ge [sflag:s31], $0x2800  }
0xce: {  	[sflag:s31] =	ssyncset.done $0x0  }
0xcf: {  	s13 =	rddreg [dreg:$0xd];
	[sflag:s31] =	ssyncadd.s32 $0xFFFFD800  }
0xd0: {  	[tilespmem:s21], [sflag:$0x3] =	stream.linear.gather [hbm4b:s13+s2], $0x50, $0x38;
	[tilespmem:$0x18A40] =	vst v63  }
0xd1: {  	_ =	swait.ge [sflag:s14], $0x50  }
0xd2: {  	[sflag:s14] =	ssyncset.done $0x0  }
0xd3: {  	[sflag:s14] =	ssyncadd.s32 $0xFFFFFFB0  }
0xd4: {  	[spmem:s1] =	stream.indirect.scatter.add.f32 [tilespmem:s20], [sflag:$0x3], $0x80, s21, s15, $0xb8;
	[tilespmem:$0x18A40] =	vst v63  }
0xd5: {  	_ =	swait.ge [sflag:s14], $0x2800  }
0xd6: {  	[sflag:s14] =	ssyncset.done $0x0  }
0xd7: {  	s6 =	rddreg [dreg:$0x5];
	[sflag:s14] =	ssyncadd.s32 $0xFFFFD800  }
0xd8: {  	[tilespmem:s2], [sflag:$0x3] =	stream.linear.gather [hbm4b:s6+s2], $0x50, $0x38;
	[tilespmem:$0x18A40] =	vst v63  }
0xd9: {  	_ =	swait.ge [sflag:s14], $0x50  }
0xda: {  	[sflag:s14] =	ssyncset.done $0x0  }
0xdb: {  	[sflag:s14] =	ssyncadd.s32 $0xFFFFFFB0  }
0xdc: {  	[tilespmem:s12], [sflag:$0x1] =	stream.indirect.gather [hbm4b:s4+s15], $0x80, s2, s15, $0xb8;
	[tilespmem:$0x18A40] =	vst v63  }
0xdd: {  	_ =	swait.ge [sflag:s19], $0x2800  }
0xde: {  	[sflag:s19] =	ssyncset.done $0x0  }
0xdf: {  	s8 =	rddreg [dreg:$0x6];
	[sflag:s19] =	ssyncadd.s32 $0xFFFFD800  }
0xe0: {  	[tilespmem:s21], [sflag:$0x3] =	stream.linear.gather [hbm4b:s8+s2], $0x50, $0x38;
	[tilespmem:$0x18A40] =	vst v63  }
0xe1: {  	_ =	swait.ge [sflag:s14], $0x50  }
0xe2: {  	[sflag:s14] =	ssyncset.done $0x0  }
0xe3: {  	[sflag:s14] =	ssyncadd.s32 $0xFFFFFFB0  }
0xe4: {  	[spmem:s1] =	stream.indirect.scatter.add.f32 [tilespmem:s12], [sflag:$0x3], $0x80, s21, s15, $0xb8;
	[tilespmem:$0x18A40] =	vst v63  }
0xe5: {  	_ =	swait.ge [sflag:s14], $0x2800  }
0xe6: {  	[sflag:s14] =	ssyncset.done $0x0  }
0xe7: {  	[sflag:s14] =	ssyncadd.s32 $0xFFFFD800  }
0xe8: {  	[bflag:$0x0] =	sbarrier.arrive $0xFFFF  }
0xe9: {  	[tilespmem:s12], [sflag:$0x3] =	stream.linear.gather [spmem:s7], $0x2800, $0x38;
	[tilespmem:$0x18A40] =	vst v63  }
0xea: {  	_ =	swait.ge [sflag:s14], $0x2800  }
0xeb: {  	[sflag:s14] =	ssyncset.done $0x0  }
0xec: {  	s10 =	rddreg [dreg:$0x7];
	[sflag:s14] =	ssyncadd.s32 $0xFFFFD800  }
0xed: {  	[hbm4b:s10+s2] =	stream.linear.scatter [tilespmem:s12], [sflag:$0x3], $0x2800, $0x38;
	[tilespmem:$0x18A40] =	vst v63  }
0xee: {  	_ =	swait.ge [sflag:s14], $0x2800  }
0xef: {  	[sflag:s14] =	ssyncset.done $0x0  }
0xf0: {  	[sflag:s14] =	ssyncadd.s32 $0xFFFFD800  }
0xf1: {  	[tilespmem:s12], [sflag:$0x3] =	stream.linear.gather [spmem:s18], $0x2800, $0x38;
	[tilespmem:$0x18A40] =	vst v63  }
0xf2: {  	_ =	swait.ge [sflag:s14], $0x2800  }
0xf3: {  	[sflag:s14] =	ssyncset.done $0x0  }
0xf4: {  	s11 =	rddreg [dreg:$0xf];
	[sflag:s14] =	ssyncadd.s32 $0xFFFFD800  }
0xf5: {  	[hbm4b:s11+s2] =	stream.linear.scatter [tilespmem:s12], [sflag:$0x3], $0x2800, $0x38;
	[tilespmem:$0x18A40] =	vst v63  }
0xf6: {  	_ =	swait.ge [sflag:s14], $0x2800  }
0xf7: {  	[sflag:s14] =	ssyncset.done $0x0  }
0xf8: {  	[sflag:s14] =	ssyncadd.s32 $0xFFFFD800  }
0xf9: {  	[tilespmem:s12], [sflag:$0x3] =	stream.linear.gather [spmem:s22], $0x2800, $0x38;
	[tilespmem:$0x18A40] =	vst v63  }
0xfa: {  	_ =	swait.ge [sflag:s14], $0x2800  }
0xfb: {  	[sflag:s14] =	ssyncset.done $0x0  }
0xfc: {  	s13 =	smov.u32 s18;
	s18 =	rddreg [dreg:$0x10];
	[sflag:s14] =	ssyncadd.s32 $0xFFFFD800  }
0xfd: {  	[hbm4b:s18+s2] =	stream.linear.scatter [tilespmem:s12], [sflag:$0x3], $0x2800, $0x38;
	[tilespmem:$0x18A40] =	vst v63  }
0xfe: {  	_ =	swait.ge [sflag:s14], $0x2800  }
0xff: {  	[sflag:s14] =	ssyncset.done $0x0  }
0x100: {  	[sflag:s14] =	ssyncadd.s32 $0xFFFFD800  }
0x101: {  	[tilespmem:s12], [sflag:$0x3] =	stream.linear.gather [spmem:s26], $0x2800, $0x38;
	[tilespmem:$0x18A40] =	vst v63  }
0x102: {  	_ =	swait.ge [sflag:s14], $0x2800  }
0x103: {  	[sflag:s14] =	ssyncset.done $0x0  }
0x104: {  	s6 =	rddreg [dreg:$0x11];
	[sflag:s14] =	ssyncadd.s32 $0xFFFFD800  }
0x105: {  	[hbm4b:s6+s2] =	stream.linear.scatter [tilespmem:s12], [sflag:$0x3], $0x2800, $0x38;
	[tilespmem:$0x18A40] =	vst v63  }
0x106: {  	_ =	swait.ge [sflag:s14], $0x2800  }
0x107: {  	[sflag:s14] =	ssyncset.done $0x0  }
0x108: {  	[sflag:s14] =	ssyncadd.s32 $0xFFFFD800  }
0x109: {  	[tilespmem:s12], [sflag:$0x3] =	stream.linear.gather [spmem:s28], $0x2800, $0x38;
	[tilespmem:$0x18A40] =	vst v63  }
0x10a: {  	_ =	swait.ge [sflag:s14], $0x2800  }
0x10b: {  	[sflag:s14] =	ssyncset.done $0x0  }
0x10c: {  	s8 =	rddreg [dreg:$0x12];
	[sflag:s14] =	ssyncadd.s32 $0xFFFFD800  }
0x10d: {  	[hbm4b:s8+s2] =	stream.linear.scatter [tilespmem:s12], [sflag:$0x3], $0x2800, $0x38;
	[tilespmem:$0x18A40] =	vst v63  }
0x10e: {  	_ =	swait.ge [sflag:s14], $0x2800  }
0x10f: {  	[sflag:s14] =	ssyncset.done $0x0  }
0x110: {  	[sflag:s14] =	ssyncadd.s32 $0xFFFFD800  }
0x111: {  	[tilespmem:s12], [sflag:$0x3] =	stream.linear.gather [spmem:s29], $0x2800, $0x38;
	[tilespmem:$0x18A40] =	vst v63  }
0x112: {  	_ =	swait.ge [sflag:s14], $0x2800  }
0x113: {  	[sflag:s14] =	ssyncset.done $0x0  }
0x114: {  	s10 =	rddreg [dreg:$0x13];
	[sflag:s14] =	ssyncadd.s32 $0xFFFFD800  }
0x115: {  	[hbm4b:s10+s2] =	stream.linear.scatter [tilespmem:s12], [sflag:$0x3], $0x2800, $0x38;
	[tilespmem:$0x18A40] =	vst v63  }
0x116: {  	_ =	swait.ge [sflag:s14], $0x2800  }
0x117: {  	[sflag:s14] =	ssyncset.done $0x0  }
0x118: {  	[sflag:s14] =	ssyncadd.s32 $0xFFFFD800  }
0x119: {  	[tilespmem:s12], [sflag:$0x3] =	stream.linear.gather [spmem:s30], $0x2800, $0x38;
	[tilespmem:$0x18A40] =	vst v63  }
0x11a: {  	_ =	swait.ge [sflag:s14], $0x2800  }
0x11b: {  	[sflag:s14] =	ssyncset.done $0x0  }
0x11c: {  	s11 =	rddreg [dreg:$0x14];
	[sflag:s14] =	ssyncadd.s32 $0xFFFFD800  }
0x11d: {  	[hbm4b:s11+s2] =	stream.linear.scatter [tilespmem:s12], [sflag:$0x3], $0x2800, $0x38;
	[tilespmem:$0x18A40] =	vst v63  }
0x11e: {  	_ =	swait.ge [sflag:s14], $0x2800  }
0x11f: {  	[sflag:s14] =	ssyncset.done $0x0  }
0x120: {  	[sflag:s14] =	ssyncadd.s32 $0xFFFFD800  }
0x121: {  	[tilespmem:s12], [sflag:$0x3] =	stream.linear.gather [spmem:s9], $0x2000, $0x38;
	[tilespmem:$0x18A40] =	vst v63  }
0x122: {  	_ =	swait.ge [sflag:s14], $0x2000  }
0x123: {  	[sflag:s14] =	ssyncset.done $0x0  }
0x124: {  	s18 =	rddreg [dreg:$0x8];
	[sflag:s14] =	ssyncadd.s32 $0xFFFFE000  }
0x125: {  	[hbm4b:s18+s2] =	stream.linear.scatter [tilespmem:s12], [sflag:$0x3], $0x2000, $0x38;
	[tilespmem:$0x18A40] =	vst v63  }
0x126: {  	_ =	swait.ge [sflag:s14], $0x2000  }
0x127: {  	s3 =	simm.s32 @!p0 $0x180;
	[sflag:s14] =	ssyncset.done $0x0  }
0x128: {  	s6 =	simm.s32 @!p0 $0x3;
	s11 =	smov.u32 s17;
	[sflag:s14] =	ssyncadd.s32 $0xFFFFE000  }
0x129: {  	[tilespmem:s3], [sflag:$0x3] =	stream.linear.gather @!p0 [spmem:s11], $0x800, $0x38;
	[tilespmem:$0x18A40] =	vst v63  }
0x12a: {  	_ =	swait.ge @!p0 [sflag:s6], $0x800  }
0x12b: {  	s8 =	simm.s32 @!p0 $0x0;
	[sflag:s6] =	ssyncset.done @!p0 $0x0  }
0x12c: {  	s10 =	smov.u32 s9;
	s9 =	rddreg [dreg:$0x9];
	[sflag:s6] =	ssyncadd.s32 @!p0 $0xFFFFF800  }
0x12d: {  	[hbm4b:s9+s8] =	stream.linear.scatter @!p0 [tilespmem:s3], [sflag:$0x3], $0x800, $0x38;
	[tilespmem:$0x18A40] =	vst v63  }
0x12e: {  	_ =	swait.ge @!p0 [sflag:s6], $0x800  }
0x12f: {  	s0 =	sadd.s32 $0x1, s0;
	s17 =	smov.u32 s22;
	s22 =	rddreg [dreg:$0xa]  }
0x130: {  	p1 =	sne.s32 s0, s22  }
.Ltmp1:
0x131: {  	_ = 	snop;
	(pc) =	sbr.rel @p1 .LBB2_1-.Ltmp1, $3  }
0x132: {  	_ =	sdelay $0x1  }
0x133: {  	[sflag:s6] =	ssyncset.done @!p0 $0x0  }
0x134: {  	[sflag:s6] =	ssyncadd.s32 @!p0 $0xFFFFF800  }
0x135: {  	_ =	sfence.sel $0x180000  }
0x136: {  	[bflag:$0x0] =	sbarrier.arrive $0xFFFF  }
0x137: {  	_ =	strace $0x90000053  }
0x138: {  	s0 =	stileid.u32;
	[bflag:$0x2] =	sbarrier.arrive $0xFFFF  }
0x139: {  	p0 =	sne.s32 s0, $0x0;
	s0 =	rddreg [dreg:$0x2]  }
0x13a: {  	s0 =	sadd.s32 @!p0 $0x100000, s0  }
0x13b: {  	[sflag:s0] =	ssyncadd.tile.s32 @!p0 $0x1;
	_ =	shalt  }
.Lfunc_end2:
_tile_overlayer_lowered:
.L_overlay_start_2:
0x13c: {  	(tag) =	ssettag $0x2  }
0x13d: {  	s0 =	rddreg [dreg:$0x0];
	s2 =	stileid.u32  }
0x13e: {  	s1 =	rddreg [dreg:$0x1];
	p0 =	sne.s32 s2, $0x0  }
0x13f: {  	s3 =	rddreg [dreg:$0x2];
	[bflag:$0x3] =	sbarrier.arrive $0xFFFF;
	s2 =	simm.s32 @!p0 $0x1C03  }
0x140: {  	[timem:s3], [sflag:s2] =	dma.local @!p0 [hbm:s0], s1  }
0x141: {  	s0 =	simm.s32 @!p0 $0x3  }
0x142: {  	_ =	swait.ge @!p0 [sflag:s0], s1  }
0x143: {  	s1 =	ssub.s32 @!p0 $0x0, s1;
	[sflag:s0] =	ssyncset.done @!p0 $0x0  }
0x144: {  	[sflag:s0] =	ssyncadd.s32 @!p0 s1  }
0x145: {  	[bflag:$0x3] =	sbarrier.arrive $0xFFFF  }
0x146: {  	_ =	shalt  }

</sc_bundles>
